<compile_context>
chip_gen: v7x
topology: tpu7x:2x2x1
jax: 0.10.2.dev20260603
libtpu: 0.0.44.dev20260713+nightly
codegen_flags: <defaults>
</compile_context>

<pallas_src>
import functools

import jax
import jax.numpy as jnp
from jax import lax
from jax.experimental import pallas as pl
from jax.experimental.pallas import tpu as pltpu
from jax.experimental.pallas import tpu_sc as plsc

F32 = jnp.float32
I32 = jnp.int32

N = 10000
D = 128
E = 320000
DE = 16
DG = 16
ZW = 160

NC = 2
NS = 16
NW = NC * NS
EPW = E // NW
C = 40
NCH = EPW // C
RPT = N // NS
L = 16


def _pre_body(nodes_ref, wcat_ref, g_ref, weg_ref, wg4_ref, wg_ref, bg_ref,
              zp_ref, zq_ref, gev_ref, gn_ref, tg_ref):
    z = jnp.dot(nodes_ref[...], wcat_ref[...], preferred_element_type=F32)
    zp_ref[...] = z[:, :D]
    zq_ref[...] = z[:, D:]
    g = g_ref[...]
    gev_ref[...] = jnp.dot(g, weg_ref[...], preferred_element_type=F32)
    gn_ref[...] = jnp.dot(g, wg4_ref[...], preferred_element_type=F32)
    tg_ref[...] = jnp.dot(g, wg_ref[...], preferred_element_type=F32) + bg_ref[...]


def _pre(nodes, wcat, g, weg, wg4, wg, bg):
    nb = 10
    return pl.pallas_call(
        _pre_body,
        grid=(nb,),
        in_specs=[
            pl.BlockSpec((N // nb, D), lambda i: (i, 0)),
            pl.BlockSpec((D, ZW), lambda i: (0, 0)),
            pl.BlockSpec((1, DG), lambda i: (0, 0)),
            pl.BlockSpec((DG, DE), lambda i: (0, 0)),
            pl.BlockSpec((DG, D), lambda i: (0, 0)),
            pl.BlockSpec((DG, DG), lambda i: (0, 0)),
            pl.BlockSpec((1, DG), lambda i: (0, 0)),
        ],
        out_specs=[
            pl.BlockSpec((N // nb, D), lambda i: (i, 0)),
            pl.BlockSpec((N // nb, 2 * DE), lambda i: (i, 0)),
            pl.BlockSpec((1, DE), lambda i: (0, 0)),
            pl.BlockSpec((1, D), lambda i: (0, 0)),
            pl.BlockSpec((1, DG), lambda i: (0, 0)),
        ],
        out_shape=[
            jax.ShapeDtypeStruct((N, D), F32),
            jax.ShapeDtypeStruct((N, 2 * DE), F32),
            jax.ShapeDtypeStruct((1, DE), F32),
            jax.ShapeDtypeStruct((1, D), F32),
            jax.ShapeDtypeStruct((1, DG), F32),
        ],
    )(nodes, wcat, g, weg, wg4, wg, bg)


W32 = 2 * DE


def _sc_body(zp_hbm, zq_hbm, s_hbm, r_hbm, ew_hbm, ed_hbm, gev_hbm,
             acc1_hbm, acc2_hbm, u_hbm,
             Vp0, Vp1, zqs0, zqs1, zqr0, zqr1, S20, S21,
             edv0, edv1, ub0, ub1, ri0, ri1, ewv0, ewv1,
             si_all, gevv, acc1_sh, acc2_sh,
             szp0, szp1, sqs0, sqs1, sqr0, sqr1, se0, se1, sr0, sr1,
             sw0, sw1, ss10, ss11, ss20, ss21, su0, su1):
    cid = lax.axis_index("c")
    sid = lax.axis_index("s")
    wid = cid * NS + sid
    ebase = wid * EPW

    Vp = (Vp0, Vp1)
    zqs = (zqs0, zqs1)
    zqr = (zqr0, zqr1)
    S2 = (S20, S21)
    edv = (edv0, edv1)
    ub = (ub0, ub1)
    ri = (ri0, ri1)
    ewv = (ewv0, ewv1)
    szp = (szp0, szp1)
    sqs = (sqs0, sqs1)
    sqr = (sqr0, sqr1)
    se = (se0, se1)
    sr = (sr0, sr1)
    sw = (sw0, sw1)
    ss1 = (ss10, ss11)
    ss2 = (ss20, ss21)
    su = (su0, su1)

    pltpu.sync_copy(gev_hbm, gevv)
    pltpu.sync_copy(s_hbm.at[pl.ds(ebase, EPW)], si_all)
    zeros16 = jnp.zeros((L,), F32)

    def zrow(i, _):
        for j in range(D // L):
            Vp0[i, j * L:(j + 1) * L] = zeros16
        for j in range(W32 // L):
            S20[i, j * L:(j + 1) * L] = zeros16
        return 0

    lax.fori_loop(0, C, zrow, 0)

    def zchunk(t, _):
        k = sid + t * NS

        @pl.when(k * C < N)
        def _():
            pltpu.sync_copy(Vp0, acc1_sh.at[pl.ds(k * C, C)])
            pltpu.sync_copy(S20, acc2_sh.at[pl.ds(k * C, C)])
        return 0

    lax.fori_loop(0, pl.cdiv(N, C * NS), zchunk, 0)
    plsc.subcore_barrier()

    iota = lax.iota(I32, L)
    m0 = iota == 0
    onehot1 = jnp.where(iota == 1, jnp.ones((L,), F32), zeros16)
    gvec = gevv[...]

    def issue_in(ch, b):
        off = ebase + ch * C
        pltpu.async_copy(zp_hbm.at[si_all.at[pl.ds(ch * C, C)]], Vp[b], szp[b])
        pltpu.async_copy(zq_hbm.at[si_all.at[pl.ds(ch * C, C)]], zqs[b], sqs[b])
        pltpu.async_copy(ed_hbm.at[:, pl.ds(off, C)], edv[b], se[b])
        pltpu.async_copy(r_hbm.at[pl.ds(off, C)], ri[b], sr[b])
        pltpu.async_copy(ew_hbm.at[pl.ds(off, C)], ewv[b], sw[b])

    def wait_out(b):
        pltpu.make_async_copy(Vp[b], acc1_sh.at[ri[b]], ss1[b]).wait()
        pltpu.make_async_copy(S2[b], acc2_sh.at[ri[b]], ss2[b]).wait()
        pltpu.make_async_copy(ub[b], u_hbm.at[:, pl.ds(ebase, C)], su[b]).wait()

    def process(ch, b, do_wait_out, issue_next):
        pltpu.make_async_copy(r_hbm.at[pl.ds(ebase, C)], ri[b], sr[b]).wait()
        pltpu.async_copy(zq_hbm.at[ri[b]], zqr[b], sqr[b])
        pltpu.make_async_copy(zp_hbm.at[si_all.at[pl.ds(0, C)]], Vp[b], szp[b]).wait()
        pltpu.make_async_copy(ew_hbm.at[pl.ds(ebase, C)], ewv[b], sw[b]).wait()
        Vb, qsb, qrb, s2b, eb, ubb, wb = (Vp[b], zqs[b], zqr[b], S2[b],
                                          edv[b], ub[b], ewv[b])

        @plsc.parallel_loop(0, C, unroll=8)
        def edge1(e):
            w = plsc.load_gather(wb, [jnp.full((L,), e, I32)])
            for j in range(D // L):
                Vb[e, j * L:(j + 1) * L] = Vb[e, j * L:(j + 1) * L] * w
        pltpu.make_async_copy(zq_hbm.at[si_all.at[pl.ds(0, C)]], zqs[b], sqs[b]).wait()
        pltpu.make_async_copy(zq_hbm.at[ri[b]], zqr[b], sqr[b]).wait()
        pltpu.make_async_copy(ed_hbm.at[:, pl.ds(ebase, C)], edv[b], se[b]).wait()

        @plsc.parallel_loop(0, C, unroll=8)
        def edge2(e):
            esplat = jnp.full((L,), e, I32)
            w = plsc.load_gather(wb, [esplat])
            qs = qsb[e, 0:L]
            qr = qrb[e, L:2 * L]
            plsc.store_scatter(ubb, [iota, esplat], (qs + qr + gvec) * w)
            ef = plsc.load_gather(eb, [iota, esplat])
            s2b[e, 0:L] = ef * w
            s2b[e, L:2 * L] = jnp.where(m0, w, onehot1)
        if do_wait_out:
            wait_out(1 - b)
        if issue_next:
            issue_in(ch + 1, 1 - b)
        pltpu.async_copy(Vp[b], acc1_sh.at[ri[b]], ss1[b], add=True)
        pltpu.async_copy(S2[b], acc2_sh.at[ri[b]], ss2[b], add=True)
        pltpu.async_copy(ub[b], u_hbm.at[:, pl.ds(ebase + ch * C, C)], su[b])

    issue_in(0, 0)
    process(0, 0, False, True)

    def pairbody(it, _):
        ch1 = 2 * it + 1
        process(ch1, 1, True, True)
        process(ch1 + 1, 0, True, True)
        return 0

    npairs = (NCH - 2) // 2
    lax.fori_loop(0, npairs, pairbody, 0)
    for ch in range(1 + 2 * npairs, NCH):
        process(ch, ch % 2, True, ch + 1 < NCH)
    wait_out((NCH - 1) % 2)

    plsc.subcore_barrier()

    def fchunk(t, _):
        k = sid + t * NS

        @pl.when(k * C < N)
        def _():
            pltpu.sync_copy(acc1_sh.at[pl.ds(k * C, C)],
                            acc1_hbm.at[cid, pl.ds(k * C, C)])
            pltpu.sync_copy(acc2_sh.at[pl.ds(k * C, C)],
                            acc2_hbm.at[cid, pl.ds(k * C, C)])
        return 0

    lax.fori_loop(0, pl.cdiv(N, C * NS), fchunk, 0)


def _sc_run(zp, zq, senders, receivers, ew, edges_t, gev):
    mesh = plsc.VectorSubcoreMesh(core_axis_name="c", subcore_axis_name="s",
                                  num_cores=NC, num_subcores=NS)
    f = pl.kernel(
        _sc_body,
        out_type=[
            jax.ShapeDtypeStruct((NC, N, D), F32),
            jax.ShapeDtypeStruct((NC, N, W32), F32),
            jax.ShapeDtypeStruct((DE, E), F32),
        ],
        mesh=mesh,
        compiler_params=pltpu.CompilerParams(needs_layout_passes=False,
                                             use_tc_tiling_on_sc=False),
        scratch_types=(
            [pltpu.VMEM((C, D), F32)] * 2
            + [pltpu.VMEM((C, W32), F32)] * 2
            + [pltpu.VMEM((C, W32), F32)] * 2
            + [pltpu.VMEM((C, W32), F32)] * 2
            + [pltpu.VMEM((DE, C), F32)] * 2
            + [pltpu.VMEM((DE, C), F32)] * 2
            + [pltpu.VMEM((C,), I32)] * 2
            + [pltpu.VMEM((C,), F32)] * 2
            + [pltpu.VMEM((EPW,), I32),
               pltpu.VMEM((DE,), F32),
               pltpu.VMEM_SHARED((N, D), F32),
               pltpu.VMEM_SHARED((N, W32), F32)]
            + [pltpu.SemaphoreType.DMA] * 18
        ),
    )
    return f(zp, zq, senders, receivers, ew, edges_t, gev)


def _edge_post_body(ed_ref, ew_ref, weet_ref, be_ref, out_ref):
    ef = ew_ref[...] * ed_ref[...]
    out_ref[...] = (jnp.dot(weet_ref[...], ef, preferred_element_type=F32)
                    + be_ref[...])


def _edge_post(edges_t, ew_row, weet, be_col):
    eb = 20
    blk = E // eb
    return pl.pallas_call(
        _edge_post_body,
        grid=(eb,),
        in_specs=[
            pl.BlockSpec((DE, blk), lambda i: (0, i)),
            pl.BlockSpec((1, blk), lambda i: (0, i)),
            pl.BlockSpec((DE, DE), lambda i: (0, 0)),
            pl.BlockSpec((DE, 1), lambda i: (0, 0)),
        ],
        out_specs=pl.BlockSpec((DE, blk), lambda i: (0, i)),
        out_shape=jax.ShapeDtypeStruct((DE, E), F32),
    )(edges_t, ew_row, weet, be_col)


def _node_post_body(acc1_ref, acc2_ref, nodes_ref, we_ref, wr_ref, gn_ref, bn_ref,
                    tg_ref, wgn_ref, bgn_ref, wge_ref, bge_ref, wfg_ref, bfg_ref,
                    nn_ref, ng_ref, nsum, esum):
    i = pl.program_id(0)
    a0 = acc1_ref[0] + acc1_ref[1]
    a2 = acc2_ref[0] + acc2_ref[1]
    ae = a2[:, 0:DE]
    sw = a2[:, DE:DE + 1]
    cnt = a2[:, DE + 1:DE + 2]
    nodes = nodes_ref[...]
    nn = (a0 + jnp.dot(ae, we_ref[...], preferred_element_type=F32)
          + jnp.dot(sw * nodes, wr_ref[...], preferred_element_type=F32)
          + sw * gn_ref[...] + cnt * bn_ref[...])
    nn_ref[...] = nn

    @pl.when(i == 0)
    def _():
        nsum[...] = jnp.zeros_like(nsum)
        esum[...] = jnp.zeros_like(esum)

    nsum[...] += jnp.sum(nodes, axis=0, keepdims=True)
    esum[...] += jnp.sum(ae, axis=0, keepdims=True)

    @pl.when(i == pl.num_programs(0) - 1)
    def _():
        tng = jnp.dot(nsum[...], wgn_ref[...], preferred_element_type=F32) + bgn_ref[...]
        teg = jnp.dot(esum[...], wge_ref[...], preferred_element_type=F32) + bge_ref[...]
        ng_ref[...] = (jnp.dot(tg_ref[...], wfg_ref[0:DG], preferred_element_type=F32)
                       + jnp.dot(tng, wfg_ref[DG:2 * DG], preferred_element_type=F32)
                       + jnp.dot(teg, wfg_ref[2 * DG:3 * DG], preferred_element_type=F32)
                       + bfg_ref[...])


def _node_post(acc1, acc2, nodes, we, wr, gn, bn2, tg, wgn, bgn2, wge, bge2,
               wfg, bfg2):
    nb = 10
    blk = N // nb
    return pl.pallas_call(
        _node_post_body,
        grid=(nb,),
        in_specs=[
            pl.BlockSpec((NC, blk, D), lambda i: (0, i, 0)),
            pl.BlockSpec((NC, blk, W32), lambda i: (0, i, 0)),
            pl.BlockSpec((blk, D), lambda i: (i, 0)),
            pl.BlockSpec((DE, D), lambda i: (0, 0)),
            pl.BlockSpec((D, D), lambda i: (0, 0)),
            pl.BlockSpec((1, D), lambda i: (0, 0)),
            pl.BlockSpec((1, D), lambda i: (0, 0)),
            pl.BlockSpec((1, DG), lambda i: (0, 0)),
            pl.BlockSpec((D, DG), lambda i: (0, 0)),
            pl.BlockSpec((1, DG), lambda i: (0, 0)),
            pl.BlockSpec((DE, DG), lambda i: (0, 0)),
            pl.BlockSpec((1, DG), lambda i: (0, 0)),
            pl.BlockSpec((3 * DG, DG), lambda i: (0, 0)),
            pl.BlockSpec((1, DG), lambda i: (0, 0)),
        ],
        out_specs=[
            pl.BlockSpec((blk, D), lambda i: (i, 0)),
            pl.BlockSpec((1, DG), lambda i: (0, 0)),
        ],
        out_shape=[
            jax.ShapeDtypeStruct((N, D), F32),
            jax.ShapeDtypeStruct((1, DG), F32),
        ],
        scratch_shapes=[
            pltpu.VMEM((1, D), F32),
            pltpu.VMEM((1, DE), F32),
        ],
    )(acc1, acc2, nodes, we, wr, gn, bn2, tg, wgn, bgn2, wge, bge2, wfg, bfg2)


def kernel(nodes, edges, globals_, senders, receivers, n_node, n_edge,
           edge_weights, W_node, b_node, W_edge, b_edge, W_gn, b_gn,
           W_ge, b_ge, W_g, b_g, W_fg, b_fg):
    W_s, W_r = W_node[:D], W_node[D:2 * D]
    W_e, W_g4 = W_node[2 * D:2 * D + DE], W_node[2 * D + DE:]
    W_es, W_er = W_edge[:D], W_edge[D:2 * D]
    W_ee, W_eg = W_edge[2 * D:2 * D + DE], W_edge[2 * D + DE:]
    wcat = jnp.concatenate([W_s, W_es, W_er], axis=1)

    zp, zq, gev, gn, tg = _pre(nodes, wcat, globals_, W_eg, W_g4, W_g,
                               b_g.reshape(1, DG))

    senders = senders.astype(I32)
    receivers = receivers.astype(I32)
    acc1, acc2, u = _sc_run(zp, zq, senders, receivers, edge_weights,
                            edges.T, gev.reshape(DE))

    t2t = _edge_post(edges.T, edge_weights.reshape(1, E), W_ee.T,
                     b_edge.reshape(DE, 1))
    new_edges = (u + t2t).T
    new_nodes, new_global = _node_post(
        acc1, acc2, nodes, W_e, W_r, gn, b_node.reshape(1, D), tg,
        W_gn, b_gn.reshape(1, DG), W_ge, b_ge.reshape(1, DG),
        W_fg, b_fg.reshape(1, DG))
    return (new_nodes, new_edges, new_global)

# --- scband reference (transcript-rebuilt; emitter-appended) ---
"""Pipeline reference for scband-message-passing-layer-ew-17471926960851 (READ-ONLY COPY).

The authoritative reference and input builder live on the scoring server;
editing this copy changes nothing except your own understanding.
"""

import jax, jax.numpy as jnp
import numpy as np

N = 10000
E = 320000
D = 128
DE = 16
DG = 16
DIN = 2 * D + DE + DG  # 288


def setup_inputs(seed: int = 0) -> dict:
    key = jax.random.key(seed)
    ks = jax.random.split(key, 16)
    nodes = jax.random.normal(ks[0], (N, D), dtype=jnp.float32)
    edges = jax.random.normal(ks[1], (E, DE), dtype=jnp.float32)
    globals_ = jax.random.normal(ks[2], (1, DG), dtype=jnp.float32)
    senders = jax.random.randint(ks[3], (E,), 0, N)
    receivers = jax.random.randint(ks[4], (E,), 0, N)
    edge_weights = jax.random.uniform(ks[5], (E,), dtype=jnp.float32)
    n_node = jnp.array([N], dtype=jnp.int32)
    n_edge = jnp.array([E], dtype=jnp.int32)

    def dense_init(k, fi, fo):
        return jax.random.normal(k, (fi, fo), dtype=jnp.float32) / np.sqrt(fi)

    W_node = dense_init(ks[6], DIN, D)
    b_node = jnp.zeros((D,), jnp.float32)
    W_edge = dense_init(ks[7], DIN, DE)
    b_edge = jnp.zeros((DE,), jnp.float32)
    W_gn = dense_init(ks[8], D, DG)
    b_gn = jnp.zeros((DG,), jnp.float32)
    W_ge = dense_init(ks[9], DE, DG)
    b_ge = jnp.zeros((DG,), jnp.float32)
    W_g = dense_init(ks[10], DG, DG)
    b_g = jnp.zeros((DG,), jnp.float32)
    W_fg = dense_init(ks[11], 3 * DG, DG)
    b_fg = jnp.zeros((DG,), jnp.float32)
    return {
        "nodes": nodes, "edges": edges, "globals_": globals_,
        "senders": senders, "receivers": receivers,
        "n_node": n_node, "n_edge": n_edge, "edge_weights": edge_weights,
        "W_node": W_node, "b_node": b_node, "W_edge": W_edge, "b_edge": b_edge,
        "W_gn": W_gn, "b_gn": b_gn, "W_ge": W_ge, "b_ge": b_ge,
        "W_g": W_g, "b_g": b_g, "W_fg": W_fg, "b_fg": b_fg,
    }


def reference(nodes, edges, globals_, senders, receivers, n_node, n_edge,
              edge_weights, W_node, b_node, W_edge, b_edge, W_gn, b_gn,
              W_ge, b_ge, W_g, b_g, W_fg, b_fg):
    num_nodes = nodes.shape[0]
    num_graphs = n_node.shape[0]
    num_edges = receivers.shape[0]
    # gather sender/receiver node features (SparseCore gather)
    send_node_feature = nodes[senders]
    recv_node_feature = nodes[receivers]
    edge_repeat_global = jnp.repeat(globals_, n_edge, axis=0,
                                    total_repeat_length=num_edges)
    concat_args = jnp.hstack([send_node_feature, recv_node_feature,
                              edges, edge_repeat_global])
    # edge weighting
    ew = edge_weights.flatten()
    edge_features = ew[:, None] * edges
    concat_args = ew[:, None] * concat_args
    # node update: per-edge MLP then scatter-add to receivers
    new_tmp_nodes = concat_args @ W_node + b_node
    new_nodes = jax.ops.segment_sum(new_tmp_nodes, receivers,
                                    num_segments=num_nodes)
    # edge update
    new_edges = concat_args @ W_edge + b_edge
    # global update: split_and_sum over per-graph segments
    node_gids = jnp.repeat(jnp.arange(num_graphs), n_node,
                           total_repeat_length=num_nodes)
    edge_gids = jnp.repeat(jnp.arange(num_graphs), n_edge,
                           total_repeat_length=num_edges)
    summed_node_features = jax.ops.segment_sum(nodes, node_gids,
                                               num_segments=num_graphs)
    summed_edge_features = jax.ops.segment_sum(edge_features, edge_gids,
                                               num_segments=num_graphs)
    tmp_node_global = summed_node_features @ W_gn + b_gn
    tmp_edge_global = summed_edge_features @ W_ge + b_ge
    tmp_global = globals_ @ W_g + b_g
    final_args = jnp.hstack([tmp_global, tmp_node_global, tmp_edge_global])
    new_global = final_args @ W_fg + b_fg
    return (new_nodes, new_edges, new_global)

if __name__ == "__main__":
    import jax
    _d = setup_inputs()
    print(jax.jit(kernel)(*tuple(_d.values())))

</pallas_src>

<mosaic_0001>
#map = affine_map<(d0, d1) -> (0, 0)>
#map1 = affine_map<(d0, d1) -> (0)>
#map2 = affine_map<(d0, d1) -> (0, 0, 0)>
module attributes {stable_mosaic.version = 14 : i64} {
  func.func @_sc_body(%arg0: i32, %arg1: i32, %arg2: memref<10000x128xf32, #tpu.memory_space<hbm>>, %arg3: memref<10000x32xf32, #tpu.memory_space<hbm>>, %arg4: memref<320000xi32, #tpu.memory_space<hbm>>, %arg5: memref<320000xi32, #tpu.memory_space<hbm>>, %arg6: memref<320000xf32, #tpu.memory_space<hbm>>, %arg7: memref<16x320000xf32, #tpu.memory_space<hbm>>, %arg8: memref<16xf32, #tpu.memory_space<hbm>>, %arg9: memref<2x10000x128xf32, #tpu.memory_space<hbm>>, %arg10: memref<2x10000x32xf32, #tpu.memory_space<hbm>>, %arg11: memref<16x320000xf32, #tpu.memory_space<hbm>>, %arg12: memref<40x128xf32, #tpu.memory_space<vmem>>, %arg13: memref<40x128xf32, #tpu.memory_space<vmem>>, %arg14: memref<40x32xf32, #tpu.memory_space<vmem>>, %arg15: memref<40x32xf32, #tpu.memory_space<vmem>>, %arg16: memref<40x32xf32, #tpu.memory_space<vmem>>, %arg17: memref<40x32xf32, #tpu.memory_space<vmem>>, %arg18: memref<40x32xf32, #tpu.memory_space<vmem>>, %arg19: memref<40x32xf32, #tpu.memory_space<vmem>>, %arg20: memref<16x40xf32, #tpu.memory_space<vmem>>, %arg21: memref<16x40xf32, #tpu.memory_space<vmem>>, %arg22: memref<16x40xf32, #tpu.memory_space<vmem>>, %arg23: memref<16x40xf32, #tpu.memory_space<vmem>>, %arg24: memref<40xi32, #tpu.memory_space<vmem>>, %arg25: memref<40xi32, #tpu.memory_space<vmem>>, %arg26: memref<40xf32, #tpu.memory_space<vmem>>, %arg27: memref<40xf32, #tpu.memory_space<vmem>>, %arg28: memref<10000xi32, #tpu.memory_space<vmem>>, %arg29: memref<16xf32, #tpu.memory_space<vmem>>, %arg30: memref<10000x128xf32, #tpu.memory_space<vmem_shared>>, %arg31: memref<10000x32xf32, #tpu.memory_space<vmem_shared>>, %arg32: memref<!tpu.dma_semaphore, #tpu.memory_space<semaphore_mem>>, %arg33: memref<!tpu.dma_semaphore, #tpu.memory_space<semaphore_mem>>, %arg34: memref<!tpu.dma_semaphore, #tpu.memory_space<semaphore_mem>>, %arg35: memref<!tpu.dma_semaphore, #tpu.memory_space<semaphore_mem>>, %arg36: memref<!tpu.dma_semaphore, #tpu.memory_space<semaphore_mem>>, %arg37: memref<!tpu.dma_semaphore, #tpu.memory_space<semaphore_mem>>, %arg38: memref<!tpu.dma_semaphore, #tpu.memory_space<semaphore_mem>>, %arg39: memref<!tpu.dma_semaphore, #tpu.memory_space<semaphore_mem>>, %arg40: memref<!tpu.dma_semaphore, #tpu.memory_space<semaphore_mem>>, %arg41: memref<!tpu.dma_semaphore, #tpu.memory_space<semaphore_mem>>, %arg42: memref<!tpu.dma_semaphore, #tpu.memory_space<semaphore_mem>>, %arg43: memref<!tpu.dma_semaphore, #tpu.memory_space<semaphore_mem>>, %arg44: memref<!tpu.dma_semaphore, #tpu.memory_space<semaphore_mem>>, %arg45: memref<!tpu.dma_semaphore, #tpu.memory_space<semaphore_mem>>, %arg46: memref<!tpu.dma_semaphore, #tpu.memory_space<semaphore_mem>>, %arg47: memref<!tpu.dma_semaphore, #tpu.memory_space<semaphore_mem>>, %arg48: memref<!tpu.dma_semaphore, #tpu.memory_space<semaphore_mem>>, %arg49: memref<!tpu.dma_semaphore, #tpu.memory_space<semaphore_mem>>) attributes {dimension_semantics = [#tpu.dimension_semantics<core_parallel>, #tpu.dimension_semantics<subcore_parallel>], iteration_bounds = array<i64: 2, 16>, scalar_prefetch = 0 : i64, scratch_operands = 38 : i64, tpu.core_type = #tpu.core_type<sc_vector_subcore>, window_params = [{transform_indices = #map}, {transform_indices = #map}, {transform_indices = #map1}, {transform_indices = #map1}, {transform_indices = #map1}, {transform_indices = #map}, {transform_indices = #map1}, {transform_indices = #map2}, {transform_indices = #map2}, {transform_indices = #map}]} {
    %mul3A = arith.constant 16 : i32
    %mul3A_0 = arith.muli %arg0, %mul3A : i32
    %add3A = arith.addi %mul3A_0, %arg1 : i32
    %mul3A_1 = arith.constant 10000 : i32
    %mul3A_2 = arith.muli %add3A, %mul3A_1 : i32
    "tpu.region"() ({
      %run_scoped3A = tpu.sem_alloc : memref<!tpu.dma_semaphore, #tpu.memory_space<semaphore_mem>>
      tpu.enqueue_dma source(%arg8 : memref<16xf32, #tpu.memory_space<hbm>>) target(%arg29 : memref<16xf32, #tpu.memory_space<vmem>>) target_semaphore(%run_scoped3A : memref<!tpu.dma_semaphore, #tpu.memory_space<semaphore_mem>>)
      tpu.wait_dma2 semaphore(%run_scoped3A : memref<!tpu.dma_semaphore, #tpu.memory_space<semaphore_mem>>) src(%arg8 : memref<16xf32, #tpu.memory_space<hbm>>) dst(%arg29 : memref<16xf32, #tpu.memory_space<vmem>>)
      tpu.yield
    }) : () -> ()
    "tpu.region"() ({
      %run_scoped3A = tpu.sem_alloc : memref<!tpu.dma_semaphore, #tpu.memory_space<semaphore_mem>>
      %dma_start3A_181 = tpu.memref_slice %arg4[%mul3A_2] : memref<320000xi32, #tpu.memory_space<hbm>> -> memref<10000xi32, #tpu.memory_space<hbm>>
      %dma_start3A_182 = tpu.memref_slice %arg4[%mul3A_2] : memref<320000xi32, #tpu.memory_space<hbm>> -> memref<10000xi32, #tpu.memory_space<hbm>>
      tpu.enqueue_dma source(%dma_start3A_182 : memref<10000xi32, #tpu.memory_space<hbm>>) target(%arg28 : memref<10000xi32, #tpu.memory_space<vmem>>) target_semaphore(%run_scoped3A : memref<!tpu.dma_semaphore, #tpu.memory_space<semaphore_mem>>)
      %dma_wait3A_183 = tpu.memref_slice %arg4[%mul3A_2] : memref<320000xi32, #tpu.memory_space<hbm>> -> memref<10000xi32, #tpu.memory_space<hbm>>
      %dma_wait3A_184 = tpu.memref_slice %arg4[%mul3A_2] : memref<320000xi32, #tpu.memory_space<hbm>> -> memref<10000xi32, #tpu.memory_space<hbm>>
      tpu.wait_dma2 semaphore(%run_scoped3A : memref<!tpu.dma_semaphore, #tpu.memory_space<semaphore_mem>>) src(%dma_wait3A_184 : memref<10000xi32, #tpu.memory_space<hbm>>) dst(%arg28 : memref<10000xi32, #tpu.memory_space<vmem>>)
      tpu.yield
    }) : () -> ()
    %broadcast_in_dim3A = arith.constant 0.000000e+00 : f32
    %broadcast_in_dim3A_3 = vector.broadcast %broadcast_in_dim3A : f32 to vector<16xf32>
    %scan3A = arith.constant 0 : i32
    %scan3A_4 = arith.constant 0 : i32
    %scan3A_5 = arith.constant 40 : i32
    %scan3A_6 = arith.addi %scan3A_4, %scan3A_5 : i32
    %scan3A_7 = arith.constant 1 : i32
    %scan3A_8 = scf.for %scan3A_181 = %scan3A_4 to %scan3A_6 step %scan3A_7 iter_args(%scan3A_182 = %scan3A) -> (i32)  : i32 {
      %swap3A = arith.index_cast %scan3A_181 : i32 to index
      %swap3A_183 = arith.constant 0 : index
      %swap3A_184 = tpu.vector_load %arg12[%swap3A, %swap3A_183] {strides = array<i32>} : memref<40x128xf32, #tpu.memory_space<vmem>>, vector<16xf32>,
      tpu.vector_store %arg12[%swap3A, %swap3A_183], %broadcast_in_dim3A_3 {strides = array<i32>} : memref<40x128xf32, #tpu.memory_space<vmem>>, vector<16xf32>,
      %swap3A_185 = arith.index_cast %scan3A_181 : i32 to index
      %swap3A_186 = arith.constant 16 : index
      %swap3A_187 = tpu.vector_load %arg12[%swap3A_185, %swap3A_186] {strides = array<i32>} : memref<40x128xf32, #tpu.memory_space<vmem>>, vector<16xf32>,
      tpu.vector_store %arg12[%swap3A_185, %swap3A_186], %broadcast_in_dim3A_3 {strides = array<i32>} : memref<40x128xf32, #tpu.memory_space<vmem>>, vector<16xf32>,
      %swap3A_188 = arith.index_cast %scan3A_181 : i32 to index
      %swap3A_189 = arith.constant 32 : index
      %swap3A_190 = tpu.vector_load %arg12[%swap3A_188, %swap3A_189] {strides = array<i32>} : memref<40x128xf32, #tpu.memory_space<vmem>>, vector<16xf32>,
      tpu.vector_store %arg12[%swap3A_188, %swap3A_189], %broadcast_in_dim3A_3 {strides = array<i32>} : memref<40x128xf32, #tpu.memory_space<vmem>>, vector<16xf32>,
      %swap3A_191 = arith.index_cast %scan3A_181 : i32 to index
      %swap3A_192 = arith.constant 48 : index
      %swap3A_193 = tpu.vector_load %arg12[%swap3A_191, %swap3A_192] {strides = array<i32>} : memref<40x128xf32, #tpu.memory_space<vmem>>, vector<16xf32>,
      tpu.vector_store %arg12[%swap3A_191, %swap3A_192], %broadcast_in_dim3A_3 {strides = array<i32>} : memref<40x128xf32, #tpu.memory_space<vmem>>, vector<16xf32>,
      %swap3A_194 = arith.index_cast %scan3A_181 : i32 to index
      %swap3A_195 = arith.constant 64 : index
      %swap3A_196 = tpu.vector_load %arg12[%swap3A_194, %swap3A_195] {strides = array<i32>} : memref<40x128xf32, #tpu.memory_space<vmem>>, vector<16xf32>,
      tpu.vector_store %arg12[%swap3A_194, %swap3A_195], %broadcast_in_dim3A_3 {strides = array<i32>} : memref<40x128xf32, #tpu.memory_space<vmem>>, vector<16xf32>,
      %swap3A_197 = arith.index_cast %scan3A_181 : i32 to index
      %swap3A_198 = arith.constant 80 : index
      %swap3A_199 = tpu.vector_load %arg12[%swap3A_197, %swap3A_198] {strides = array<i32>} : memref<40x128xf32, #tpu.memory_space<vmem>>, vector<16xf32>,
      tpu.vector_store %arg12[%swap3A_197, %swap3A_198], %broadcast_in_dim3A_3 {strides = array<i32>} : memref<40x128xf32, #tpu.memory_space<vmem>>, vector<16xf32>,
      %swap3A_200 = arith.index_cast %scan3A_181 : i32 to index
      %swap3A_201 = arith.constant 96 : index
      %swap3A_202 = tpu.vector_load %arg12[%swap3A_200, %swap3A_201] {strides = array<i32>} : memref<40x128xf32, #tpu.memory_space<vmem>>, vector<16xf32>,
      tpu.vector_store %arg12[%swap3A_200, %swap3A_201], %broadcast_in_dim3A_3 {strides = array<i32>} : memref<40x128xf32, #tpu.memory_space<vmem>>, vector<16xf32>,
      %swap3A_203 = arith.index_cast %scan3A_181 : i32 to index
      %swap3A_204 = arith.constant 112 : index
      %swap3A_205 = tpu.vector_load %arg12[%swap3A_203, %swap3A_204] {strides = array<i32>} : memref<40x128xf32, #tpu.memory_space<vmem>>, vector<16xf32>,
      tpu.vector_store %arg12[%swap3A_203, %swap3A_204], %broadcast_in_dim3A_3 {strides = array<i32>} : memref<40x128xf32, #tpu.memory_space<vmem>>, vector<16xf32>,
      %swap3A_206 = arith.index_cast %scan3A_181 : i32 to index
      %swap3A_207 = arith.constant 0 : index
      %swap3A_208 = tpu.vector_load %arg18[%swap3A_206, %swap3A_207] {strides = array<i32>} : memref<40x32xf32, #tpu.memory_space<vmem>>, vector<16xf32>,
      tpu.vector_store %arg18[%swap3A_206, %swap3A_207], %broadcast_in_dim3A_3 {strides = array<i32>} : memref<40x32xf32, #tpu.memory_space<vmem>>, vector<16xf32>,
      %swap3A_209 = arith.index_cast %scan3A_181 : i32 to index
      %swap3A_210 = arith.constant 16 : index
      %swap3A_211 = tpu.vector_load %arg18[%swap3A_209, %swap3A_210] {strides = array<i32>} : memref<40x32xf32, #tpu.memory_space<vmem>>, vector<16xf32>,
      tpu.vector_store %arg18[%swap3A_209, %swap3A_210], %broadcast_in_dim3A_3 {strides = array<i32>} : memref<40x32xf32, #tpu.memory_space<vmem>>, vector<16xf32>,
      %scan3A_212 = arith.constant 0 : i32
      scf.yield %scan3A_212 : i32
    }
    %scan3A_9 = arith.constant 40 : i32
    %scan3A_10 = arith.constant 0 : i32
    %scan3A_11 = arith.constant 0 : i32
    %scan3A_12 = arith.constant 16 : i32
    %scan3A_13 = arith.addi %scan3A_11, %scan3A_12 : i32
    %scan3A_14 = arith.constant 1 : i32
    %scan3A_15 = scf.for %scan3A_181 = %scan3A_11 to %scan3A_13 step %scan3A_14 iter_args(%scan3A_182 = %scan3A_10) -> (i32)  : i32 {
      %mul3A_183 = arith.constant 16 : i32
      %mul3A_184 = arith.muli %scan3A_181, %mul3A_183 : i32
      %add3A_185 = arith.addi %arg1, %mul3A_184 : i32
      %mul3A_186 = arith.constant 40 : i32
      %mul3A_187 = arith.muli %add3A_185, %mul3A_186 : i32
      %lt3A = arith.constant 10000 : i32
      %lt3A_188 = arith.cmpi slt, %mul3A_187, %lt3A : i32
      %convert_element_type3A = arith.extui %lt3A_188 : i1 to i32
      %cond3A = arith.constant 0 : i32
      %cond3A_189 = arith.cmpi ne, %convert_element_type3A, %cond3A : i32
      scf.if %cond3A_189 {
        %mul3A_191 = arith.constant 40 : i32
        %mul3A_192 = arith.muli %add3A_185, %mul3A_191 : i32
        "tpu.region"() ({
          %run_scoped3A = tpu.sem_alloc : memref<!tpu.dma_semaphore, #tpu.memory_space<semaphore_mem>>
          %dma_start3A_195 = arith.constant 0 : i32
          %dma_start3A_196 = tpu.memref_slice %arg30[%mul3A_192, %dma_start3A_195] : memref<10000x128xf32, #tpu.memory_space<vmem_shared>> -> memref<40x128xf32, #tpu.memory_space<vmem_shared>>
          %dma_start3A_197 = arith.constant 0 : i32
          %dma_start3A_198 = tpu.memref_slice %arg30[%mul3A_192, %dma_start3A_197] : memref<10000x128xf32, #tpu.memory_space<vmem_shared>> -> memref<40x128xf32, #tpu.memory_space<vmem_shared>>
          tpu.enqueue_dma source(%arg12 : memref<40x128xf32, #tpu.memory_space<vmem>>) target(%dma_start3A_198 : memref<40x128xf32, #tpu.memory_space<vmem_shared>>) target_semaphore(%run_scoped3A : memref<!tpu.dma_semaphore, #tpu.memory_space<semaphore_mem>>)
          %dma_wait3A_199 = arith.constant 0 : i32
          %dma_wait3A_200 = tpu.memref_slice %arg30[%mul3A_192, %dma_wait3A_199] : memref<10000x128xf32, #tpu.memory_space<vmem_shared>> -> memref<40x128xf32, #tpu.memory_space<vmem_shared>>
          %dma_wait3A_201 = arith.constant 0 : i32
          %dma_wait3A_202 = tpu.memref_slice %arg30[%mul3A_192, %dma_wait3A_201] : memref<10000x128xf32, #tpu.memory_space<vmem_shared>> -> memref<40x128xf32, #tpu.memory_space<vmem_shared>>
          tpu.wait_dma2 semaphore(%run_scoped3A : memref<!tpu.dma_semaphore, #tpu.memory_space<semaphore_mem>>) src(%arg12 : memref<40x128xf32, #tpu.memory_space<vmem>>) dst(%dma_wait3A_202 : memref<40x128xf32, #tpu.memory_space<vmem_shared>>)
          tpu.yield
        }) : () -> ()
        %mul3A_193 = arith.constant 40 : i32
        %mul3A_194 = arith.muli %add3A_185, %mul3A_193 : i32
        "tpu.region"() ({
          %run_scoped3A = tpu.sem_alloc : memref<!tpu.dma_semaphore, #tpu.memory_space<semaphore_mem>>
          %dma_start3A_195 = arith.constant 0 : i32
          %dma_start3A_196 = tpu.memref_slice %arg31[%mul3A_194, %dma_start3A_195] : memref<10000x32xf32, #tpu.memory_space<vmem_shared>> -> memref<40x32xf32, #tpu.memory_space<vmem_shared>>
          %dma_start3A_197 = arith.constant 0 : i32
          %dma_start3A_198 = tpu.memref_slice %arg31[%mul3A_194, %dma_start3A_197] : memref<10000x32xf32, #tpu.memory_space<vmem_shared>> -> memref<40x32xf32, #tpu.memory_space<vmem_shared>>
          tpu.enqueue_dma source(%arg18 : memref<40x32xf32, #tpu.memory_space<vmem>>) target(%dma_start3A_198 : memref<40x32xf32, #tpu.memory_space<vmem_shared>>) target_semaphore(%run_scoped3A : memref<!tpu.dma_semaphore, #tpu.memory_space<semaphore_mem>>)
          %dma_wait3A_199 = arith.constant 0 : i32
          %dma_wait3A_200 = tpu.memref_slice %arg31[%mul3A_194, %dma_wait3A_199] : memref<10000x32xf32, #tpu.memory_space<vmem_shared>> -> memref<40x32xf32, #tpu.memory_space<vmem_shared>>
          %dma_wait3A_201 = arith.constant 0 : i32
          %dma_wait3A_202 = tpu.memref_slice %arg31[%mul3A_194, %dma_wait3A_201] : memref<10000x32xf32, #tpu.memory_space<vmem_shared>> -> memref<40x32xf32, #tpu.memory_space<vmem_shared>>
          tpu.wait_dma2 semaphore(%run_scoped3A : memref<!tpu.dma_semaphore, #tpu.memory_space<semaphore_mem>>) src(%arg18 : memref<40x32xf32, #tpu.memory_space<vmem>>) dst(%dma_wait3A_202 : memref<40x32xf32, #tpu.memory_space<vmem_shared>>)
          tpu.yield
        }) : () -> ()
      } else {
      }
      %scan3A_190 = arith.constant 0 : i32
      scf.yield %scan3A_190 : i32
    }
    %scan3A_16 = arith.constant 16 : i32
    %barrier3A = arith.constant 0 : index
    tpu.barrier barrier_id(%barrier3A)
    %iota3A = tpu.iota {dimensions = array<i32: 0>} : vector<16xi32>
    %eq3A = arith.constant 0 : i32
    %eq3A_17 = vector.broadcast %eq3A : i32 to vector<16xi32>
    %eq3A_18 = arith.cmpi eq, %iota3A, %eq3A_17 : vector<16xi32>
    %eq3A_19 = arith.constant 1 : i32
    %eq3A_20 = vector.broadcast %eq3A_19 : i32 to vector<16xi32>
    %eq3A_21 = arith.cmpi eq, %iota3A, %eq3A_20 : vector<16xi32>
    %broadcast_in_dim3A_22 = arith.constant 1.000000e+00 : f32
    %broadcast_in_dim3A_23 = vector.broadcast %broadcast_in_dim3A_22 : f32 to vector<16xf32>
    %select_n3A = arith.select %eq3A_21, %broadcast_in_dim3A_23, %broadcast_in_dim3A_3 : vector<16xi1>, vector<16xf32>
    %get3A = arith.constant 0 : index
    %get3A_24 = tpu.vector_load %arg29[%get3A] {strides = array<i32>} : memref<16xf32, #tpu.memory_space<vmem>>, vector<16xf32>,
    %add3A_25 = arith.constant 0 : i32
    %add3A_26 = arith.addi %mul3A_2, %add3A_25 : i32
    %dma_start3A = arith.constant 0 : i32
    %dma_start3A_27 = tpu.memref_slice %arg28[%dma_start3A] : memref<10000xi32, #tpu.memory_space<vmem>> -> memref<40xi32, #tpu.memory_space<vmem>>
    %dma_start3A_28 = arith.constant 0 : i32
    %dma_start3A_29 = arith.constant 0 : i32
    %dma_start3A_30 = tpu.memref_slice %arg2[%dma_start3A_28, %dma_start3A_29] : memref<10000x128xf32, #tpu.memory_space<hbm>> -> memref<10000x128xf32, #tpu.memory_space<hbm>>
    tpu.enqueue_indirect_dma source(%dma_start3A_30 : memref<10000x128xf32, #tpu.memory_space<hbm>>) target(%arg12 : memref<40x128xf32, #tpu.memory_space<vmem>>) offsets(%dma_start3A_27 : memref<40xi32, #tpu.memory_space<vmem>>) semaphore(%arg32 : memref<!tpu.dma_semaphore, #tpu.memory_space<semaphore_mem>>)
    %dma_start3A_31 = arith.constant 0 : i32
    %dma_start3A_32 = tpu.memref_slice %arg28[%dma_start3A_31] : memref<10000xi32, #tpu.memory_space<vmem>> -> memref<40xi32, #tpu.memory_space<vmem>>
    %dma_start3A_33 = arith.constant 0 : i32
    %dma_start3A_34 = arith.constant 0 : i32
    %dma_start3A_35 = tpu.memref_slice %arg3[%dma_start3A_33, %dma_start3A_34] : memref<10000x32xf32, #tpu.memory_space<hbm>> -> memref<10000x32xf32, #tpu.memory_space<hbm>>
    tpu.enqueue_indirect_dma source(%dma_start3A_35 : memref<10000x32xf32, #tpu.memory_space<hbm>>) target(%arg14 : memref<40x32xf32, #tpu.memory_space<vmem>>) offsets(%dma_start3A_32 : memref<40xi32, #tpu.memory_space<vmem>>) semaphore(%arg34 : memref<!tpu.dma_semaphore, #tpu.memory_space<semaphore_mem>>)
    %dma_start3A_36 = arith.constant 0 : i32
    %dma_start3A_37 = tpu.memref_slice %arg7[%dma_start3A_36, %add3A_26] : memref<16x320000xf32, #tpu.memory_space<hbm>> -> memref<16x40xf32, #tpu.memory_space<hbm>>
    %dma_start3A_38 = arith.constant 0 : i32
    %dma_start3A_39 = tpu.memref_slice %arg7[%dma_start3A_38, %add3A_26] : memref<16x320000xf32, #tpu.memory_space<hbm>> -> memref<16x40xf32, #tpu.memory_space<hbm>>
    tpu.enqueue_dma source(%dma_start3A_39 : memref<16x40xf32, #tpu.memory_space<hbm>>) target(%arg20 : memref<16x40xf32, #tpu.memory_space<vmem>>) target_semaphore(%arg38 : memref<!tpu.dma_semaphore, #tpu.memory_space<semaphore_mem>>)
    %dma_start3A_40 = tpu.memref_slice %arg5[%add3A_26] : memref<320000xi32, #tpu.memory_space<hbm>> -> memref<40xi32, #tpu.memory_space<hbm>>
    %dma_start3A_41 = tpu.memref_slice %arg5[%add3A_26] : memref<320000xi32, #tpu.memory_space<hbm>> -> memref<40xi32, #tpu.memory_space<hbm>>
    tpu.enqueue_dma source(%dma_start3A_41 : memref<40xi32, #tpu.memory_space<hbm>>) target(%arg24 : memref<40xi32, #tpu.memory_space<vmem>>) target_semaphore(%arg40 : memref<!tpu.dma_semaphore, #tpu.memory_space<semaphore_mem>>)
    %dma_start3A_42 = tpu.memref_slice %arg6[%add3A_26] : memref<320000xf32, #tpu.memory_space<hbm>> -> memref<40xf32, #tpu.memory_space<hbm>>
    %dma_start3A_43 = tpu.memref_slice %arg6[%add3A_26] : memref<320000xf32, #tpu.memory_space<hbm>> -> memref<40xf32, #tpu.memory_space<hbm>>
    tpu.enqueue_dma source(%dma_start3A_43 : memref<40xf32, #tpu.memory_space<hbm>>) target(%arg26 : memref<40xf32, #tpu.memory_space<vmem>>) target_semaphore(%arg42 : memref<!tpu.dma_semaphore, #tpu.memory_space<semaphore_mem>>)
    %dma_wait3A = tpu.memref_slice %arg5[%mul3A_2] : memref<320000xi32, #tpu.memory_space<hbm>> -> memref<40xi32, #tpu.memory_space<hbm>>
    %dma_wait3A_44 = tpu.memref_slice %arg5[%mul3A_2] : memref<320000xi32, #tpu.memory_space<hbm>> -> memref<40xi32, #tpu.memory_space<hbm>>
    tpu.wait_dma2 semaphore(%arg40 : memref<!tpu.dma_semaphore, #tpu.memory_space<semaphore_mem>>) src(%dma_wait3A_44 : memref<40xi32, #tpu.memory_space<hbm>>) dst(%arg24 : memref<40xi32, #tpu.memory_space<vmem>>)
    %dma_start3A_45 = arith.constant 0 : i32
    %dma_start3A_46 = arith.constant 0 : i32
    %dma_start3A_47 = tpu.memref_slice %arg3[%dma_start3A_45, %dma_start3A_46] : memref<10000x32xf32, #tpu.memory_space<hbm>> -> memref<10000x32xf32, #tpu.memory_space<hbm>>
    tpu.enqueue_indirect_dma source(%dma_start3A_47 : memref<10000x32xf32, #tpu.memory_space<hbm>>) target(%arg16 : memref<40x32xf32, #tpu.memory_space<vmem>>) offsets(%arg24 : memref<40xi32, #tpu.memory_space<vmem>>) semaphore(%arg36 : memref<!tpu.dma_semaphore, #tpu.memory_space<semaphore_mem>>)
    %dma_wait3A_48 = arith.constant 0 : i32
    %dma_wait3A_49 = tpu.memref_slice %arg28[%dma_wait3A_48] : memref<10000xi32, #tpu.memory_space<vmem>> -> memref<40xi32, #tpu.memory_space<vmem>>
    %dma_wait3A_50 = arith.constant 0 : i32
    %dma_wait3A_51 = arith.constant 0 : i32
    %dma_wait3A_52 = tpu.memref_slice %arg2[%dma_wait3A_50, %dma_wait3A_51] : memref<10000x128xf32, #tpu.memory_space<hbm>> -> memref<10000x128xf32, #tpu.memory_space<hbm>>
    tpu.wait_indirect_dma semaphore(%arg32 : memref<!tpu.dma_semaphore, #tpu.memory_space<semaphore_mem>>) src(%dma_wait3A_52 : memref<10000x128xf32, #tpu.memory_space<hbm>>) dst(%arg12 : memref<40x128xf32, #tpu.memory_space<vmem>>)
    %dma_wait3A_53 = tpu.memref_slice %arg6[%mul3A_2] : memref<320000xf32, #tpu.memory_space<hbm>> -> memref<40xf32, #tpu.memory_space<hbm>>
    %dma_wait3A_54 = tpu.memref_slice %arg6[%mul3A_2] : memref<320000xf32, #tpu.memory_space<hbm>> -> memref<40xf32, #tpu.memory_space<hbm>>
    tpu.wait_dma2 semaphore(%arg42 : memref<!tpu.dma_semaphore, #tpu.memory_space<semaphore_mem>>) src(%dma_wait3A_54 : memref<40xf32, #tpu.memory_space<hbm>>) dst(%arg26 : memref<40xf32, #tpu.memory_space<vmem>>)
    %parallel_loop3A = arith.constant 0 : i32
    %parallel_loop3A_55 = arith.constant 40 : i32
    %parallel_loop3A_56 = arith.constant 1 : i32
    scf.for %parallel_loop3A_181 = %parallel_loop3A to %parallel_loop3A_55 step %parallel_loop3A_56  : i32 {
      %parallel_loop3A_182 = vector.broadcast %parallel_loop3A_181 : i32 to vector<16xi32>
      %parallel_loop3A_183 = tpu.vector_load_idx %arg26[%parallel_loop3A_182] : memref<40xf32, #tpu.memory_space<vmem>>[vector<16xi32>], vector<16xf32>,
      %parallel_loop3A_184 = arith.index_cast %parallel_loop3A_181 : i32 to index
      %parallel_loop3A_185 = arith.constant 0 : index
      %parallel_loop3A_186 = tpu.vector_load %arg12[%parallel_loop3A_184, %parallel_loop3A_185] {strides = array<i32>} : memref<40x128xf32, #tpu.memory_space<vmem>>, vector<16xf32>,
      %parallel_loop3A_187 = arith.mulf %parallel_loop3A_186, %parallel_loop3A_183 : vector<16xf32>
      %parallel_loop3A_188 = arith.index_cast %parallel_loop3A_181 : i32 to index
      %parallel_loop3A_189 = arith.constant 0 : index
      %parallel_loop3A_190 = tpu.vector_load %arg12[%parallel_loop3A_188, %parallel_loop3A_189] {strides = array<i32>} : memref<40x128xf32, #tpu.memory_space<vmem>>, vector<16xf32>,
      tpu.vector_store %arg12[%parallel_loop3A_188, %parallel_loop3A_189], %parallel_loop3A_187 {strides = array<i32>} : memref<40x128xf32, #tpu.memory_space<vmem>>, vector<16xf32>,
      %parallel_loop3A_191 = arith.index_cast %parallel_loop3A_181 : i32 to index
      %parallel_loop3A_192 = arith.constant 16 : index
      %parallel_loop3A_193 = tpu.vector_load %arg12[%parallel_loop3A_191, %parallel_loop3A_192] {strides = array<i32>} : memref<40x128xf32, #tpu.memory_space<vmem>>, vector<16xf32>,
      %parallel_loop3A_194 = arith.mulf %parallel_loop3A_193, %parallel_loop3A_183 : vector<16xf32>
      %parallel_loop3A_195 = arith.index_cast %parallel_loop3A_181 : i32 to index
      %parallel_loop3A_196 = arith.constant 16 : index
      %parallel_loop3A_197 = tpu.vector_load %arg12[%parallel_loop3A_195, %parallel_loop3A_196] {strides = array<i32>} : memref<40x128xf32, #tpu.memory_space<vmem>>, vector<16xf32>,
      tpu.vector_store %arg12[%parallel_loop3A_195, %parallel_loop3A_196], %parallel_loop3A_194 {strides = array<i32>} : memref<40x128xf32, #tpu.memory_space<vmem>>, vector<16xf32>,
      %parallel_loop3A_198 = arith.index_cast %parallel_loop3A_181 : i32 to index
      %parallel_loop3A_199 = arith.constant 32 : index
      %parallel_loop3A_200 = tpu.vector_load %arg12[%parallel_loop3A_198, %parallel_loop3A_199] {strides = array<i32>} : memref<40x128xf32, #tpu.memory_space<vmem>>, vector<16xf32>,
      %parallel_loop3A_201 = arith.mulf %parallel_loop3A_200, %parallel_loop3A_183 : vector<16xf32>
      %parallel_loop3A_202 = arith.index_cast %parallel_loop3A_181 : i32 to index
      %parallel_loop3A_203 = arith.constant 32 : index
      %parallel_loop3A_204 = tpu.vector_load %arg12[%parallel_loop3A_202, %parallel_loop3A_203] {strides = array<i32>} : memref<40x128xf32, #tpu.memory_space<vmem>>, vector<16xf32>,
      tpu.vector_store %arg12[%parallel_loop3A_202, %parallel_loop3A_203], %parallel_loop3A_201 {strides = array<i32>} : memref<40x128xf32, #tpu.memory_space<vmem>>, vector<16xf32>,
      %parallel_loop3A_205 = arith.index_cast %parallel_loop3A_181 : i32 to index
      %parallel_loop3A_206 = arith.constant 48 : index
      %parallel_loop3A_207 = tpu.vector_load %arg12[%parallel_loop3A_205, %parallel_loop3A_206] {strides = array<i32>} : memref<40x128xf32, #tpu.memory_space<vmem>>, vector<16xf32>,
      %parallel_loop3A_208 = arith.mulf %parallel_loop3A_207, %parallel_loop3A_183 : vector<16xf32>
      %parallel_loop3A_209 = arith.index_cast %parallel_loop3A_181 : i32 to index
      %parallel_loop3A_210 = arith.constant 48 : index
      %parallel_loop3A_211 = tpu.vector_load %arg12[%parallel_loop3A_209, %parallel_loop3A_210] {strides = array<i32>} : memref<40x128xf32, #tpu.memory_space<vmem>>, vector<16xf32>,
      tpu.vector_store %arg12[%parallel_loop3A_209, %parallel_loop3A_210], %parallel_loop3A_208 {strides = array<i32>} : memref<40x128xf32, #tpu.memory_space<vmem>>, vector<16xf32>,
      %parallel_loop3A_212 = arith.index_cast %parallel_loop3A_181 : i32 to index
      %parallel_loop3A_213 = arith.constant 64 : index
      %parallel_loop3A_214 = tpu.vector_load %arg12[%parallel_loop3A_212, %parallel_loop3A_213] {strides = array<i32>} : memref<40x128xf32, #tpu.memory_space<vmem>>, vector<16xf32>,
      %parallel_loop3A_215 = arith.mulf %parallel_loop3A_214, %parallel_loop3A_183 : vector<16xf32>
      %parallel_loop3A_216 = arith.index_cast %parallel_loop3A_181 : i32 to index
      %parallel_loop3A_217 = arith.constant 64 : index
      %parallel_loop3A_218 = tpu.vector_load %arg12[%parallel_loop3A_216, %parallel_loop3A_217] {strides = array<i32>} : memref<40x128xf32, #tpu.memory_space<vmem>>, vector<16xf32>,
      tpu.vector_store %arg12[%parallel_loop3A_216, %parallel_loop3A_217], %parallel_loop3A_215 {strides = array<i32>} : memref<40x128xf32, #tpu.memory_space<vmem>>, vector<16xf32>,
      %parallel_loop3A_219 = arith.index_cast %parallel_loop3A_181 : i32 to index
      %parallel_loop3A_220 = arith.constant 80 : index
      %parallel_loop3A_221 = tpu.vector_load %arg12[%parallel_loop3A_219, %parallel_loop3A_220] {strides = array<i32>} : memref<40x128xf32, #tpu.memory_space<vmem>>, vector<16xf32>,
      %parallel_loop3A_222 = arith.mulf %parallel_loop3A_221, %parallel_loop3A_183 : vector<16xf32>
      %parallel_loop3A_223 = arith.index_cast %parallel_loop3A_181 : i32 to index
      %parallel_loop3A_224 = arith.constant 80 : index
      %parallel_loop3A_225 = tpu.vector_load %arg12[%parallel_loop3A_223, %parallel_loop3A_224] {strides = array<i32>} : memref<40x128xf32, #tpu.memory_space<vmem>>, vector<16xf32>,
      tpu.vector_store %arg12[%parallel_loop3A_223, %parallel_loop3A_224], %parallel_loop3A_222 {strides = array<i32>} : memref<40x128xf32, #tpu.memory_space<vmem>>, vector<16xf32>,
      %parallel_loop3A_226 = arith.index_cast %parallel_loop3A_181 : i32 to index
      %parallel_loop3A_227 = arith.constant 96 : index
      %parallel_loop3A_228 = tpu.vector_load %arg12[%parallel_loop3A_226, %parallel_loop3A_227] {strides = array<i32>} : memref<40x128xf32, #tpu.memory_space<vmem>>, vector<16xf32>,
      %parallel_loop3A_229 = arith.mulf %parallel_loop3A_228, %parallel_loop3A_183 : vector<16xf32>
      %parallel_loop3A_230 = arith.index_cast %parallel_loop3A_181 : i32 to index
      %parallel_loop3A_231 = arith.constant 96 : index
      %parallel_loop3A_232 = tpu.vector_load %arg12[%parallel_loop3A_230, %parallel_loop3A_231] {strides = array<i32>} : memref<40x128xf32, #tpu.memory_space<vmem>>, vector<16xf32>,
      tpu.vector_store %arg12[%parallel_loop3A_230, %parallel_loop3A_231], %parallel_loop3A_229 {strides = array<i32>} : memref<40x128xf32, #tpu.memory_space<vmem>>, vector<16xf32>,
      %parallel_loop3A_233 = arith.index_cast %parallel_loop3A_181 : i32 to index
      %parallel_loop3A_234 = arith.constant 112 : index
      %parallel_loop3A_235 = tpu.vector_load %arg12[%parallel_loop3A_233, %parallel_loop3A_234] {strides = array<i32>} : memref<40x128xf32, #tpu.memory_space<vmem>>, vector<16xf32>,
      %parallel_loop3A_236 = arith.mulf %parallel_loop3A_235, %parallel_loop3A_183 : vector<16xf32>
      %parallel_loop3A_237 = arith.index_cast %parallel_loop3A_181 : i32 to index
      %parallel_loop3A_238 = arith.constant 112 : index
      %parallel_loop3A_239 = tpu.vector_load %arg12[%parallel_loop3A_237, %parallel_loop3A_238] {strides = array<i32>} : memref<40x128xf32, #tpu.memory_space<vmem>>, vector<16xf32>,
      tpu.vector_store %arg12[%parallel_loop3A_237, %parallel_loop3A_238], %parallel_loop3A_236 {strides = array<i32>} : memref<40x128xf32, #tpu.memory_space<vmem>>, vector<16xf32>,
    } {sc.loop_unroll_factor = 8 : i64, sc.parallel_access}
    %dma_wait3A_57 = arith.constant 0 : i32
    %dma_wait3A_58 = tpu.memref_slice %arg28[%dma_wait3A_57] : memref<10000xi32, #tpu.memory_space<vmem>> -> memref<40xi32, #tpu.memory_space<vmem>>
    %dma_wait3A_59 = arith.constant 0 : i32
    %dma_wait3A_60 = arith.constant 0 : i32
    %dma_wait3A_61 = tpu.memref_slice %arg3[%dma_wait3A_59, %dma_wait3A_60] : memref<10000x32xf32, #tpu.memory_space<hbm>> -> memref<10000x32xf32, #tpu.memory_space<hbm>>
    tpu.wait_indirect_dma semaphore(%arg34 : memref<!tpu.dma_semaphore, #tpu.memory_space<semaphore_mem>>) src(%dma_wait3A_61 : memref<10000x32xf32, #tpu.memory_space<hbm>>) dst(%arg14 : memref<40x32xf32, #tpu.memory_space<vmem>>)
    %dma_wait3A_62 = arith.constant 0 : i32
    %dma_wait3A_63 = arith.constant 0 : i32
    %dma_wait3A_64 = tpu.memref_slice %arg3[%dma_wait3A_62, %dma_wait3A_63] : memref<10000x32xf32, #tpu.memory_space<hbm>> -> memref<10000x32xf32, #tpu.memory_space<hbm>>
    tpu.wait_indirect_dma semaphore(%arg36 : memref<!tpu.dma_semaphore, #tpu.memory_space<semaphore_mem>>) src(%dma_wait3A_64 : memref<10000x32xf32, #tpu.memory_space<hbm>>) dst(%arg16 : memref<40x32xf32, #tpu.memory_space<vmem>>)
    %dma_wait3A_65 = arith.constant 0 : i32
    %dma_wait3A_66 = tpu.memref_slice %arg7[%dma_wait3A_65, %mul3A_2] : memref<16x320000xf32, #tpu.memory_space<hbm>> -> memref<16x40xf32, #tpu.memory_space<hbm>>
    %dma_wait3A_67 = arith.constant 0 : i32
    %dma_wait3A_68 = tpu.memref_slice %arg7[%dma_wait3A_67, %mul3A_2] : memref<16x320000xf32, #tpu.memory_space<hbm>> -> memref<16x40xf32, #tpu.memory_space<hbm>>
    tpu.wait_dma2 semaphore(%arg38 : memref<!tpu.dma_semaphore, #tpu.memory_space<semaphore_mem>>) src(%dma_wait3A_68 : memref<16x40xf32, #tpu.memory_space<hbm>>) dst(%arg20 : memref<16x40xf32, #tpu.memory_space<vmem>>)
    %parallel_loop3A_69 = arith.constant 0 : i32
    %parallel_loop3A_70 = arith.constant 40 : i32
    %parallel_loop3A_71 = arith.constant 1 : i32
    scf.for %parallel_loop3A_181 = %parallel_loop3A_69 to %parallel_loop3A_70 step %parallel_loop3A_71  : i32 {
      %parallel_loop3A_182 = vector.broadcast %parallel_loop3A_181 : i32 to vector<16xi32>
      %parallel_loop3A_183 = tpu.vector_load_idx %arg26[%parallel_loop3A_182] : memref<40xf32, #tpu.memory_space<vmem>>[vector<16xi32>], vector<16xf32>,
      %parallel_loop3A_184 = arith.index_cast %parallel_loop3A_181 : i32 to index
      %parallel_loop3A_185 = arith.constant 0 : index
      %parallel_loop3A_186 = tpu.vector_load %arg14[%parallel_loop3A_184, %parallel_loop3A_185] {strides = array<i32>} : memref<40x32xf32, #tpu.memory_space<vmem>>, vector<16xf32>,
      %parallel_loop3A_187 = arith.index_cast %parallel_loop3A_181 : i32 to index
      %parallel_loop3A_188 = arith.constant 16 : index
      %parallel_loop3A_189 = tpu.vector_load %arg16[%parallel_loop3A_187, %parallel_loop3A_188] {strides = array<i32>} : memref<40x32xf32, #tpu.memory_space<vmem>>, vector<16xf32>,
      %parallel_loop3A_190 = arith.addf %parallel_loop3A_186, %parallel_loop3A_189 : vector<16xf32>
      %parallel_loop3A_191 = arith.addf %parallel_loop3A_190, %get3A_24 : vector<16xf32>
      %parallel_loop3A_192 = arith.mulf %parallel_loop3A_191, %parallel_loop3A_183 : vector<16xf32>
      tpu.vector_store_idx %arg22[%iota3A, %parallel_loop3A_182], %parallel_loop3A_192 : memref<16x40xf32, #tpu.memory_space<vmem>>[vector<16xi32>, vector<16xi32>], vector<16xf32>,
      %parallel_loop3A_193 = tpu.vector_load_idx %arg20[%iota3A, %parallel_loop3A_182] : memref<16x40xf32, #tpu.memory_space<vmem>>[vector<16xi32>, vector<16xi32>], vector<16xf32>,
      %parallel_loop3A_194 = arith.mulf %parallel_loop3A_193, %parallel_loop3A_183 : vector<16xf32>
      %parallel_loop3A_195 = arith.index_cast %parallel_loop3A_181 : i32 to index
      %parallel_loop3A_196 = arith.constant 0 : index
      %parallel_loop3A_197 = tpu.vector_load %arg18[%parallel_loop3A_195, %parallel_loop3A_196] {strides = array<i32>} : memref<40x32xf32, #tpu.memory_space<vmem>>, vector<16xf32>,
      tpu.vector_store %arg18[%parallel_loop3A_195, %parallel_loop3A_196], %parallel_loop3A_194 {strides = array<i32>} : memref<40x32xf32, #tpu.memory_space<vmem>>, vector<16xf32>,
      %parallel_loop3A_198 = arith.select %eq3A_18, %parallel_loop3A_183, %select_n3A : vector<16xi1>, vector<16xf32>
      %parallel_loop3A_199 = arith.index_cast %parallel_loop3A_181 : i32 to index
      %parallel_loop3A_200 = arith.constant 16 : index
      %parallel_loop3A_201 = tpu.vector_load %arg18[%parallel_loop3A_199, %parallel_loop3A_200] {strides = array<i32>} : memref<40x32xf32, #tpu.memory_space<vmem>>, vector<16xf32>,
      tpu.vector_store %arg18[%parallel_loop3A_199, %parallel_loop3A_200], %parallel_loop3A_198 {strides = array<i32>} : memref<40x32xf32, #tpu.memory_space<vmem>>, vector<16xf32>,
    } {sc.loop_unroll_factor = 8 : i64, sc.parallel_access}
    %add3A_72 = arith.constant 40 : i32
    %add3A_73 = arith.addi %mul3A_2, %add3A_72 : i32
    %dma_start3A_74 = arith.constant 40 : i32
    %dma_start3A_75 = tpu.memref_slice %arg28[%dma_start3A_74] : memref<10000xi32, #tpu.memory_space<vmem>> -> memref<40xi32, #tpu.memory_space<vmem>>
    %dma_start3A_76 = arith.constant 0 : i32
    %dma_start3A_77 = arith.constant 0 : i32
    %dma_start3A_78 = tpu.memref_slice %arg2[%dma_start3A_76, %dma_start3A_77] : memref<10000x128xf32, #tpu.memory_space<hbm>> -> memref<10000x128xf32, #tpu.memory_space<hbm>>
    tpu.enqueue_indirect_dma source(%dma_start3A_78 : memref<10000x128xf32, #tpu.memory_space<hbm>>) target(%arg13 : memref<40x128xf32, #tpu.memory_space<vmem>>) offsets(%dma_start3A_75 : memref<40xi32, #tpu.memory_space<vmem>>) semaphore(%arg33 : memref<!tpu.dma_semaphore, #tpu.memory_space<semaphore_mem>>)
    %dma_start3A_79 = arith.constant 40 : i32
    %dma_start3A_80 = tpu.memref_slice %arg28[%dma_start3A_79] : memref<10000xi32, #tpu.memory_space<vmem>> -> memref<40xi32, #tpu.memory_space<vmem>>
    %dma_start3A_81 = arith.constant 0 : i32
    %dma_start3A_82 = arith.constant 0 : i32
    %dma_start3A_83 = tpu.memref_slice %arg3[%dma_start3A_81, %dma_start3A_82] : memref<10000x32xf32, #tpu.memory_space<hbm>> -> memref<10000x32xf32, #tpu.memory_space<hbm>>
    tpu.enqueue_indirect_dma source(%dma_start3A_83 : memref<10000x32xf32, #tpu.memory_space<hbm>>) target(%arg15 : memref<40x32xf32, #tpu.memory_space<vmem>>) offsets(%dma_start3A_80 : memref<40xi32, #tpu.memory_space<vmem>>) semaphore(%arg35 : memref<!tpu.dma_semaphore, #tpu.memory_space<semaphore_mem>>)
    %dma_start3A_84 = arith.constant 0 : i32
    %dma_start3A_85 = tpu.memref_slice %arg7[%dma_start3A_84, %add3A_73] : memref<16x320000xf32, #tpu.memory_space<hbm>> -> memref<16x40xf32, #tpu.memory_space<hbm>>
    %dma_start3A_86 = arith.constant 0 : i32
    %dma_start3A_87 = tpu.memref_slice %arg7[%dma_start3A_86, %add3A_73] : memref<16x320000xf32, #tpu.memory_space<hbm>> -> memref<16x40xf32, #tpu.memory_space<hbm>>
    tpu.enqueue_dma source(%dma_start3A_87 : memref<16x40xf32, #tpu.memory_space<hbm>>) target(%arg21 : memref<16x40xf32, #tpu.memory_space<vmem>>) target_semaphore(%arg39 : memref<!tpu.dma_semaphore, #tpu.memory_space<semaphore_mem>>)
    %dma_start3A_88 = tpu.memref_slice %arg5[%add3A_73] : memref<320000xi32, #tpu.memory_space<hbm>> -> memref<40xi32, #tpu.memory_space<hbm>>
    %dma_start3A_89 = tpu.memref_slice %arg5[%add3A_73] : memref<320000xi32, #tpu.memory_space<hbm>> -> memref<40xi32, #tpu.memory_space<hbm>>
    tpu.enqueue_dma source(%dma_start3A_89 : memref<40xi32, #tpu.memory_space<hbm>>) target(%arg25 : memref<40xi32, #tpu.memory_space<vmem>>) target_semaphore(%arg41 : memref<!tpu.dma_semaphore, #tpu.memory_space<semaphore_mem>>)
    %dma_start3A_90 = tpu.memref_slice %arg6[%add3A_73] : memref<320000xf32, #tpu.memory_space<hbm>> -> memref<40xf32, #tpu.memory_space<hbm>>
    %dma_start3A_91 = tpu.memref_slice %arg6[%add3A_73] : memref<320000xf32, #tpu.memory_space<hbm>> -> memref<40xf32, #tpu.memory_space<hbm>>
    tpu.enqueue_dma source(%dma_start3A_91 : memref<40xf32, #tpu.memory_space<hbm>>) target(%arg27 : memref<40xf32, #tpu.memory_space<vmem>>) target_semaphore(%arg43 : memref<!tpu.dma_semaphore, #tpu.memory_space<semaphore_mem>>)
    %dma_start3A_92 = arith.constant 0 : i32
    %dma_start3A_93 = arith.constant 0 : i32
    %dma_start3A_94 = tpu.memref_slice %arg30[%dma_start3A_92, %dma_start3A_93] : memref<10000x128xf32, #tpu.memory_space<vmem_shared>> -> memref<10000x128xf32, #tpu.memory_space<vmem_shared>>
    tpu.enqueue_indirect_dma source(%arg12 : memref<40x128xf32, #tpu.memory_space<vmem>>) target(%dma_start3A_94 : memref<10000x128xf32, #tpu.memory_space<vmem_shared>>) offsets(%arg24 : memref<40xi32, #tpu.memory_space<vmem>>) semaphore(%arg44 : memref<!tpu.dma_semaphore, #tpu.memory_space<semaphore_mem>>) {add = true}
    %dma_start3A_95 = arith.constant 0 : i32
    %dma_start3A_96 = arith.constant 0 : i32
    %dma_start3A_97 = tpu.memref_slice %arg31[%dma_start3A_95, %dma_start3A_96] : memref<10000x32xf32, #tpu.memory_space<vmem_shared>> -> memref<10000x32xf32, #tpu.memory_space<vmem_shared>>
    tpu.enqueue_indirect_dma source(%arg18 : memref<40x32xf32, #tpu.memory_space<vmem>>) target(%dma_start3A_97 : memref<10000x32xf32, #tpu.memory_space<vmem_shared>>) offsets(%arg24 : memref<40xi32, #tpu.memory_space<vmem>>) semaphore(%arg46 : memref<!tpu.dma_semaphore, #tpu.memory_space<semaphore_mem>>) {add = true}
    %add3A_98 = arith.constant 0 : i32
    %add3A_99 = arith.addi %mul3A_2, %add3A_98 : i32
    %dma_start3A_100 = arith.constant 0 : i32
    %dma_start3A_101 = tpu.memref_slice %arg11[%dma_start3A_100, %add3A_99] : memref<16x320000xf32, #tpu.memory_space<hbm>> -> memref<16x40xf32, #tpu.memory_space<hbm>>
    %dma_start3A_102 = arith.constant 0 : i32
    %dma_start3A_103 = tpu.memref_slice %arg11[%dma_start3A_102, %add3A_99] : memref<16x320000xf32, #tpu.memory_space<hbm>> -> memref<16x40xf32, #tpu.memory_space<hbm>>
    tpu.enqueue_dma source(%arg22 : memref<16x40xf32, #tpu.memory_space<vmem>>) target(%dma_start3A_103 : memref<16x40xf32, #tpu.memory_space<hbm>>) target_semaphore(%arg48 : memref<!tpu.dma_semaphore, #tpu.memory_space<semaphore_mem>>)
    %scan3A_104 = arith.constant 0 : i32
    %scan3A_105 = arith.constant 0 : i32
    %scan3A_106 = arith.constant 124 : i32
    %scan3A_107 = arith.addi %scan3A_105, %scan3A_106 : i32
    %scan3A_108 = arith.constant 1 : i32
    %scan3A_109 = scf.for %scan3A_181 = %scan3A_105 to %scan3A_107 step %scan3A_108 iter_args(%scan3A_182 = %scan3A_104) -> (i32)  : i32 {
      %mul3A_183 = arith.constant 2 : i32
      %mul3A_184 = arith.muli %mul3A_183, %scan3A_181 : i32
      %add3A_185 = arith.constant 1 : i32
      %add3A_186 = arith.addi %mul3A_184, %add3A_185 : i32
      %dma_wait3A_187 = tpu.memref_slice %arg5[%mul3A_2] : memref<320000xi32, #tpu.memory_space<hbm>> -> memref<40xi32, #tpu.memory_space<hbm>>
      %dma_wait3A_188 = tpu.memref_slice %arg5[%mul3A_2] : memref<320000xi32, #tpu.memory_space<hbm>> -> memref<40xi32, #tpu.memory_space<hbm>>
      tpu.wait_dma2 semaphore(%arg41 : memref<!tpu.dma_semaphore, #tpu.memory_space<semaphore_mem>>) src(%dma_wait3A_188 : memref<40xi32, #tpu.memory_space<hbm>>) dst(%arg25 : memref<40xi32, #tpu.memory_space<vmem>>)
      %dma_start3A_189 = arith.constant 0 : i32
      %dma_start3A_190 = arith.constant 0 : i32
      %dma_start3A_191 = tpu.memref_slice %arg3[%dma_start3A_189, %dma_start3A_190] : memref<10000x32xf32, #tpu.memory_space<hbm>> -> memref<10000x32xf32, #tpu.memory_space<hbm>>
      tpu.enqueue_indirect_dma source(%dma_start3A_191 : memref<10000x32xf32, #tpu.memory_space<hbm>>) target(%arg17 : memref<40x32xf32, #tpu.memory_space<vmem>>) offsets(%arg25 : memref<40xi32, #tpu.memory_space<vmem>>) semaphore(%arg37 : memref<!tpu.dma_semaphore, #tpu.memory_space<semaphore_mem>>)
      %dma_wait3A_192 = arith.constant 0 : i32
      %dma_wait3A_193 = tpu.memref_slice %arg28[%dma_wait3A_192] : memref<10000xi32, #tpu.memory_space<vmem>> -> memref<40xi32, #tpu.memory_space<vmem>>
      %dma_wait3A_194 = arith.constant 0 : i32
      %dma_wait3A_195 = arith.constant 0 : i32
      %dma_wait3A_196 = tpu.memref_slice %arg2[%dma_wait3A_194, %dma_wait3A_195] : memref<10000x128xf32, #tpu.memory_space<hbm>> -> memref<10000x128xf32, #tpu.memory_space<hbm>>
      tpu.wait_indirect_dma semaphore(%arg33 : memref<!tpu.dma_semaphore, #tpu.memory_space<semaphore_mem>>) src(%dma_wait3A_196 : memref<10000x128xf32, #tpu.memory_space<hbm>>) dst(%arg13 : memref<40x128xf32, #tpu.memory_space<vmem>>)
      %dma_wait3A_197 = tpu.memref_slice %arg6[%mul3A_2] : memref<320000xf32, #tpu.memory_space<hbm>> -> memref<40xf32, #tpu.memory_space<hbm>>
      %dma_wait3A_198 = tpu.memref_slice %arg6[%mul3A_2] : memref<320000xf32, #tpu.memory_space<hbm>> -> memref<40xf32, #tpu.memory_space<hbm>>
      tpu.wait_dma2 semaphore(%arg43 : memref<!tpu.dma_semaphore, #tpu.memory_space<semaphore_mem>>) src(%dma_wait3A_198 : memref<40xf32, #tpu.memory_space<hbm>>) dst(%arg27 : memref<40xf32, #tpu.memory_space<vmem>>)
      %parallel_loop3A_199 = arith.constant 0 : i32
      %parallel_loop3A_200 = arith.constant 40 : i32
      %parallel_loop3A_201 = arith.constant 1 : i32
      scf.for %parallel_loop3A_346 = %parallel_loop3A_199 to %parallel_loop3A_200 step %parallel_loop3A_201  : i32 {
        %parallel_loop3A_347 = vector.broadcast %parallel_loop3A_346 : i32 to vector<16xi32>
        %parallel_loop3A_348 = tpu.vector_load_idx %arg27[%parallel_loop3A_347] : memref<40xf32, #tpu.memory_space<vmem>>[vector<16xi32>], vector<16xf32>,
        %parallel_loop3A_349 = arith.index_cast %parallel_loop3A_346 : i32 to index
        %parallel_loop3A_350 = arith.constant 0 : index
        %parallel_loop3A_351 = tpu.vector_load %arg13[%parallel_loop3A_349, %parallel_loop3A_350] {strides = array<i32>} : memref<40x128xf32, #tpu.memory_space<vmem>>, vector<16xf32>,
        %parallel_loop3A_352 = arith.mulf %parallel_loop3A_351, %parallel_loop3A_348 : vector<16xf32>
        %parallel_loop3A_353 = arith.index_cast %parallel_loop3A_346 : i32 to index
        %parallel_loop3A_354 = arith.constant 0 : index
        %parallel_loop3A_355 = tpu.vector_load %arg13[%parallel_loop3A_353, %parallel_loop3A_354] {strides = array<i32>} : memref<40x128xf32, #tpu.memory_space<vmem>>, vector<16xf32>,
        tpu.vector_store %arg13[%parallel_loop3A_353, %parallel_loop3A_354], %parallel_loop3A_352 {strides = array<i32>} : memref<40x128xf32, #tpu.memory_space<vmem>>, vector<16xf32>,
        %parallel_loop3A_356 = arith.index_cast %parallel_loop3A_346 : i32 to index
        %parallel_loop3A_357 = arith.constant 16 : index
        %parallel_loop3A_358 = tpu.vector_load %arg13[%parallel_loop3A_356, %parallel_loop3A_357] {strides = array<i32>} : memref<40x128xf32, #tpu.memory_space<vmem>>, vector<16xf32>,
        %parallel_loop3A_359 = arith.mulf %parallel_loop3A_358, %parallel_loop3A_348 : vector<16xf32>
        %parallel_loop3A_360 = arith.index_cast %parallel_loop3A_346 : i32 to index
        %parallel_loop3A_361 = arith.constant 16 : index
        %parallel_loop3A_362 = tpu.vector_load %arg13[%parallel_loop3A_360, %parallel_loop3A_361] {strides = array<i32>} : memref<40x128xf32, #tpu.memory_space<vmem>>, vector<16xf32>,
        tpu.vector_store %arg13[%parallel_loop3A_360, %parallel_loop3A_361], %parallel_loop3A_359 {strides = array<i32>} : memref<40x128xf32, #tpu.memory_space<vmem>>, vector<16xf32>,
        %parallel_loop3A_363 = arith.index_cast %parallel_loop3A_346 : i32 to index
        %parallel_loop3A_364 = arith.constant 32 : index
        %parallel_loop3A_365 = tpu.vector_load %arg13[%parallel_loop3A_363, %parallel_loop3A_364] {strides = array<i32>} : memref<40x128xf32, #tpu.memory_space<vmem>>, vector<16xf32>,
        %parallel_loop3A_366 = arith.mulf %parallel_loop3A_365, %parallel_loop3A_348 : vector<16xf32>
        %parallel_loop3A_367 = arith.index_cast %parallel_loop3A_346 : i32 to index
        %parallel_loop3A_368 = arith.constant 32 : index
        %parallel_loop3A_369 = tpu.vector_load %arg13[%parallel_loop3A_367, %parallel_loop3A_368] {strides = array<i32>} : memref<40x128xf32, #tpu.memory_space<vmem>>, vector<16xf32>,
        tpu.vector_store %arg13[%parallel_loop3A_367, %parallel_loop3A_368], %parallel_loop3A_366 {strides = array<i32>} : memref<40x128xf32, #tpu.memory_space<vmem>>, vector<16xf32>,
        %parallel_loop3A_370 = arith.index_cast %parallel_loop3A_346 : i32 to index
        %parallel_loop3A_371 = arith.constant 48 : index
        %parallel_loop3A_372 = tpu.vector_load %arg13[%parallel_loop3A_370, %parallel_loop3A_371] {strides = array<i32>} : memref<40x128xf32, #tpu.memory_space<vmem>>, vector<16xf32>,
        %parallel_loop3A_373 = arith.mulf %parallel_loop3A_372, %parallel_loop3A_348 : vector<16xf32>
        %parallel_loop3A_374 = arith.index_cast %parallel_loop3A_346 : i32 to index
        %parallel_loop3A_375 = arith.constant 48 : index
        %parallel_loop3A_376 = tpu.vector_load %arg13[%parallel_loop3A_374, %parallel_loop3A_375] {strides = array<i32>} : memref<40x128xf32, #tpu.memory_space<vmem>>, vector<16xf32>,
        tpu.vector_store %arg13[%parallel_loop3A_374, %parallel_loop3A_375], %parallel_loop3A_373 {strides = array<i32>} : memref<40x128xf32, #tpu.memory_space<vmem>>, vector<16xf32>,
        %parallel_loop3A_377 = arith.index_cast %parallel_loop3A_346 : i32 to index
        %parallel_loop3A_378 = arith.constant 64 : index
        %parallel_loop3A_379 = tpu.vector_load %arg13[%parallel_loop3A_377, %parallel_loop3A_378] {strides = array<i32>} : memref<40x128xf32, #tpu.memory_space<vmem>>, vector<16xf32>,
        %parallel_loop3A_380 = arith.mulf %parallel_loop3A_379, %parallel_loop3A_348 : vector<16xf32>
        %parallel_loop3A_381 = arith.index_cast %parallel_loop3A_346 : i32 to index
        %parallel_loop3A_382 = arith.constant 64 : index
        %parallel_loop3A_383 = tpu.vector_load %arg13[%parallel_loop3A_381, %parallel_loop3A_382] {strides = array<i32>} : memref<40x128xf32, #tpu.memory_space<vmem>>, vector<16xf32>,
        tpu.vector_store %arg13[%parallel_loop3A_381, %parallel_loop3A_382], %parallel_loop3A_380 {strides = array<i32>} : memref<40x128xf32, #tpu.memory_space<vmem>>, vector<16xf32>,
        %parallel_loop3A_384 = arith.index_cast %parallel_loop3A_346 : i32 to index
        %parallel_loop3A_385 = arith.constant 80 : index
        %parallel_loop3A_386 = tpu.vector_load %arg13[%parallel_loop3A_384, %parallel_loop3A_385] {strides = array<i32>} : memref<40x128xf32, #tpu.memory_space<vmem>>, vector<16xf32>,
        %parallel_loop3A_387 = arith.mulf %parallel_loop3A_386, %parallel_loop3A_348 : vector<16xf32>
        %parallel_loop3A_388 = arith.index_cast %parallel_loop3A_346 : i32 to index
        %parallel_loop3A_389 = arith.constant 80 : index
        %parallel_loop3A_390 = tpu.vector_load %arg13[%parallel_loop3A_388, %parallel_loop3A_389] {strides = array<i32>} : memref<40x128xf32, #tpu.memory_space<vmem>>, vector<16xf32>,
        tpu.vector_store %arg13[%parallel_loop3A_388, %parallel_loop3A_389], %parallel_loop3A_387 {strides = array<i32>} : memref<40x128xf32, #tpu.memory_space<vmem>>, vector<16xf32>,
        %parallel_loop3A_391 = arith.index_cast %parallel_loop3A_346 : i32 to index
        %parallel_loop3A_392 = arith.constant 96 : index
        %parallel_loop3A_393 = tpu.vector_load %arg13[%parallel_loop3A_391, %parallel_loop3A_392] {strides = array<i32>} : memref<40x128xf32, #tpu.memory_space<vmem>>, vector<16xf32>,
        %parallel_loop3A_394 = arith.mulf %parallel_loop3A_393, %parallel_loop3A_348 : vector<16xf32>
        %parallel_loop3A_395 = arith.index_cast %parallel_loop3A_346 : i32 to index
        %parallel_loop3A_396 = arith.constant 96 : index
        %parallel_loop3A_397 = tpu.vector_load %arg13[%parallel_loop3A_395, %parallel_loop3A_396] {strides = array<i32>} : memref<40x128xf32, #tpu.memory_space<vmem>>, vector<16xf32>,
        tpu.vector_store %arg13[%parallel_loop3A_395, %parallel_loop3A_396], %parallel_loop3A_394 {strides = array<i32>} : memref<40x128xf32, #tpu.memory_space<vmem>>, vector<16xf32>,
        %parallel_loop3A_398 = arith.index_cast %parallel_loop3A_346 : i32 to index
        %parallel_loop3A_399 = arith.constant 112 : index
        %parallel_loop3A_400 = tpu.vector_load %arg13[%parallel_loop3A_398, %parallel_loop3A_399] {strides = array<i32>} : memref<40x128xf32, #tpu.memory_space<vmem>>, vector<16xf32>,
        %parallel_loop3A_401 = arith.mulf %parallel_loop3A_400, %parallel_loop3A_348 : vector<16xf32>
        %parallel_loop3A_402 = arith.index_cast %parallel_loop3A_346 : i32 to index
        %parallel_loop3A_403 = arith.constant 112 : index
        %parallel_loop3A_404 = tpu.vector_load %arg13[%parallel_loop3A_402, %parallel_loop3A_403] {strides = array<i32>} : memref<40x128xf32, #tpu.memory_space<vmem>>, vector<16xf32>,
        tpu.vector_store %arg13[%parallel_loop3A_402, %parallel_loop3A_403], %parallel_loop3A_401 {strides = array<i32>} : memref<40x128xf32, #tpu.memory_space<vmem>>, vector<16xf32>,
      } {sc.loop_unroll_factor = 8 : i64, sc.parallel_access}
      %dma_wait3A_202 = arith.constant 0 : i32
      %dma_wait3A_203 = tpu.memref_slice %arg28[%dma_wait3A_202] : memref<10000xi32, #tpu.memory_space<vmem>> -> memref<40xi32, #tpu.memory_space<vmem>>
      %dma_wait3A_204 = arith.constant 0 : i32
      %dma_wait3A_205 = arith.constant 0 : i32
      %dma_wait3A_206 = tpu.memref_slice %arg3[%dma_wait3A_204, %dma_wait3A_205] : memref<10000x32xf32, #tpu.memory_space<hbm>> -> memref<10000x32xf32, #tpu.memory_space<hbm>>
      tpu.wait_indirect_dma semaphore(%arg35 : memref<!tpu.dma_semaphore, #tpu.memory_space<semaphore_mem>>) src(%dma_wait3A_206 : memref<10000x32xf32, #tpu.memory_space<hbm>>) dst(%arg15 : memref<40x32xf32, #tpu.memory_space<vmem>>)
      %dma_wait3A_207 = arith.constant 0 : i32
      %dma_wait3A_208 = arith.constant 0 : i32
      %dma_wait3A_209 = tpu.memref_slice %arg3[%dma_wait3A_207, %dma_wait3A_208] : memref<10000x32xf32, #tpu.memory_space<hbm>> -> memref<10000x32xf32, #tpu.memory_space<hbm>>
      tpu.wait_indirect_dma semaphore(%arg37 : memref<!tpu.dma_semaphore, #tpu.memory_space<semaphore_mem>>) src(%dma_wait3A_209 : memref<10000x32xf32, #tpu.memory_space<hbm>>) dst(%arg17 : memref<40x32xf32, #tpu.memory_space<vmem>>)
      %dma_wait3A_210 = arith.constant 0 : i32
      %dma_wait3A_211 = tpu.memref_slice %arg7[%dma_wait3A_210, %mul3A_2] : memref<16x320000xf32, #tpu.memory_space<hbm>> -> memref<16x40xf32, #tpu.memory_space<hbm>>
      %dma_wait3A_212 = arith.constant 0 : i32
      %dma_wait3A_213 = tpu.memref_slice %arg7[%dma_wait3A_212, %mul3A_2] : memref<16x320000xf32, #tpu.memory_space<hbm>> -> memref<16x40xf32, #tpu.memory_space<hbm>>
      tpu.wait_dma2 semaphore(%arg39 : memref<!tpu.dma_semaphore, #tpu.memory_space<semaphore_mem>>) src(%dma_wait3A_213 : memref<16x40xf32, #tpu.memory_space<hbm>>) dst(%arg21 : memref<16x40xf32, #tpu.memory_space<vmem>>)
      %parallel_loop3A_214 = arith.constant 0 : i32
      %parallel_loop3A_215 = arith.constant 40 : i32
      %parallel_loop3A_216 = arith.constant 1 : i32
      scf.for %parallel_loop3A_346 = %parallel_loop3A_214 to %parallel_loop3A_215 step %parallel_loop3A_216  : i32 {
        %parallel_loop3A_347 = vector.broadcast %parallel_loop3A_346 : i32 to vector<16xi32>
        %parallel_loop3A_348 = tpu.vector_load_idx %arg27[%parallel_loop3A_347] : memref<40xf32, #tpu.memory_space<vmem>>[vector<16xi32>], vector<16xf32>,
        %parallel_loop3A_349 = arith.index_cast %parallel_loop3A_346 : i32 to index
        %parallel_loop3A_350 = arith.constant 0 : index
        %parallel_loop3A_351 = tpu.vector_load %arg15[%parallel_loop3A_349, %parallel_loop3A_350] {strides = array<i32>} : memref<40x32xf32, #tpu.memory_space<vmem>>, vector<16xf32>,
        %parallel_loop3A_352 = arith.index_cast %parallel_loop3A_346 : i32 to index
        %parallel_loop3A_353 = arith.constant 16 : index
        %parallel_loop3A_354 = tpu.vector_load %arg17[%parallel_loop3A_352, %parallel_loop3A_353] {strides = array<i32>} : memref<40x32xf32, #tpu.memory_space<vmem>>, vector<16xf32>,
        %parallel_loop3A_355 = arith.addf %parallel_loop3A_351, %parallel_loop3A_354 : vector<16xf32>
        %parallel_loop3A_356 = arith.addf %parallel_loop3A_355, %get3A_24 : vector<16xf32>
        %parallel_loop3A_357 = arith.mulf %parallel_loop3A_356, %parallel_loop3A_348 : vector<16xf32>
        tpu.vector_store_idx %arg23[%iota3A, %parallel_loop3A_347], %parallel_loop3A_357 : memref<16x40xf32, #tpu.memory_space<vmem>>[vector<16xi32>, vector<16xi32>], vector<16xf32>,
        %parallel_loop3A_358 = tpu.vector_load_idx %arg21[%iota3A, %parallel_loop3A_347] : memref<16x40xf32, #tpu.memory_space<vmem>>[vector<16xi32>, vector<16xi32>], vector<16xf32>,
        %parallel_loop3A_359 = arith.mulf %parallel_loop3A_358, %parallel_loop3A_348 : vector<16xf32>
        %parallel_loop3A_360 = arith.index_cast %parallel_loop3A_346 : i32 to index
        %parallel_loop3A_361 = arith.constant 0 : index
        %parallel_loop3A_362 = tpu.vector_load %arg19[%parallel_loop3A_360, %parallel_loop3A_361] {strides = array<i32>} : memref<40x32xf32, #tpu.memory_space<vmem>>, vector<16xf32>,
        tpu.vector_store %arg19[%parallel_loop3A_360, %parallel_loop3A_361], %parallel_loop3A_359 {strides = array<i32>} : memref<40x32xf32, #tpu.memory_space<vmem>>, vector<16xf32>,
        %parallel_loop3A_363 = arith.select %eq3A_18, %parallel_loop3A_348, %select_n3A : vector<16xi1>, vector<16xf32>
        %parallel_loop3A_364 = arith.index_cast %parallel_loop3A_346 : i32 to index
        %parallel_loop3A_365 = arith.constant 16 : index
        %parallel_loop3A_366 = tpu.vector_load %arg19[%parallel_loop3A_364, %parallel_loop3A_365] {strides = array<i32>} : memref<40x32xf32, #tpu.memory_space<vmem>>, vector<16xf32>,
        tpu.vector_store %arg19[%parallel_loop3A_364, %parallel_loop3A_365], %parallel_loop3A_363 {strides = array<i32>} : memref<40x32xf32, #tpu.memory_space<vmem>>, vector<16xf32>,
      } {sc.loop_unroll_factor = 8 : i64, sc.parallel_access}
      %dma_wait3A_217 = arith.constant 0 : i32
      %dma_wait3A_218 = arith.constant 0 : i32
      %dma_wait3A_219 = tpu.memref_slice %arg30[%dma_wait3A_217, %dma_wait3A_218] : memref<10000x128xf32, #tpu.memory_space<vmem_shared>> -> memref<10000x128xf32, #tpu.memory_space<vmem_shared>>
      tpu.wait_indirect_dma semaphore(%arg44 : memref<!tpu.dma_semaphore, #tpu.memory_space<semaphore_mem>>) src(%arg12 : memref<40x128xf32, #tpu.memory_space<vmem>>) dst(%dma_wait3A_219 : memref<10000x128xf32, #tpu.memory_space<vmem_shared>>)
      %dma_wait3A_220 = arith.constant 0 : i32
      %dma_wait3A_221 = arith.constant 0 : i32
      %dma_wait3A_222 = tpu.memref_slice %arg31[%dma_wait3A_220, %dma_wait3A_221] : memref<10000x32xf32, #tpu.memory_space<vmem_shared>> -> memref<10000x32xf32, #tpu.memory_space<vmem_shared>>
      tpu.wait_indirect_dma semaphore(%arg46 : memref<!tpu.dma_semaphore, #tpu.memory_space<semaphore_mem>>) src(%arg18 : memref<40x32xf32, #tpu.memory_space<vmem>>) dst(%dma_wait3A_222 : memref<10000x32xf32, #tpu.memory_space<vmem_shared>>)
      %dma_wait3A_223 = arith.constant 0 : i32
      %dma_wait3A_224 = tpu.memref_slice %arg11[%dma_wait3A_223, %mul3A_2] : memref<16x320000xf32, #tpu.memory_space<hbm>> -> memref<16x40xf32, #tpu.memory_space<hbm>>
      %dma_wait3A_225 = arith.constant 0 : i32
      %dma_wait3A_226 = tpu.memref_slice %arg11[%dma_wait3A_225, %mul3A_2] : memref<16x320000xf32, #tpu.memory_space<hbm>> -> memref<16x40xf32, #tpu.memory_space<hbm>>
      tpu.wait_dma2 semaphore(%arg48 : memref<!tpu.dma_semaphore, #tpu.memory_space<semaphore_mem>>) src(%arg22 : memref<16x40xf32, #tpu.memory_space<vmem>>) dst(%dma_wait3A_226 : memref<16x40xf32, #tpu.memory_space<hbm>>)
      %add3A_227 = arith.constant 1 : i32
      %add3A_228 = arith.addi %add3A_186, %add3A_227 : i32
      %mul3A_229 = arith.constant 40 : i32
      %mul3A_230 = arith.muli %add3A_228, %mul3A_229 : i32
      %add3A_231 = arith.addi %mul3A_2, %mul3A_230 : i32
      %mul3A_232 = arith.constant 40 : i32
      %mul3A_233 = arith.muli %add3A_228, %mul3A_232 : i32
      %dma_start3A_234 = tpu.memref_slice %arg28[%mul3A_233] : memref<10000xi32, #tpu.memory_space<vmem>> -> memref<40xi32, #tpu.memory_space<vmem>>
      %dma_start3A_235 = arith.constant 0 : i32
      %dma_start3A_236 = arith.constant 0 : i32
      %dma_start3A_237 = tpu.memref_slice %arg2[%dma_start3A_235, %dma_start3A_236] : memref<10000x128xf32, #tpu.memory_space<hbm>> -> memref<10000x128xf32, #tpu.memory_space<hbm>>
      tpu.enqueue_indirect_dma source(%dma_start3A_237 : memref<10000x128xf32, #tpu.memory_space<hbm>>) target(%arg12 : memref<40x128xf32, #tpu.memory_space<vmem>>) offsets(%dma_start3A_234 : memref<40xi32, #tpu.memory_space<vmem>>) semaphore(%arg32 : memref<!tpu.dma_semaphore, #tpu.memory_space<semaphore_mem>>)
      %mul3A_238 = arith.constant 40 : i32
      %mul3A_239 = arith.muli %add3A_228, %mul3A_238 : i32
      %dma_start3A_240 = tpu.memref_slice %arg28[%mul3A_239] : memref<10000xi32, #tpu.memory_space<vmem>> -> memref<40xi32, #tpu.memory_space<vmem>>
      %dma_start3A_241 = arith.constant 0 : i32
      %dma_start3A_242 = arith.constant 0 : i32
      %dma_start3A_243 = tpu.memref_slice %arg3[%dma_start3A_241, %dma_start3A_242] : memref<10000x32xf32, #tpu.memory_space<hbm>> -> memref<10000x32xf32, #tpu.memory_space<hbm>>
      tpu.enqueue_indirect_dma source(%dma_start3A_243 : memref<10000x32xf32, #tpu.memory_space<hbm>>) target(%arg14 : memref<40x32xf32, #tpu.memory_space<vmem>>) offsets(%dma_start3A_240 : memref<40xi32, #tpu.memory_space<vmem>>) semaphore(%arg34 : memref<!tpu.dma_semaphore, #tpu.memory_space<semaphore_mem>>)
      %dma_start3A_244 = arith.constant 0 : i32
      %dma_start3A_245 = tpu.memref_slice %arg7[%dma_start3A_244, %add3A_231] : memref<16x320000xf32, #tpu.memory_space<hbm>> -> memref<16x40xf32, #tpu.memory_space<hbm>>
      %dma_start3A_246 = arith.constant 0 : i32
      %dma_start3A_247 = tpu.memref_slice %arg7[%dma_start3A_246, %add3A_231] : memref<16x320000xf32, #tpu.memory_space<hbm>> -> memref<16x40xf32, #tpu.memory_space<hbm>>
      tpu.enqueue_dma source(%dma_start3A_247 : memref<16x40xf32, #tpu.memory_space<hbm>>) target(%arg20 : memref<16x40xf32, #tpu.memory_space<vmem>>) target_semaphore(%arg38 : memref<!tpu.dma_semaphore, #tpu.memory_space<semaphore_mem>>)
      %dma_start3A_248 = tpu.memref_slice %arg5[%add3A_231] : memref<320000xi32, #tpu.memory_space<hbm>> -> memref<40xi32, #tpu.memory_space<hbm>>
      %dma_start3A_249 = tpu.memref_slice %arg5[%add3A_231] : memref<320000xi32, #tpu.memory_space<hbm>> -> memref<40xi32, #tpu.memory_space<hbm>>
      tpu.enqueue_dma source(%dma_start3A_249 : memref<40xi32, #tpu.memory_space<hbm>>) target(%arg24 : memref<40xi32, #tpu.memory_space<vmem>>) target_semaphore(%arg40 : memref<!tpu.dma_semaphore, #tpu.memory_space<semaphore_mem>>)
      %dma_start3A_250 = tpu.memref_slice %arg6[%add3A_231] : memref<320000xf32, #tpu.memory_space<hbm>> -> memref<40xf32, #tpu.memory_space<hbm>>
      %dma_start3A_251 = tpu.memref_slice %arg6[%add3A_231] : memref<320000xf32, #tpu.memory_space<hbm>> -> memref<40xf32, #tpu.memory_space<hbm>>
      tpu.enqueue_dma source(%dma_start3A_251 : memref<40xf32, #tpu.memory_space<hbm>>) target(%arg26 : memref<40xf32, #tpu.memory_space<vmem>>) target_semaphore(%arg42 : memref<!tpu.dma_semaphore, #tpu.memory_space<semaphore_mem>>)
      %dma_start3A_252 = arith.constant 0 : i32
      %dma_start3A_253 = arith.constant 0 : i32
      %dma_start3A_254 = tpu.memref_slice %arg30[%dma_start3A_252, %dma_start3A_253] : memref<10000x128xf32, #tpu.memory_space<vmem_shared>> -> memref<10000x128xf32, #tpu.memory_space<vmem_shared>>
      tpu.enqueue_indirect_dma source(%arg13 : memref<40x128xf32, #tpu.memory_space<vmem>>) target(%dma_start3A_254 : memref<10000x128xf32, #tpu.memory_space<vmem_shared>>) offsets(%arg25 : memref<40xi32, #tpu.memory_space<vmem>>) semaphore(%arg45 : memref<!tpu.dma_semaphore, #tpu.memory_space<semaphore_mem>>) {add = true}
      %dma_start3A_255 = arith.constant 0 : i32
      %dma_start3A_256 = arith.constant 0 : i32
      %dma_start3A_257 = tpu.memref_slice %arg31[%dma_start3A_255, %dma_start3A_256] : memref<10000x32xf32, #tpu.memory_space<vmem_shared>> -> memref<10000x32xf32, #tpu.memory_space<vmem_shared>>
      tpu.enqueue_indirect_dma source(%arg19 : memref<40x32xf32, #tpu.memory_space<vmem>>) target(%dma_start3A_257 : memref<10000x32xf32, #tpu.memory_space<vmem_shared>>) offsets(%arg25 : memref<40xi32, #tpu.memory_space<vmem>>) semaphore(%arg47 : memref<!tpu.dma_semaphore, #tpu.memory_space<semaphore_mem>>) {add = true}
      %mul3A_258 = arith.constant 40 : i32
      %mul3A_259 = arith.muli %add3A_186, %mul3A_258 : i32
      %add3A_260 = arith.addi %mul3A_2, %mul3A_259 : i32
      %dma_start3A_261 = arith.constant 0 : i32
      %dma_start3A_262 = tpu.memref_slice %arg11[%dma_start3A_261, %add3A_260] : memref<16x320000xf32, #tpu.memory_space<hbm>> -> memref<16x40xf32, #tpu.memory_space<hbm>>
      %dma_start3A_263 = arith.constant 0 : i32
      %dma_start3A_264 = tpu.memref_slice %arg11[%dma_start3A_263, %add3A_260] : memref<16x320000xf32, #tpu.memory_space<hbm>> -> memref<16x40xf32, #tpu.memory_space<hbm>>
      tpu.enqueue_dma source(%arg23 : memref<16x40xf32, #tpu.memory_space<vmem>>) target(%dma_start3A_264 : memref<16x40xf32, #tpu.memory_space<hbm>>) target_semaphore(%arg49 : memref<!tpu.dma_semaphore, #tpu.memory_space<semaphore_mem>>)
      %add3A_265 = arith.constant 1 : i32
      %add3A_266 = arith.addi %add3A_186, %add3A_265 : i32
      %dma_wait3A_267 = tpu.memref_slice %arg5[%mul3A_2] : memref<320000xi32, #tpu.memory_space<hbm>> -> memref<40xi32, #tpu.memory_space<hbm>>
      %dma_wait3A_268 = tpu.memref_slice %arg5[%mul3A_2] : memref<320000xi32, #tpu.memory_space<hbm>> -> memref<40xi32, #tpu.memory_space<hbm>>
      tpu.wait_dma2 semaphore(%arg40 : memref<!tpu.dma_semaphore, #tpu.memory_space<semaphore_mem>>) src(%dma_wait3A_268 : memref<40xi32, #tpu.memory_space<hbm>>) dst(%arg24 : memref<40xi32, #tpu.memory_space<vmem>>)
      %dma_start3A_269 = arith.constant 0 : i32
      %dma_start3A_270 = arith.constant 0 : i32
      %dma_start3A_271 = tpu.memref_slice %arg3[%dma_start3A_269, %dma_start3A_270] : memref<10000x32xf32, #tpu.memory_space<hbm>> -> memref<10000x32xf32, #tpu.memory_space<hbm>>
      tpu.enqueue_indirect_dma source(%dma_start3A_271 : memref<10000x32xf32, #tpu.memory_space<hbm>>) target(%arg16 : memref<40x32xf32, #tpu.memory_space<vmem>>) offsets(%arg24 : memref<40xi32, #tpu.memory_space<vmem>>) semaphore(%arg36 : memref<!tpu.dma_semaphore, #tpu.memory_space<semaphore_mem>>)
      %dma_wait3A_272 = arith.constant 0 : i32
      %dma_wait3A_273 = tpu.memref_slice %arg28[%dma_wait3A_272] : memref<10000xi32, #tpu.memory_space<vmem>> -> memref<40xi32, #tpu.memory_space<vmem>>
      %dma_wait3A_274 = arith.constant 0 : i32
      %dma_wait3A_275 = arith.constant 0 : i32
      %dma_wait3A_276 = tpu.memref_slice %arg2[%dma_wait3A_274, %dma_wait3A_275] : memref<10000x128xf32, #tpu.memory_space<hbm>> -> memref<10000x128xf32, #tpu.memory_space<hbm>>
      tpu.wait_indirect_dma semaphore(%arg32 : memref<!tpu.dma_semaphore, #tpu.memory_space<semaphore_mem>>) src(%dma_wait3A_276 : memref<10000x128xf32, #tpu.memory_space<hbm>>) dst(%arg12 : memref<40x128xf32, #tpu.memory_space<vmem>>)
      %dma_wait3A_277 = tpu.memref_slice %arg6[%mul3A_2] : memref<320000xf32, #tpu.memory_space<hbm>> -> memref<40xf32, #tpu.memory_space<hbm>>
      %dma_wait3A_278 = tpu.memref_slice %arg6[%mul3A_2] : memref<320000xf32, #tpu.memory_space<hbm>> -> memref<40xf32, #tpu.memory_space<hbm>>
      tpu.wait_dma2 semaphore(%arg42 : memref<!tpu.dma_semaphore, #tpu.memory_space<semaphore_mem>>) src(%dma_wait3A_278 : memref<40xf32, #tpu.memory_space<hbm>>) dst(%arg26 : memref<40xf32, #tpu.memory_space<vmem>>)
      %parallel_loop3A_279 = arith.constant 0 : i32
      %parallel_loop3A_280 = arith.constant 40 : i32
      %parallel_loop3A_281 = arith.constant 1 : i32
      scf.for %parallel_loop3A_346 = %parallel_loop3A_279 to %parallel_loop3A_280 step %parallel_loop3A_281  : i32 {
        %parallel_loop3A_347 = vector.broadcast %parallel_loop3A_346 : i32 to vector<16xi32>
        %parallel_loop3A_348 = tpu.vector_load_idx %arg26[%parallel_loop3A_347] : memref<40xf32, #tpu.memory_space<vmem>>[vector<16xi32>], vector<16xf32>,
        %parallel_loop3A_349 = arith.index_cast %parallel_loop3A_346 : i32 to index
        %parallel_loop3A_350 = arith.constant 0 : index
        %parallel_loop3A_351 = tpu.vector_load %arg12[%parallel_loop3A_349, %parallel_loop3A_350] {strides = array<i32>} : memref<40x128xf32, #tpu.memory_space<vmem>>, vector<16xf32>,
        %parallel_loop3A_352 = arith.mulf %parallel_loop3A_351, %parallel_loop3A_348 : vector<16xf32>
        %parallel_loop3A_353 = arith.index_cast %parallel_loop3A_346 : i32 to index
        %parallel_loop3A_354 = arith.constant 0 : index
        %parallel_loop3A_355 = tpu.vector_load %arg12[%parallel_loop3A_353, %parallel_loop3A_354] {strides = array<i32>} : memref<40x128xf32, #tpu.memory_space<vmem>>, vector<16xf32>,
        tpu.vector_store %arg12[%parallel_loop3A_353, %parallel_loop3A_354], %parallel_loop3A_352 {strides = array<i32>} : memref<40x128xf32, #tpu.memory_space<vmem>>, vector<16xf32>,
        %parallel_loop3A_356 = arith.index_cast %parallel_loop3A_346 : i32 to index
        %parallel_loop3A_357 = arith.constant 16 : index
        %parallel_loop3A_358 = tpu.vector_load %arg12[%parallel_loop3A_356, %parallel_loop3A_357] {strides = array<i32>} : memref<40x128xf32, #tpu.memory_space<vmem>>, vector<16xf32>,
        %parallel_loop3A_359 = arith.mulf %parallel_loop3A_358, %parallel_loop3A_348 : vector<16xf32>
        %parallel_loop3A_360 = arith.index_cast %parallel_loop3A_346 : i32 to index
        %parallel_loop3A_361 = arith.constant 16 : index
        %parallel_loop3A_362 = tpu.vector_load %arg12[%parallel_loop3A_360, %parallel_loop3A_361] {strides = array<i32>} : memref<40x128xf32, #tpu.memory_space<vmem>>, vector<16xf32>,
        tpu.vector_store %arg12[%parallel_loop3A_360, %parallel_loop3A_361], %parallel_loop3A_359 {strides = array<i32>} : memref<40x128xf32, #tpu.memory_space<vmem>>, vector<16xf32>,
        %parallel_loop3A_363 = arith.index_cast %parallel_loop3A_346 : i32 to index
        %parallel_loop3A_364 = arith.constant 32 : index
        %parallel_loop3A_365 = tpu.vector_load %arg12[%parallel_loop3A_363, %parallel_loop3A_364] {strides = array<i32>} : memref<40x128xf32, #tpu.memory_space<vmem>>, vector<16xf32>,
        %parallel_loop3A_366 = arith.mulf %parallel_loop3A_365, %parallel_loop3A_348 : vector<16xf32>
        %parallel_loop3A_367 = arith.index_cast %parallel_loop3A_346 : i32 to index
        %parallel_loop3A_368 = arith.constant 32 : index
        %parallel_loop3A_369 = tpu.vector_load %arg12[%parallel_loop3A_367, %parallel_loop3A_368] {strides = array<i32>} : memref<40x128xf32, #tpu.memory_space<vmem>>, vector<16xf32>,
        tpu.vector_store %arg12[%parallel_loop3A_367, %parallel_loop3A_368], %parallel_loop3A_366 {strides = array<i32>} : memref<40x128xf32, #tpu.memory_space<vmem>>, vector<16xf32>,
        %parallel_loop3A_370 = arith.index_cast %parallel_loop3A_346 : i32 to index
        %parallel_loop3A_371 = arith.constant 48 : index
        %parallel_loop3A_372 = tpu.vector_load %arg12[%parallel_loop3A_370, %parallel_loop3A_371] {strides = array<i32>} : memref<40x128xf32, #tpu.memory_space<vmem>>, vector<16xf32>,
        %parallel_loop3A_373 = arith.mulf %parallel_loop3A_372, %parallel_loop3A_348 : vector<16xf32>
        %parallel_loop3A_374 = arith.index_cast %parallel_loop3A_346 : i32 to index
        %parallel_loop3A_375 = arith.constant 48 : index
        %parallel_loop3A_376 = tpu.vector_load %arg12[%parallel_loop3A_374, %parallel_loop3A_375] {strides = array<i32>} : memref<40x128xf32, #tpu.memory_space<vmem>>, vector<16xf32>,
        tpu.vector_store %arg12[%parallel_loop3A_374, %parallel_loop3A_375], %parallel_loop3A_373 {strides = array<i32>} : memref<40x128xf32, #tpu.memory_space<vmem>>, vector<16xf32>,
        %parallel_loop3A_377 = arith.index_cast %parallel_loop3A_346 : i32 to index
        %parallel_loop3A_378 = arith.constant 64 : index
        %parallel_loop3A_379 = tpu.vector_load %arg12[%parallel_loop3A_377, %parallel_loop3A_378] {strides = array<i32>} : memref<40x128xf32, #tpu.memory_space<vmem>>, vector<16xf32>,
        %parallel_loop3A_380 = arith.mulf %parallel_loop3A_379, %parallel_loop3A_348 : vector<16xf32>
        %parallel_loop3A_381 = arith.index_cast %parallel_loop3A_346 : i32 to index
        %parallel_loop3A_382 = arith.constant 64 : index
        %parallel_loop3A_383 = tpu.vector_load %arg12[%parallel_loop3A_381, %parallel_loop3A_382] {strides = array<i32>} : memref<40x128xf32, #tpu.memory_space<vmem>>, vector<16xf32>,
        tpu.vector_store %arg12[%parallel_loop3A_381, %parallel_loop3A_382], %parallel_loop3A_380 {strides = array<i32>} : memref<40x128xf32, #tpu.memory_space<vmem>>, vector<16xf32>,
        %parallel_loop3A_384 = arith.index_cast %parallel_loop3A_346 : i32 to index
        %parallel_loop3A_385 = arith.constant 80 : index
        %parallel_loop3A_386 = tpu.vector_load %arg12[%parallel_loop3A_384, %parallel_loop3A_385] {strides = array<i32>} : memref<40x128xf32, #tpu.memory_space<vmem>>, vector<16xf32>,
        %parallel_loop3A_387 = arith.mulf %parallel_loop3A_386, %parallel_loop3A_348 : vector<16xf32>
        %parallel_loop3A_388 = arith.index_cast %parallel_loop3A_346 : i32 to index
        %parallel_loop3A_389 = arith.constant 80 : index
        %parallel_loop3A_390 = tpu.vector_load %arg12[%parallel_loop3A_388, %parallel_loop3A_389] {strides = array<i32>} : memref<40x128xf32, #tpu.memory_space<vmem>>, vector<16xf32>,
        tpu.vector_store %arg12[%parallel_loop3A_388, %parallel_loop3A_389], %parallel_loop3A_387 {strides = array<i32>} : memref<40x128xf32, #tpu.memory_space<vmem>>, vector<16xf32>,
        %parallel_loop3A_391 = arith.index_cast %parallel_loop3A_346 : i32 to index
        %parallel_loop3A_392 = arith.constant 96 : index
        %parallel_loop3A_393 = tpu.vector_load %arg12[%parallel_loop3A_391, %parallel_loop3A_392] {strides = array<i32>} : memref<40x128xf32, #tpu.memory_space<vmem>>, vector<16xf32>,
        %parallel_loop3A_394 = arith.mulf %parallel_loop3A_393, %parallel_loop3A_348 : vector<16xf32>
        %parallel_loop3A_395 = arith.index_cast %parallel_loop3A_346 : i32 to index
        %parallel_loop3A_396 = arith.constant 96 : index
        %parallel_loop3A_397 = tpu.vector_load %arg12[%parallel_loop3A_395, %parallel_loop3A_396] {strides = array<i32>} : memref<40x128xf32, #tpu.memory_space<vmem>>, vector<16xf32>,
        tpu.vector_store %arg12[%parallel_loop3A_395, %parallel_loop3A_396], %parallel_loop3A_394 {strides = array<i32>} : memref<40x128xf32, #tpu.memory_space<vmem>>, vector<16xf32>,
        %parallel_loop3A_398 = arith.index_cast %parallel_loop3A_346 : i32 to index
        %parallel_loop3A_399 = arith.constant 112 : index
        %parallel_loop3A_400 = tpu.vector_load %arg12[%parallel_loop3A_398, %parallel_loop3A_399] {strides = array<i32>} : memref<40x128xf32, #tpu.memory_space<vmem>>, vector<16xf32>,
        %parallel_loop3A_401 = arith.mulf %parallel_loop3A_400, %parallel_loop3A_348 : vector<16xf32>
        %parallel_loop3A_402 = arith.index_cast %parallel_loop3A_346 : i32 to index
        %parallel_loop3A_403 = arith.constant 112 : index
        %parallel_loop3A_404 = tpu.vector_load %arg12[%parallel_loop3A_402, %parallel_loop3A_403] {strides = array<i32>} : memref<40x128xf32, #tpu.memory_space<vmem>>, vector<16xf32>,
        tpu.vector_store %arg12[%parallel_loop3A_402, %parallel_loop3A_403], %parallel_loop3A_401 {strides = array<i32>} : memref<40x128xf32, #tpu.memory_space<vmem>>, vector<16xf32>,
      } {sc.loop_unroll_factor = 8 : i64, sc.parallel_access}
      %dma_wait3A_282 = arith.constant 0 : i32
      %dma_wait3A_283 = tpu.memref_slice %arg28[%dma_wait3A_282] : memref<10000xi32, #tpu.memory_space<vmem>> -> memref<40xi32, #tpu.memory_space<vmem>>
      %dma_wait3A_284 = arith.constant 0 : i32
      %dma_wait3A_285 = arith.constant 0 : i32
      %dma_wait3A_286 = tpu.memref_slice %arg3[%dma_wait3A_284, %dma_wait3A_285] : memref<10000x32xf32, #tpu.memory_space<hbm>> -> memref<10000x32xf32, #tpu.memory_space<hbm>>
      tpu.wait_indirect_dma semaphore(%arg34 : memref<!tpu.dma_semaphore, #tpu.memory_space<semaphore_mem>>) src(%dma_wait3A_286 : memref<10000x32xf32, #tpu.memory_space<hbm>>) dst(%arg14 : memref<40x32xf32, #tpu.memory_space<vmem>>)
      %dma_wait3A_287 = arith.constant 0 : i32
      %dma_wait3A_288 = arith.constant 0 : i32
      %dma_wait3A_289 = tpu.memref_slice %arg3[%dma_wait3A_287, %dma_wait3A_288] : memref<10000x32xf32, #tpu.memory_space<hbm>> -> memref<10000x32xf32, #tpu.memory_space<hbm>>
      tpu.wait_indirect_dma semaphore(%arg36 : memref<!tpu.dma_semaphore, #tpu.memory_space<semaphore_mem>>) src(%dma_wait3A_289 : memref<10000x32xf32, #tpu.memory_space<hbm>>) dst(%arg16 : memref<40x32xf32, #tpu.memory_space<vmem>>)
      %dma_wait3A_290 = arith.constant 0 : i32
      %dma_wait3A_291 = tpu.memref_slice %arg7[%dma_wait3A_290, %mul3A_2] : memref<16x320000xf32, #tpu.memory_space<hbm>> -> memref<16x40xf32, #tpu.memory_space<hbm>>
      %dma_wait3A_292 = arith.constant 0 : i32
      %dma_wait3A_293 = tpu.memref_slice %arg7[%dma_wait3A_292, %mul3A_2] : memref<16x320000xf32, #tpu.memory_space<hbm>> -> memref<16x40xf32, #tpu.memory_space<hbm>>
      tpu.wait_dma2 semaphore(%arg38 : memref<!tpu.dma_semaphore, #tpu.memory_space<semaphore_mem>>) src(%dma_wait3A_293 : memref<16x40xf32, #tpu.memory_space<hbm>>) dst(%arg20 : memref<16x40xf32, #tpu.memory_space<vmem>>)
      %parallel_loop3A_294 = arith.constant 0 : i32
      %parallel_loop3A_295 = arith.constant 40 : i32
      %parallel_loop3A_296 = arith.constant 1 : i32
      scf.for %parallel_loop3A_346 = %parallel_loop3A_294 to %parallel_loop3A_295 step %parallel_loop3A_296  : i32 {
        %parallel_loop3A_347 = vector.broadcast %parallel_loop3A_346 : i32 to vector<16xi32>
        %parallel_loop3A_348 = tpu.vector_load_idx %arg26[%parallel_loop3A_347] : memref<40xf32, #tpu.memory_space<vmem>>[vector<16xi32>], vector<16xf32>,
        %parallel_loop3A_349 = arith.index_cast %parallel_loop3A_346 : i32 to index
        %parallel_loop3A_350 = arith.constant 0 : index
        %parallel_loop3A_351 = tpu.vector_load %arg14[%parallel_loop3A_349, %parallel_loop3A_350] {strides = array<i32>} : memref<40x32xf32, #tpu.memory_space<vmem>>, vector<16xf32>,
        %parallel_loop3A_352 = arith.index_cast %parallel_loop3A_346 : i32 to index
        %parallel_loop3A_353 = arith.constant 16 : index
        %parallel_loop3A_354 = tpu.vector_load %arg16[%parallel_loop3A_352, %parallel_loop3A_353] {strides = array<i32>} : memref<40x32xf32, #tpu.memory_space<vmem>>, vector<16xf32>,
        %parallel_loop3A_355 = arith.addf %parallel_loop3A_351, %parallel_loop3A_354 : vector<16xf32>
        %parallel_loop3A_356 = arith.addf %parallel_loop3A_355, %get3A_24 : vector<16xf32>
        %parallel_loop3A_357 = arith.mulf %parallel_loop3A_356, %parallel_loop3A_348 : vector<16xf32>
        tpu.vector_store_idx %arg22[%iota3A, %parallel_loop3A_347], %parallel_loop3A_357 : memref<16x40xf32, #tpu.memory_space<vmem>>[vector<16xi32>, vector<16xi32>], vector<16xf32>,
        %parallel_loop3A_358 = tpu.vector_load_idx %arg20[%iota3A, %parallel_loop3A_347] : memref<16x40xf32, #tpu.memory_space<vmem>>[vector<16xi32>, vector<16xi32>], vector<16xf32>,
        %parallel_loop3A_359 = arith.mulf %parallel_loop3A_358, %parallel_loop3A_348 : vector<16xf32>
        %parallel_loop3A_360 = arith.index_cast %parallel_loop3A_346 : i32 to index
        %parallel_loop3A_361 = arith.constant 0 : index
        %parallel_loop3A_362 = tpu.vector_load %arg18[%parallel_loop3A_360, %parallel_loop3A_361] {strides = array<i32>} : memref<40x32xf32, #tpu.memory_space<vmem>>, vector<16xf32>,
        tpu.vector_store %arg18[%parallel_loop3A_360, %parallel_loop3A_361], %parallel_loop3A_359 {strides = array<i32>} : memref<40x32xf32, #tpu.memory_space<vmem>>, vector<16xf32>,
        %parallel_loop3A_363 = arith.select %eq3A_18, %parallel_loop3A_348, %select_n3A : vector<16xi1>, vector<16xf32>
        %parallel_loop3A_364 = arith.index_cast %parallel_loop3A_346 : i32 to index
        %parallel_loop3A_365 = arith.constant 16 : index
        %parallel_loop3A_366 = tpu.vector_load %arg18[%parallel_loop3A_364, %parallel_loop3A_365] {strides = array<i32>} : memref<40x32xf32, #tpu.memory_space<vmem>>, vector<16xf32>,
        tpu.vector_store %arg18[%parallel_loop3A_364, %parallel_loop3A_365], %parallel_loop3A_363 {strides = array<i32>} : memref<40x32xf32, #tpu.memory_space<vmem>>, vector<16xf32>,
      } {sc.loop_unroll_factor = 8 : i64, sc.parallel_access}
      %dma_wait3A_297 = arith.constant 0 : i32
      %dma_wait3A_298 = arith.constant 0 : i32
      %dma_wait3A_299 = tpu.memref_slice %arg30[%dma_wait3A_297, %dma_wait3A_298] : memref<10000x128xf32, #tpu.memory_space<vmem_shared>> -> memref<10000x128xf32, #tpu.memory_space<vmem_shared>>
      tpu.wait_indirect_dma semaphore(%arg45 : memref<!tpu.dma_semaphore, #tpu.memory_space<semaphore_mem>>) src(%arg13 : memref<40x128xf32, #tpu.memory_space<vmem>>) dst(%dma_wait3A_299 : memref<10000x128xf32, #tpu.memory_space<vmem_shared>>)
      %dma_wait3A_300 = arith.constant 0 : i32
      %dma_wait3A_301 = arith.constant 0 : i32
      %dma_wait3A_302 = tpu.memref_slice %arg31[%dma_wait3A_300, %dma_wait3A_301] : memref<10000x32xf32, #tpu.memory_space<vmem_shared>> -> memref<10000x32xf32, #tpu.memory_space<vmem_shared>>
      tpu.wait_indirect_dma semaphore(%arg47 : memref<!tpu.dma_semaphore, #tpu.memory_space<semaphore_mem>>) src(%arg19 : memref<40x32xf32, #tpu.memory_space<vmem>>) dst(%dma_wait3A_302 : memref<10000x32xf32, #tpu.memory_space<vmem_shared>>)
      %dma_wait3A_303 = arith.constant 0 : i32
      %dma_wait3A_304 = tpu.memref_slice %arg11[%dma_wait3A_303, %mul3A_2] : memref<16x320000xf32, #tpu.memory_space<hbm>> -> memref<16x40xf32, #tpu.memory_space<hbm>>
      %dma_wait3A_305 = arith.constant 0 : i32
      %dma_wait3A_306 = tpu.memref_slice %arg11[%dma_wait3A_305, %mul3A_2] : memref<16x320000xf32, #tpu.memory_space<hbm>> -> memref<16x40xf32, #tpu.memory_space<hbm>>
      tpu.wait_dma2 semaphore(%arg49 : memref<!tpu.dma_semaphore, #tpu.memory_space<semaphore_mem>>) src(%arg23 : memref<16x40xf32, #tpu.memory_space<vmem>>) dst(%dma_wait3A_306 : memref<16x40xf32, #tpu.memory_space<hbm>>)
      %add3A_307 = arith.constant 1 : i32
      %add3A_308 = arith.addi %add3A_266, %add3A_307 : i32
      %mul3A_309 = arith.constant 40 : i32
      %mul3A_310 = arith.muli %add3A_308, %mul3A_309 : i32
      %add3A_311 = arith.addi %mul3A_2, %mul3A_310 : i32
      %mul3A_312 = arith.constant 40 : i32
      %mul3A_313 = arith.muli %add3A_308, %mul3A_312 : i32
      %dma_start3A_314 = tpu.memref_slice %arg28[%mul3A_313] : memref<10000xi32, #tpu.memory_space<vmem>> -> memref<40xi32, #tpu.memory_space<vmem>>
      %dma_start3A_315 = arith.constant 0 : i32
      %dma_start3A_316 = arith.constant 0 : i32
      %dma_start3A_317 = tpu.memref_slice %arg2[%dma_start3A_315, %dma_start3A_316] : memref<10000x128xf32, #tpu.memory_space<hbm>> -> memref<10000x128xf32, #tpu.memory_space<hbm>>
      tpu.enqueue_indirect_dma source(%dma_start3A_317 : memref<10000x128xf32, #tpu.memory_space<hbm>>) target(%arg13 : memref<40x128xf32, #tpu.memory_space<vmem>>) offsets(%dma_start3A_314 : memref<40xi32, #tpu.memory_space<vmem>>) semaphore(%arg33 : memref<!tpu.dma_semaphore, #tpu.memory_space<semaphore_mem>>)
      %mul3A_318 = arith.constant 40 : i32
      %mul3A_319 = arith.muli %add3A_308, %mul3A_318 : i32
      %dma_start3A_320 = tpu.memref_slice %arg28[%mul3A_319] : memref<10000xi32, #tpu.memory_space<vmem>> -> memref<40xi32, #tpu.memory_space<vmem>>
      %dma_start3A_321 = arith.constant 0 : i32
      %dma_start3A_322 = arith.constant 0 : i32
      %dma_start3A_323 = tpu.memref_slice %arg3[%dma_start3A_321, %dma_start3A_322] : memref<10000x32xf32, #tpu.memory_space<hbm>> -> memref<10000x32xf32, #tpu.memory_space<hbm>>
      tpu.enqueue_indirect_dma source(%dma_start3A_323 : memref<10000x32xf32, #tpu.memory_space<hbm>>) target(%arg15 : memref<40x32xf32, #tpu.memory_space<vmem>>) offsets(%dma_start3A_320 : memref<40xi32, #tpu.memory_space<vmem>>) semaphore(%arg35 : memref<!tpu.dma_semaphore, #tpu.memory_space<semaphore_mem>>)
      %dma_start3A_324 = arith.constant 0 : i32
      %dma_start3A_325 = tpu.memref_slice %arg7[%dma_start3A_324, %add3A_311] : memref<16x320000xf32, #tpu.memory_space<hbm>> -> memref<16x40xf32, #tpu.memory_space<hbm>>
      %dma_start3A_326 = arith.constant 0 : i32
      %dma_start3A_327 = tpu.memref_slice %arg7[%dma_start3A_326, %add3A_311] : memref<16x320000xf32, #tpu.memory_space<hbm>> -> memref<16x40xf32, #tpu.memory_space<hbm>>
      tpu.enqueue_dma source(%dma_start3A_327 : memref<16x40xf32, #tpu.memory_space<hbm>>) target(%arg21 : memref<16x40xf32, #tpu.memory_space<vmem>>) target_semaphore(%arg39 : memref<!tpu.dma_semaphore, #tpu.memory_space<semaphore_mem>>)
      %dma_start3A_328 = tpu.memref_slice %arg5[%add3A_311] : memref<320000xi32, #tpu.memory_space<hbm>> -> memref<40xi32, #tpu.memory_space<hbm>>
      %dma_start3A_329 = tpu.memref_slice %arg5[%add3A_311] : memref<320000xi32, #tpu.memory_space<hbm>> -> memref<40xi32, #tpu.memory_space<hbm>>
      tpu.enqueue_dma source(%dma_start3A_329 : memref<40xi32, #tpu.memory_space<hbm>>) target(%arg25 : memref<40xi32, #tpu.memory_space<vmem>>) target_semaphore(%arg41 : memref<!tpu.dma_semaphore, #tpu.memory_space<semaphore_mem>>)
      %dma_start3A_330 = tpu.memref_slice %arg6[%add3A_311] : memref<320000xf32, #tpu.memory_space<hbm>> -> memref<40xf32, #tpu.memory_space<hbm>>
      %dma_start3A_331 = tpu.memref_slice %arg6[%add3A_311] : memref<320000xf32, #tpu.memory_space<hbm>> -> memref<40xf32, #tpu.memory_space<hbm>>
      tpu.enqueue_dma source(%dma_start3A_331 : memref<40xf32, #tpu.memory_space<hbm>>) target(%arg27 : memref<40xf32, #tpu.memory_space<vmem>>) target_semaphore(%arg43 : memref<!tpu.dma_semaphore, #tpu.memory_space<semaphore_mem>>)
      %dma_start3A_332 = arith.constant 0 : i32
      %dma_start3A_333 = arith.constant 0 : i32
      %dma_start3A_334 = tpu.memref_slice %arg30[%dma_start3A_332, %dma_start3A_333] : memref<10000x128xf32, #tpu.memory_space<vmem_shared>> -> memref<10000x128xf32, #tpu.memory_space<vmem_shared>>
      tpu.enqueue_indirect_dma source(%arg12 : memref<40x128xf32, #tpu.memory_space<vmem>>) target(%dma_start3A_334 : memref<10000x128xf32, #tpu.memory_space<vmem_shared>>) offsets(%arg24 : memref<40xi32, #tpu.memory_space<vmem>>) semaphore(%arg44 : memref<!tpu.dma_semaphore, #tpu.memory_space<semaphore_mem>>) {add = true}
      %dma_start3A_335 = arith.constant 0 : i32
      %dma_start3A_336 = arith.constant 0 : i32
      %dma_start3A_337 = tpu.memref_slice %arg31[%dma_start3A_335, %dma_start3A_336] : memref<10000x32xf32, #tpu.memory_space<vmem_shared>> -> memref<10000x32xf32, #tpu.memory_space<vmem_shared>>
      tpu.enqueue_indirect_dma source(%arg18 : memref<40x32xf32, #tpu.memory_space<vmem>>) target(%dma_start3A_337 : memref<10000x32xf32, #tpu.memory_space<vmem_shared>>) offsets(%arg24 : memref<40xi32, #tpu.memory_space<vmem>>) semaphore(%arg46 : memref<!tpu.dma_semaphore, #tpu.memory_space<semaphore_mem>>) {add = true}
      %mul3A_338 = arith.constant 40 : i32
      %mul3A_339 = arith.muli %add3A_266, %mul3A_338 : i32
      %add3A_340 = arith.addi %mul3A_2, %mul3A_339 : i32
      %dma_start3A_341 = arith.constant 0 : i32
      %dma_start3A_342 = tpu.memref_slice %arg11[%dma_start3A_341, %add3A_340] : memref<16x320000xf32, #tpu.memory_space<hbm>> -> memref<16x40xf32, #tpu.memory_space<hbm>>
      %dma_start3A_343 = arith.constant 0 : i32
      %dma_start3A_344 = tpu.memref_slice %arg11[%dma_start3A_343, %add3A_340] : memref<16x320000xf32, #tpu.memory_space<hbm>> -> memref<16x40xf32, #tpu.memory_space<hbm>>
      tpu.enqueue_dma source(%arg22 : memref<16x40xf32, #tpu.memory_space<vmem>>) target(%dma_start3A_344 : memref<16x40xf32, #tpu.memory_space<hbm>>) target_semaphore(%arg48 : memref<!tpu.dma_semaphore, #tpu.memory_space<semaphore_mem>>)
      %scan3A_345 = arith.constant 0 : i32
      scf.yield %scan3A_345 : i32
    }
    %scan3A_110 = arith.constant 124 : i32
    %dma_wait3A_111 = tpu.memref_slice %arg5[%mul3A_2] : memref<320000xi32, #tpu.memory_space<hbm>> -> memref<40xi32, #tpu.memory_space<hbm>>
    %dma_wait3A_112 = tpu.memref_slice %arg5[%mul3A_2] : memref<320000xi32, #tpu.memory_space<hbm>> -> memref<40xi32, #tpu.memory_space<hbm>>
    tpu.wait_dma2 semaphore(%arg41 : memref<!tpu.dma_semaphore, #tpu.memory_space<semaphore_mem>>) src(%dma_wait3A_112 : memref<40xi32, #tpu.memory_space<hbm>>) dst(%arg25 : memref<40xi32, #tpu.memory_space<vmem>>)
    %dma_start3A_113 = arith.constant 0 : i32
    %dma_start3A_114 = arith.constant 0 : i32
    %dma_start3A_115 = tpu.memref_slice %arg3[%dma_start3A_113, %dma_start3A_114] : memref<10000x32xf32, #tpu.memory_space<hbm>> -> memref<10000x32xf32, #tpu.memory_space<hbm>>
    tpu.enqueue_indirect_dma source(%dma_start3A_115 : memref<10000x32xf32, #tpu.memory_space<hbm>>) target(%arg17 : memref<40x32xf32, #tpu.memory_space<vmem>>) offsets(%arg25 : memref<40xi32, #tpu.memory_space<vmem>>) semaphore(%arg37 : memref<!tpu.dma_semaphore, #tpu.memory_space<semaphore_mem>>)
    %dma_wait3A_116 = arith.constant 0 : i32
    %dma_wait3A_117 = tpu.memref_slice %arg28[%dma_wait3A_116] : memref<10000xi32, #tpu.memory_space<vmem>> -> memref<40xi32, #tpu.memory_space<vmem>>
    %dma_wait3A_118 = arith.constant 0 : i32
    %dma_wait3A_119 = arith.constant 0 : i32
    %dma_wait3A_120 = tpu.memref_slice %arg2[%dma_wait3A_118, %dma_wait3A_119] : memref<10000x128xf32, #tpu.memory_space<hbm>> -> memref<10000x128xf32, #tpu.memory_space<hbm>>
    tpu.wait_indirect_dma semaphore(%arg33 : memref<!tpu.dma_semaphore, #tpu.memory_space<semaphore_mem>>) src(%dma_wait3A_120 : memref<10000x128xf32, #tpu.memory_space<hbm>>) dst(%arg13 : memref<40x128xf32, #tpu.memory_space<vmem>>)
    %dma_wait3A_121 = tpu.memref_slice %arg6[%mul3A_2] : memref<320000xf32, #tpu.memory_space<hbm>> -> memref<40xf32, #tpu.memory_space<hbm>>
    %dma_wait3A_122 = tpu.memref_slice %arg6[%mul3A_2] : memref<320000xf32, #tpu.memory_space<hbm>> -> memref<40xf32, #tpu.memory_space<hbm>>
    tpu.wait_dma2 semaphore(%arg43 : memref<!tpu.dma_semaphore, #tpu.memory_space<semaphore_mem>>) src(%dma_wait3A_122 : memref<40xf32, #tpu.memory_space<hbm>>) dst(%arg27 : memref<40xf32, #tpu.memory_space<vmem>>)
    %parallel_loop3A_123 = arith.constant 0 : i32
    %parallel_loop3A_124 = arith.constant 40 : i32
    %parallel_loop3A_125 = arith.constant 1 : i32
    scf.for %parallel_loop3A_181 = %parallel_loop3A_123 to %parallel_loop3A_124 step %parallel_loop3A_125  : i32 {
      %parallel_loop3A_182 = vector.broadcast %parallel_loop3A_181 : i32 to vector<16xi32>
      %parallel_loop3A_183 = tpu.vector_load_idx %arg27[%parallel_loop3A_182] : memref<40xf32, #tpu.memory_space<vmem>>[vector<16xi32>], vector<16xf32>,
      %parallel_loop3A_184 = arith.index_cast %parallel_loop3A_181 : i32 to index
      %parallel_loop3A_185 = arith.constant 0 : index
      %parallel_loop3A_186 = tpu.vector_load %arg13[%parallel_loop3A_184, %parallel_loop3A_185] {strides = array<i32>} : memref<40x128xf32, #tpu.memory_space<vmem>>, vector<16xf32>,
      %parallel_loop3A_187 = arith.mulf %parallel_loop3A_186, %parallel_loop3A_183 : vector<16xf32>
      %parallel_loop3A_188 = arith.index_cast %parallel_loop3A_181 : i32 to index
      %parallel_loop3A_189 = arith.constant 0 : index
      %parallel_loop3A_190 = tpu.vector_load %arg13[%parallel_loop3A_188, %parallel_loop3A_189] {strides = array<i32>} : memref<40x128xf32, #tpu.memory_space<vmem>>, vector<16xf32>,
      tpu.vector_store %arg13[%parallel_loop3A_188, %parallel_loop3A_189], %parallel_loop3A_187 {strides = array<i32>} : memref<40x128xf32, #tpu.memory_space<vmem>>, vector<16xf32>,
      %parallel_loop3A_191 = arith.index_cast %parallel_loop3A_181 : i32 to index
      %parallel_loop3A_192 = arith.constant 16 : index
      %parallel_loop3A_193 = tpu.vector_load %arg13[%parallel_loop3A_191, %parallel_loop3A_192] {strides = array<i32>} : memref<40x128xf32, #tpu.memory_space<vmem>>, vector<16xf32>,
      %parallel_loop3A_194 = arith.mulf %parallel_loop3A_193, %parallel_loop3A_183 : vector<16xf32>
      %parallel_loop3A_195 = arith.index_cast %parallel_loop3A_181 : i32 to index
      %parallel_loop3A_196 = arith.constant 16 : index
      %parallel_loop3A_197 = tpu.vector_load %arg13[%parallel_loop3A_195, %parallel_loop3A_196] {strides = array<i32>} : memref<40x128xf32, #tpu.memory_space<vmem>>, vector<16xf32>,
      tpu.vector_store %arg13[%parallel_loop3A_195, %parallel_loop3A_196], %parallel_loop3A_194 {strides = array<i32>} : memref<40x128xf32, #tpu.memory_space<vmem>>, vector<16xf32>,
      %parallel_loop3A_198 = arith.index_cast %parallel_loop3A_181 : i32 to index
      %parallel_loop3A_199 = arith.constant 32 : index
      %parallel_loop3A_200 = tpu.vector_load %arg13[%parallel_loop3A_198, %parallel_loop3A_199] {strides = array<i32>} : memref<40x128xf32, #tpu.memory_space<vmem>>, vector<16xf32>,
      %parallel_loop3A_201 = arith.mulf %parallel_loop3A_200, %parallel_loop3A_183 : vector<16xf32>
      %parallel_loop3A_202 = arith.index_cast %parallel_loop3A_181 : i32 to index
      %parallel_loop3A_203 = arith.constant 32 : index
      %parallel_loop3A_204 = tpu.vector_load %arg13[%parallel_loop3A_202, %parallel_loop3A_203] {strides = array<i32>} : memref<40x128xf32, #tpu.memory_space<vmem>>, vector<16xf32>,
      tpu.vector_store %arg13[%parallel_loop3A_202, %parallel_loop3A_203], %parallel_loop3A_201 {strides = array<i32>} : memref<40x128xf32, #tpu.memory_space<vmem>>, vector<16xf32>,
      %parallel_loop3A_205 = arith.index_cast %parallel_loop3A_181 : i32 to index
      %parallel_loop3A_206 = arith.constant 48 : index
      %parallel_loop3A_207 = tpu.vector_load %arg13[%parallel_loop3A_205, %parallel_loop3A_206] {strides = array<i32>} : memref<40x128xf32, #tpu.memory_space<vmem>>, vector<16xf32>,
      %parallel_loop3A_208 = arith.mulf %parallel_loop3A_207, %parallel_loop3A_183 : vector<16xf32>
      %parallel_loop3A_209 = arith.index_cast %parallel_loop3A_181 : i32 to index
      %parallel_loop3A_210 = arith.constant 48 : index
      %parallel_loop3A_211 = tpu.vector_load %arg13[%parallel_loop3A_209, %parallel_loop3A_210] {strides = array<i32>} : memref<40x128xf32, #tpu.memory_space<vmem>>, vector<16xf32>,
      tpu.vector_store %arg13[%parallel_loop3A_209, %parallel_loop3A_210], %parallel_loop3A_208 {strides = array<i32>} : memref<40x128xf32, #tpu.memory_space<vmem>>, vector<16xf32>,
      %parallel_loop3A_212 = arith.index_cast %parallel_loop3A_181 : i32 to index
      %parallel_loop3A_213 = arith.constant 64 : index
      %parallel_loop3A_214 = tpu.vector_load %arg13[%parallel_loop3A_212, %parallel_loop3A_213] {strides = array<i32>} : memref<40x128xf32, #tpu.memory_space<vmem>>, vector<16xf32>,
      %parallel_loop3A_215 = arith.mulf %parallel_loop3A_214, %parallel_loop3A_183 : vector<16xf32>
      %parallel_loop3A_216 = arith.index_cast %parallel_loop3A_181 : i32 to index
      %parallel_loop3A_217 = arith.constant 64 : index
      %parallel_loop3A_218 = tpu.vector_load %arg13[%parallel_loop3A_216, %parallel_loop3A_217] {strides = array<i32>} : memref<40x128xf32, #tpu.memory_space<vmem>>, vector<16xf32>,
      tpu.vector_store %arg13[%parallel_loop3A_216, %parallel_loop3A_217], %parallel_loop3A_215 {strides = array<i32>} : memref<40x128xf32, #tpu.memory_space<vmem>>, vector<16xf32>,
      %parallel_loop3A_219 = arith.index_cast %parallel_loop3A_181 : i32 to index
      %parallel_loop3A_220 = arith.constant 80 : index
      %parallel_loop3A_221 = tpu.vector_load %arg13[%parallel_loop3A_219, %parallel_loop3A_220] {strides = array<i32>} : memref<40x128xf32, #tpu.memory_space<vmem>>, vector<16xf32>,
      %parallel_loop3A_222 = arith.mulf %parallel_loop3A_221, %parallel_loop3A_183 : vector<16xf32>
      %parallel_loop3A_223 = arith.index_cast %parallel_loop3A_181 : i32 to index
      %parallel_loop3A_224 = arith.constant 80 : index
      %parallel_loop3A_225 = tpu.vector_load %arg13[%parallel_loop3A_223, %parallel_loop3A_224] {strides = array<i32>} : memref<40x128xf32, #tpu.memory_space<vmem>>, vector<16xf32>,
      tpu.vector_store %arg13[%parallel_loop3A_223, %parallel_loop3A_224], %parallel_loop3A_222 {strides = array<i32>} : memref<40x128xf32, #tpu.memory_space<vmem>>, vector<16xf32>,
      %parallel_loop3A_226 = arith.index_cast %parallel_loop3A_181 : i32 to index
      %parallel_loop3A_227 = arith.constant 96 : index
      %parallel_loop3A_228 = tpu.vector_load %arg13[%parallel_loop3A_226, %parallel_loop3A_227] {strides = array<i32>} : memref<40x128xf32, #tpu.memory_space<vmem>>, vector<16xf32>,
      %parallel_loop3A_229 = arith.mulf %parallel_loop3A_228, %parallel_loop3A_183 : vector<16xf32>
      %parallel_loop3A_230 = arith.index_cast %parallel_loop3A_181 : i32 to index
      %parallel_loop3A_231 = arith.constant 96 : index
      %parallel_loop3A_232 = tpu.vector_load %arg13[%parallel_loop3A_230, %parallel_loop3A_231] {strides = array<i32>} : memref<40x128xf32, #tpu.memory_space<vmem>>, vector<16xf32>,
      tpu.vector_store %arg13[%parallel_loop3A_230, %parallel_loop3A_231], %parallel_loop3A_229 {strides = array<i32>} : memref<40x128xf32, #tpu.memory_space<vmem>>, vector<16xf32>,
      %parallel_loop3A_233 = arith.index_cast %parallel_loop3A_181 : i32 to index
      %parallel_loop3A_234 = arith.constant 112 : index
      %parallel_loop3A_235 = tpu.vector_load %arg13[%parallel_loop3A_233, %parallel_loop3A_234] {strides = array<i32>} : memref<40x128xf32, #tpu.memory_space<vmem>>, vector<16xf32>,
      %parallel_loop3A_236 = arith.mulf %parallel_loop3A_235, %parallel_loop3A_183 : vector<16xf32>
      %parallel_loop3A_237 = arith.index_cast %parallel_loop3A_181 : i32 to index
      %parallel_loop3A_238 = arith.constant 112 : index
      %parallel_loop3A_239 = tpu.vector_load %arg13[%parallel_loop3A_237, %parallel_loop3A_238] {strides = array<i32>} : memref<40x128xf32, #tpu.memory_space<vmem>>, vector<16xf32>,
      tpu.vector_store %arg13[%parallel_loop3A_237, %parallel_loop3A_238], %parallel_loop3A_236 {strides = array<i32>} : memref<40x128xf32, #tpu.memory_space<vmem>>, vector<16xf32>,
    } {sc.loop_unroll_factor = 8 : i64, sc.parallel_access}
    %dma_wait3A_126 = arith.constant 0 : i32
    %dma_wait3A_127 = tpu.memref_slice %arg28[%dma_wait3A_126] : memref<10000xi32, #tpu.memory_space<vmem>> -> memref<40xi32, #tpu.memory_space<vmem>>
    %dma_wait3A_128 = arith.constant 0 : i32
    %dma_wait3A_129 = arith.constant 0 : i32
    %dma_wait3A_130 = tpu.memref_slice %arg3[%dma_wait3A_128, %dma_wait3A_129] : memref<10000x32xf32, #tpu.memory_space<hbm>> -> memref<10000x32xf32, #tpu.memory_space<hbm>>
    tpu.wait_indirect_dma semaphore(%arg35 : memref<!tpu.dma_semaphore, #tpu.memory_space<semaphore_mem>>) src(%dma_wait3A_130 : memref<10000x32xf32, #tpu.memory_space<hbm>>) dst(%arg15 : memref<40x32xf32, #tpu.memory_space<vmem>>)
    %dma_wait3A_131 = arith.constant 0 : i32
    %dma_wait3A_132 = arith.constant 0 : i32
    %dma_wait3A_133 = tpu.memref_slice %arg3[%dma_wait3A_131, %dma_wait3A_132] : memref<10000x32xf32, #tpu.memory_space<hbm>> -> memref<10000x32xf32, #tpu.memory_space<hbm>>
    tpu.wait_indirect_dma semaphore(%arg37 : memref<!tpu.dma_semaphore, #tpu.memory_space<semaphore_mem>>) src(%dma_wait3A_133 : memref<10000x32xf32, #tpu.memory_space<hbm>>) dst(%arg17 : memref<40x32xf32, #tpu.memory_space<vmem>>)
    %dma_wait3A_134 = arith.constant 0 : i32
    %dma_wait3A_135 = tpu.memref_slice %arg7[%dma_wait3A_134, %mul3A_2] : memref<16x320000xf32, #tpu.memory_space<hbm>> -> memref<16x40xf32, #tpu.memory_space<hbm>>
    %dma_wait3A_136 = arith.constant 0 : i32
    %dma_wait3A_137 = tpu.memref_slice %arg7[%dma_wait3A_136, %mul3A_2] : memref<16x320000xf32, #tpu.memory_space<hbm>> -> memref<16x40xf32, #tpu.memory_space<hbm>>
    tpu.wait_dma2 semaphore(%arg39 : memref<!tpu.dma_semaphore, #tpu.memory_space<semaphore_mem>>) src(%dma_wait3A_137 : memref<16x40xf32, #tpu.memory_space<hbm>>) dst(%arg21 : memref<16x40xf32, #tpu.memory_space<vmem>>)
    %parallel_loop3A_138 = arith.constant 0 : i32
    %parallel_loop3A_139 = arith.constant 40 : i32
    %parallel_loop3A_140 = arith.constant 1 : i32
    scf.for %parallel_loop3A_181 = %parallel_loop3A_138 to %parallel_loop3A_139 step %parallel_loop3A_140  : i32 {
      %parallel_loop3A_182 = vector.broadcast %parallel_loop3A_181 : i32 to vector<16xi32>
      %parallel_loop3A_183 = tpu.vector_load_idx %arg27[%parallel_loop3A_182] : memref<40xf32, #tpu.memory_space<vmem>>[vector<16xi32>], vector<16xf32>,
      %parallel_loop3A_184 = arith.index_cast %parallel_loop3A_181 : i32 to index
      %parallel_loop3A_185 = arith.constant 0 : index
      %parallel_loop3A_186 = tpu.vector_load %arg15[%parallel_loop3A_184, %parallel_loop3A_185] {strides = array<i32>} : memref<40x32xf32, #tpu.memory_space<vmem>>, vector<16xf32>,
      %parallel_loop3A_187 = arith.index_cast %parallel_loop3A_181 : i32 to index
      %parallel_loop3A_188 = arith.constant 16 : index
      %parallel_loop3A_189 = tpu.vector_load %arg17[%parallel_loop3A_187, %parallel_loop3A_188] {strides = array<i32>} : memref<40x32xf32, #tpu.memory_space<vmem>>, vector<16xf32>,
      %parallel_loop3A_190 = arith.addf %parallel_loop3A_186, %parallel_loop3A_189 : vector<16xf32>
      %parallel_loop3A_191 = arith.addf %parallel_loop3A_190, %get3A_24 : vector<16xf32>
      %parallel_loop3A_192 = arith.mulf %parallel_loop3A_191, %parallel_loop3A_183 : vector<16xf32>
      tpu.vector_store_idx %arg23[%iota3A, %parallel_loop3A_182], %parallel_loop3A_192 : memref<16x40xf32, #tpu.memory_space<vmem>>[vector<16xi32>, vector<16xi32>], vector<16xf32>,
      %parallel_loop3A_193 = tpu.vector_load_idx %arg21[%iota3A, %parallel_loop3A_182] : memref<16x40xf32, #tpu.memory_space<vmem>>[vector<16xi32>, vector<16xi32>], vector<16xf32>,
      %parallel_loop3A_194 = arith.mulf %parallel_loop3A_193, %parallel_loop3A_183 : vector<16xf32>
      %parallel_loop3A_195 = arith.index_cast %parallel_loop3A_181 : i32 to index
      %parallel_loop3A_196 = arith.constant 0 : index
      %parallel_loop3A_197 = tpu.vector_load %arg19[%parallel_loop3A_195, %parallel_loop3A_196] {strides = array<i32>} : memref<40x32xf32, #tpu.memory_space<vmem>>, vector<16xf32>,
      tpu.vector_store %arg19[%parallel_loop3A_195, %parallel_loop3A_196], %parallel_loop3A_194 {strides = array<i32>} : memref<40x32xf32, #tpu.memory_space<vmem>>, vector<16xf32>,
      %parallel_loop3A_198 = arith.select %eq3A_18, %parallel_loop3A_183, %select_n3A : vector<16xi1>, vector<16xf32>
      %parallel_loop3A_199 = arith.index_cast %parallel_loop3A_181 : i32 to index
      %parallel_loop3A_200 = arith.constant 16 : index
      %parallel_loop3A_201 = tpu.vector_load %arg19[%parallel_loop3A_199, %parallel_loop3A_200] {strides = array<i32>} : memref<40x32xf32, #tpu.memory_space<vmem>>, vector<16xf32>,
      tpu.vector_store %arg19[%parallel_loop3A_199, %parallel_loop3A_200], %parallel_loop3A_198 {strides = array<i32>} : memref<40x32xf32, #tpu.memory_space<vmem>>, vector<16xf32>,
    } {sc.loop_unroll_factor = 8 : i64, sc.parallel_access}
    %dma_wait3A_141 = arith.constant 0 : i32
    %dma_wait3A_142 = arith.constant 0 : i32
    %dma_wait3A_143 = tpu.memref_slice %arg30[%dma_wait3A_141, %dma_wait3A_142] : memref<10000x128xf32, #tpu.memory_space<vmem_shared>> -> memref<10000x128xf32, #tpu.memory_space<vmem_shared>>
    tpu.wait_indirect_dma semaphore(%arg44 : memref<!tpu.dma_semaphore, #tpu.memory_space<semaphore_mem>>) src(%arg12 : memref<40x128xf32, #tpu.memory_space<vmem>>) dst(%dma_wait3A_143 : memref<10000x128xf32, #tpu.memory_space<vmem_shared>>)
    %dma_wait3A_144 = arith.constant 0 : i32
    %dma_wait3A_145 = arith.constant 0 : i32
    %dma_wait3A_146 = tpu.memref_slice %arg31[%dma_wait3A_144, %dma_wait3A_145] : memref<10000x32xf32, #tpu.memory_space<vmem_shared>> -> memref<10000x32xf32, #tpu.memory_space<vmem_shared>>
    tpu.wait_indirect_dma semaphore(%arg46 : memref<!tpu.dma_semaphore, #tpu.memory_space<semaphore_mem>>) src(%arg18 : memref<40x32xf32, #tpu.memory_space<vmem>>) dst(%dma_wait3A_146 : memref<10000x32xf32, #tpu.memory_space<vmem_shared>>)
    %dma_wait3A_147 = arith.constant 0 : i32
    %dma_wait3A_148 = tpu.memref_slice %arg11[%dma_wait3A_147, %mul3A_2] : memref<16x320000xf32, #tpu.memory_space<hbm>> -> memref<16x40xf32, #tpu.memory_space<hbm>>
    %dma_wait3A_149 = arith.constant 0 : i32
    %dma_wait3A_150 = tpu.memref_slice %arg11[%dma_wait3A_149, %mul3A_2] : memref<16x320000xf32, #tpu.memory_space<hbm>> -> memref<16x40xf32, #tpu.memory_space<hbm>>
    tpu.wait_dma2 semaphore(%arg48 : memref<!tpu.dma_semaphore, #tpu.memory_space<semaphore_mem>>) src(%arg22 : memref<16x40xf32, #tpu.memory_space<vmem>>) dst(%dma_wait3A_150 : memref<16x40xf32, #tpu.memory_space<hbm>>)
    %dma_start3A_151 = arith.constant 0 : i32
    %dma_start3A_152 = arith.constant 0 : i32
    %dma_start3A_153 = tpu.memref_slice %arg30[%dma_start3A_151, %dma_start3A_152] : memref<10000x128xf32, #tpu.memory_space<vmem_shared>> -> memref<10000x128xf32, #tpu.memory_space<vmem_shared>>
    tpu.enqueue_indirect_dma source(%arg13 : memref<40x128xf32, #tpu.memory_space<vmem>>) target(%dma_start3A_153 : memref<10000x128xf32, #tpu.memory_space<vmem_shared>>) offsets(%arg25 : memref<40xi32, #tpu.memory_space<vmem>>) semaphore(%arg45 : memref<!tpu.dma_semaphore, #tpu.memory_space<semaphore_mem>>) {add = true}
    %dma_start3A_154 = arith.constant 0 : i32
    %dma_start3A_155 = arith.constant 0 : i32
    %dma_start3A_156 = tpu.memref_slice %arg31[%dma_start3A_154, %dma_start3A_155] : memref<10000x32xf32, #tpu.memory_space<vmem_shared>> -> memref<10000x32xf32, #tpu.memory_space<vmem_shared>>
    tpu.enqueue_indirect_dma source(%arg19 : memref<40x32xf32, #tpu.memory_space<vmem>>) target(%dma_start3A_156 : memref<10000x32xf32, #tpu.memory_space<vmem_shared>>) offsets(%arg25 : memref<40xi32, #tpu.memory_space<vmem>>) semaphore(%arg47 : memref<!tpu.dma_semaphore, #tpu.memory_space<semaphore_mem>>) {add = true}
    %add3A_157 = arith.constant 9960 : i32
    %add3A_158 = arith.addi %mul3A_2, %add3A_157 : i32
    %dma_start3A_159 = arith.constant 0 : i32
    %dma_start3A_160 = tpu.memref_slice %arg11[%dma_start3A_159, %add3A_158] : memref<16x320000xf32, #tpu.memory_space<hbm>> -> memref<16x40xf32, #tpu.memory_space<hbm>>
    %dma_start3A_161 = arith.constant 0 : i32
    %dma_start3A_162 = tpu.memref_slice %arg11[%dma_start3A_161, %add3A_158] : memref<16x320000xf32, #tpu.memory_space<hbm>> -> memref<16x40xf32, #tpu.memory_space<hbm>>
    tpu.enqueue_dma source(%arg23 : memref<16x40xf32, #tpu.memory_space<vmem>>) target(%dma_start3A_162 : memref<16x40xf32, #tpu.memory_space<hbm>>) target_semaphore(%arg49 : memref<!tpu.dma_semaphore, #tpu.memory_space<semaphore_mem>>)
    %dma_wait3A_163 = arith.constant 0 : i32
    %dma_wait3A_164 = arith.constant 0 : i32
    %dma_wait3A_165 = tpu.memref_slice %arg30[%dma_wait3A_163, %dma_wait3A_164] : memref<10000x128xf32, #tpu.memory_space<vmem_shared>> -> memref<10000x128xf32, #tpu.memory_space<vmem_shared>>
    tpu.wait_indirect_dma semaphore(%arg45 : memref<!tpu.dma_semaphore, #tpu.memory_space<semaphore_mem>>) src(%arg13 : memref<40x128xf32, #tpu.memory_space<vmem>>) dst(%dma_wait3A_165 : memref<10000x128xf32, #tpu.memory_space<vmem_shared>>)
    %dma_wait3A_166 = arith.constant 0 : i32
    %dma_wait3A_167 = arith.constant 0 : i32
    %dma_wait3A_168 = tpu.memref_slice %arg31[%dma_wait3A_166, %dma_wait3A_167] : memref<10000x32xf32, #tpu.memory_space<vmem_shared>> -> memref<10000x32xf32, #tpu.memory_space<vmem_shared>>
    tpu.wait_indirect_dma semaphore(%arg47 : memref<!tpu.dma_semaphore, #tpu.memory_space<semaphore_mem>>) src(%arg19 : memref<40x32xf32, #tpu.memory_space<vmem>>) dst(%dma_wait3A_168 : memref<10000x32xf32, #tpu.memory_space<vmem_shared>>)
    %dma_wait3A_169 = arith.constant 0 : i32
    %dma_wait3A_170 = tpu.memref_slice %arg11[%dma_wait3A_169, %mul3A_2] : memref<16x320000xf32, #tpu.memory_space<hbm>> -> memref<16x40xf32, #tpu.memory_space<hbm>>
    %dma_wait3A_171 = arith.constant 0 : i32
    %dma_wait3A_172 = tpu.memref_slice %arg11[%dma_wait3A_171, %mul3A_2] : memref<16x320000xf32, #tpu.memory_space<hbm>> -> memref<16x40xf32, #tpu.memory_space<hbm>>
    tpu.wait_dma2 semaphore(%arg49 : memref<!tpu.dma_semaphore, #tpu.memory_space<semaphore_mem>>) src(%arg23 : memref<16x40xf32, #tpu.memory_space<vmem>>) dst(%dma_wait3A_172 : memref<16x40xf32, #tpu.memory_space<hbm>>)
    %barrier3A_173 = arith.constant 0 : index
    tpu.barrier barrier_id(%barrier3A_173)
    %scan3A_174 = arith.constant 0 : i32
    %scan3A_175 = arith.constant 0 : i32
    %scan3A_176 = arith.constant 16 : i32
    %scan3A_177 = arith.addi %scan3A_175, %scan3A_176 : i32
    %scan3A_178 = arith.constant 1 : i32
    %scan3A_179 = scf.for %scan3A_181 = %scan3A_175 to %scan3A_177 step %scan3A_178 iter_args(%scan3A_182 = %scan3A_174) -> (i32)  : i32 {
      %mul3A_183 = arith.constant 16 : i32
      %mul3A_184 = arith.muli %scan3A_181, %mul3A_183 : i32
      %add3A_185 = arith.addi %arg1, %mul3A_184 : i32
      %mul3A_186 = arith.constant 40 : i32
      %mul3A_187 = arith.muli %add3A_185, %mul3A_186 : i32
      %lt3A = arith.constant 10000 : i32
      %lt3A_188 = arith.cmpi slt, %mul3A_187, %lt3A : i32
      %convert_element_type3A = arith.extui %lt3A_188 : i1 to i32
      %cond3A = arith.constant 0 : i32
      %cond3A_189 = arith.cmpi ne, %convert_element_type3A, %cond3A : i32
      scf.if %cond3A_189 {
        %mul3A_191 = arith.constant 40 : i32
        %mul3A_192 = arith.muli %add3A_185, %mul3A_191 : i32
        %mul3A_193 = arith.constant 40 : i32
        %mul3A_194 = arith.muli %add3A_185, %mul3A_193 : i32
        "tpu.region"() ({
          %run_scoped3A = tpu.sem_alloc : memref<!tpu.dma_semaphore, #tpu.memory_space<semaphore_mem>>
          %dma_start3A_199 = arith.constant 0 : i32
          %dma_start3A_200 = tpu.memref_slice %arg9[%arg0, %mul3A_194, %dma_start3A_199] : memref<2x10000x128xf32, #tpu.memory_space<hbm>> -> memref<1x40x128xf32, #tpu.memory_space<hbm>>
          %dma_start3A_201 = tpu.memref_squeeze %dma_start3A_200 : memref<1x40x128xf32, #tpu.memory_space<hbm>> -> memref<40x128xf32, #tpu.memory_space<hbm>>
          %dma_start3A_202 = arith.constant 0 : i32
          %dma_start3A_203 = tpu.memref_slice %arg30[%mul3A_192, %dma_start3A_202] : memref<10000x128xf32, #tpu.memory_space<vmem_shared>> -> memref<40x128xf32, #tpu.memory_space<vmem_shared>>
          tpu.enqueue_dma source(%dma_start3A_203 : memref<40x128xf32, #tpu.memory_space<vmem_shared>>) target(%dma_start3A_201 : memref<40x128xf32, #tpu.memory_space<hbm>>) target_semaphore(%run_scoped3A : memref<!tpu.dma_semaphore, #tpu.memory_space<semaphore_mem>>)
          %dma_wait3A_204 = arith.constant 0 : i32
          %dma_wait3A_205 = tpu.memref_slice %arg9[%arg0, %mul3A_194, %dma_wait3A_204] : memref<2x10000x128xf32, #tpu.memory_space<hbm>> -> memref<1x40x128xf32, #tpu.memory_space<hbm>>
          %dma_wait3A_206 = tpu.memref_squeeze %dma_wait3A_205 : memref<1x40x128xf32, #tpu.memory_space<hbm>> -> memref<40x128xf32, #tpu.memory_space<hbm>>
          %dma_wait3A_207 = arith.constant 0 : i32
          %dma_wait3A_208 = tpu.memref_slice %arg30[%mul3A_192, %dma_wait3A_207] : memref<10000x128xf32, #tpu.memory_space<vmem_shared>> -> memref<40x128xf32, #tpu.memory_space<vmem_shared>>
          tpu.wait_dma2 semaphore(%run_scoped3A : memref<!tpu.dma_semaphore, #tpu.memory_space<semaphore_mem>>) src(%dma_wait3A_208 : memref<40x128xf32, #tpu.memory_space<vmem_shared>>) dst(%dma_wait3A_206 : memref<40x128xf32, #tpu.memory_space<hbm>>)
          tpu.yield
        }) : () -> ()
        %mul3A_195 = arith.constant 40 : i32
        %mul3A_196 = arith.muli %add3A_185, %mul3A_195 : i32
        %mul3A_197 = arith.constant 40 : i32
        %mul3A_198 = arith.muli %add3A_185, %mul3A_197 : i32
        "tpu.region"() ({
          %run_scoped3A = tpu.sem_alloc : memref<!tpu.dma_semaphore, #tpu.memory_space<semaphore_mem>>
          %dma_start3A_199 = arith.constant 0 : i32
          %dma_start3A_200 = tpu.memref_slice %arg10[%arg0, %mul3A_198, %dma_start3A_199] : memref<2x10000x32xf32, #tpu.memory_space<hbm>> -> memref<1x40x32xf32, #tpu.memory_space<hbm>>
          %dma_start3A_201 = tpu.memref_squeeze %dma_start3A_200 : memref<1x40x32xf32, #tpu.memory_space<hbm>> -> memref<40x32xf32, #tpu.memory_space<hbm>>
          %dma_start3A_202 = arith.constant 0 : i32
          %dma_start3A_203 = tpu.memref_slice %arg31[%mul3A_196, %dma_start3A_202] : memref<10000x32xf32, #tpu.memory_space<vmem_shared>> -> memref<40x32xf32, #tpu.memory_space<vmem_shared>>
          tpu.enqueue_dma source(%dma_start3A_203 : memref<40x32xf32, #tpu.memory_space<vmem_shared>>) target(%dma_start3A_201 : memref<40x32xf32, #tpu.memory_space<hbm>>) target_semaphore(%run_scoped3A : memref<!tpu.dma_semaphore, #tpu.memory_space<semaphore_mem>>)
          %dma_wait3A_204 = arith.constant 0 : i32
          %dma_wait3A_205 = tpu.memref_slice %arg10[%arg0, %mul3A_198, %dma_wait3A_204] : memref<2x10000x32xf32, #tpu.memory_space<hbm>> -> memref<1x40x32xf32, #tpu.memory_space<hbm>>
          %dma_wait3A_206 = tpu.memref_squeeze %dma_wait3A_205 : memref<1x40x32xf32, #tpu.memory_space<hbm>> -> memref<40x32xf32, #tpu.memory_space<hbm>>
          %dma_wait3A_207 = arith.constant 0 : i32
          %dma_wait3A_208 = tpu.memref_slice %arg31[%mul3A_196, %dma_wait3A_207] : memref<10000x32xf32, #tpu.memory_space<vmem_shared>> -> memref<40x32xf32, #tpu.memory_space<vmem_shared>>
          tpu.wait_dma2 semaphore(%run_scoped3A : memref<!tpu.dma_semaphore, #tpu.memory_space<semaphore_mem>>) src(%dma_wait3A_208 : memref<40x32xf32, #tpu.memory_space<vmem_shared>>) dst(%dma_wait3A_206 : memref<40x32xf32, #tpu.memory_space<hbm>>)
          tpu.yield
        }) : () -> ()
      } else {
      }
      %scan3A_190 = arith.constant 0 : i32
      scf.yield %scan3A_190 : i32
    }
    %scan3A_180 = arith.constant 16 : i32
    return
  }
}

module attributes {stable_mosaic.version = 14 : i64} {
  func.func @_pre_body(%arg0: i32, %arg1: memref<1000x128xf32, #tpu.memory_space<vmem>>, %arg2: memref<128x160xf32, #tpu.memory_space<vmem>>, %arg3: memref<1x16xf32, #tpu.memory_space<vmem>>, %arg4: memref<16x16xf32, #tpu.memory_space<vmem>>, %arg5: memref<16x128xf32, #tpu.memory_space<vmem>>, %arg6: memref<16x16xf32, #tpu.memory_space<vmem>>, %arg7: memref<1x16xf32, #tpu.memory_space<vmem>>, %arg8: memref<1000x128xf32, #tpu.memory_space<vmem>>, %arg9: memref<1000x32xf32, #tpu.memory_space<vmem>>, %arg10: memref<1x16xf32, #tpu.memory_space<vmem>>, %arg11: memref<1x128xf32, #tpu.memory_space<vmem>>, %arg12: memref<1x16xf32, #tpu.memory_space<vmem>>) attributes {dimension_semantics = [#tpu.dimension_semantics<arbitrary>], iteration_bounds = array<i64: 10>, scalar_prefetch = 0 : i64, scratch_operands = 0 : i64, tpu.core_type = #tpu.core_type<tc>, window_params = [{transform_indices = @transform_0, window_bounds = array<i64: 1000, 128>}, {pipeline_mode = #tpu.pipeline_mode<synchronous>, transform_indices = @transform_1, window_bounds = array<i64: 128, 160>}, {pipeline_mode = #tpu.pipeline_mode<synchronous>, transform_indices = @transform_2, window_bounds = array<i64: 1, 16>}, {pipeline_mode = #tpu.pipeline_mode<synchronous>, transform_indices = @transform_3, window_bounds = array<i64: 16, 16>}, {pipeline_mode = #tpu.pipeline_mode<synchronous>, transform_indices = @transform_4, window_bounds = array<i64: 16, 128>}, {pipeline_mode = #tpu.pipeline_mode<synchronous>, transform_indices = @transform_5, window_bounds = array<i64: 16, 16>}, {pipeline_mode = #tpu.pipeline_mode<synchronous>, transform_indices = @transform_6, window_bounds = array<i64: 1, 16>}, {transform_indices = @transform_7, window_bounds = array<i64: 1000, 128>}, {transform_indices = @transform_8, window_bounds = array<i64: 1000, 32>}, {pipeline_mode = #tpu.pipeline_mode<synchronous>, transform_indices = @transform_9, window_bounds = array<i64: 1, 16>}, {pipeline_mode = #tpu.pipeline_mode<synchronous>, transform_indices = @transform_10, window_bounds = array<i64: 1, 128>}, {pipeline_mode = #tpu.pipeline_mode<synchronous>, transform_indices = @transform_11, window_bounds = array<i64: 1, 16>}]} {
    %get3A = arith.constant 0 : index
    %get3A_0 = arith.constant 0 : index
    %get3A_1 = vector.load %arg1[%get3A, %get3A_0] : memref<1000x128xf32, #tpu.memory_space<vmem>>, vector<1000x128xf32>
    %get3A_2 = arith.constant 0 : index
    %get3A_3 = arith.constant 0 : index
    %get3A_4 = vector.load %arg2[%get3A_2, %get3A_3] : memref<128x160xf32, #tpu.memory_space<vmem>>, vector<128x160xf32>
    %dot_general3A = arith.constant dense<0.000000e+00> : vector<1000x160xf32>
    %dot_general3A_5 = tpu.matmul %get3A_1, %get3A_4, %dot_general3A {dimension_numbers = #tpu.dot_dimension_numbers<[1], [0], [0], [1], [0, 0, 1, 1], [], []>, transpose_lhs_hint = false} : vector<1000x128xf32>, vector<128x160xf32>, vector<1000x160xf32> -> vector<1000x160xf32>
    %slice3A = vector.extract_strided_slice %dot_general3A_5 {offsets = [0, 0], sizes = [1000, 128], strides = [1, 1]} : vector<1000x160xf32> to vector<1000x128xf32>
    %swap3A = arith.constant 0 : index
    %swap3A_6 = arith.constant 0 : index
    %swap3A_7 = vector.load %arg8[%swap3A, %swap3A_6] : memref<1000x128xf32, #tpu.memory_space<vmem>>, vector<1000x128xf32>
    tpu.vector_store %arg8[%swap3A, %swap3A_6], %slice3A {strides = array<i32>} : memref<1000x128xf32, #tpu.memory_space<vmem>>, vector<1000x128xf32>,
    %slice3A_8 = vector.extract_strided_slice %dot_general3A_5 {offsets = [0, 128], sizes = [1000, 32], strides = [1, 1]} : vector<1000x160xf32> to vector<1000x32xf32>
    %swap3A_9 = arith.constant 0 : index
    %swap3A_10 = arith.constant 0 : index
    %swap3A_11 = vector.load %arg9[%swap3A_9, %swap3A_10] : memref<1000x32xf32, #tpu.memory_space<vmem>>, vector<1000x32xf32>
    tpu.vector_store %arg9[%swap3A_9, %swap3A_10], %slice3A_8 {strides = array<i32>} : memref<1000x32xf32, #tpu.memory_space<vmem>>, vector<1000x32xf32>,
    %get3A_12 = arith.constant 0 : index
    %get3A_13 = arith.constant 0 : index
    %get3A_14 = vector.load %arg3[%get3A_12, %get3A_13] : memref<1x16xf32, #tpu.memory_space<vmem>>, vector<1x16xf32>
    %get3A_15 = arith.constant 0 : index
    %get3A_16 = arith.constant 0 : index
    %get3A_17 = vector.load %arg4[%get3A_15, %get3A_16] : memref<16x16xf32, #tpu.memory_space<vmem>>, vector<16x16xf32>
    %dot_general3A_18 = arith.constant dense<0.000000e+00> : vector<1x16xf32>
    %dot_general3A_19 = tpu.matmul %get3A_14, %get3A_17, %dot_general3A_18 {dimension_numbers = #tpu.dot_dimension_numbers<[1], [0], [0], [1], [0, 0, 1, 1], [], []>, transpose_lhs_hint = false} : vector<1x16xf32>, vector<16x16xf32>, vector<1x16xf32> -> vector<1x16xf32>
    %swap3A_20 = arith.constant 0 : index
    %swap3A_21 = arith.constant 0 : index
    %swap3A_22 = vector.load %arg10[%swap3A_20, %swap3A_21] : memref<1x16xf32, #tpu.memory_space<vmem>>, vector<1x16xf32>
    tpu.vector_store %arg10[%swap3A_20, %swap3A_21], %dot_general3A_19 {strides = array<i32>} : memref<1x16xf32, #tpu.memory_space<vmem>>, vector<1x16xf32>,
    %get3A_23 = arith.constant 0 : index
    %get3A_24 = arith.constant 0 : index
    %get3A_25 = vector.load %arg5[%get3A_23, %get3A_24] : memref<16x128xf32, #tpu.memory_space<vmem>>, vector<16x128xf32>
    %dot_general3A_26 = arith.constant dense<0.000000e+00> : vector<1x128xf32>
    %dot_general3A_27 = tpu.matmul %get3A_14, %get3A_25, %dot_general3A_26 {dimension_numbers = #tpu.dot_dimension_numbers<[1], [0], [0], [1], [0, 0, 1, 1], [], []>, transpose_lhs_hint = false} : vector<1x16xf32>, vector<16x128xf32>, vector<1x128xf32> -> vector<1x128xf32>
    %swap3A_28 = arith.constant 0 : index
    %swap3A_29 = arith.constant 0 : index
    %swap3A_30 = vector.load %arg11[%swap3A_28, %swap3A_29] : memref<1x128xf32, #tpu.memory_space<vmem>>, vector<1x128xf32>
    tpu.vector_store %arg11[%swap3A_28, %swap3A_29], %dot_general3A_27 {strides = array<i32>} : memref<1x128xf32, #tpu.memory_space<vmem>>, vector<1x128xf32>,
    %get3A_31 = arith.constant 0 : index
    %get3A_32 = arith.constant 0 : index
    %get3A_33 = vector.load %arg6[%get3A_31, %get3A_32] : memref<16x16xf32, #tpu.memory_space<vmem>>, vector<16x16xf32>
    %dot_general3A_34 = arith.constant dense<0.000000e+00> : vector<1x16xf32>
    %dot_general3A_35 = tpu.matmul %get3A_14, %get3A_33, %dot_general3A_34 {dimension_numbers = #tpu.dot_dimension_numbers<[1], [0], [0], [1], [0, 0, 1, 1], [], []>, transpose_lhs_hint = false} : vector<1x16xf32>, vector<16x16xf32>, vector<1x16xf32> -> vector<1x16xf32>
    %get3A_36 = arith.constant 0 : index
    %get3A_37 = arith.constant 0 : index
    %get3A_38 = vector.load %arg7[%get3A_36, %get3A_37] : memref<1x16xf32, #tpu.memory_space<vmem>>, vector<1x16xf32>
    %add3A = arith.addf %dot_general3A_35, %get3A_38 : vector<1x16xf32>
    %swap3A_39 = arith.constant 0 : index
    %swap3A_40 = arith.constant 0 : index
    %swap3A_41 = vector.load %arg12[%swap3A_39, %swap3A_40] : memref<1x16xf32, #tpu.memory_space<vmem>>, vector<1x16xf32>
    tpu.vector_store %arg12[%swap3A_39, %swap3A_40], %add3A {strides = array<i32>} : memref<1x16xf32, #tpu.memory_space<vmem>>, vector<1x16xf32>,
    return
  }
  func.func @transform_0(%arg0: i32) -> (i32, i32) {
    %c0_i32 = arith.constant 0 : i32
    %c0_i32_0 = arith.constant 0 : i32
    return %arg0, %c0_i32 : i32, i32
  }
  func.func @transform_1(%arg0: i32) -> (i32, i32) {
    %c0_i32 = arith.constant 0 : i32
    %c0_i32_0 = arith.constant 0 : i32
    %c0_i32_1 = arith.constant 0 : i32
    return %c0_i32, %c0_i32_0 : i32, i32
  }
  func.func @transform_2(%arg0: i32) -> (i32, i32) {
    %c0_i32 = arith.constant 0 : i32
    %c0_i32_0 = arith.constant 0 : i32
    %c0_i32_1 = arith.constant 0 : i32
    return %c0_i32, %c0_i32_0 : i32, i32
  }
  func.func @transform_3(%arg0: i32) -> (i32, i32) {
    %c0_i32 = arith.constant 0 : i32
    %c0_i32_0 = arith.constant 0 : i32
    %c0_i32_1 = arith.constant 0 : i32
    return %c0_i32, %c0_i32_0 : i32, i32
  }
  func.func @transform_4(%arg0: i32) -> (i32, i32) {
    %c0_i32 = arith.constant 0 : i32
    %c0_i32_0 = arith.constant 0 : i32
    %c0_i32_1 = arith.constant 0 : i32
    return %c0_i32, %c0_i32_0 : i32, i32
  }
  func.func @transform_5(%arg0: i32) -> (i32, i32) {
    %c0_i32 = arith.constant 0 : i32
    %c0_i32_0 = arith.constant 0 : i32
    %c0_i32_1 = arith.constant 0 : i32
    return %c0_i32, %c0_i32_0 : i32, i32
  }
  func.func @transform_6(%arg0: i32) -> (i32, i32) {
    %c0_i32 = arith.constant 0 : i32
    %c0_i32_0 = arith.constant 0 : i32
    %c0_i32_1 = arith.constant 0 : i32
    return %c0_i32, %c0_i32_0 : i32, i32
  }
  func.func @transform_7(%arg0: i32) -> (i32, i32) {
    %c0_i32 = arith.constant 0 : i32
    %c0_i32_0 = arith.constant 0 : i32
    return %arg0, %c0_i32 : i32, i32
  }
  func.func @transform_8(%arg0: i32) -> (i32, i32) {
    %c0_i32 = arith.constant 0 : i32
    %c0_i32_0 = arith.constant 0 : i32
    return %arg0, %c0_i32 : i32, i32
  }
  func.func @transform_9(%arg0: i32) -> (i32, i32) {
    %c0_i32 = arith.constant 0 : i32
    %c0_i32_0 = arith.constant 0 : i32
    %c0_i32_1 = arith.constant 0 : i32
    return %c0_i32, %c0_i32_0 : i32, i32
  }
  func.func @transform_10(%arg0: i32) -> (i32, i32) {
    %c0_i32 = arith.constant 0 : i32
    %c0_i32_0 = arith.constant 0 : i32
    %c0_i32_1 = arith.constant 0 : i32
    return %c0_i32, %c0_i32_0 : i32, i32
  }
  func.func @transform_11(%arg0: i32) -> (i32, i32) {
    %c0_i32 = arith.constant 0 : i32
    %c0_i32_0 = arith.constant 0 : i32
    %c0_i32_1 = arith.constant 0 : i32
    return %c0_i32, %c0_i32_0 : i32, i32
  }
}

module attributes {stable_mosaic.version = 14 : i64} {
  func.func @_edge_post_body(%arg0: i32, %arg1: memref<16x16000xf32, #tpu.memory_space<vmem>>, %arg2: memref<1x16000xf32, #tpu.memory_space<vmem>>, %arg3: memref<16x16xf32, #tpu.memory_space<vmem>>, %arg4: memref<16x1xf32, #tpu.memory_space<vmem>>, %arg5: memref<16x16000xf32, #tpu.memory_space<vmem>>) attributes {dimension_semantics = [#tpu.dimension_semantics<arbitrary>], iteration_bounds = array<i64: 20>, scalar_prefetch = 0 : i64, scratch_operands = 0 : i64, tpu.core_type = #tpu.core_type<tc>, window_params = [{transform_indices = @transform_0, window_bounds = array<i64: 16, 16000>}, {transform_indices = @transform_1, window_bounds = array<i64: 1, 16000>}, {pipeline_mode = #tpu.pipeline_mode<synchronous>, transform_indices = @transform_2, window_bounds = array<i64: 16, 16>}, {pipeline_mode = #tpu.pipeline_mode<synchronous>, transform_indices = @transform_3, window_bounds = array<i64: 16, 1>}, {transform_indices = @transform_4, window_bounds = array<i64: 16, 16000>}]} {
    %get3A = arith.constant 0 : index
    %get3A_0 = arith.constant 0 : index
    %get3A_1 = vector.load %arg2[%get3A, %get3A_0] : memref<1x16000xf32, #tpu.memory_space<vmem>>, vector<1x16000xf32>
    %get3A_2 = arith.constant 0 : index
    %get3A_3 = arith.constant 0 : index
    %get3A_4 = vector.load %arg1[%get3A_2, %get3A_3] : memref<16x16000xf32, #tpu.memory_space<vmem>>, vector<16x16000xf32>
    %mul3A = vector.broadcast %get3A_1 : vector<1x16000xf32> to vector<16x16000xf32>
    %mul3A_5 = arith.mulf %mul3A, %get3A_4 : vector<16x16000xf32>
    %get3A_6 = arith.constant 0 : index
    %get3A_7 = arith.constant 0 : index
    %get3A_8 = vector.load %arg3[%get3A_6, %get3A_7] : memref<16x16xf32, #tpu.memory_space<vmem>>, vector<16x16xf32>
    %dot_general3A = arith.constant dense<0.000000e+00> : vector<16x16000xf32>
    %dot_general3A_9 = tpu.matmul %get3A_8, %mul3A_5, %dot_general3A {dimension_numbers = #tpu.dot_dimension_numbers<[1], [0], [0], [1], [0, 0, 1, 1], [], []>, transpose_lhs_hint = false} : vector<16x16xf32>, vector<16x16000xf32>, vector<16x16000xf32> -> vector<16x16000xf32>
    %get3A_10 = arith.constant 0 : index
    %get3A_11 = arith.constant 0 : index
    %get3A_12 = vector.load %arg4[%get3A_10, %get3A_11] : memref<16x1xf32, #tpu.memory_space<vmem>>, vector<16x1xf32>
    %add3A = vector.broadcast %get3A_12 : vector<16x1xf32> to vector<16x16000xf32>
    %add3A_13 = arith.addf %dot_general3A_9, %add3A : vector<16x16000xf32>
    %swap3A = arith.constant 0 : index
    %swap3A_14 = arith.constant 0 : index
    %swap3A_15 = vector.load %arg5[%swap3A, %swap3A_14] : memref<16x16000xf32, #tpu.memory_space<vmem>>, vector<16x16000xf32>
    tpu.vector_store %arg5[%swap3A, %swap3A_14], %add3A_13 {strides = array<i32>} : memref<16x16000xf32, #tpu.memory_space<vmem>>, vector<16x16000xf32>,
    return
  }
  func.func @transform_0(%arg0: i32) -> (i32, i32) {
    %c0_i32 = arith.constant 0 : i32
    %c0_i32_0 = arith.constant 0 : i32
    return %c0_i32, %arg0 : i32, i32
  }
  func.func @transform_1(%arg0: i32) -> (i32, i32) {
    %c0_i32 = arith.constant 0 : i32
    %c0_i32_0 = arith.constant 0 : i32
    return %c0_i32, %arg0 : i32, i32
  }
  func.func @transform_2(%arg0: i32) -> (i32, i32) {
    %c0_i32 = arith.constant 0 : i32
    %c0_i32_0 = arith.constant 0 : i32
    %c0_i32_1 = arith.constant 0 : i32
    return %c0_i32, %c0_i32_0 : i32, i32
  }
  func.func @transform_3(%arg0: i32) -> (i32, i32) {
    %c0_i32 = arith.constant 0 : i32
    %c0_i32_0 = arith.constant 0 : i32
    %c0_i32_1 = arith.constant 0 : i32
    return %c0_i32, %c0_i32_0 : i32, i32
  }
  func.func @transform_4(%arg0: i32) -> (i32, i32) {
    %c0_i32 = arith.constant 0 : i32
    %c0_i32_0 = arith.constant 0 : i32
    return %c0_i32, %arg0 : i32, i32
  }
}

module attributes {stable_mosaic.version = 14 : i64} {
  func.func @_node_post_body(%arg0: i32, %arg1: memref<2x1000x128xf32, #tpu.memory_space<vmem>>, %arg2: memref<2x1000x32xf32, #tpu.memory_space<vmem>>, %arg3: memref<1000x128xf32, #tpu.memory_space<vmem>>, %arg4: memref<16x128xf32, #tpu.memory_space<vmem>>, %arg5: memref<128x128xf32, #tpu.memory_space<vmem>>, %arg6: memref<1x128xf32, #tpu.memory_space<vmem>>, %arg7: memref<1x128xf32, #tpu.memory_space<vmem>>, %arg8: memref<1x16xf32, #tpu.memory_space<vmem>>, %arg9: memref<128x16xf32, #tpu.memory_space<vmem>>, %arg10: memref<1x16xf32, #tpu.memory_space<vmem>>, %arg11: memref<16x16xf32, #tpu.memory_space<vmem>>, %arg12: memref<1x16xf32, #tpu.memory_space<vmem>>, %arg13: memref<48x16xf32, #tpu.memory_space<vmem>>, %arg14: memref<1x16xf32, #tpu.memory_space<vmem>>, %arg15: memref<1000x128xf32, #tpu.memory_space<vmem>>, %arg16: memref<1x16xf32, #tpu.memory_space<vmem>>, %arg17: memref<1x128xf32, #tpu.memory_space<vmem>>, %arg18: memref<1x16xf32, #tpu.memory_space<vmem>>) attributes {dimension_semantics = [#tpu.dimension_semantics<arbitrary>], iteration_bounds = array<i64: 10>, scalar_prefetch = 0 : i64, scratch_operands = 2 : i64, tpu.core_type = #tpu.core_type<tc>, window_params = [{transform_indices = @transform_0, window_bounds = array<i64: 2, 1000, 128>}, {transform_indices = @transform_1, window_bounds = array<i64: 2, 1000, 32>}, {transform_indices = @transform_2, window_bounds = array<i64: 1000, 128>}, {pipeline_mode = #tpu.pipeline_mode<synchronous>, transform_indices = @transform_3, window_bounds = array<i64: 16, 128>}, {pipeline_mode = #tpu.pipeline_mode<synchronous>, transform_indices = @transform_4, window_bounds = array<i64: 128, 128>}, {pipeline_mode = #tpu.pipeline_mode<synchronous>, transform_indices = @transform_5, window_bounds = array<i64: 1, 128>}, {pipeline_mode = #tpu.pipeline_mode<synchronous>, transform_indices = @transform_6, window_bounds = array<i64: 1, 128>}, {pipeline_mode = #tpu.pipeline_mode<synchronous>, transform_indices = @transform_7, window_bounds = array<i64: 1, 16>}, {pipeline_mode = #tpu.pipeline_mode<synchronous>, transform_indices = @transform_8, window_bounds = array<i64: 128, 16>}, {pipeline_mode = #tpu.pipeline_mode<synchronous>, transform_indices = @transform_9, window_bounds = array<i64: 1, 16>}, {pipeline_mode = #tpu.pipeline_mode<synchronous>, transform_indices = @transform_10, window_bounds = array<i64: 16, 16>}, {pipeline_mode = #tpu.pipeline_mode<synchronous>, transform_indices = @transform_11, window_bounds = array<i64: 1, 16>}, {pipeline_mode = #tpu.pipeline_mode<synchronous>, transform_indices = @transform_12, window_bounds = array<i64: 48, 16>}, {pipeline_mode = #tpu.pipeline_mode<synchronous>, transform_indices = @transform_13, window_bounds = array<i64: 1, 16>}, {transform_indices = @transform_14, window_bounds = array<i64: 1000, 128>}, {pipeline_mode = #tpu.pipeline_mode<synchronous>, transform_indices = @transform_15, window_bounds = array<i64: 1, 16>}]} {
    %get3A = arith.constant 0 : index
    %get3A_0 = arith.constant 0 : index
    %get3A_1 = arith.constant 0 : index
    %get3A_2 = vector.load %arg1[%get3A, %get3A_0, %get3A_1] : memref<2x1000x128xf32, #tpu.memory_space<vmem>>, vector<1x1000x128xf32>
    %get3A_3 = vector.shape_cast %get3A_2 : vector<1x1000x128xf32> to vector<1000x128xf32>
    %get3A_4 = arith.constant 1 : index
    %get3A_5 = arith.constant 0 : index
    %get3A_6 = arith.constant 0 : index
    %get3A_7 = vector.load %arg1[%get3A_4, %get3A_5, %get3A_6] : memref<2x1000x128xf32, #tpu.memory_space<vmem>>, vector<1x1000x128xf32>
    %get3A_8 = vector.shape_cast %get3A_7 : vector<1x1000x128xf32> to vector<1000x128xf32>
    %add3A = arith.addf %get3A_3, %get3A_8 : vector<1000x128xf32>
    %get3A_9 = arith.constant 0 : index
    %get3A_10 = arith.constant 0 : index
    %get3A_11 = arith.constant 0 : index
    %get3A_12 = vector.load %arg2[%get3A_9, %get3A_10, %get3A_11] : memref<2x1000x32xf32, #tpu.memory_space<vmem>>, vector<1x1000x32xf32>
    %get3A_13 = vector.shape_cast %get3A_12 : vector<1x1000x32xf32> to vector<1000x32xf32>
    %get3A_14 = arith.constant 1 : index
    %get3A_15 = arith.constant 0 : index
    %get3A_16 = arith.constant 0 : index
    %get3A_17 = vector.load %arg2[%get3A_14, %get3A_15, %get3A_16] : memref<2x1000x32xf32, #tpu.memory_space<vmem>>, vector<1x1000x32xf32>
    %get3A_18 = vector.shape_cast %get3A_17 : vector<1x1000x32xf32> to vector<1000x32xf32>
    %add3A_19 = arith.addf %get3A_13, %get3A_18 : vector<1000x32xf32>
    %slice3A = vector.extract_strided_slice %add3A_19 {offsets = [0, 0], sizes = [1000, 16], strides = [1, 1]} : vector<1000x32xf32> to vector<1000x16xf32>
    %slice3A_20 = vector.extract_strided_slice %add3A_19 {offsets = [0, 16], sizes = [1000, 1], strides = [1, 1]} : vector<1000x32xf32> to vector<1000x1xf32>
    %slice3A_21 = vector.extract_strided_slice %add3A_19 {offsets = [0, 17], sizes = [1000, 1], strides = [1, 1]} : vector<1000x32xf32> to vector<1000x1xf32>
    %get3A_22 = arith.constant 0 : index
    %get3A_23 = arith.constant 0 : index
    %get3A_24 = vector.load %arg3[%get3A_22, %get3A_23] : memref<1000x128xf32, #tpu.memory_space<vmem>>, vector<1000x128xf32>
    %get3A_25 = arith.constant 0 : index
    %get3A_26 = arith.constant 0 : index
    %get3A_27 = vector.load %arg4[%get3A_25, %get3A_26] : memref<16x128xf32, #tpu.memory_space<vmem>>, vector<16x128xf32>
    %dot_general3A = arith.constant dense<0.000000e+00> : vector<1000x128xf32>
    %dot_general3A_28 = tpu.matmul %slice3A, %get3A_27, %dot_general3A {dimension_numbers = #tpu.dot_dimension_numbers<[1], [0], [0], [1], [0, 0, 1, 1], [], []>, transpose_lhs_hint = false} : vector<1000x16xf32>, vector<16x128xf32>, vector<1000x128xf32> -> vector<1000x128xf32>
    %add3A_29 = arith.addf %add3A, %dot_general3A_28 : vector<1000x128xf32>
    %mul3A = vector.broadcast %slice3A_20 : vector<1000x1xf32> to vector<1000x128xf32>
    %mul3A_30 = arith.mulf %mul3A, %get3A_24 : vector<1000x128xf32>
    %get3A_31 = arith.constant 0 : index
    %get3A_32 = arith.constant 0 : index
    %get3A_33 = vector.load %arg5[%get3A_31, %get3A_32] : memref<128x128xf32, #tpu.memory_space<vmem>>, vector<128x128xf32>
    %dot_general3A_34 = arith.constant dense<0.000000e+00> : vector<1000x128xf32>
    %dot_general3A_35 = tpu.matmul %mul3A_30, %get3A_33, %dot_general3A_34 {dimension_numbers = #tpu.dot_dimension_numbers<[1], [0], [0], [1], [0, 0, 1, 1], [], []>, transpose_lhs_hint = false} : vector<1000x128xf32>, vector<128x128xf32>, vector<1000x128xf32> -> vector<1000x128xf32>
    %add3A_36 = arith.addf %add3A_29, %dot_general3A_35 : vector<1000x128xf32>
    %get3A_37 = arith.constant 0 : index
    %get3A_38 = arith.constant 0 : index
    %get3A_39 = vector.load %arg6[%get3A_37, %get3A_38] : memref<1x128xf32, #tpu.memory_space<vmem>>, vector<1x128xf32>
    %mul3A_40 = vector.broadcast %slice3A_20 : vector<1000x1xf32> to vector<1000x128xf32>
    %mul3A_41 = vector.broadcast %get3A_39 : vector<1x128xf32> to vector<1000x128xf32>
    %mul3A_42 = arith.mulf %mul3A_40, %mul3A_41 : vector<1000x128xf32>
    %add3A_43 = arith.addf %add3A_36, %mul3A_42 : vector<1000x128xf32>
    %get3A_44 = arith.constant 0 : index
    %get3A_45 = arith.constant 0 : index
    %get3A_46 = vector.load %arg7[%get3A_44, %get3A_45] : memref<1x128xf32, #tpu.memory_space<vmem>>, vector<1x128xf32>
    %mul3A_47 = vector.broadcast %slice3A_21 : vector<1000x1xf32> to vector<1000x128xf32>
    %mul3A_48 = vector.broadcast %get3A_46 : vector<1x128xf32> to vector<1000x128xf32>
    %mul3A_49 = arith.mulf %mul3A_47, %mul3A_48 : vector<1000x128xf32>
    %add3A_50 = arith.addf %add3A_43, %mul3A_49 : vector<1000x128xf32>
    %swap3A = arith.constant 0 : index
    %swap3A_51 = arith.constant 0 : index
    %swap3A_52 = vector.load %arg15[%swap3A, %swap3A_51] : memref<1000x128xf32, #tpu.memory_space<vmem>>, vector<1000x128xf32>
    tpu.vector_store %arg15[%swap3A, %swap3A_51], %add3A_50 {strides = array<i32>} : memref<1000x128xf32, #tpu.memory_space<vmem>>, vector<1000x128xf32>,
    %eq3A = arith.constant 0 : i32
    %eq3A_53 = arith.cmpi eq, %arg0, %eq3A : i32
    %convert_element_type3A = arith.extui %eq3A_53 : i1 to i32
    %cond3A = arith.constant 0 : i32
    %cond3A_54 = arith.cmpi ne, %convert_element_type3A, %cond3A : i32
    scf.if %cond3A_54 {
      %broadcast_in_dim3A_78 = arith.constant 0.000000e+00 : f32
      %broadcast_in_dim3A_79 = vector.broadcast %broadcast_in_dim3A_78 : f32 to vector<1x128xf32>
      %swap3A_80 = arith.constant 0 : index
      %swap3A_81 = arith.constant 0 : index
      %swap3A_82 = vector.load %arg17[%swap3A_80, %swap3A_81] : memref<1x128xf32, #tpu.memory_space<vmem>>, vector<1x128xf32>
      tpu.vector_store %arg17[%swap3A_80, %swap3A_81], %broadcast_in_dim3A_79 {strides = array<i32>} : memref<1x128xf32, #tpu.memory_space<vmem>>, vector<1x128xf32>,
      %broadcast_in_dim3A_83 = arith.constant 0.000000e+00 : f32
      %broadcast_in_dim3A_84 = vector.broadcast %broadcast_in_dim3A_83 : f32 to vector<1x16xf32>
      %swap3A_85 = arith.constant 0 : index
      %swap3A_86 = arith.constant 0 : index
      %swap3A_87 = vector.load %arg18[%swap3A_85, %swap3A_86] : memref<1x16xf32, #tpu.memory_space<vmem>>, vector<1x16xf32>
      tpu.vector_store %arg18[%swap3A_85, %swap3A_86], %broadcast_in_dim3A_84 {strides = array<i32>} : memref<1x16xf32, #tpu.memory_space<vmem>>, vector<1x16xf32>,
    } else {
    }
    %get3A_55 = arith.constant 0 : index
    %get3A_56 = arith.constant 0 : index
    %get3A_57 = vector.load %arg17[%get3A_55, %get3A_56] : memref<1x128xf32, #tpu.memory_space<vmem>>, vector<1x128xf32>
    %reduce_sum3A = arith.constant dense<0.000000e+00> : vector<128xf32>
    %reduce_sum3A_58 = vector.multi_reduction <add>, %get3A_24, %reduce_sum3A [0] : vector<1000x128xf32> to vector<128xf32>
    %broadcast_in_dim3A = vector.shape_cast %reduce_sum3A_58 : vector<128xf32> to vector<1x128xf32>
    %add3A_59 = arith.addf %get3A_57, %broadcast_in_dim3A : vector<1x128xf32>
    %swap3A_60 = arith.constant 0 : index
    %swap3A_61 = arith.constant 0 : index
    %swap3A_62 = vector.load %arg17[%swap3A_60, %swap3A_61] : memref<1x128xf32, #tpu.memory_space<vmem>>, vector<1x128xf32>
    tpu.vector_store %arg17[%swap3A_60, %swap3A_61], %add3A_59 {strides = array<i32>} : memref<1x128xf32, #tpu.memory_space<vmem>>, vector<1x128xf32>,
    %get3A_63 = arith.constant 0 : index
    %get3A_64 = arith.constant 0 : index
    %get3A_65 = vector.load %arg18[%get3A_63, %get3A_64] : memref<1x16xf32, #tpu.memory_space<vmem>>, vector<1x16xf32>
    %reduce_sum3A_66 = arith.constant dense<0.000000e+00> : vector<16xf32>
    %reduce_sum3A_67 = vector.multi_reduction <add>, %slice3A, %reduce_sum3A_66 [0] : vector<1000x16xf32> to vector<16xf32>
    %broadcast_in_dim3A_68 = vector.shape_cast %reduce_sum3A_67 : vector<16xf32> to vector<1x16xf32>
    %add3A_69 = arith.addf %get3A_65, %broadcast_in_dim3A_68 : vector<1x16xf32>
    %swap3A_70 = arith.constant 0 : index
    %swap3A_71 = arith.constant 0 : index
    %swap3A_72 = vector.load %arg18[%swap3A_70, %swap3A_71] : memref<1x16xf32, #tpu.memory_space<vmem>>, vector<1x16xf32>
    tpu.vector_store %arg18[%swap3A_70, %swap3A_71], %add3A_69 {strides = array<i32>} : memref<1x16xf32, #tpu.memory_space<vmem>>, vector<1x16xf32>,
    %eq3A_73 = arith.constant 9 : i32
    %eq3A_74 = arith.cmpi eq, %arg0, %eq3A_73 : i32
    %convert_element_type3A_75 = arith.extui %eq3A_74 : i1 to i32
    %cond3A_76 = arith.constant 0 : i32
    %cond3A_77 = arith.cmpi ne, %convert_element_type3A_75, %cond3A_76 : i32
    scf.if %cond3A_77 {
      %get3A_78 = arith.constant 0 : index
      %get3A_79 = arith.constant 0 : index
      %get3A_80 = vector.load %arg17[%get3A_78, %get3A_79] : memref<1x128xf32, #tpu.memory_space<vmem>>, vector<1x128xf32>
      %get3A_81 = arith.constant 0 : index
      %get3A_82 = arith.constant 0 : index
      %get3A_83 = vector.load %arg9[%get3A_81, %get3A_82] : memref<128x16xf32, #tpu.memory_space<vmem>>, vector<128x16xf32>
      %dot_general3A_84 = arith.constant dense<0.000000e+00> : vector<1x16xf32>
      %dot_general3A_85 = tpu.matmul %get3A_80, %get3A_83, %dot_general3A_84 {dimension_numbers = #tpu.dot_dimension_numbers<[1], [0], [0], [1], [0, 0, 1, 1], [], []>, transpose_lhs_hint = false} : vector<1x128xf32>, vector<128x16xf32>, vector<1x16xf32> -> vector<1x16xf32>
      %get3A_86 = arith.constant 0 : index
      %get3A_87 = arith.constant 0 : index
      %get3A_88 = vector.load %arg10[%get3A_86, %get3A_87] : memref<1x16xf32, #tpu.memory_space<vmem>>, vector<1x16xf32>
      %add3A_89 = arith.addf %dot_general3A_85, %get3A_88 : vector<1x16xf32>
      %get3A_90 = arith.constant 0 : index
      %get3A_91 = arith.constant 0 : index
      %get3A_92 = vector.load %arg18[%get3A_90, %get3A_91] : memref<1x16xf32, #tpu.memory_space<vmem>>, vector<1x16xf32>
      %get3A_93 = arith.constant 0 : index
      %get3A_94 = arith.constant 0 : index
      %get3A_95 = vector.load %arg11[%get3A_93, %get3A_94] : memref<16x16xf32, #tpu.memory_space<vmem>>, vector<16x16xf32>
      %dot_general3A_96 = arith.constant dense<0.000000e+00> : vector<1x16xf32>
      %dot_general3A_97 = tpu.matmul %get3A_92, %get3A_95, %dot_general3A_96 {dimension_numbers = #tpu.dot_dimension_numbers<[1], [0], [0], [1], [0, 0, 1, 1], [], []>, transpose_lhs_hint = false} : vector<1x16xf32>, vector<16x16xf32>, vector<1x16xf32> -> vector<1x16xf32>
      %get3A_98 = arith.constant 0 : index
      %get3A_99 = arith.constant 0 : index
      %get3A_100 = vector.load %arg12[%get3A_98, %get3A_99] : memref<1x16xf32, #tpu.memory_space<vmem>>, vector<1x16xf32>
      %add3A_101 = arith.addf %dot_general3A_97, %get3A_100 : vector<1x16xf32>
      %get3A_102 = arith.constant 0 : index
      %get3A_103 = arith.constant 0 : index
      %get3A_104 = vector.load %arg8[%get3A_102, %get3A_103] : memref<1x16xf32, #tpu.memory_space<vmem>>, vector<1x16xf32>
      %get3A_105 = arith.constant 0 : index
      %get3A_106 = arith.constant 0 : index
      %get3A_107 = vector.load %arg13[%get3A_105, %get3A_106] : memref<48x16xf32, #tpu.memory_space<vmem>>, vector<16x16xf32>
      %dot_general3A_108 = arith.constant dense<0.000000e+00> : vector<1x16xf32>
      %dot_general3A_109 = tpu.matmul %get3A_104, %get3A_107, %dot_general3A_108 {dimension_numbers = #tpu.dot_dimension_numbers<[1], [0], [0], [1], [0, 0, 1, 1], [], []>, transpose_lhs_hint = false} : vector<1x16xf32>, vector<16x16xf32>, vector<1x16xf32> -> vector<1x16xf32>
      %get3A_110 = arith.constant 16 : index
      %get3A_111 = arith.constant 0 : index
      %get3A_112 = vector.load %arg13[%get3A_110, %get3A_111] : memref<48x16xf32, #tpu.memory_space<vmem>>, vector<16x16xf32>
      %dot_general3A_113 = arith.constant dense<0.000000e+00> : vector<1x16xf32>
      %dot_general3A_114 = tpu.matmul %add3A_89, %get3A_112, %dot_general3A_113 {dimension_numbers = #tpu.dot_dimension_numbers<[1], [0], [0], [1], [0, 0, 1, 1], [], []>, transpose_lhs_hint = false} : vector<1x16xf32>, vector<16x16xf32>, vector<1x16xf32> -> vector<1x16xf32>
      %add3A_115 = arith.addf %dot_general3A_109, %dot_general3A_114 : vector<1x16xf32>
      %get3A_116 = arith.constant 32 : index
      %get3A_117 = arith.constant 0 : index
      %get3A_118 = vector.load %arg13[%get3A_116, %get3A_117] : memref<48x16xf32, #tpu.memory_space<vmem>>, vector<16x16xf32>
      %dot_general3A_119 = arith.constant dense<0.000000e+00> : vector<1x16xf32>
      %dot_general3A_120 = tpu.matmul %add3A_101, %get3A_118, %dot_general3A_119 {dimension_numbers = #tpu.dot_dimension_numbers<[1], [0], [0], [1], [0, 0, 1, 1], [], []>, transpose_lhs_hint = false} : vector<1x16xf32>, vector<16x16xf32>, vector<1x16xf32> -> vector<1x16xf32>
      %add3A_121 = arith.addf %add3A_115, %dot_general3A_120 : vector<1x16xf32>
      %get3A_122 = arith.constant 0 : index
      %get3A_123 = arith.constant 0 : index
      %get3A_124 = vector.load %arg14[%get3A_122, %get3A_123] : memref<1x16xf32, #tpu.memory_space<vmem>>, vector<1x16xf32>
      %add3A_125 = arith.addf %add3A_121, %get3A_124 : vector<1x16xf32>
      %swap3A_126 = arith.constant 0 : index
      %swap3A_127 = arith.constant 0 : index
      %swap3A_128 = vector.load %arg16[%swap3A_126, %swap3A_127] : memref<1x16xf32, #tpu.memory_space<vmem>>, vector<1x16xf32>
      tpu.vector_store %arg16[%swap3A_126, %swap3A_127], %add3A_125 {strides = array<i32>} : memref<1x16xf32, #tpu.memory_space<vmem>>, vector<1x16xf32>,
    } else {
    }
    return
  }
  func.func @transform_0(%arg0: i32) -> (i32, i32, i32) {
    %c0_i32 = arith.constant 0 : i32
    %c0_i32_0 = arith.constant 0 : i32
    %c0_i32_1 = arith.constant 0 : i32
    return %c0_i32, %arg0, %c0_i32_0 : i32, i32, i32
  }
  func.func @transform_1(%arg0: i32) -> (i32, i32, i32) {
    %c0_i32 = arith.constant 0 : i32
    %c0_i32_0 = arith.constant 0 : i32
    %c0_i32_1 = arith.constant 0 : i32
    return %c0_i32, %arg0, %c0_i32_0 : i32, i32, i32
  }
  func.func @transform_2(%arg0: i32) -> (i32, i32) {
    %c0_i32 = arith.constant 0 : i32
    %c0_i32_0 = arith.constant 0 : i32
    return %arg0, %c0_i32 : i32, i32
  }
  func.func @transform_3(%arg0: i32) -> (i32, i32) {
    %c0_i32 = arith.constant 0 : i32
    %c0_i32_0 = arith.constant 0 : i32
    %c0_i32_1 = arith.constant 0 : i32
    return %c0_i32, %c0_i32_0 : i32, i32
  }
  func.func @transform_4(%arg0: i32) -> (i32, i32) {
    %c0_i32 = arith.constant 0 : i32
    %c0_i32_0 = arith.constant 0 : i32
    %c0_i32_1 = arith.constant 0 : i32
    return %c0_i32, %c0_i32_0 : i32, i32
  }
  func.func @transform_5(%arg0: i32) -> (i32, i32) {
    %c0_i32 = arith.constant 0 : i32
    %c0_i32_0 = arith.constant 0 : i32
    %c0_i32_1 = arith.constant 0 : i32
    return %c0_i32, %c0_i32_0 : i32, i32
  }
  func.func @transform_6(%arg0: i32) -> (i32, i32) {
    %c0_i32 = arith.constant 0 : i32
    %c0_i32_0 = arith.constant 0 : i32
    %c0_i32_1 = arith.constant 0 : i32
    return %c0_i32, %c0_i32_0 : i32, i32
  }
  func.func @transform_7(%arg0: i32) -> (i32, i32) {
    %c0_i32 = arith.constant 0 : i32
    %c0_i32_0 = arith.constant 0 : i32
    %c0_i32_1 = arith.constant 0 : i32
    return %c0_i32, %c0_i32_0 : i32, i32
  }
  func.func @transform_8(%arg0: i32) -> (i32, i32) {
    %c0_i32 = arith.constant 0 : i32
    %c0_i32_0 = arith.constant 0 : i32
    %c0_i32_1 = arith.constant 0 : i32
    return %c0_i32, %c0_i32_0 : i32, i32
  }
  func.func @transform_9(%arg0: i32) -> (i32, i32) {
    %c0_i32 = arith.constant 0 : i32
    %c0_i32_0 = arith.constant 0 : i32
    %c0_i32_1 = arith.constant 0 : i32
    return %c0_i32, %c0_i32_0 : i32, i32
  }
  func.func @transform_10(%arg0: i32) -> (i32, i32) {
    %c0_i32 = arith.constant 0 : i32
    %c0_i32_0 = arith.constant 0 : i32
    %c0_i32_1 = arith.constant 0 : i32
    return %c0_i32, %c0_i32_0 : i32, i32
  }
  func.func @transform_11(%arg0: i32) -> (i32, i32) {
    %c0_i32 = arith.constant 0 : i32
    %c0_i32_0 = arith.constant 0 : i32
    %c0_i32_1 = arith.constant 0 : i32
    return %c0_i32, %c0_i32_0 : i32, i32
  }
  func.func @transform_12(%arg0: i32) -> (i32, i32) {
    %c0_i32 = arith.constant 0 : i32
    %c0_i32_0 = arith.constant 0 : i32
    %c0_i32_1 = arith.constant 0 : i32
    return %c0_i32, %c0_i32_0 : i32, i32
  }
  func.func @transform_13(%arg0: i32) -> (i32, i32) {
    %c0_i32 = arith.constant 0 : i32
    %c0_i32_0 = arith.constant 0 : i32
    %c0_i32_1 = arith.constant 0 : i32
    return %c0_i32, %c0_i32_0 : i32, i32
  }
  func.func @transform_14(%arg0: i32) -> (i32, i32) {
    %c0_i32 = arith.constant 0 : i32
    %c0_i32_0 = arith.constant 0 : i32
    return %arg0, %c0_i32 : i32, i32
  }
  func.func @transform_15(%arg0: i32) -> (i32, i32) {
    %c0_i32 = arith.constant 0 : i32
    %c0_i32_0 = arith.constant 0 : i32
    %c0_i32_1 = arith.constant 0 : i32
    return %c0_i32, %c0_i32_0 : i32, i32
  }
}

</mosaic_0001>

<sc_bundles>
// kernel: kernel.6.cloned.1.call-start
scs
__scs_entry_jumppad:
0x0: {  	(pc) =	sbr.rel $0x88, $3  }
0x1: {  	(tag) =	ssettag $0x0;
	lr =	simm.s32 $0x1  }
0x2: {  	[smem:$0x3F8F] =	sst lr;
	_ =	strace $0xD0000000  }
0x3: {  	_ = 	snop  }
0x4: {  	_ = 	snop  }
0x5: {  	_ = 	snop  }
0x6: {  	_ = 	snop  }
0x7: {  	_ = 	snop  }
__scs_overlays_trampoline_lowered:
0x8: {  	[smem:$0x3F9E] =	sst s0  }
0x9: {  	[smem:$0x3F9F] =	sst s1  }
0xa: {  	[smem:$0x3FA0] =	sst s2  }
0xb: {  	[smem:$0x3FA1] =	sst s3  }
0xc: {  	[smem:$0x3FA2] =	sst s4  }
0xd: {  	[smem:$0x3FA3] =	sst s5  }
0xe: {  	[smem:$0x3FA4] =	sst s6  }
0xf: {  	[smem:$0x3FA5] =	sst s7  }
0x10: {  	[smem:$0x3FA6] =	sst s8  }
0x11: {  	[smem:$0x3FA7] =	sst s9;
	s0 =	simm.s32 @!p0 $0x0  }
0x12: {  	s1 =	sld [smem:$0x3F8D];
	s0 =	simm.s32 @p0 $0x1  }
0x13: {  	[smem:$0x3FA8] =	sst s0;
	s0 =	simm.s32 @!p1 $0x0  }
0x14: {  	s2 =	sld [smem:$0x3F8C];
	s0 =	simm.s32 @p1 $0x1  }
0x15: {  	[smem:$0x3FA9] =	sst s0;
	s0 =	simm.s32 @!p2 $0x0  }
0x16: {  	s3 =	sld [smem:$0x3FDB];
	s0 =	simm.s32 @p2 $0x1  }
0x17: {  	s4 =	simm.s32 $0x1BF5;
	[smem:$0x3FAB] =	sst s0  }
0x18: {  	s0 =	sld [smem:$0x3F8E];
	_ =	swait.ge [sflag:s4], $0x0  }
0x19: {  	s7 =	sld [smem:$0x3F8F]  }
0x1a: {  	s8 =	sadd.s32 $0xFFFFE003, lr  }
0x1b: {  	s9 =	sadd.s32 $0xFFFFFEF7, lr;
	s5 =	simm.s32 $0xFFFFFFFF;
	p2 =	slt.u32 s8, $0xFFFFF086  }
0x1c: {  	p1 =	slt.u32 s9, $0xF7A;
	s5 =	simm.s32 @!p2 $0x0  }
0x1d: {  	s5 =	simm.s32 @p1 $0x1;
	p0 =	seq.s32 s7, s2  }
0x1e: {  	s7 =	smul.u32 @!p0 $0xF7A, s2;
	p2 =	seq.s32 @!p0 s5, $0x0  }
0x1f: {  	s9 =	smul.u32 $0xF7A, s1;
	s8 =	simm.s32 @!p0 $0x1BF5;
	p2 =	por !p2, p0  }
0x20: {  	[sflag:s8] =	ssyncset.s32 @!p0 $0xFFFFF086;
	s6 =	sadd.s32 @!p0 s3, s7;
	s7 =	simm.s32 @!p0 $0x108  }
0x21: {  	s3 =	sadd.s32 s3, s9;
	s6 =	sadd.s32 @!p0 $0x88, s6;
	s7 =	simm.s32 @p2 $0x1082  }
0x22: {  	[simem:s7], [sflag:s8] =	dma.local @!p0 [hbm:s6], $0xF7A  }
0x23: {  	s9 =	sor.u32 $0xD0000000, s2;
	s6 =	simm.s32 $0x108;
	_ =	swait.ge @!p0 [sflag:s8], $0x0  }
0x24: {  	s3 =	sadd.s32 $0x88, s3;
	s6 =	simm.s32 @!p1 $0x1082;
	[sflag:s4] =	ssyncset.s32 $0xFFFFF086  }
0x25: {  	[simem:s6], [sflag:s4] =	dma.local [hbm:s3], $0xF7A  }
0x26: {  	[smem:$0x3F8F] =	sst s1;
	(tag) =	ssettag s2;
	_ =	strace s9  }
0x27: {  	s1 =	sld [smem:$0x3F9F]  }
0x28: {  	s2 =	sld [smem:$0x3FA0]  }
0x29: {  	s4 =	sld [smem:$0x3FA2]  }
0x2a: {  	p0 =	seq.s32 s5, $0x0;
	s5 =	sld [smem:$0x3FA3]  }
0x2b: {  	s6 =	sld [smem:$0x3FA4]  }
0x2c: {  	s7 =	sld [smem:$0x3FA5]  }
0x2d: {  	s3 =	simm.s32 $0x108;
	s8 =	sld [smem:$0x3FA6]  }
0x2e: {  	s3 =	simm.s32 @!p0 $0x1082;
	s9 =	sld [smem:$0x3FA7]  }
0x2f: {  	lr =	sadd.s32 s0, s3;
	s0 =	sld [smem:$0x3F9E]  }
0x30: {  	s3 =	sld [smem:$0x3FA1]  }
0x31: {  	[smem:$0x3FAA] =	sst s10  }
0x32: {  	s10 =	sld [smem:$0x3FA8];
	_ =	sdelay $0x3  }
0x33: {  	p0 =	seq.s32 s10, $0x1;
	s10 =	sld [smem:$0x3FAA];
	_ =	sdelay $0x3  }
0x34: {  	[smem:$0x3FAA] =	sst s10  }
0x35: {  	s10 =	sld [smem:$0x3FA9];
	_ =	sdelay $0x3  }
0x36: {  	p1 =	seq.s32 s10, $0x1;
	s10 =	sld [smem:$0x3FAA];
	_ =	sdelay $0x3  }
0x37: {  	[smem:$0x3FAA] =	sst s10  }
0x38: {  	s10 =	sld [smem:$0x3FAB]  }
0x39: {  	_ = 	snop;
	(pc) =	sbr.ind lr, $3  }
0x3a: {  	_ = 	snop  }
0x3b: {  	_ = 	snop  }
0x3c: {  	p2 =	seq.s32 s10, $0x1;
	s10 =	sld [smem:$0x3FAA]  }
0x3d: {  	_ =	shalt  }
0x3e: {  	_ =	shalt  }
0x3f: {  	_ =	shalt  }
0x40: {  	_ =	shalt  }
0x41: {  	_ =	shalt  }
0x42: {  	_ =	shalt  }
0x43: {  	_ =	shalt  }
0x44: {  	_ =	shalt  }
0x45: {  	_ =	shalt  }
0x46: {  	_ =	shalt  }
0x47: {  	_ =	shalt  }
0x48: {  	_ =	shalt  }
0x49: {  	_ =	shalt  }
0x4a: {  	_ =	shalt  }
0x4b: {  	_ =	shalt  }
0x4c: {  	_ =	shalt  }
0x4d: {  	_ =	shalt  }
0x4e: {  	_ =	shalt  }
0x4f: {  	_ =	shalt  }
0x50: {  	_ =	shalt  }
0x51: {  	_ =	shalt  }
0x52: {  	_ =	shalt  }
0x53: {  	_ =	shalt  }
0x54: {  	_ =	shalt  }
0x55: {  	_ =	shalt  }
0x56: {  	_ =	shalt  }
0x57: {  	_ =	shalt  }
0x58: {  	_ =	shalt  }
0x59: {  	_ =	shalt  }
0x5a: {  	_ =	shalt  }
0x5b: {  	_ =	shalt  }
0x5c: {  	_ =	shalt  }
0x5d: {  	_ =	shalt  }
0x5e: {  	_ =	shalt  }
0x5f: {  	_ =	shalt  }
0x60: {  	_ =	shalt  }
0x61: {  	_ =	shalt  }
0x62: {  	_ =	shalt  }
0x63: {  	_ =	shalt  }
0x64: {  	_ =	shalt  }
0x65: {  	_ =	shalt  }
0x66: {  	_ =	shalt  }
0x67: {  	_ =	shalt  }
0x68: {  	_ =	shalt  }
0x69: {  	_ =	shalt  }
0x6a: {  	_ =	shalt  }
0x6b: {  	_ =	shalt  }
0x6c: {  	_ =	shalt  }
0x6d: {  	_ =	shalt  }
0x6e: {  	_ =	shalt  }
0x6f: {  	_ =	shalt  }
0x70: {  	_ =	shalt  }
0x71: {  	_ =	shalt  }
0x72: {  	_ =	shalt  }
0x73: {  	_ =	shalt  }
0x74: {  	_ =	shalt  }
0x75: {  	_ =	shalt  }
0x76: {  	_ =	shalt  }
0x77: {  	_ =	shalt  }
0x78: {  	_ =	shalt  }
0x79: {  	_ =	shalt  }
0x7a: {  	_ =	shalt  }
0x7b: {  	_ =	shalt  }
0x7c: {  	_ =	shalt  }
0x7d: {  	_ =	shalt  }
0x7e: {  	_ =	shalt  }
0x7f: {  	_ =	shalt  }
0x80: {  	_ =	shalt  }
0x81: {  	_ =	shalt  }
0x82: {  	_ =	shalt  }
0x83: {  	_ =	shalt  }
0x84: {  	_ =	shalt  }
0x85: {  	_ =	shalt  }
0x86: {  	_ =	shalt  }
0x87: {  	_ =	shalt  }
.Lfunc_end0:
.L_simem_size_0:
called_computation_lowered:
.L_overlay_start_0:
0x88: {  	s2 =	sld [smem:$0x3FD9]  }
0x89: {  	s3 =	sld [smem:$0x3FFE];
	_ =	sdelay $0x1  }
0x8a: {  	s1 =	srdreg.scid  }
0x8b: {  	s0 =	sand.u32 $0x1, s1  }
0x8c: {  	s14 =	sshll.u32 s0, $0xA;
	s2 =	sadd.s32 s3, s2  }
0x8d: {  	s2 =	sadd.s32 s2, s14  }
0x8e: {  	[smem:$0x3FB6] =	sst s2  }
0x8f: {  	_ = 	snop  }
0x90: {  	s2 =	sld [smem:$0x3FD0]  }
0x91: {  	s15 =	sld [smem:$0x3FC6]  }
0x92: {  	s4 =	sld [smem:$0x3FC5]  }
0x93: {  	s6 =	simm.s32 $0xA;
	s7 =	simm.s32 $0x10;
	s5 =	sld [smem:$0x3FC4]  }
0x94: {  	[smem:s7], [sflag:s6] =	dma.local [hbm:s2], $0x1  }
0x95: {  	_ =	swait.eq [sflag:s6], $0x1  }
0x96: {  	s16 =	sld [smem:$0x10];
	[sflag:s6] =	ssyncset.done $0x0  }
0x97: {  	s17 =	sld [smem:$0x11];
	[sflag:s6] =	ssyncadd.s32 $0xFFFFFFFF  }
0x98: {  	s18 =	sld [smem:$0x12];
	(tm) =	ssettm $0x1  }
0x99: {  	s8 =	sld [smem:$0x3FFB];
	_ =	sdelay $0x3  }
0x9a: {  	_ =	strace s8  }
0x9b: {  	s8 =	sld [smem:$0x3FFC];
	_ =	sdelay $0x3  }
0x9c: {  	_ =	strace s8  }
0x9d: {  	s8 =	sld [smem:$0x3FFD];
	_ =	sdelay $0x3  }
0x9e: {  	_ =	strace s8  }
0x9f: {  	_ =	strace $0x8FFFFFFF  }
0xa0: {  	s19 =	sld [smem:$0x3FDB];
	_ =	sdelay $0x1  }
0xa1: {  	s9 =	simm.s32 $_scs_section_size  }
0xa2: {  	s10 =	simm.s32 $_size__tile_overlayer_lowered;
	s11 =	simm.s32 $_tile_overlayer_lowered  }
0xa3: {  	s22 =	simm.s32 $0x1BFF;
	s21 =	sshll.u32 s11, $0x1;
	s8 =	sadd.s32 s9, s19  }
0xa4: {  	s12 =	simm.s32 $0x0;
	s20 =	sshll.u32 s10, $0x1;
	s10 =	sadd.s32 s21, s8  }
0xa5: {  	[timem:s12], [sflag:s22] =	dma.local [hbm:s10], s20  }
0xa6: {  	_ =	swait.ge [sflag:s22], s20  }
0xa7: {  	s9 =	ssub.s32 $0x0, s20;
	[sflag:s22] =	ssyncset.done $0x0  }
0xa8: {  	[sflag:s22] =	ssyncadd.s32 s9;
	_ =	sdelay $0x1  }
0xa9: {  	s23 =	simm.s32 $0x1B8B  }
0xaa: {  	_ =	swait.ge [sflag:s23], $0x1  }
0xab: {  	[sflag:s23] =	ssyncset.done $0x0  }
0xac: {  	s25 =	simm.s32 $0x1B8E;
	s24 =	sld [smem:$0x3FFE];
	[sflag:s23] =	ssyncadd.s32 $0xFFFFFFFF  }
0xad: {  	s26 =	simm.s32 $execute0_lowered;
	[smem:$0x3FD2] =	sst s25  }
0xae: {  	s10 =	sshll.u32 s26, $0x1;
	_ =	strace $0x80000046;
	[dreg:$0x1] =	wrdreg $0xFFFFFFFF  }
0xaf: {  	s28 =	simm.s32 $_size_execute0_lowered;
	s8 =	sadd.s32 s8, s10;
	[dreg:$0x0] =	wrdreg $0x0  }
0xb0: {  	s10 =	sshll.u32 s28, $0x1;
	[dreg:$0x2] =	wrdreg s8  }
0xb1: {  	[dreg:$0x3] =	wrdreg s10  }
0xb2: {  	[dreg:$0x4] =	wrdreg $0xC0  }
0xb3: {  	_ =	task [dreg:s12], $0x5FFFF  }
0xb4: {  	[dreg:$0x1] =	wrdreg $0xFFFFFFFF  }
0xb5: {  	[dreg:$0x0] =	wrdreg $0x60  }
0xb6: {  	[dreg:$0x2] =	wrdreg s16  }
0xb7: {  	[dreg:$0x3] =	wrdreg s24  }
0xb8: {  	[dreg:$0x4] =	wrdreg s15  }
0xb9: {  	[dreg:$0x5] =	wrdreg s4  }
0xba: {  	[dreg:$0x6] =	wrdreg s5  }
0xbb: {  	[dreg:$0x7] =	wrdreg s17  }
0xbc: {  	[dreg:$0x8] =	wrdreg s18  }
0xbd: {  	[dreg:$0x9] =	wrdreg $0x77C00  }
0xbe: {  	[dreg:$0xa] =	wrdreg $0x1B0400  }
0xbf: {  	[dreg:$0xb] =	wrdreg $0x9  }
0xc0: {  	_ =	task.clear_ibuf [dreg:s12], $0xCFFFF;
	_ =	strace $0x90000046  }
0xc1: {  	s29 =	simm.s32 $0x9;
	_ =	strace $0x80000048  }
0xc2: {  	_ =	swait.ge [sflag:s29], $0x1  }
0xc3: {  	[sflag:s29] =	ssyncadd.s32 $0xFFFFFFFF  }
0xc4: {  	_ =	strace $0x90000048  }
0xc5: {  	_ =	sfence  }
0xc6: {  	s30 =	sld [smem:$0x0];
	_ =	sdelay $0x2  }
0xc7: {  	s31 =	sshll.u32 s1, $0xD;
	s1 =	sshrl.u32 s1, $0x2  }
0xc8: {  	s3 =	sand.u32 $0x4000, s31;
	s1 =	sadd.s32 s1, s30  }
0xc9: {  	s0 =	sor.u32 s3, s0;
	s1 =	sshll.u32 s1, $0x11  }
0xca: {  	s0 =	sor.u32 s1, s0  }
0xcb: {  	s0 =	sadd.s32 $0x8F2B, s0  }
0xcc: {  	[sflag:s0] =	ssyncadd.remote.s32 $0x1  }
0xcd: {  	_ =	sfence.sel $0xFFFF  }
0xce: {  	[dreg:$0x0] =	wrdreg $0xFFFFFFFF;
	(pc) =	sbr.abs _section_cstart, $3  }
0xcf: {  	[dreg:$0x1] =	wrdreg $0xFFFFFFFF  }
0xd0: {  	_ =	task.clear_ibuf [dreg:s12], $0x2FFFF;
	_ =	strace $0x9FFFFFFF  }
0xd1: {  	(tm) =	ssettm $0x7FFFFFFF  }
tec
execute0_lowered:
.L_overlay_start_1:
0x0: {  	(tag) =	ssettag $0x1  }
0x1: {  	s23 =	rddreg [dreg:$0x0]  }
0x2: {  	s0 =	rddreg [dreg:$0x1]  }
0x3: {  	s1 =	rddreg [dreg:$0x2]  }
0x4: {  	s9 =	rddreg [dreg:$0x3]  }
0x5: {  	s11 =	rddreg [dreg:$0x4]  }
0x6: {  	s13 =	rddreg [dreg:$0x5]  }
0x7: {  	s28 =	rddreg [dreg:$0x7]  }
0x8: {  	s2 =	srdreg.scid;
	s14 =	rddreg [dreg:$0x8]  }
0x9: {  	s6 =	stileid.u32;
	s5 =	simm.s32 $0x0;
	s29 =	simm.s32 $0x4E200  }
0xa: {  	s31 =	simm.s32 $0x4B00;
	s30 =	simm.s32 $0x4880;
	s4 =	smul.u32 $0x1400, s6  }
0xb: {  	s2 =	sand.u32 $0x1, s2;
	[smem:$0x7FF] =	sst s5;
	s7 =	smul.u32 $0x500, s6  }
0xc: {  	s10 =	sadd.s32 $0x3C00, s0;
	s12 =	sadd.s32 $0x21400, s0;
	s3 =	smul.u32 $0x138800, s2  }
0xd: {  	s18 =	smul.u32 $0x4E200, s2;
	s8 =	sshll.u32 s2, $0x4;
	s2 =	ssub.s32 $0x2, s2  }
0xe: {  	_ =	strace $0x80000047;
	s19 =	sor.u32 s6, s8;
	s20 =	sshrl.u32 s2, $0x1  }
0xf: {  	s8 =	simm.s32 $0xE;
	s3 =	sadd.s32 s4, s3;
	s5 =	sadd.s32 s7, s18  }
0x10: {  	s7 =	smul.u32 $0x2710, s19;
	s3 =	sshrl.u32 s3, $0x3;
	s5 =	sshrl.u32 s5, $0x3  }
0x11: {  	s18 =	smul.u32 $0x5000, s6;
	s3 =	sadd.s32 s3, s0;
	s5 =	sadd.s32 s5, s0  }
0x12: {  	s21 =	sshrl.u32 s7, $0x3;
	s22 =	sadd.s32 $0x28, s7;
	[dreg:$0xa] =	wrdreg s7  }
0x13: {  	s0 =	ssub.s32 s2, s20;
	s1 =	sadd.s32 s1, s21;
	[dreg:$0xb] =	wrdreg s22  }
0x14: {  	s17 =	sadd.s32 $0x26E8, s7;
	s24 =	sadd.s32 s13, s21;
	[dreg:$0xc] =	wrdreg s1  }
0x15: {  	s20 =	sshrl.u32 s18, $0x2;
	s26 =	sadd.s32 s9, s21;
	[dreg:$0xd] =	wrdreg s24  }
0x16: {  	s7 =	simm.s32 $0x11;
	s19 =	sadd.s32 s11, s21;
	[dreg:$0xe] =	wrdreg s26  }
0x17: {  	s25 =	sshrl.u32 s22, $0x3;
	s2 =	sadd.s32 s12, s21;
	[dreg:$0x12] =	wrdreg s19  }
0x18: {  	s21 =	sshrl.u32 s4, $0x2;
	s0 =	smax.u32 s0, $0x1;
	[dreg:$0x13] =	wrdreg s2  }
0x19: {  	s22 =	sadd.s32 s20, s28;
	s15 =	sadd.s32 s13, s25;
	[dreg:$0x15] =	wrdreg s0  }
0x1a: {  	s16 =	sadd.s32 s9, s25;
	s1 =	sadd.s32 s11, s25;
	[dreg:$0x16] =	wrdreg s22  }
0x1b: {  	s24 =	sadd.s32 s21, s14;
	s25 =	sadd.s32 $0xBD800, s3;
	[dreg:$0xf] =	wrdreg s15  }
0x1c: {  	s26 =	sadd.s32 $0xDA00, s5;
	s11 =	simm.s32 $0x50A0;
	[dreg:$0x10] =	wrdreg s16  }
0x1d: {  	v0 =	vlaneseq.u32;
	s5 =	simm.s32 $0x28;
	s14 =	simm.s32 $0x4600;
	[dreg:$0x11] =	wrdreg s1  }
0x1e: {  	v2 =	vimm.s32 $0x0;
	vm0 =	vcmask $0x300;
	v0 =	vmul.u32 $0x28, v0;
	s13 =	simm.s32 $0x4D80;
	s0 =	simm.s32 $0xF;
	[dreg:$0x17] =	wrdreg s24  }
0x1f: {  	v1 =	vimm.f32 $0.0e+00;
	v2 =	vsel vm0, $0x3, v2;
	vm0 =	vcmask $0x704;
	s9 =	simm.s32 $0x12;
	s2 =	simm.s32 $0x0;
	[dreg:$0x18] =	wrdreg s25  }
0x20: {  	v3 =	vsel vm0, $0x3F800000, v1;
	vm0 =	vmmov $0x1;
	v4 =	vor.u32 $0x1, v0;
	s1 =	sshrl.u32 s17, $0x3;
	[dreg:$0x19] =	wrdreg s26;
	s15 =	simm.s32 $0x5000  }
0x21: {  	v5 =	vor.u32 $0x2, v0;
	v6 =	vor.u32 $0x3, v0;
	v7 =	vor.u32 $0x4, v0;
	s16 =	simm.s32 $0x5050;
	s24 =	simm.s32 $0x5028;
	s1 =	sadd.s32 s12, s1  }
0x22: {  	v8 =	vor.u32 $0x5, v0;
	v9 =	vor.u32 $0x6, v0;
	v10 =	vor.u32 $0x7, v0;
	s25 =	simm.s32 $0x5078;
	s26 =	simm.s32 $0x10;
	[dreg:$0x14] =	wrdreg s1  }
.LBB2_1:
0x23: {  	[dreg:$0x1a] =	wrdreg s2  }
0x24: {  	s1 =	rddreg [dreg:$0x6]  }
0x25: {  	s20 =	simm.s32 $0x0;
	s3 =	simm.s32 $0x77B0;
	s21 =	simm.s32 $0x13  }
0x26: {  	[tilespmem:s3], [sflag:$0x13] =	stream.linear.gather [hbm4b:s1+s20], $0x10, $0x38;
	[tilespmem:$0x1FE60] =	vst v63  }
0x27: {  	_ =	swait.ge [sflag:s21], $0x10  }
0x28: {  	[sflag:s21] =	ssyncset.done $0x0  }
0x29: {  	s22 =	rddreg [dreg:$0xc];
	[sflag:s21] =	ssyncadd.s32 $0xFFFFFFF0  }
0x2a: {  	[tilespmem:s11], [sflag:$0x13] =	stream.linear.gather [hbm4b:s22+s20], $0x2710, $0x38;
	[tilespmem:$0x1FE60] =	vst v63  }
0x2b: {  	_ =	swait.ge [sflag:s21], $0x2710  }
0x2c: {  	[sflag:s21] =	ssyncset.done $0x0  }
0x2d: {  	s4 =	simm.s32 $0x40;
	[sflag:s21] =	ssyncadd.s32 $0xFFFFD8F0  }
0x2e: {  	[tilespmem:s4+$0x20] =	vst v1  }
0x2f: {  	[tilespmem:s4+$0x10] =	vst v1  }
0x30: {  	[tilespmem:s4+$0x0] =	vst v1  }
0x31: {  	[tilespmem:s4+$0xFFFFFFF0] =	vst v1  }
0x32: {  	[tilespmem:s4+$0xFFFFFFE0] =	vst v1  }
0x33: {  	[tilespmem:s4+$0xFFFFFFD0] =	vst v1  }
0x34: {  	[tilespmem:s4+$0xFFFFFFC0] =	vst v1  }
0x35: {  	s17 =	simm.s32 $0x80;
	s1 =	simm.s32 $0x0;
	[tilespmem:s4+$0x30] =	vst v1  }
.LBB2_2:
0x36: {  	p0 =	sne.s32 s17, $0x1380;
	[tilespmem:s1+$0x3C10] =	vst v1  }
0x37: {  	s4 =	sadd.s32 $0x80, s4;
	[tilespmem:s1+$0x3C00] =	vst v1  }
0x38: {  	[tilespmem:s4+$0x20] =	vst v1  }
0x39: {  	[tilespmem:s4+$0x10] =	vst v1  }
0x3a: {  	[tilespmem:s4+$0x0] =	vst v1  }
.Ltmp0:
0x3b: {  	[tilespmem:s4+$0xFFFFFFF0] =	vst v1;
	(pc) =	sbr.rel @p0 .LBB2_2-.Ltmp0, $4  }
0x3c: {  	[tilespmem:s4+$0xFFFFFFE0] =	vst v1  }
0x3d: {  	[tilespmem:s4+$0xFFFFFFD0] =	vst v1  }
0x3e: {  	[tilespmem:s4+$0xFFFFFFC0] =	vst v1  }
0x3f: {  	s1 =	sshra.s32 s17, $0x2;
	s17 =	sadd.s32 $0x80, s17;
	[tilespmem:s4+$0x30] =	vst v1  }
0x40: {  	s4 =	sadd.s32 $0x0, s6  }
0x41: {  	[tilespmem:s1+$0x3C10] =	vst v1;
	s2 =	rddreg [dreg:$0x16];
	p0 =	sgt.u32 s4, $0xF9  }
0x42: {  	[tilespmem:s1+$0x3C00] =	vst v1;
	s1 =	simm.s32 @!p0 $0x0;
	s4 =	simm.s32 @!p0 $0x14;
	p0 =	por p0, p0  }
0x43: {  	[spmem:s2] =	stream.linear.scatter @!p0 [tilespmem:s1], [sflag:$0x14], $0x1400, $0x38;
	[tilespmem:$0x1FE60] =	vst v63  }
0x44: {  	_ =	swait.ge @!p0 [sflag:s4], $0x1400  }
0x45: {  	s22 =	sadd.s32 $0x10, s6;
	s1 =	simm.s32 @!p0 $0x3C00;
	[sflag:s4] =	ssyncset.done @!p0 $0x0  }
0x46: {  	s19 =	simm.s32 @!p0 $0x13;
	s3 =	rddreg [dreg:$0x17];
	[sflag:s4] =	ssyncadd.s32 @!p0 $0xFFFFEC00  }
0x47: {  	[spmem:s3] =	stream.linear.scatter @!p0 [tilespmem:s1], [sflag:$0x13], $0x500, $0x38;
	[tilespmem:$0x1FE60] =	vst v63  }
0x48: {  	s17 =	simm.s32 $0x20;
	p1 =	sgt.u32 s22, $0xF9;
	_ =	swait.ge @!p0 [sflag:s19], $0x500  }
0x49: {  	s18 =	sadd.s32 $0x14000, s2;
	s4 =	sadd.s32 $0x5000, s3;
	[sflag:s19] =	ssyncset.done @!p0 $0x0  }
.LBB2_4:
0x4a: {  	s1 =	simm.s32 @!p1 $0x0;
	s20 =	simm.s32 @!p1 $0x14;
	[sflag:s19] =	ssyncadd.s32 @!p0 $0xFFFFFB00  }
0x4b: {  	s21 =	smov.u32 s17;
	p0 =	por p1, p1;
	s17 =	sadd.s32 $0x10, s17  }
0x4c: {  	[spmem:s18] =	stream.linear.scatter @!p0 [tilespmem:s1], [sflag:$0x14], $0x1400, $0x38;
	[tilespmem:$0x1FE60] =	vst v63  }
0x4d: {  	p2 =	sne.s32 s17, $0x100;
	_ =	swait.ge @!p0 [sflag:s20], $0x1400  }
.Ltmp1:
0x4e: {  	[sflag:s20] =	ssyncset.done @!p0 $0x0;
	(pc) =	sbr.rel @p2 .LBB2_4-.Ltmp1, $4  }
0x4f: {  	s1 =	simm.s32 @!p0 $0x3C00;
	s19 =	simm.s32 @!p0 $0x13;
	[sflag:s20] =	ssyncadd.s32 @!p0 $0xFFFFEC00  }
0x50: {  	[spmem:s4] =	stream.linear.scatter @!p0 [tilespmem:s1], [sflag:$0x13], $0x500, $0x38;
	[tilespmem:$0x1FE60] =	vst v63  }
0x51: {  	s1 =	sadd.s32 s21, s6;
	s4 =	sadd.s32 $0x5000, s4;
	_ =	swait.ge @!p0 [sflag:s19], $0x500  }
0x52: {  	s18 =	sadd.s32 $0x14000, s18;
	p1 =	sgt.u32 s1, $0xF9;
	[sflag:s19] =	ssyncset.done @!p0 $0x0  }
0x53: {  	s1 =	simm.s32 @!p1 $0x0  }
0x54: {  	s17 =	simm.s32 @!p1 $0x14;
	[sflag:s19] =	ssyncadd.s32 @!p0 $0xFFFFFB00;
	p0 =	por p1, p1  }
0x55: {  	[spmem:s18] =	stream.linear.scatter @!p0 [tilespmem:s1], [sflag:$0x14], $0x1400, $0x38;
	[tilespmem:$0x1FE60] =	vst v63  }
0x56: {  	_ =	swait.ge @!p0 [sflag:s17], $0x1400  }
0x57: {  	[sflag:s17] =	ssyncset.done @!p0 $0x0  }
0x58: {  	s1 =	simm.s32 @!p0 $0x3C00;
	[sflag:s17] =	ssyncadd.s32 @!p0 $0xFFFFEC00;
	s17 =	simm.s32 @!p0 $0x13  }
0x59: {  	[spmem:s4] =	stream.linear.scatter @!p0 [tilespmem:s1], [sflag:$0x13], $0x500, $0x38;
	[tilespmem:$0x1FE60] =	vst v63  }
0x5a: {  	_ =	swait.ge @!p0 [sflag:s17], $0x500  }
0x5b: {  	[sflag:s17] =	ssyncset.done @!p0 $0x0  }
0x5c: {  	[sflag:s17] =	ssyncadd.s32 @!p0 $0xFFFFFB00  }
0x5d: {  	s18 =	simm.s32 $0x0;
	[bflag:$0x0] =	sbarrier.arrive $0xFFFF  }
0x5e: {  	v11 =	vld [tilespmem:$0x77B0];
	[tilespmem:s18], [sflag:$0x1] =	stream.indirect.gather [hbm4b:s23+s5], $0x80, s11, s5, $0xb8  }
0x5f: {  	s2 =	simm.s32 $0x2800  }
0x60: {  	[tilespmem:s2], [sflag:$0x3] =	stream.indirect.gather [hbm4b:s10+s5], $0x20, s11, s5, $0xb8;
	[tilespmem:$0x1FE60] =	vst v63  }
0x61: {  	s19 =	rddreg [dreg:$0xd]  }
0x62: {  	[tilespmem:s14], [sflag:$0x7] =	stream.strided.gather [hbm4b:s19+s5], $0x280, s29, s5, $0x38;
	[tilespmem:$0x1FE60] =	vst v63  }
0x63: {  	s20 =	rddreg [dreg:$0xe]  }
0x64: {  	[tilespmem:s15], [sflag:$0x9] =	stream.linear.gather [hbm4b:s20+s18], $0x28, $0x38;
	[tilespmem:$0x1FE60] =	vst v63  }
0x65: {  	s22 =	simm.s32 $0x9;
	s21 =	rddreg [dreg:$0x12]  }
0x66: {  	[tilespmem:s16], [sflag:$0xB] =	stream.linear.gather [hbm4b:s21+s18], $0x28, $0x38;
	[tilespmem:$0x1FE60] =	vst v63  }
0x67: {  	s3 =	simm.s32 $0x1;
	_ =	swait.ge [sflag:s22], $0x28  }
0x68: {  	v13 =	vmov s3;
	v12 =	vmov s18;
	s11 =	simm.s32 $0x7;
	[sflag:s22] =	ssyncset.done $0x0  }
0x69: {  	v13 =	vshrl.u32 v13, $0x3;
	v12 =	vshrl.u32 v12, $0x3;
	s17 =	simm.s32 $0x3200;
	v14 =	vmov s11;
	s18 =	simm.s32 $0x1;
	[sflag:s22] =	ssyncadd.s32 $0xFFFFFFD8  }
0x6a: {  	v13 =	vshll.u32 v13, v2;
	v12 =	vshll.u32 v12, v2;
	v14 =	vshrl.u32 v14, $0x3;
	[tilespmem:s17], [sflag:$0x5] =	stream.indirect.gather [hbm4b:s10+s5], $0x20, s15, s5, $0xb8;
	[tilespmem:$0x1FE60] =	vst v63  }
0x6b: {  	v13 =	vadd.s32 $0x1, v13;
	v12 =	vbroadcast v12, $0x0;
	v14 =	vshll.u32 v14, v2;
	_ =	swait.ge [sflag:s18], $0x1400  }
0x6c: {  	v13 =	vbroadcast v13, $0x0;
	v14 =	vadd.s32 $0x7, v14;
	[sflag:s18] =	ssyncset.done $0x0  }
0x6d: {  	s19 =	simm.s32 $0xB;
	v14 =	vbroadcast v14, $0x0;
	[sflag:s18] =	ssyncadd.s32 $0xFFFFEC00  }
0x6e: {  	_ =	swait.ge [sflag:s19], $0x28  }
0x6f: {  	[sflag:s19] =	ssyncset.done $0x0  }
0x70: {  	[sflag:s19] =	ssyncadd.s32 $0xFFFFFFD8  }
0x71: {  	v15 =	vld.idx.msk [tilespmem:v12+s16+$0x0], $0xffff  }
0x72: {  	v13 =	vld.idx.msk [tilespmem:v13+s16+$0x0], $0xffff  }
0x73: {  	s17 =	simm.s32 $0x200;
	v12 =	vld.idx.msk [tilespmem:v14+s16+$0x0], $0xffff  }
0x74: {  	v14 =	vld [tilespmem:s17+$0xFFFFFE00]  }
0x75: {  	v16 =	vld [tilespmem:s17+$0xFFFFFE10]  }
0x76: {  	v17 =	vld [tilespmem:s17+$0xFFFFFE20]  }
0x77: {  	v18 =	vld [tilespmem:s17+$0xFFFFFE30]  }
0x78: {  	v19 =	vld [tilespmem:s17+$0xFFFFFE40]  }
0x79: {  	v20 =	vld [tilespmem:s17+$0xFFFFFE50]  }
0x7a: {  	v23 =	vld [tilespmem:s17+$0x1F0]  }
0x7b: {  	v22 =	vld [tilespmem:s17+$0xFFFFFE60]  }
0x7c: {  	v24 =	vld [tilespmem:s17+$0xFFFFFE80]  }
0x7d: {  	v25 =	vld [tilespmem:s17+$0xFFFFFE90]  }
0x7e: {  	s20 =	simm.s32 $0x2;
	v27 =	vld [tilespmem:s17+$0xFFFFFEB0];
	v14 =	vmul.f32 v14, v15  }
0x7f: {  	v21 =	vmov s20;
	v26 =	vld [tilespmem:s17+$0xFFFFFEA0];
	v23 =	vmul.f32 v23, v12  }
0x80: {  	v21 =	vshrl.u32 v21, $0x3;
	v28 =	vld [tilespmem:s17+$0xFFFFFEC0];
	v16 =	vmul.f32 v16, v15;
	[tilespmem:s17+$0xFFFFFE00] =	vst v14  }
0x81: {  	v17 =	vmul.f32 v17, v15;
	v14 =	vshll.u32 v21, v2;
	v21 =	vld [tilespmem:s17+$0xFFFFFE70];
	[tilespmem:s17+$0x1F0] =	vst v23  }
0x82: {  	v18 =	vmul.f32 v18, v15;
	v23 =	vmul.f32 v24, v13;
	v24 =	vld [tilespmem:s17+$0xFFFFFED0];
	[tilespmem:s17+$0xFFFFFE10] =	vst v16  }
0x83: {  	s21 =	simm.s32 $0x3;
	v27 =	vmul.f32 v27, v13;
	v16 =	vld [tilespmem:s17+$0xFFFFFEE0];
	[tilespmem:s17+$0xFFFFFE20] =	vst v17;
	v14 =	vadd.s32 $0x2, v14  }
0x84: {  	v29 =	vmov s21;
	v17 =	vmul.f32 v19, v15;
	v19 =	vld [tilespmem:s17+$0xFFFFFEF0];
	[tilespmem:s17+$0xFFFFFE30] =	vst v18;
	v14 =	vbroadcast v14, $0x0  }
0x85: {  	v29 =	vshrl.u32 v29, $0x3;
	v18 =	vmul.f32 v20, v15;
	v20 =	vld [tilespmem:s17+$0xFFFFFF00];
	[tilespmem:s17+$0xFFFFFEB0] =	vst v27  }
0x86: {  	v27 =	vld [tilespmem:s17+$0xFFFFFF80];
	[tilespmem:s17+$0xFFFFFE80] =	vst v23;
	v23 =	vshll.u32 v29, v2  }
0x87: {  	[tilespmem:s17+$0xFFFFFE40] =	vst v17;
	v17 =	vmul.f32 v22, v15;
	v22 =	vld [tilespmem:s17+$0xFFFFFF10];
	v23 =	vadd.s32 $0x3, v23  }
0x88: {  	[tilespmem:s17+$0xFFFFFE50] =	vst v18;
	v18 =	vld [tilespmem:s17+$0xFFFFFF20];
	v23 =	vbroadcast v23, $0x0  }
0x89: {  	[tilespmem:s17+$0xFFFFFE60] =	vst v17;
	v17 =	vmul.f32 v25, v13;
	v25 =	vld [tilespmem:s17+$0xFFFFFF40];
	v15 =	vmul.f32 v21, v15  }
0x8a: {  	v28 =	vmul.f32 v28, v13;
	v14 =	vld.idx.msk [tilespmem:v14+s16+$0x0], $0xffff  }
0x8b: {  	v21 =	vld [tilespmem:s17+$0xFFFFFF30];
	v24 =	vmul.f32 v24, v13;
	[tilespmem:s17+$0xFFFFFE70] =	vst v15;
	v15 =	vmul.f32 v26, v13  }
0x8c: {  	v16 =	vmul.f32 v16, v13;
	[tilespmem:s17+$0xFFFFFE90] =	vst v17;
	v13 =	vmul.f32 v19, v13;
	v19 =	vld [tilespmem:s17+$0xFFFFFF90]  }
0x8d: {  	[tilespmem:s17+$0xFFFFFEA0] =	vst v15;
	v15 =	vld [tilespmem:s17+$0xFFFFFF60]  }
0x8e: {  	[tilespmem:s17+$0xFFFFFED0] =	vst v24;
	v23 =	vld.idx.msk [tilespmem:v23+s16+$0x0], $0xffff  }
0x8f: {  	s22 =	simm.s32 $0x4;
	[tilespmem:s17+$0xFFFFFEE0] =	vst v16;
	v24 =	vld [tilespmem:s17+$0xFFFFFFD0];
	v17 =	vmul.f32 v20, v14  }
0x90: {  	v26 =	vmov s22;
	[tilespmem:s17+$0xFFFFFEF0] =	vst v13;
	v20 =	vld [tilespmem:s17+$0xFFFFFF50];
	v16 =	vmul.f32 v22, v14  }
0x91: {  	v26 =	vshrl.u32 v26, $0x3;
	v22 =	vld [tilespmem:s17+$0xFFFFFFA0];
	v13 =	vmul.f32 v18, v14;
	[tilespmem:s17+$0xFFFFFF00] =	vst v17  }
0x92: {  	s2 =	simm.s32 $0x5;
	v18 =	vld [tilespmem:s17+$0xFFFFFFB0];
	v25 =	vmul.f32 v25, v14;
	v15 =	vmul.f32 v15, v14;
	v17 =	vshll.u32 v26, v2;
	[tilespmem:s17+$0xFFFFFF10] =	vst v16  }
0x93: {  	v26 =	vld [tilespmem:s17+$0xFFFFFF70];
	[tilespmem:s17+$0xFFFFFF20] =	vst v13;
	v13 =	vmul.f32 v27, v23;
	v27 =	vmov s2;
	v17 =	vadd.s32 $0x4, v17  }
0x94: {  	v16 =	vmul.f32 v21, v14;
	v21 =	vld [tilespmem:s17+$0xFFFFFFC0];
	[tilespmem:s17+$0xFFFFFF40] =	vst v25;
	v27 =	vshrl.u32 v27, $0x3;
	v17 =	vbroadcast v17, $0x0  }
0x95: {  	v25 =	vld [tilespmem:s17+$0xFFFFFFF0];
	[tilespmem:s17+$0xFFFFFF80] =	vst v13;
	v13 =	vshll.u32 v27, v2  }
0x96: {  	[tilespmem:s17+$0xFFFFFF60] =	vst v15;
	v15 =	vmul.f32 v19, v23;
	v19 =	vld [tilespmem:s17+$0x10];
	v13 =	vadd.s32 $0x5, v13  }
0x97: {  	[tilespmem:s17+$0xFFFFFF30] =	vst v16;
	v16 =	vld [tilespmem:s17+$0xFFFFFFE0];
	v20 =	vmul.f32 v20, v14;
	v13 =	vbroadcast v13, $0x0  }
0x98: {  	[tilespmem:s17+$0xFFFFFF90] =	vst v15;
	v15 =	vmul.f32 v18, v23;
	v18 =	vld [tilespmem:s17+$0x30];
	v14 =	vmul.f32 v26, v14  }
0x99: {  	[tilespmem:s17+$0xFFFFFF50] =	vst v20;
	v20 =	vld [tilespmem:s17+$0x0]  }
0x9a: {  	[tilespmem:s17+$0xFFFFFF70] =	vst v14;
	v14 =	vmul.f32 v22, v23;
	v17 =	vld.idx.msk [tilespmem:v17+s16+$0x0], $0xffff  }
0x9b: {  	[tilespmem:s17+$0xFFFFFEC0] =	vst v28;
	v24 =	vmul.f32 v24, v23;
	v22 =	vld [tilespmem:s17+$0x20]  }
0x9c: {  	[tilespmem:s17+$0xFFFFFFA0] =	vst v14;
	v14 =	vmul.f32 v21, v23;
	v21 =	vld [tilespmem:s17+$0x40]  }
0x9d: {  	[tilespmem:s17+$0xFFFFFFD0] =	vst v24;
	v27 =	vld.idx.msk [tilespmem:v13+s16+$0x0], $0xffff  }
0x9e: {  	s3 =	simm.s32 $0x6;
	[tilespmem:s17+$0xFFFFFFB0] =	vst v15;
	v13 =	vmul.f32 v16, v23;
	v16 =	vmul.f32 v25, v23;
	v23 =	vld [tilespmem:s17+$0x70]  }
0x9f: {  	v26 =	vmov s3;
	v25 =	vld [tilespmem:s17+$0xE0];
	[tilespmem:s17+$0xFFFFFFC0] =	vst v14;
	v15 =	vmul.f32 v20, v17  }
0xa0: {  	v26 =	vshrl.u32 v26, $0x3;
	v14 =	vld [tilespmem:s17+$0x60];
	[tilespmem:s17+$0xFFFFFFE0] =	vst v13  }
0xa1: {  	v20 =	vld [tilespmem:s17+$0x50];
	v13 =	vmul.f32 v19, v17;
	[tilespmem:s17+$0x0] =	vst v15;
	v15 =	vshll.u32 v26, v2  }
0xa2: {  	[tilespmem:s17+$0xFFFFFFF0] =	vst v16;
	v19 =	vld [tilespmem:s17+$0x80];
	v16 =	vmul.f32 v22, v17;
	v15 =	vadd.s32 $0x6, v15  }
0xa3: {  	v22 =	vld [tilespmem:s17+$0x90];
	[tilespmem:s17+$0x10] =	vst v13;
	v13 =	vmul.f32 v18, v17;
	v15 =	vbroadcast v15, $0x0  }
0xa4: {  	v18 =	vld [tilespmem:s17+$0xA0];
	[tilespmem:s17+$0x20] =	vst v16;
	v16 =	vmul.f32 v21, v17  }
0xa5: {  	v21 =	vld [tilespmem:s17+$0xB0];
	v14 =	vmul.f32 v14, v17;
	[tilespmem:s17+$0x30] =	vst v13  }
0xa6: {  	v26 =	vld [tilespmem:s17+$0x100];
	[tilespmem:s17+$0x40] =	vst v16;
	v13 =	vmul.f32 v20, v17  }
0xa7: {  	s21 =	simm.s32 $0xD;
	s22 =	simm.s32 $0xE;
	v20 =	vld [tilespmem:s17+$0xC0];
	v16 =	vmul.f32 v19, v27;
	[tilespmem:s17+$0x60] =	vst v14  }
0xa8: {  	s11 =	simm.s32 $0x9;
	s18 =	simm.s32 $0xA;
	v28 =	vmov s21;
	v29 =	vmov s22;
	v19 =	vld [tilespmem:s17+$0xD0];
	v22 =	vmul.f32 v22, v27;
	[tilespmem:s17+$0x50] =	vst v13  }
0xa9: {  	v14 =	vmov s11;
	[tilespmem:s17+$0x80] =	vst v16;
	v16 =	vmov s18;
	v18 =	vmul.f32 v18, v27;
	v13 =	vld.idx.msk [tilespmem:v15+s16+$0x0], $0xffff  }
0xaa: {  	s4 =	simm.s32 $0x8;
	[tilespmem:s17+$0x90] =	vst v22;
	v21 =	vmul.f32 v21, v27;
	v16 =	vshrl.u32 v16, $0x3;
	v15 =	vmul.f32 v23, v17;
	v23 =	vld [tilespmem:s17+$0xF0]  }
0xab: {  	s20 =	simm.s32 $0xC;
	v24 =	vmov s4;
	v14 =	vshrl.u32 v14, $0x3;
	v22 =	vld [tilespmem:s17+$0x110];
	[tilespmem:s17+$0xA0] =	vst v18;
	v16 =	vshll.u32 v16, v2  }
0xac: {  	[tilespmem:s17+$0xB0] =	vst v21;
	v21 =	vld [tilespmem:s17+$0x130];
	v17 =	vshrl.u32 v24, $0x3;
	v24 =	vmov s20;
	v18 =	vmul.f32 v20, v27  }
0xad: {  	s19 =	simm.s32 $0xB;
	v20 =	vld [tilespmem:s17+$0x120];
	v19 =	vmul.f32 v19, v27;
	v17 =	vshll.u32 v17, v2;
	v24 =	vshrl.u32 v24, $0x3;
	[tilespmem:s17+$0x70] =	vst v15  }
0xae: {  	v15 =	vmov s19;
	[tilespmem:s17+$0xC0] =	vst v18;
	v18 =	vmul.f32 v25, v27;
	v24 =	vshll.u32 v24, v2  }
0xaf: {  	v25 =	vld [tilespmem:s17+$0x140];
	[tilespmem:s17+$0xD0] =	vst v19;
	v30 =	vshrl.u32 v15, $0x3;
	v19 =	vmul.f32 v23, v27;
	v23 =	vmul.f32 v26, v13  }
0xb0: {  	v15 =	vbroadcast v17, $0x0;
	v17 =	vshrl.u32 v28, $0x3;
	v28 =	vshll.u32 v14, v2;
	[tilespmem:s17+$0xE0] =	vst v18;
	v27 =	vld [tilespmem:s17+$0x150]  }
0xb1: {  	v18 =	vshll.u32 v30, v2;
	v26 =	vshrl.u32 v29, $0x3;
	v29 =	vld [tilespmem:s17+$0x160];
	v22 =	vmul.f32 v22, v13;
	[tilespmem:s17+$0x100] =	vst v23  }
0xb2: {  	v14 =	vld [tilespmem:s17+$0x170];
	v20 =	vmul.f32 v20, v13;
	v21 =	vmul.f32 v21, v13;
	v63 =	vshll.u32 v26, v2;
	[tilespmem:s17+$0xF0] =	vst v19  }
0xb3: {  	v26 =	vadd.s32 $0x3, v18;
	v19 =	vshll.u32 v17, v2;
	v23 =	vadd.s32 $0x1, v28;
	[tilespmem:s17+$0x110] =	vst v22;
	v17 =	vld [tilespmem:s17+$0x180]  }
0xb4: {  	v18 =	vld [tilespmem:s17+$0x190];
	v28 =	vadd.s32 $0x2, v16;
	v22 =	vadd.s32 $0x4, v24;
	[tilespmem:s17+$0x120] =	vst v20;
	v20 =	vmul.f32 v25, v13  }
0xb5: {  	[tilespmem:s17+$0x130] =	vst v21;
	v16 =	vbroadcast v23, $0x0;
	v23 =	vadd.s32 $0x5, v19;
	v19 =	vld [tilespmem:s17+$0x1A0];
	v25 =	vmul.f32 v27, v13  }
0xb6: {  	s4 =	simm.s32 $0xF;
	s19 =	simm.s32 $0x10;
	v24 =	vadd.s32 $0x6, v63;
	v21 =	vbroadcast v28, $0x0;
	[tilespmem:s17+$0x140] =	vst v20;
	v20 =	vld [tilespmem:s17+$0x1B0];
	v27 =	vmul.f32 v29, v13  }
.LBB2_6:
0xb7: {  	p0 =	slt.u32 s19, $0x20;
	v26 =	vbroadcast v26, $0x0;
	v28 =	vmov s4;
	[tilespmem:s17+$0x150] =	vst v25;
	v13 =	vmul.f32 v14, v13;
	v14 =	vld [tilespmem:s17+$0x1C0]  }
0xb8: {  	v22 =	vbroadcast v22, $0x0;
	v25 =	vshrl.u32 v28, $0x3;
	[tilespmem:s17+$0x160] =	vst v27;
	v17 =	vmul.f32 v17, v12;
	v27 =	vld [tilespmem:s17+$0x1D0]  }
0xb9: {  	v23 =	vbroadcast v23, $0x0;
	v25 =	vshll.u32 v25, v2;
	[tilespmem:s17+$0x170] =	vst v13;
	v13 =	vmul.f32 v18, v12;
	v18 =	vld [tilespmem:s17+$0x1E0]  }
0xba: {  	v24 =	vbroadcast v24, $0x0;
	v28 =	vld.idx.msk [tilespmem:v15+s16+$0x0], $0xffff;
	v15 =	vadd.s32 $0x7, v25;
	[tilespmem:s17+$0x180] =	vst v17;
	v17 =	vmul.f32 v19, v12  }
0xbb: {  	v19 =	vld.idx.msk [tilespmem:v16+s16+$0x0], $0xffff;
	v25 =	vbroadcast v15, $0x0;
	[tilespmem:s17+$0x190] =	vst v13;
	v13 =	vmul.f32 v20, v12  }
0xbc: {  	v20 =	vld.idx.msk [tilespmem:v21+s16+$0x0], $0xffff;
	[tilespmem:s17+$0x1A0] =	vst v17;
	v14 =	vmul.f32 v14, v12  }
0xbd: {  	v16 =	vld.idx.msk [tilespmem:v26+s16+$0x0], $0xffff;
	[tilespmem:s17+$0x1B0] =	vst v13;
	v13 =	vmul.f32 v27, v12  }
0xbe: {  	v15 =	vld.idx.msk [tilespmem:v22+s16+$0x0], $0xffff;
	[tilespmem:s17+$0x1C0] =	vst v14;
	v12 =	vmul.f32 v18, v12  }
0xbf: {  	v14 =	vld.idx.msk [tilespmem:v23+s16+$0x0], $0xffff;
	[tilespmem:s17+$0x1D0] =	vst v13  }
0xc0: {  	v13 =	vld.idx.msk [tilespmem:v24+s16+$0x0], $0xffff;
	[tilespmem:s17+$0x1E0] =	vst v12  }
0xc1: {  	s17 =	sadd.s32 $0x400, s17;
	v12 =	vld.idx.msk [tilespmem:v25+s16+$0x0], $0xffff  }
0xc2: {  	v17 =	vld [tilespmem:s17+$0x1F0]  }
0xc3: {  	v18 =	vld [tilespmem:s17+$0xFFFFFE00]  }
0xc4: {  	v21 =	vld [tilespmem:s17+$0xFFFFFE10]  }
0xc5: {  	v22 =	vld [tilespmem:s17+$0xFFFFFE20]  }
0xc6: {  	v23 =	vld [tilespmem:s17+$0xFFFFFE30]  }
0xc7: {  	v24 =	vld [tilespmem:s17+$0xFFFFFE40];
	v17 =	vmul.f32 v17, v12  }
0xc8: {  	v18 =	vmul.f32 v18, v28;
	v25 =	vld [tilespmem:s17+$0xFFFFFE50]  }
0xc9: {  	v21 =	vmul.f32 v21, v28;
	v26 =	vld [tilespmem:s17+$0xFFFFFE60];
	[tilespmem:s17+$0x1F0] =	vst v17  }
0xca: {  	[tilespmem:s17+$0xFFFFFE00] =	vst v18;
	v17 =	vmul.f32 v22, v28;
	v18 =	vld [tilespmem:s17+$0xFFFFFE70]  }
0xcb: {  	[tilespmem:s17+$0xFFFFFE10] =	vst v21;
	v21 =	vmul.f32 v23, v28;
	v22 =	vld [tilespmem:s17+$0xFFFFFE80]  }
0xcc: {  	[tilespmem:s17+$0xFFFFFE20] =	vst v17;
	v17 =	vmul.f32 v24, v28;
	v23 =	vld [tilespmem:s17+$0xFFFFFE90]  }
0xcd: {  	[tilespmem:s17+$0xFFFFFE30] =	vst v21;
	v21 =	vmul.f32 v25, v28;
	v24 =	vld [tilespmem:s17+$0xFFFFFEA0]  }
0xce: {  	[tilespmem:s17+$0xFFFFFE40] =	vst v17;
	v17 =	vmul.f32 v26, v28;
	v25 =	vld [tilespmem:s17+$0xFFFFFEB0]  }
0xcf: {  	[tilespmem:s17+$0xFFFFFE50] =	vst v21;
	v18 =	vmul.f32 v18, v28;
	v21 =	vld [tilespmem:s17+$0xFFFFFEC0]  }
0xd0: {  	[tilespmem:s17+$0xFFFFFE60] =	vst v17;
	v17 =	vmul.f32 v22, v19;
	v22 =	vld [tilespmem:s17+$0xFFFFFED0]  }
0xd1: {  	[tilespmem:s17+$0xFFFFFE70] =	vst v18;
	v18 =	vmul.f32 v23, v19;
	v23 =	vld [tilespmem:s17+$0xFFFFFEE0]  }
0xd2: {  	[tilespmem:s17+$0xFFFFFE80] =	vst v17;
	v17 =	vmul.f32 v24, v19;
	v24 =	vld [tilespmem:s17+$0xFFFFFEF0]  }
0xd3: {  	[tilespmem:s17+$0xFFFFFE90] =	vst v18;
	v18 =	vmul.f32 v25, v19;
	v25 =	vld [tilespmem:s17+$0xFFFFFF00]  }
0xd4: {  	[tilespmem:s17+$0xFFFFFEA0] =	vst v17;
	v17 =	vmul.f32 v21, v19;
	v21 =	vld [tilespmem:s17+$0xFFFFFF10]  }
0xd5: {  	[tilespmem:s17+$0xFFFFFEB0] =	vst v18;
	v18 =	vmul.f32 v22, v19;
	v22 =	vld [tilespmem:s17+$0xFFFFFF20]  }
0xd6: {  	[tilespmem:s17+$0xFFFFFEC0] =	vst v17;
	v17 =	vmul.f32 v23, v19;
	v23 =	vld [tilespmem:s17+$0xFFFFFF30]  }
0xd7: {  	[tilespmem:s17+$0xFFFFFED0] =	vst v18;
	v18 =	vmul.f32 v24, v19;
	v19 =	vld [tilespmem:s17+$0xFFFFFF40]  }
0xd8: {  	[tilespmem:s17+$0xFFFFFEE0] =	vst v17;
	v17 =	vmul.f32 v25, v20;
	v24 =	vld [tilespmem:s17+$0xFFFFFF50]  }
0xd9: {  	[tilespmem:s17+$0xFFFFFEF0] =	vst v18;
	v18 =	vmul.f32 v21, v20;
	v21 =	vld [tilespmem:s17+$0xFFFFFF60]  }
0xda: {  	[tilespmem:s17+$0xFFFFFF00] =	vst v17;
	v17 =	vmul.f32 v22, v20;
	v22 =	vld [tilespmem:s17+$0xFFFFFF70]  }
0xdb: {  	[tilespmem:s17+$0xFFFFFF10] =	vst v18;
	v18 =	vmul.f32 v23, v20;
	v23 =	vld [tilespmem:s17+$0xFFFFFF80]  }
0xdc: {  	[tilespmem:s17+$0xFFFFFF20] =	vst v17;
	v17 =	vmul.f32 v19, v20;
	v19 =	vld [tilespmem:s17+$0xFFFFFF90]  }
0xdd: {  	[tilespmem:s17+$0xFFFFFF30] =	vst v18;
	v18 =	vmul.f32 v24, v20;
	v24 =	vld [tilespmem:s17+$0xFFFFFFA0]  }
0xde: {  	[tilespmem:s17+$0xFFFFFF40] =	vst v17;
	v17 =	vmul.f32 v21, v20;
	v21 =	vld [tilespmem:s17+$0xFFFFFFB0]  }
0xdf: {  	[tilespmem:s17+$0xFFFFFF50] =	vst v18;
	v18 =	vmul.f32 v22, v20;
	v20 =	vld [tilespmem:s17+$0xFFFFFFC0]  }
0xe0: {  	[tilespmem:s17+$0xFFFFFF60] =	vst v17;
	v17 =	vmul.f32 v23, v16;
	v22 =	vld [tilespmem:s17+$0xFFFFFFD0]  }
0xe1: {  	[tilespmem:s17+$0xFFFFFF70] =	vst v18;
	v18 =	vmul.f32 v19, v16;
	v19 =	vld [tilespmem:s17+$0xFFFFFFE0]  }
0xe2: {  	[tilespmem:s17+$0xFFFFFF80] =	vst v17;
	v17 =	vmul.f32 v24, v16;
	v23 =	vld [tilespmem:s17+$0xFFFFFFF0]  }
0xe3: {  	[tilespmem:s17+$0xFFFFFF90] =	vst v18;
	v18 =	vmul.f32 v21, v16;
	v21 =	vld [tilespmem:s17+$0x0]  }
0xe4: {  	[tilespmem:s17+$0xFFFFFFA0] =	vst v17;
	v17 =	vmul.f32 v20, v16;
	v20 =	vld [tilespmem:s17+$0x10]  }
0xe5: {  	[tilespmem:s17+$0xFFFFFFB0] =	vst v18;
	v18 =	vmul.f32 v22, v16;
	v22 =	vld [tilespmem:s17+$0x20]  }
0xe6: {  	[tilespmem:s17+$0xFFFFFFC0] =	vst v17;
	v17 =	vmul.f32 v19, v16;
	v19 =	vld [tilespmem:s17+$0x30]  }
0xe7: {  	[tilespmem:s17+$0xFFFFFFD0] =	vst v18;
	v16 =	vmul.f32 v23, v16;
	v18 =	vld [tilespmem:s17+$0x40]  }
0xe8: {  	[tilespmem:s17+$0xFFFFFFE0] =	vst v17;
	v17 =	vmul.f32 v21, v15;
	v21 =	vld [tilespmem:s17+$0x50]  }
0xe9: {  	[tilespmem:s17+$0xFFFFFFF0] =	vst v16;
	v16 =	vmul.f32 v20, v15;
	v20 =	vld [tilespmem:s17+$0x60]  }
0xea: {  	[tilespmem:s17+$0x0] =	vst v17;
	v17 =	vmul.f32 v22, v15;
	v22 =	vld [tilespmem:s17+$0x70]  }
0xeb: {  	[tilespmem:s17+$0x10] =	vst v16;
	v16 =	vmul.f32 v19, v15;
	v19 =	vld [tilespmem:s17+$0x80]  }
0xec: {  	[tilespmem:s17+$0x20] =	vst v17;
	v17 =	vmul.f32 v18, v15;
	v18 =	vld [tilespmem:s17+$0x90]  }
0xed: {  	[tilespmem:s17+$0x30] =	vst v16;
	v16 =	vmul.f32 v21, v15;
	v21 =	vld [tilespmem:s17+$0xA0]  }
0xee: {  	[tilespmem:s17+$0x40] =	vst v17;
	v17 =	vmul.f32 v20, v15;
	v20 =	vld [tilespmem:s17+$0xB0]  }
0xef: {  	v23 =	vmov s19;
	[tilespmem:s17+$0x50] =	vst v16;
	v15 =	vmul.f32 v22, v15;
	v16 =	vld [tilespmem:s17+$0xC0]  }
0xf0: {  	s1 =	sadd.s32 $0x1, s19;
	s4 =	sadd.s32 $0x2, s19;
	v22 =	vshrl.u32 v23, $0x3;
	[tilespmem:s17+$0x60] =	vst v17;
	v17 =	vmul.f32 v19, v14;
	v19 =	vld [tilespmem:s17+$0xD0]  }
0xf1: {  	v24 =	vmov s4;
	s4 =	sadd.s32 $0x4, s19;
	v23 =	vmov s1;
	s1 =	sadd.s32 $0x3, s19;
	[tilespmem:s17+$0x70] =	vst v15;
	v15 =	vmul.f32 v18, v14;
	v18 =	vld [tilespmem:s17+$0xE0]  }
0xf2: {  	v26 =	vmov s4;
	s4 =	sadd.s32 $0x6, s19;
	v25 =	vmov s1;
	s1 =	sadd.s32 $0x5, s19;
	[tilespmem:s17+$0x80] =	vst v17;
	v17 =	vmul.f32 v21, v14;
	v21 =	vld [tilespmem:s17+$0xF0]  }
0xf3: {  	v28 =	vmov s4;
	v27 =	vmov s1;
	[tilespmem:s17+$0x90] =	vst v15;
	v15 =	vmul.f32 v20, v14;
	v20 =	vld [tilespmem:s17+$0x100]  }
0xf4: {  	v22 =	vshll.u32 v22, v2;
	v23 =	vshrl.u32 v23, $0x3;
	[tilespmem:s17+$0xA0] =	vst v17;
	v16 =	vmul.f32 v16, v14;
	v17 =	vld [tilespmem:s17+$0x110]  }
0xf5: {  	v24 =	vshrl.u32 v24, $0x3;
	v25 =	vshrl.u32 v25, $0x3;
	[tilespmem:s17+$0xB0] =	vst v15;
	v19 =	vmul.f32 v19, v14;
	v29 =	vld [tilespmem:s17+$0x120]  }
0xf6: {  	v26 =	vshrl.u32 v26, $0x3;
	v27 =	vshrl.u32 v27, $0x3;
	[tilespmem:s17+$0xC0] =	vst v16;
	v16 =	vmul.f32 v18, v14;
	v18 =	vld [tilespmem:s17+$0x130]  }
0xf7: {  	v15 =	vbroadcast v22, $0x0;
	v22 =	vshrl.u32 v28, $0x3;
	[tilespmem:s17+$0xD0] =	vst v19;
	v14 =	vmul.f32 v21, v14;
	v19 =	vld [tilespmem:s17+$0x140]  }
0xf8: {  	v21 =	vshll.u32 v23, v2;
	v23 =	vshll.u32 v24, v2;
	[tilespmem:s17+$0xE0] =	vst v16;
	v16 =	vmul.f32 v20, v13;
	v20 =	vld [tilespmem:s17+$0x150]  }
0xf9: {  	v24 =	vshll.u32 v25, v2;
	v25 =	vshll.u32 v26, v2;
	[tilespmem:s17+$0xF0] =	vst v14;
	v17 =	vmul.f32 v17, v13;
	v28 =	vld [tilespmem:s17+$0x160]  }
.Ltmp2:
0xfa: {  	v27 =	vshll.u32 v27, v2;
	v30 =	vshll.u32 v22, v2;
	[tilespmem:s17+$0x100] =	vst v16;
	v16 =	vmul.f32 v29, v13;
	v14 =	vld [tilespmem:s17+$0x170];
	(pc) =	sbr.rel @p0 .LBB2_6-.Ltmp2, $4  }
0xfb: {  	v21 =	vadd.s32 $0x1, v21;
	v29 =	vadd.s32 $0x2, v23;
	[tilespmem:s17+$0x110] =	vst v17;
	v31 =	vmul.f32 v18, v13;
	v17 =	vld [tilespmem:s17+$0x180]  }
0xfc: {  	v26 =	vadd.s32 $0x3, v24;
	v22 =	vadd.s32 $0x4, v25;
	[tilespmem:s17+$0x120] =	vst v16;
	v32 =	vmul.f32 v19, v13;
	v18 =	vld [tilespmem:s17+$0x190]  }
0xfd: {  	v23 =	vadd.s32 $0x5, v27;
	v16 =	vbroadcast v21, $0x0;
	[tilespmem:s17+$0x130] =	vst v31;
	v25 =	vmul.f32 v20, v13;
	v19 =	vld [tilespmem:s17+$0x1A0]  }
0xfe: {  	s4 =	sadd.s32 $0x7, s19;
	s19 =	sadd.s32 $0x8, s19;
	v24 =	vadd.s32 $0x6, v30;
	v21 =	vbroadcast v29, $0x0;
	[tilespmem:s17+$0x140] =	vst v32;
	v27 =	vmul.f32 v28, v13;
	v20 =	vld [tilespmem:s17+$0x1B0]  }
0xff: {  	_ = 	snop  }
0x100: {  	v29 =	vld [tilespmem:s17+$0x1C0]  }
0x101: {  	v30 =	vld [tilespmem:s17+$0x1D0]  }
0x102: {  	v26 =	vbroadcast v26, $0x0;
	v28 =	vmov s4;
	v31 =	vld [tilespmem:s17+$0x1E0]  }
0x103: {  	v22 =	vbroadcast v22, $0x0;
	v32 =	vld.idx.msk [tilespmem:v15+s16+$0x0], $0xffff;
	v28 =	vshrl.u32 v28, $0x3  }
0x104: {  	v23 =	vbroadcast v23, $0x0;
	v21 =	vld.idx.msk [tilespmem:v21+s16+$0x0], $0xffff;
	v17 =	vmul.f32 v17, v12;
	v28 =	vshll.u32 v28, v2  }
0x105: {  	v24 =	vbroadcast v24, $0x0;
	s2 =	sadd.s32 $0x400, s17;
	v18 =	vmul.f32 v18, v12;
	v15 =	vadd.s32 $0x7, v28;
	v28 =	vld.idx.msk [tilespmem:v16+s16+$0x0], $0xffff  }
0x106: {  	[tilespmem:s17+$0x180] =	vst v17;
	v17 =	vmul.f32 v19, v12;
	v19 =	vld [tilespmem:s2+$0x1F0];
	v33 =	vbroadcast v15, $0x0  }
0x107: {  	[tilespmem:s17+$0x190] =	vst v18;
	v18 =	vmul.f32 v20, v12;
	v20 =	vld [tilespmem:s2+$0xFFFFFE00]  }
0x108: {  	v26 =	vld.idx.msk [tilespmem:v26+s16+$0x0], $0xffff  }
0x109: {  	v13 =	vmul.f32 v14, v13;
	v16 =	vld.idx.msk [tilespmem:v22+s16+$0x0], $0xffff  }
0x10a: {  	[tilespmem:s17+$0x150] =	vst v25;
	v15 =	vld.idx.msk [tilespmem:v23+s16+$0x0], $0xffff  }
0x10b: {  	[tilespmem:s17+$0x170] =	vst v13;
	v14 =	vld.idx.msk [tilespmem:v24+s16+$0x0], $0xffff  }
0x10c: {  	[tilespmem:s17+$0x1A0] =	vst v17;
	v17 =	vmul.f32 v29, v12;
	v13 =	vld.idx.msk [tilespmem:v33+s16+$0x0], $0xffff  }
0x10d: {  	v22 =	vld [tilespmem:s2+$0xFFFFFE10];
	[tilespmem:s17+$0x1B0] =	vst v18;
	v18 =	vmul.f32 v30, v12  }
0x10e: {  	v23 =	vld [tilespmem:s2+$0xFFFFFE20];
	v12 =	vmul.f32 v31, v12;
	[tilespmem:s17+$0x1C0] =	vst v17  }
0x10f: {  	v17 =	vld [tilespmem:s2+$0xFFFFFE30];
	[tilespmem:s17+$0x1D0] =	vst v18  }
0x110: {  	v18 =	vld [tilespmem:s2+$0xFFFFFE40];
	[tilespmem:s17+$0x1E0] =	vst v12;
	v12 =	vmul.f32 v20, v32  }
0x111: {  	[tilespmem:s17+$0x160] =	vst v27;
	v20 =	vld [tilespmem:s2+$0xFFFFFE50];
	v19 =	vmul.f32 v19, v13  }
0x112: {  	v24 =	vld [tilespmem:s2+$0xFFFFFE60];
	v22 =	vmul.f32 v22, v32;
	[tilespmem:s2+$0xFFFFFE00] =	vst v12  }
0x113: {  	v12 =	vmul.f32 v23, v32;
	[tilespmem:s2+$0x1F0] =	vst v19;
	v19 =	vld [tilespmem:s2+$0xFFFFFE70]  }
0x114: {  	v17 =	vmul.f32 v17, v32;
	[tilespmem:s2+$0xFFFFFE10] =	vst v22;
	v22 =	vld [tilespmem:s2+$0xFFFFFE80]  }
0x115: {  	[tilespmem:s2+$0xFFFFFE20] =	vst v12;
	v12 =	vmul.f32 v18, v32;
	v18 =	vld [tilespmem:s2+$0xFFFFFE90]  }
0x116: {  	[tilespmem:s2+$0xFFFFFE30] =	vst v17;
	v17 =	vmul.f32 v20, v32;
	v20 =	vld [tilespmem:s2+$0xFFFFFEA0]  }
0x117: {  	v23 =	vld [tilespmem:s2+$0xFFFFFEB0];
	[tilespmem:s2+$0xFFFFFE40] =	vst v12;
	v12 =	vmul.f32 v24, v32  }
0x118: {  	[tilespmem:s2+$0xFFFFFE50] =	vst v17;
	v17 =	vmul.f32 v19, v32;
	v19 =	vld [tilespmem:s2+$0xFFFFFEC0]  }
0x119: {  	[tilespmem:s2+$0xFFFFFE60] =	vst v12;
	v12 =	vmul.f32 v22, v28;
	v22 =	vld [tilespmem:s2+$0xFFFFFED0]  }
0x11a: {  	[tilespmem:s2+$0xFFFFFE70] =	vst v17;
	v17 =	vmul.f32 v18, v28;
	v18 =	vld [tilespmem:s2+$0xFFFFFEE0]  }
0x11b: {  	[tilespmem:s2+$0xFFFFFE80] =	vst v12;
	v12 =	vmul.f32 v20, v28;
	v20 =	vld [tilespmem:s2+$0xFFFFFEF0]  }
0x11c: {  	[tilespmem:s2+$0xFFFFFE90] =	vst v17;
	v17 =	vmul.f32 v23, v28;
	v23 =	vld [tilespmem:s2+$0xFFFFFF00]  }
0x11d: {  	[tilespmem:s2+$0xFFFFFEA0] =	vst v12;
	v12 =	vmul.f32 v19, v28;
	v19 =	vld [tilespmem:s2+$0xFFFFFF10]  }
0x11e: {  	[tilespmem:s2+$0xFFFFFEB0] =	vst v17;
	v17 =	vmul.f32 v22, v28;
	v22 =	vld [tilespmem:s2+$0xFFFFFF20]  }
0x11f: {  	[tilespmem:s2+$0xFFFFFEC0] =	vst v12;
	v12 =	vmul.f32 v18, v28;
	v18 =	vld [tilespmem:s2+$0xFFFFFF30]  }
0x120: {  	[tilespmem:s2+$0xFFFFFED0] =	vst v17;
	v17 =	vmul.f32 v20, v28;
	v20 =	vld [tilespmem:s2+$0xFFFFFF40]  }
0x121: {  	[tilespmem:s2+$0xFFFFFEE0] =	vst v12;
	v12 =	vmul.f32 v23, v21;
	v23 =	vld [tilespmem:s2+$0xFFFFFF50]  }
0x122: {  	[tilespmem:s2+$0xFFFFFEF0] =	vst v17;
	v17 =	vmul.f32 v19, v21;
	v19 =	vld [tilespmem:s2+$0xFFFFFF60]  }
0x123: {  	[tilespmem:s2+$0xFFFFFF00] =	vst v12;
	v12 =	vmul.f32 v22, v21;
	v22 =	vld [tilespmem:s2+$0xFFFFFF70]  }
0x124: {  	[tilespmem:s2+$0xFFFFFF10] =	vst v17;
	v17 =	vmul.f32 v18, v21;
	v18 =	vld [tilespmem:s2+$0xFFFFFF80]  }
0x125: {  	[tilespmem:s2+$0xFFFFFF20] =	vst v12;
	v12 =	vmul.f32 v20, v21;
	v20 =	vld [tilespmem:s2+$0xFFFFFF90]  }
0x126: {  	[tilespmem:s2+$0xFFFFFF30] =	vst v17;
	v17 =	vmul.f32 v23, v21;
	v23 =	vld [tilespmem:s2+$0xFFFFFFA0]  }
0x127: {  	[tilespmem:s2+$0xFFFFFF40] =	vst v12;
	v12 =	vmul.f32 v19, v21;
	v19 =	vld [tilespmem:s2+$0xFFFFFFB0]  }
0x128: {  	[tilespmem:s2+$0xFFFFFF50] =	vst v17;
	v17 =	vmul.f32 v22, v21;
	v21 =	vld [tilespmem:s2+$0xFFFFFFC0]  }
0x129: {  	[tilespmem:s2+$0xFFFFFF60] =	vst v12;
	v12 =	vmul.f32 v18, v26;
	v18 =	vld [tilespmem:s2+$0xFFFFFFD0]  }
0x12a: {  	[tilespmem:s2+$0xFFFFFF70] =	vst v17;
	v17 =	vmul.f32 v20, v26;
	v20 =	vld [tilespmem:s2+$0xFFFFFFE0]  }
0x12b: {  	v22 =	vld [tilespmem:s2+$0xFFFFFFF0];
	[tilespmem:s2+$0xFFFFFF80] =	vst v12;
	v12 =	vmul.f32 v23, v26  }
0x12c: {  	[tilespmem:s2+$0xFFFFFF90] =	vst v17;
	v17 =	vmul.f32 v19, v26;
	v19 =	vld [tilespmem:s2+$0x0]  }
0x12d: {  	[tilespmem:s2+$0xFFFFFFA0] =	vst v12;
	v12 =	vmul.f32 v21, v26;
	v21 =	vld [tilespmem:s2+$0x10]  }
0x12e: {  	[tilespmem:s2+$0xFFFFFFB0] =	vst v17;
	v17 =	vmul.f32 v18, v26;
	v18 =	vld [tilespmem:s2+$0x20]  }
0x12f: {  	[tilespmem:s2+$0xFFFFFFC0] =	vst v12;
	v12 =	vmul.f32 v20, v26;
	v20 =	vld [tilespmem:s2+$0x30]  }
0x130: {  	[tilespmem:s2+$0xFFFFFFD0] =	vst v17;
	v17 =	vmul.f32 v22, v26;
	v22 =	vld [tilespmem:s2+$0x40]  }
0x131: {  	[tilespmem:s2+$0xFFFFFFE0] =	vst v12;
	v12 =	vmul.f32 v19, v16;
	v19 =	vld [tilespmem:s2+$0x50]  }
0x132: {  	[tilespmem:s2+$0xFFFFFFF0] =	vst v17;
	v17 =	vmul.f32 v21, v16;
	v21 =	vld [tilespmem:s2+$0x60]  }
0x133: {  	[tilespmem:s2+$0x0] =	vst v12;
	v12 =	vmul.f32 v18, v16;
	v18 =	vld [tilespmem:s2+$0x70]  }
0x134: {  	[tilespmem:s2+$0x10] =	vst v17;
	v17 =	vmul.f32 v20, v16;
	v20 =	vld [tilespmem:s2+$0x80]  }
0x135: {  	[tilespmem:s2+$0x20] =	vst v12;
	v12 =	vmul.f32 v22, v16;
	v22 =	vld [tilespmem:s2+$0x90]  }
0x136: {  	[tilespmem:s2+$0x30] =	vst v17;
	v17 =	vmul.f32 v19, v16;
	v19 =	vld [tilespmem:s2+$0xA0]  }
0x137: {  	[tilespmem:s2+$0x40] =	vst v12;
	v12 =	vmul.f32 v21, v16;
	v21 =	vld [tilespmem:s2+$0xB0]  }
0x138: {  	[tilespmem:s2+$0x50] =	vst v17;
	v16 =	vmul.f32 v18, v16;
	v17 =	vld [tilespmem:s2+$0xC0]  }
0x139: {  	v18 =	vld [tilespmem:s2+$0xD0];
	[tilespmem:s2+$0x60] =	vst v12;
	v12 =	vmul.f32 v20, v15  }
0x13a: {  	v20 =	vld [tilespmem:s2+$0xE0];
	[tilespmem:s2+$0x70] =	vst v16;
	v16 =	vmul.f32 v22, v15  }
0x13b: {  	[tilespmem:s2+$0x80] =	vst v12;
	v12 =	vmul.f32 v19, v15;
	v19 =	vld [tilespmem:s2+$0xF0]  }
0x13c: {  	[tilespmem:s2+$0x90] =	vst v16;
	v16 =	vmul.f32 v21, v15;
	v21 =	vld [tilespmem:s2+$0x100]  }
0x13d: {  	[tilespmem:s2+$0xA0] =	vst v12;
	v12 =	vmul.f32 v17, v15;
	v17 =	vld [tilespmem:s2+$0x110]  }
0x13e: {  	[tilespmem:s2+$0xB0] =	vst v16;
	v16 =	vmul.f32 v18, v15;
	v18 =	vld [tilespmem:s2+$0x120]  }
0x13f: {  	[tilespmem:s2+$0xC0] =	vst v12;
	v12 =	vmul.f32 v20, v15;
	v20 =	vld [tilespmem:s2+$0x130]  }
0x140: {  	[tilespmem:s2+$0xD0] =	vst v16;
	v15 =	vmul.f32 v19, v15;
	v16 =	vld [tilespmem:s2+$0x140]  }
0x141: {  	v19 =	vld [tilespmem:s2+$0x150];
	[tilespmem:s2+$0xE0] =	vst v12;
	v12 =	vmul.f32 v21, v14  }
0x142: {  	[tilespmem:s2+$0xF0] =	vst v15;
	v15 =	vmul.f32 v17, v14;
	v17 =	vld [tilespmem:s2+$0x160]  }
0x143: {  	[tilespmem:s2+$0x100] =	vst v12;
	v12 =	vmul.f32 v18, v14;
	v18 =	vld [tilespmem:s2+$0x170]  }
0x144: {  	[tilespmem:s2+$0x110] =	vst v15;
	v15 =	vmul.f32 v20, v14;
	v20 =	vld [tilespmem:s2+$0x180]  }
0x145: {  	[tilespmem:s2+$0x120] =	vst v12;
	v12 =	vmul.f32 v16, v14;
	v16 =	vld [tilespmem:s2+$0x190]  }
0x146: {  	[tilespmem:s2+$0x130] =	vst v15;
	v15 =	vmul.f32 v19, v14;
	v19 =	vld [tilespmem:s2+$0x1A0]  }
0x147: {  	[tilespmem:s2+$0x140] =	vst v12;
	v12 =	vmul.f32 v17, v14;
	v17 =	vld [tilespmem:s2+$0x1B0]  }
0x148: {  	[tilespmem:s2+$0x150] =	vst v15;
	v14 =	vmul.f32 v18, v14;
	v15 =	vld [tilespmem:s2+$0x1C0]  }
0x149: {  	v18 =	vld [tilespmem:s2+$0x1D0];
	[tilespmem:s2+$0x160] =	vst v12;
	v12 =	vmul.f32 v20, v13  }
0x14a: {  	[tilespmem:s2+$0x170] =	vst v14;
	v14 =	vmul.f32 v16, v13;
	v16 =	vld [tilespmem:s2+$0x1E0]  }
0x14b: {  	[tilespmem:s2+$0x180] =	vst v12;
	v12 =	vmul.f32 v19, v13  }
0x14c: {  	[tilespmem:s2+$0x190] =	vst v14;
	v14 =	vmul.f32 v17, v13  }
0x14d: {  	[tilespmem:s2+$0x1A0] =	vst v12;
	v12 =	vmul.f32 v15, v13  }
0x14e: {  	[tilespmem:s2+$0x1B0] =	vst v14;
	v14 =	vmul.f32 v18, v13  }
0x14f: {  	s18 =	simm.s32 $0x3;
	[tilespmem:s2+$0x1C0] =	vst v12;
	v12 =	vmul.f32 v16, v13  }
0x150: {  	s1 =	simm.s32 $0x0;
	v15 =	vmov s18;
	[tilespmem:s2+$0x1D0] =	vst v14  }
0x151: {  	s3 =	simm.s32 $0x1;
	s17 =	simm.s32 $0x4;
	v15 =	vshrl.u32 v15, $0x3;
	[tilespmem:s2+$0x1E0] =	vst v12;
	s2 =	simm.s32 $0x3  }
0x152: {  	s11 =	simm.s32 $0x2;
	v13 =	vmov s1;
	v16 =	vmov s17;
	v12 =	vmov s3;
	_ =	swait.ge [sflag:s2], $0x500  }
0x153: {  	v14 =	vmov s11;
	v13 =	vshrl.u32 v13, $0x3;
	v12 =	vshrl.u32 v12, $0x3;
	[sflag:s2] =	ssyncset.done $0x0  }
0x154: {  	s19 =	simm.s32 $0x5;
	v13 =	vshll.u32 v13, v2;
	v14 =	vshrl.u32 v14, $0x3;
	v12 =	vshll.u32 v12, v2;
	[sflag:s2] =	ssyncadd.s32 $0xFFFFFB00  }
0x155: {  	v18 =	vbroadcast v13, $0x0;
	v13 =	vshll.u32 v14, v2;
	v19 =	vbroadcast v12, $0x0;
	_ =	swait.ge [sflag:s19], $0x500  }
0x156: {  	v16 =	vshrl.u32 v16, $0x3;
	v14 =	vshll.u32 v15, v2;
	v20 =	vbroadcast v13, $0x0;
	[sflag:s19] =	ssyncset.done $0x0  }
0x157: {  	s20 =	simm.s32 $0x7;
	s18 =	simm.s32 $0x5;
	v13 =	vshll.u32 v16, v2;
	v23 =	vbroadcast v14, $0x0;
	v14 =	vor.u32 $0x1, v19;
	[sflag:s19] =	ssyncadd.s32 $0xFFFFFB00  }
0x158: {  	v17 =	vmov s18;
	v24 =	vbroadcast v13, $0x0;
	v13 =	vor.u32 $0x2, v20;
	_ =	swait.ge [sflag:s20], $0x280  }
0x159: {  	v12 =	vshrl.u32 v17, $0x3;
	v16 =	vor.u32 $0x3, v23;
	[sflag:s20] =	ssyncset.done $0x0  }
0x15a: {  	v12 =	vshll.u32 v12, v2;
	[sflag:s20] =	ssyncadd.s32 $0xFFFFFD80  }
0x15b: {  	s21 =	simm.s32 $0x7;
	v25 =	vbroadcast v12, $0x0;
	v12 =	vld.idx.msk [tilespmem:v18+s16+$0x0], $0xffff  }
0x15c: {  	v15 =	vmov s21;
	v36 =	vld.idx.msk [tilespmem:v14+s16+$0x0], $0xffff  }
0x15d: {  	v17 =	vor.u32 $0x4, v24;
	v14 =	vshrl.u32 v15, $0x3;
	v15 =	vld.idx.msk [tilespmem:v13+s16+$0x0], $0xffff  }
0x15e: {  	s21 =	simm.s32 $0x3290;
	v21 =	vor.u32 $0x5, v25;
	v16 =	vld.idx.msk [tilespmem:v16+s16+$0x0], $0xffff  }
0x15f: {  	s19 =	simm.s32 $0x2880;
	v26 =	vld [tilespmem:s21+$0x60]  }
0x160: {  	v29 =	vld [tilespmem:s19+$0xFFFFFF80];
	v13 =	vshll.u32 v14, v2  }
0x161: {  	v51 =	vld [tilespmem:s21+$0xFFFFFF80];
	v22 =	vbroadcast v13, $0x0  }
0x162: {  	s22 =	simm.s32 $0x9;
	v14 =	vld.idx.msk [tilespmem:v17+s16+$0x0], $0xffff  }
0x163: {  	v28 =	vmov s22;
	s22 =	simm.s32 $0x6;
	v13 =	vld.idx.msk [tilespmem:v21+s16+$0x0], $0xffff;
	v17 =	vor.u32 $0x7, v22  }
0x164: {  	v35 =	vmov s22;
	s17 =	simm.s32 $0x8;
	s11 =	simm.s32 $0xC;
	v21 =	vld [tilespmem:s19+$0x60]  }
0x165: {  	v52 =	vshrl.u32 v35, $0x3;
	v27 =	vmov s17;
	s3 =	simm.s32 $0xB;
	v50 =	vmov s11;
	v38 =	vld [tilespmem:s21+$0xFFFFFFA0]  }
0x166: {  	v27 =	vshrl.u32 v27, $0x3;
	v31 =	vmov s3;
	v32 =	vshrl.u32 v50, $0x3;
	v53 =	vld [tilespmem:s19+$0xFFFFFFC0]  }
0x167: {  	v27 =	vshll.u32 v27, v2;
	v31 =	vshrl.u32 v31, $0x3;
	v32 =	vshll.u32 v32, v2;
	s2 =	simm.s32 $0xA;
	v40 =	vld [tilespmem:s19+$0xFFFFFFE0]  }
0x168: {  	v31 =	vshll.u32 v31, v2;
	v54 =	vadd.s32 v0, v18;
	v30 =	vmov s2;
	v37 =	vld.idx.msk [tilespmem:v17+s16+$0x0], $0xffff  }
0x169: {  	s20 =	simm.s32 $0xD;
	v21 =	vadd.f32 v26, v21;
	v17 =	vshrl.u32 v28, $0x3;
	v28 =	vshrl.u32 v30, $0x3;
	v30 =	vld [tilespmem:s19+$0xFFFFFFA0]  }
0x16a: {  	v60 =	vadd.s32 v6, v23;
	v34 =	vmov s20;
	v42 =	vld [tilespmem:s21+$0xFFFFFFE0];
	v22 =	vadd.s32 v10, v22  }
0x16b: {  	v21 =	vadd.f32 v21, v11;
	v39 =	vshll.u32 v17, v2;
	v17 =	vadd.f32 v51, v29;
	v29 =	vld [tilespmem:s21+$0xFFFFFFC0]  }
0x16c: {  	v55 =	vld [tilespmem:s19+$0x0];
	v18 =	vbroadcast v27, $0x0;
	v26 =	vshrl.u32 v34, $0x3;
	v34 =	vshll.u32 v52, v2  }
0x16d: {  	v27 =	vld [tilespmem:s21+$0x0];
	v34 =	vbroadcast v34, $0x0;
	v41 =	vadd.f32 v17, v11;
	v21 =	vmul.f32 v21, v37  }
0x16e: {  	v19 =	vadd.s32 v4, v19;
	v46 =	vadd.s32 v7, v24;
	v57 =	vld [tilespmem:s19+$0x20];
	v30 =	vadd.f32 v38, v30  }
0x16f: {  	v59 =	vld [tilespmem:s21+$0x20];
	v43 =	vshll.u32 v26, v2;
	v58 =	vor.u32 $0x6, v34;
	v26 =	vmul.f32 v41, v12;
	[tilespmem:v22+s31+$0x0] =	vst.idx.msk $0xffff, v21  }
0x170: {  	v63 =	vsel vm0, v36, v3;
	v29 =	vadd.f32 v29, v53;
	v56 =	vld.idx.msk [tilespmem:v22+s14+$0x0], $0xffff;
	v22 =	vadd.f32 v30, v11  }
0x171: {  	v44 =	vld [tilespmem:s19+$0x40];
	v28 =	vshll.u32 v28, v2;
	v21 =	vbroadcast v39, $0x0;
	[tilespmem:v54+s31+$0x0] =	vst.idx.msk $0xffff, v26;
	v30 =	vadd.s32 v5, v20  }
0x172: {  	v61 =	vld [tilespmem:s21+$0x40];
	v20 =	vadd.f32 v29, v11;
	v29 =	vadd.f32 v42, v40;
	v26 =	vmul.f32 v22, v36  }
0x173: {  	v45 =	vld.idx.msk [tilespmem:v54+s14+$0x0], $0xffff;
	v62 =	vor.u32 $0x1, v21;
	v22 =	vbroadcast v28, $0x0;
	v28 =	vadd.f32 v27, v55  }
0x174: {  	v23 =	vmul.f32 v20, v15;
	v20 =	vadd.f32 v29, v11;
	[tilespmem:v19+s31+$0x0] =	vst.idx.msk $0xffff, v26;
	v26 =	vld.idx.msk [tilespmem:v58+s16+$0x0], $0xffff  }
0x175: {  	v27 =	vadd.s32 v8, v25;
	v25 =	vadd.f32 v28, v11;
	v47 =	vld.idx.msk [tilespmem:v19+s14+$0x0], $0xffff;
	v29 =	vmul.f32 v56, v37  }
0x176: {  	s20 =	simm.s32 $0x3C80;
	v19 =	vmul.f32 v20, v16;
	v20 =	vbroadcast v31, $0x0;
	[tilespmem:v30+s31+$0x0] =	vst.idx.msk $0xffff, v23;
	v31 =	vadd.f32 v59, v57  }
0x177: {  	v17 =	vsel vm0, v37, v3;
	v33 =	vor.u32 $0x2, v22;
	v28 =	vld.idx.msk [tilespmem:v30+s14+$0x0], $0xffff;
	v30 =	vmul.f32 v25, v14;
	[tilespmem:s20+$0x60] =	vst v29  }
0x178: {  	v38 =	vadd.f32 v61, v44;
	v23 =	vld.idx.msk [tilespmem:v18+s16+$0x0], $0xffff;
	[tilespmem:v60+s31+$0x0] =	vst.idx.msk $0xffff, v19;
	v19 =	vadd.f32 v31, v11  }
0x179: {  	v24 =	vbroadcast v32, $0x0;
	v29 =	vadd.s32 v9, v34;
	v34 =	vor.u32 $0x3, v20;
	v32 =	vld.idx.msk [tilespmem:v60+s14+$0x0], $0xffff;
	[tilespmem:v46+s31+$0x0] =	vst.idx.msk $0xffff, v30  }
0x17a: {  	v38 =	vadd.f32 v38, v11;
	v25 =	vbroadcast v43, $0x0;
	v31 =	vld.idx.msk [tilespmem:v46+s14+$0x0], $0xffff;
	v37 =	vmul.f32 v19, v13  }
0x17b: {  	s4 =	simm.s32 $0x10;
	s18 =	simm.s32 $0xF;
	v35 =	vor.u32 $0x4, v24;
	[tilespmem:s20+$0xFFFFFFB0] =	vst v63;
	v30 =	vmul.f32 v45, v12;
	v19 =	vld.idx.msk [tilespmem:v62+s16+$0x0], $0xffff;
	v36 =	vmul.f32 v47, v36  }
.LBB2_8:
0x17c: {  	p0 =	slt.u32 s4, $0x20;
	v33 =	vld.idx.msk [tilespmem:v33+s16+$0x0], $0xffff;
	v39 =	vor.u32 $0x5, v25;
	v40 =	vmov s18;
	[tilespmem:v27+s31+$0x0] =	vst.idx.msk $0xffff, v37;
	v37 =	vmul.f32 v38, v26  }
0x17d: {  	v28 =	vmul.f32 v28, v15;
	v38 =	vshrl.u32 v40, $0x3;
	[tilespmem:s20+$0xFFFFFFA0] =	vst v36;
	v27 =	vld.idx.msk [tilespmem:v27+s14+$0x0], $0xffff  }
0x17e: {  	v34 =	vld.idx.msk [tilespmem:v34+s16+$0x0], $0xffff;
	v36 =	vshll.u32 v38, v2;
	[tilespmem:v29+s31+$0x0] =	vst.idx.msk $0xffff, v37  }
0x17f: {  	v36 =	vbroadcast v36, $0x0;
	[tilespmem:s20+$0xFFFFFFC0] =	vst v28;
	v28 =	vmul.f32 v32, v16;
	v29 =	vld.idx.msk [tilespmem:v29+s14+$0x0], $0xffff  }
0x180: {  	s1 =	sadd.s32 $0x1, s4;
	v32 =	vld.idx.msk [tilespmem:v35+s16+$0x0], $0xffff;
	[tilespmem:s20+$0xFFFFFF80] =	vst v30;
	v30 =	vmul.f32 v31, v14  }
0x181: {  	s18 =	sadd.s32 $0x3, s4;
	s19 =	sadd.s32 $0x100, s19;
	v31 =	vmov s4;
	v35 =	vmov s1;
	s1 =	sadd.s32 $0x2, s4;
	v37 =	vld.idx.msk [tilespmem:v39+s16+$0x0], $0xffff;
	v38 =	vor.u32 $0x7, v36;
	[tilespmem:s20+$0xFFFFFFE0] =	vst v28  }
0x182: {  	v41 =	vsel vm0, v15, v3;
	s21 =	sadd.s32 $0x100, s21;
	v28 =	vmov s1;
	v39 =	vmov s18;
	s1 =	sadd.s32 $0x4, s4;
	v15 =	vmovc v33;
	v40 =	vld [tilespmem:s19+$0x60];
	[tilespmem:s20+$0x0] =	vst v30  }
0x183: {  	v44 =	vsel vm0, v16, v3;
	s18 =	sadd.s32 $0x6, s17;
	s17 =	smov.u32 s4;
	v30 =	vmov s1;
	s1 =	sadd.s32 $0x5, s4;
	v27 =	vmul.f32 v27, v13;
	v33 =	vld [tilespmem:s21+$0x60];
	[tilespmem:s20+$0xFFFFFFD0] =	vst v41  }
0x184: {  	v31 =	vshrl.u32 v31, $0x3;
	v43 =	vmov s18;
	v41 =	vmov s1;
	v16 =	vmovc v34;
	v42 =	vld [tilespmem:s19+$0xFFFFFF80];
	[tilespmem:s20+$0xFFFFFFF0] =	vst v44  }
0x185: {  	v31 =	vshll.u32 v31, v2;
	v44 =	vsel vm0, v14, v3;
	v34 =	vld [tilespmem:s21+$0xFFFFFF80];
	[tilespmem:s20+$0x20] =	vst v27;
	v27 =	vmul.f32 v29, v26  }
0x186: {  	v28 =	vshrl.u32 v28, $0x3;
	v29 =	vshrl.u32 v35, $0x3;
	v35 =	vshrl.u32 v39, $0x3;
	v14 =	vmovc v32;
	v38 =	vld.idx.msk [tilespmem:v38+s16+$0x0], $0xffff;
	[tilespmem:s20+$0x10] =	vst v44  }
0x187: {  	v30 =	vshrl.u32 v30, $0x3;
	v32 =	vshrl.u32 v41, $0x3;
	v41 =	vsel vm0, v13, v3;
	v13 =	vmovc v37;
	v39 =	vld [tilespmem:s19+$0xFFFFFFA0];
	[tilespmem:s20+$0x40] =	vst v27  }
0x188: {  	v26 =	vsel vm0, v26, v3;
	v37 =	vshrl.u32 v43, $0x3;
	v27 =	vld [tilespmem:s21+$0xFFFFFFA0];
	v33 =	vadd.f32 v33, v40;
	[tilespmem:s20+$0x30] =	vst v41  }
0x189: {  	v36 =	vadd.s32 v10, v36;
	v31 =	vbroadcast v31, $0x0;
	v29 =	vshll.u32 v29, v2;
	v40 =	vld [tilespmem:s19+$0xFFFFFFC0];
	[tilespmem:s20+$0x50] =	vst v26  }
0x18a: {  	v12 =	vsel vm0, v12, v3;
	v26 =	vadd.f32 v34, v42;
	v34 =	vld [tilespmem:s21+$0xFFFFFFC0];
	v33 =	vadd.f32 v33, v11;
	[tilespmem:s20+$0x70] =	vst v17  }
0x18b: {  	v28 =	vshll.u32 v28, v2;
	v35 =	vshll.u32 v35, v2;
	v41 =	vadd.s32 v0, v18;
	v42 =	vld [tilespmem:s19+$0xFFFFFFE0];
	[tilespmem:s20+$0xFFFFFF90] =	vst v12  }
0x18c: {  	v18 =	vmovc v31;
	v17 =	vsel vm0, v38, v3;
	v26 =	vadd.f32 v26, v11;
	v43 =	vld [tilespmem:s21+$0xFFFFFFE0];
	v33 =	vmul.f32 v33, v38  }
0x18d: {  	v30 =	vshll.u32 v30, v2;
	v37 =	vshll.u32 v37, v2;
	v12 =	vmovc v23;
	v27 =	vadd.f32 v27, v39;
	v31 =	vld [tilespmem:s19+$0x0]  }
0x18e: {  	v32 =	vshll.u32 v32, v2;
	v37 =	vbroadcast v37, $0x0;
	v23 =	vmul.f32 v26, v12;
	v26 =	vld [tilespmem:s21+$0x0];
	[tilespmem:v36+s31+$0x0] =	vst.idx.msk $0xffff, v33  }
0x18f: {  	v33 =	vadd.s32 v4, v21;
	v27 =	vadd.f32 v27, v11;
	v34 =	vadd.f32 v34, v40;
	v36 =	vld.idx.msk [tilespmem:v36+s14+$0x0], $0xffff  }
0x190: {  	v39 =	vor.u32 $0x6, v37;
	v21 =	vbroadcast v29, $0x0;
	[tilespmem:v41+s31+$0x0] =	vst.idx.msk $0xffff, v23;
	v23 =	vadd.s32 v5, v22;
	v29 =	vld [tilespmem:s19+$0x20]  }
0x191: {  	v27 =	vmul.f32 v27, v19;
	v34 =	vadd.f32 v34, v11;
	v40 =	vadd.f32 v43, v42;
	v42 =	vld [tilespmem:s21+$0x20]  }
0x192: {  	v22 =	vbroadcast v28, $0x0;
	v43 =	vadd.s32 v6, v20;
	v20 =	vbroadcast v35, $0x0;
	v35 =	vld [tilespmem:s19+$0x40]  }
0x193: {  	v28 =	vmul.f32 v34, v15;
	v34 =	vadd.f32 v40, v11;
	v26 =	vadd.f32 v26, v31;
	v31 =	vld [tilespmem:s21+$0x40]  }
0x194: {  	v40 =	vld.idx.msk [tilespmem:v41+s14+$0x0], $0xffff;
	[tilespmem:v33+s31+$0x0] =	vst.idx.msk $0xffff, v27;
	v41 =	vadd.s32 v7, v24;
	v27 =	vadd.s32 v8, v25  }
0x195: {  	v36 =	vmul.f32 v36, v38;
	v44 =	vld.idx.msk [tilespmem:v33+s14+$0x0], $0xffff;
	v25 =	vmul.f32 v34, v16;
	v34 =	vadd.f32 v26, v11  }
0x196: {  	s20 =	sadd.s32 $0x100, s20;
	v45 =	vor.u32 $0x1, v21;
	v24 =	vbroadcast v30, $0x0;
	[tilespmem:v23+s31+$0x0] =	vst.idx.msk $0xffff, v28;
	v30 =	vadd.f32 v42, v29;
	v26 =	vld.idx.msk [tilespmem:v39+s16+$0x0], $0xffff  }
.Ltmp3:
0x197: {  	v33 =	vor.u32 $0x2, v22;
	v29 =	vadd.s32 v9, v37;
	v28 =	vld.idx.msk [tilespmem:v23+s14+$0x0], $0xffff;
	v38 =	vmul.f32 v34, v14;
	[tilespmem:s20+$0x60] =	vst v36;
	(pc) =	sbr.rel @p0 .LBB2_8-.Ltmp3, $4  }
0x198: {  	v23 =	vld.idx.msk [tilespmem:v18+s16+$0x0], $0xffff;
	[tilespmem:v43+s31+$0x0] =	vst.idx.msk $0xffff, v25;
	v36 =	vadd.f32 v30, v11;
	v35 =	vadd.f32 v31, v35  }
0x199: {  	v39 =	vsel vm0, v19, v3;
	v34 =	vor.u32 $0x3, v20;
	v25 =	vbroadcast v32, $0x0;
	v32 =	vld.idx.msk [tilespmem:v43+s14+$0x0], $0xffff;
	[tilespmem:v41+s31+$0x0] =	vst.idx.msk $0xffff, v38  }
0x19a: {  	v30 =	vmul.f32 v40, v12;
	v31 =	vld.idx.msk [tilespmem:v41+s14+$0x0], $0xffff;
	v37 =	vmul.f32 v36, v13;
	v38 =	vadd.f32 v35, v11  }
0x19b: {  	s18 =	sadd.s32 $0x7, s17;
	s4 =	sadd.s32 $0x8, s4;
	v35 =	vor.u32 $0x4, v24;
	v36 =	vmul.f32 v44, v19;
	v19 =	vld.idx.msk [tilespmem:v45+s16+$0x0], $0xffff;
	[tilespmem:s20+$0xFFFFFFB0] =	vst v39  }
0x19c: {  	_ =	sdelay $0x3  }
0x19d: {  	v33 =	vld.idx.msk [tilespmem:v33+s16+$0x0], $0xffff  }
0x19e: {  	[tilespmem:v27+s31+$0x0] =	vst.idx.msk $0xffff, v37;
	v34 =	vld.idx.msk [tilespmem:v34+s16+$0x0], $0xffff  }
0x19f: {  	s22 =	sadd.s32 $0x100, s19;
	v27 =	vld.idx.msk [tilespmem:v27+s14+$0x0], $0xffff  }
0x1a0: {  	s4 =	sadd.s32 $0x100, s21;
	v54 =	vld [tilespmem:s22+$0x60]  }
0x1a1: {  	v40 =	vld [tilespmem:s4+$0x60]  }
0x1a2: {  	v41 =	vld [tilespmem:s22+$0xFFFFFF80]  }
0x1a3: {  	[tilespmem:s20+$0xFFFFFF80] =	vst v30;
	v55 =	vld [tilespmem:s4+$0xFFFFFF80]  }
0x1a4: {  	v39 =	vmov s18;
	v51 =	vmul.f32 v38, v26;
	[tilespmem:s20+$0x70] =	vst v17;
	v58 =	vld [tilespmem:s22+$0xFFFFFFA0]  }
0x1a5: {  	v28 =	vmul.f32 v28, v15;
	v61 =	vsel vm0, v15, v3;
	v63 =	vsel vm0, v16, v3;
	[tilespmem:s20+$0xFFFFFFA0] =	vst v36;
	v59 =	vld [tilespmem:s4+$0xFFFFFFA0]  }
0x1a6: {  	s1 =	sadd.s32 $0x6, s17;
	v46 =	vsel vm0, v14, v3;
	v49 =	vsel vm0, v13, v3;
	v21 =	vadd.s32 v4, v21;
	v62 =	vld [tilespmem:s22+$0xFFFFFFC0];
	[tilespmem:s20+$0xFFFFFFD0] =	vst v61  }
0x1a7: {  	v12 =	vsel vm0, v12, v3;
	v52 =	vshrl.u32 v39, $0x3;
	v43 =	vld [tilespmem:s4+$0xFFFFFFC0];
	v44 =	vmov s1;
	[tilespmem:s20+$0xFFFFFFF0] =	vst v63  }
0x1a8: {  	v22 =	vadd.s32 v5, v22;
	v45 =	vld [tilespmem:s22+$0xFFFFFFE0];
	[tilespmem:s20+$0x10] =	vst v46;
	v38 =	vshll.u32 v52, v2;
	v50 =	vshrl.u32 v44, $0x3  }
0x1a9: {  	v48 =	vld [tilespmem:s4+$0xFFFFFFE0];
	[tilespmem:v29+s31+$0x0] =	vst.idx.msk $0xffff, v51;
	v53 =	vbroadcast v38, $0x0;
	v57 =	vmul.f32 v31, v14;
	v14 =	vshll.u32 v50, v2  }
0x1aa: {  	v20 =	vadd.s32 v6, v20;
	[tilespmem:s20+$0x30] =	vst v49;
	v61 =	vadd.s32 v0, v18;
	v29 =	vld.idx.msk [tilespmem:v29+s14+$0x0], $0xffff;
	v14 =	vbroadcast v14, $0x0  }
0x1ab: {  	v63 =	vld [tilespmem:s22+$0x40];
	[tilespmem:s20+$0xFFFFFF90] =	vst v12;
	v56 =	vmul.f32 v32, v16;
	v52 =	vor.u32 $0x5, v25;
	v38 =	vor.u32 $0x7, v53  }
0x1ac: {  	[tilespmem:s20+$0xFFFFFFC0] =	vst v28;
	v51 =	vld [tilespmem:s22+$0x0];
	v37 =	vadd.s32 v10, v53;
	v28 =	vadd.f32 v59, v58;
	v59 =	vor.u32 $0x6, v14  }
0x1ad: {  	[tilespmem:s20+$0xFFFFFFE0] =	vst v56;
	v42 =	vmul.f32 v27, v13;
	v55 =	vadd.f32 v55, v41;
	v27 =	vadd.f32 v43, v62;
	v41 =	vld [tilespmem:s4+$0x40]  }
0x1ae: {  	[tilespmem:s20+$0x0] =	vst v57;
	v53 =	vsel vm0, v26, v3;
	v60 =	vadd.f32 v40, v54;
	v54 =	vld [tilespmem:s4+$0x0];
	v57 =	vadd.f32 v28, v11  }
0x1af: {  	v58 =	vld [tilespmem:s22+$0x20];
	[tilespmem:s20+$0x50] =	vst v53;
	v15 =	vadd.f32 v48, v45;
	v47 =	vmul.f32 v29, v26;
	v62 =	vadd.f32 v27, v11  }
0x1b0: {  	v49 =	vsel vm0, v19, v3;
	[tilespmem:s20+$0x20] =	vst v42;
	v32 =	vld.idx.msk [tilespmem:v38+s16+$0x0], $0xffff;
	v13 =	vmul.f32 v57, v19  }
0x1b1: {  	v43 =	vadd.f32 v15, v11;
	[tilespmem:s20+$0x40] =	vst v47;
	v18 =	vmul.f32 v62, v33;
	v26 =	vld.idx.msk [tilespmem:v59+s16+$0x0], $0xffff  }
0x1b2: {  	v38 =	vadd.f32 v60, v11;
	v60 =	vld [tilespmem:s4+$0x20];
	v48 =	vadd.f32 v41, v63;
	[tilespmem:v21+s31+$0x0] =	vst.idx.msk $0xffff, v13  }
0x1b3: {  	s2 =	sadd.s32 $0x100, s20;
	v14 =	vadd.s32 v9, v14;
	v42 =	vld.idx.msk [tilespmem:v52+s16+$0x0], $0xffff;
	[tilespmem:v22+s31+$0x0] =	vst.idx.msk $0xffff, v18;
	v13 =	vmul.f32 v43, v34  }
0x1b4: {  	v40 =	vadd.f32 v54, v51;
	v21 =	vld.idx.msk [tilespmem:v21+s14+$0x0], $0xffff;
	v51 =	vadd.f32 v48, v11;
	[tilespmem:s2+$0xFFFFFFB0] =	vst v49  }
0x1b5: {  	v57 =	vsel vm0, v34, v3;
	v22 =	vld.idx.msk [tilespmem:v22+s14+$0x0], $0xffff;
	[tilespmem:v20+s31+$0x0] =	vst.idx.msk $0xffff, v13;
	v38 =	vmul.f32 v38, v32  }
0x1b6: {  	v16 =	vadd.f32 v55, v11;
	v20 =	vld.idx.msk [tilespmem:v20+s14+$0x0], $0xffff;
	[tilespmem:s2+$0xFFFFFFF0] =	vst v57;
	v53 =	vmul.f32 v51, v26  }
0x1b7: {  	v35 =	vld.idx.msk [tilespmem:v35+s16+$0x0], $0xffff;
	v47 =	vadd.s32 v8, v25;
	v46 =	vadd.f32 v60, v58;
	[tilespmem:v37+s31+$0x0] =	vst.idx.msk $0xffff, v38  }
0x1b8: {  	v62 =	vsel vm0, v32, v3;
	v56 =	vld.idx.msk [tilespmem:v37+s14+$0x0], $0xffff;
	v37 =	vmul.f32 v16, v23;
	[tilespmem:v14+s31+$0x0] =	vst.idx.msk $0xffff, v53  }
0x1b9: {  	v18 =	vadd.f32 v46, v11;
	v52 =	vmul.f32 v21, v19;
	[tilespmem:s2+$0x70] =	vst v62  }
0x1ba: {  	v44 =	vadd.s32 v7, v24;
	v54 =	vmul.f32 v22, v33;
	[tilespmem:v61+s31+$0x0] =	vst.idx.msk $0xffff, v37  }
0x1bb: {  	v16 =	vadd.f32 v40, v11;
	v50 =	vmul.f32 v18, v42;
	[tilespmem:s2+$0xFFFFFFA0] =	vst v52  }
0x1bc: {  	[tilespmem:s2+$0xFFFFFFC0] =	vst v54  }
0x1bd: {  	v63 =	vsel vm0, v23, v3;
	v16 =	vmul.f32 v16, v35;
	[tilespmem:v47+s31+$0x0] =	vst.idx.msk $0xffff, v50  }
0x1be: {  	v55 =	vmul.f32 v20, v34;
	v17 =	vld.idx.msk [tilespmem:v61+s14+$0x0], $0xffff;
	[tilespmem:s2+$0xFFFFFF90] =	vst v63  }
0x1bf: {  	v14 =	vld.idx.msk [tilespmem:v14+s14+$0x0], $0xffff;
	[tilespmem:v44+s31+$0x0] =	vst.idx.msk $0xffff, v16  }
0x1c0: {  	v60 =	vsel vm0, v42, v3;
	[tilespmem:s2+$0xFFFFFFE0] =	vst v55  }
0x1c1: {  	v61 =	vsel vm0, v26, v3;
	v12 =	vld.idx.msk [tilespmem:v47+s14+$0x0], $0xffff;
	[tilespmem:s2+$0x30] =	vst v60  }
0x1c2: {  	v58 =	vsel vm0, v35, v3;
	[tilespmem:s2+$0x50] =	vst v61;
	v15 =	vld.idx.msk [tilespmem:v44+s14+$0x0], $0xffff  }
0x1c3: {  	v45 =	vmul.f32 v56, v32;
	v56 =	vsel vm0, v33, v3;
	[tilespmem:s2+$0x10] =	vst v58  }
0x1c4: {  	[tilespmem:s2+$0xFFFFFFD0] =	vst v56;
	v59 =	vmul.f32 v14, v26  }
0x1c5: {  	[tilespmem:s2+$0x60] =	vst v45;
	v17 =	vmul.f32 v17, v23  }
0x1c6: {  	[tilespmem:s2+$0x40] =	vst v59;
	v12 =	vmul.f32 v12, v42  }
0x1c7: {  	[tilespmem:s2+$0xFFFFFF80] =	vst v17;
	v15 =	vmul.f32 v15, v35  }
0x1c8: {  	[tilespmem:s2+$0x20] =	vst v12  }
0x1c9: {  	s3 =	simm.s32 $0x50C8;
	[tilespmem:s2+$0x0] =	vst v15;
	s2 =	simm.s32 $0x1400  }
0x1ca: {  	[tilespmem:s2], [sflag:$0x2] =	stream.indirect.gather [hbm4b:s23+s5], $0x80, s3, s5, $0xb8;
	[tilespmem:$0x1FE60] =	vst v63  }
0x1cb: {  	s4 =	simm.s32 $0x2D00  }
0x1cc: {  	[tilespmem:s4], [sflag:$0x4] =	stream.indirect.gather [hbm4b:s10+s5], $0x20, s3, s5, $0xb8;
	[tilespmem:$0x1FE60] =	vst v63  }
0x1cd: {  	s11 =	rddreg [dreg:$0xf]  }
0x1ce: {  	[tilespmem:s30], [sflag:$0x8] =	stream.strided.gather [hbm4b:s11+s5], $0x280, s29, s5, $0x38;
	[tilespmem:$0x1FE60] =	vst v63  }
0x1cf: {  	s17 =	simm.s32 $0x0;
	s18 =	rddreg [dreg:$0x10]  }
0x1d0: {  	[tilespmem:s24], [sflag:$0xA] =	stream.linear.gather [hbm4b:s18+s17], $0x28, $0x38;
	[tilespmem:$0x1FE60] =	vst v63  }
0x1d1: {  	s19 =	rddreg [dreg:$0x11]  }
0x1d2: {  	[tilespmem:s25], [sflag:$0xC] =	stream.linear.gather [hbm4b:s19+s17], $0x28, $0x38;
	[tilespmem:$0x1FE60] =	vst v63  }
0x1d3: {  	_ = 	snop  }
0x1d4: {  	[spmem:s28] =	stream.indirect.scatter.add.f32 [tilespmem:s17], [sflag:$0xD], $0x80, s15, s5, $0xb8;
	[tilespmem:$0x1FE60] =	vst v63  }
0x1d5: {  	s21 =	simm.s32 $0x3C00;
	s20 =	rddreg [dreg:$0x8]  }
0x1d6: {  	[spmem:s20] =	stream.indirect.scatter.add.f32 [tilespmem:s21], [sflag:$0xF], $0x20, s15, s5, $0xb8;
	[tilespmem:$0x1FE60] =	vst v63  }
0x1d7: {  	s22 =	rddreg [dreg:$0x13];
	s17 =	simm.s32 $0x0  }
0x1d8: {  	[hbm4b:s22+s5] =	stream.strided.scatter [tilespmem:s31], [sflag:$0x11], $0x280, s29, s5, $0x38;
	[tilespmem:$0x1FE60] =	vst v63  }
.LBB2_10:
0x1d9: {  	s2 =	simm.s32 $0xA  }
0x1da: {  	s1 =	simm.s32 $0x1;
	s3 =	simm.s32 $0x0;
	_ =	swait.ge [sflag:s2], $0x28  }
0x1db: {  	s4 =	simm.s32 $0x7;
	v12 =	vmov s3;
	v13 =	vmov s1;
	[sflag:s2] =	ssyncset.done $0x0  }
0x1dc: {  	s11 =	simm.s32 $0x3700;
	s18 =	simm.s32 $0x2;
	v14 =	vmov s4;
	v12 =	vshrl.u32 v12, $0x3;
	v13 =	vshrl.u32 v13, $0x3;
	[sflag:s2] =	ssyncadd.s32 $0xFFFFFFD8  }
0x1dd: {  	v14 =	vshrl.u32 v14, $0x3;
	v12 =	vshll.u32 v12, v2;
	v13 =	vshll.u32 v13, v2;
	[tilespmem:s11], [sflag:$0x6] =	stream.indirect.gather [hbm4b:s10+s5], $0x20, s24, s5, $0xb8;
	[tilespmem:$0x1FE60] =	vst v63  }
0x1de: {  	v14 =	vshll.u32 v14, v2;
	v12 =	vbroadcast v12, $0x0;
	v13 =	vadd.s32 $0x1, v13;
	_ =	swait.ge [sflag:s18], $0x1400  }
0x1df: {  	v14 =	vadd.s32 $0x7, v14;
	v13 =	vbroadcast v13, $0x0;
	[sflag:s18] =	ssyncset.done $0x0  }
0x1e0: {  	s19 =	simm.s32 $0xC;
	v14 =	vbroadcast v14, $0x0;
	[sflag:s18] =	ssyncadd.s32 $0xFFFFEC00  }
0x1e1: {  	_ =	swait.ge [sflag:s19], $0x28  }
0x1e2: {  	[sflag:s19] =	ssyncset.done $0x0  }
0x1e3: {  	[sflag:s19] =	ssyncadd.s32 $0xFFFFFFD8  }
0x1e4: {  	v15 =	vld.idx.msk [tilespmem:v12+s25+$0x0], $0xffff  }
0x1e5: {  	v13 =	vld.idx.msk [tilespmem:v13+s25+$0x0], $0xffff  }
0x1e6: {  	s19 =	simm.s32 $0x1600;
	v12 =	vld.idx.msk [tilespmem:v14+s25+$0x0], $0xffff  }
0x1e7: {  	v14 =	vld [tilespmem:s19+$0xFFFFFE00]  }
0x1e8: {  	v16 =	vld [tilespmem:s19+$0xFFFFFE10]  }
0x1e9: {  	v17 =	vld [tilespmem:s19+$0xFFFFFE20]  }
0x1ea: {  	v18 =	vld [tilespmem:s19+$0xFFFFFE30]  }
0x1eb: {  	v19 =	vld [tilespmem:s19+$0xFFFFFE40]  }
0x1ec: {  	v20 =	vld [tilespmem:s19+$0xFFFFFE50]  }
0x1ed: {  	v23 =	vld [tilespmem:s19+$0x1F0]  }
0x1ee: {  	v22 =	vld [tilespmem:s19+$0xFFFFFE60]  }
0x1ef: {  	v24 =	vld [tilespmem:s19+$0xFFFFFE80]  }
0x1f0: {  	v25 =	vld [tilespmem:s19+$0xFFFFFE90]  }
0x1f1: {  	s20 =	simm.s32 $0x2;
	v27 =	vld [tilespmem:s19+$0xFFFFFEB0];
	v14 =	vmul.f32 v14, v15  }
0x1f2: {  	v21 =	vmov s20;
	v26 =	vld [tilespmem:s19+$0xFFFFFEA0];
	v23 =	vmul.f32 v23, v12  }
0x1f3: {  	v21 =	vshrl.u32 v21, $0x3;
	v28 =	vld [tilespmem:s19+$0xFFFFFEC0];
	v16 =	vmul.f32 v16, v15;
	[tilespmem:s19+$0xFFFFFE00] =	vst v14  }
0x1f4: {  	v17 =	vmul.f32 v17, v15;
	v14 =	vshll.u32 v21, v2;
	v21 =	vld [tilespmem:s19+$0xFFFFFE70];
	[tilespmem:s19+$0x1F0] =	vst v23  }
0x1f5: {  	v18 =	vmul.f32 v18, v15;
	v23 =	vmul.f32 v24, v13;
	v24 =	vld [tilespmem:s19+$0xFFFFFED0];
	[tilespmem:s19+$0xFFFFFE10] =	vst v16  }
0x1f6: {  	s21 =	simm.s32 $0x3;
	v27 =	vmul.f32 v27, v13;
	v16 =	vld [tilespmem:s19+$0xFFFFFEE0];
	[tilespmem:s19+$0xFFFFFE20] =	vst v17;
	v14 =	vadd.s32 $0x2, v14  }
0x1f7: {  	v29 =	vmov s21;
	v17 =	vmul.f32 v19, v15;
	v19 =	vld [tilespmem:s19+$0xFFFFFEF0];
	[tilespmem:s19+$0xFFFFFE30] =	vst v18;
	v14 =	vbroadcast v14, $0x0  }
0x1f8: {  	v29 =	vshrl.u32 v29, $0x3;
	v18 =	vmul.f32 v20, v15;
	v20 =	vld [tilespmem:s19+$0xFFFFFF00];
	[tilespmem:s19+$0xFFFFFEB0] =	vst v27  }
0x1f9: {  	v27 =	vld [tilespmem:s19+$0xFFFFFF80];
	[tilespmem:s19+$0xFFFFFE80] =	vst v23;
	v23 =	vshll.u32 v29, v2  }
0x1fa: {  	[tilespmem:s19+$0xFFFFFE40] =	vst v17;
	v17 =	vmul.f32 v22, v15;
	v22 =	vld [tilespmem:s19+$0xFFFFFF10];
	v23 =	vadd.s32 $0x3, v23  }
0x1fb: {  	[tilespmem:s19+$0xFFFFFE50] =	vst v18;
	v18 =	vld [tilespmem:s19+$0xFFFFFF20];
	v23 =	vbroadcast v23, $0x0  }
0x1fc: {  	[tilespmem:s19+$0xFFFFFE60] =	vst v17;
	v17 =	vmul.f32 v25, v13;
	v25 =	vld [tilespmem:s19+$0xFFFFFF40];
	v15 =	vmul.f32 v21, v15  }
0x1fd: {  	v28 =	vmul.f32 v28, v13;
	v14 =	vld.idx.msk [tilespmem:v14+s25+$0x0], $0xffff  }
0x1fe: {  	v21 =	vld [tilespmem:s19+$0xFFFFFF30];
	v24 =	vmul.f32 v24, v13;
	[tilespmem:s19+$0xFFFFFE70] =	vst v15;
	v15 =	vmul.f32 v26, v13  }
0x1ff: {  	v16 =	vmul.f32 v16, v13;
	[tilespmem:s19+$0xFFFFFE90] =	vst v17;
	v13 =	vmul.f32 v19, v13;
	v19 =	vld [tilespmem:s19+$0xFFFFFF90]  }
0x200: {  	[tilespmem:s19+$0xFFFFFEA0] =	vst v15;
	v15 =	vld [tilespmem:s19+$0xFFFFFF60]  }
0x201: {  	[tilespmem:s19+$0xFFFFFED0] =	vst v24;
	v23 =	vld.idx.msk [tilespmem:v23+s25+$0x0], $0xffff  }
0x202: {  	s22 =	simm.s32 $0x4;
	[tilespmem:s19+$0xFFFFFEE0] =	vst v16;
	v24 =	vld [tilespmem:s19+$0xFFFFFFD0];
	v17 =	vmul.f32 v20, v14  }
0x203: {  	v26 =	vmov s22;
	[tilespmem:s19+$0xFFFFFEF0] =	vst v13;
	v20 =	vld [tilespmem:s19+$0xFFFFFF50];
	v16 =	vmul.f32 v22, v14  }
0x204: {  	v26 =	vshrl.u32 v26, $0x3;
	v22 =	vld [tilespmem:s19+$0xFFFFFFA0];
	v13 =	vmul.f32 v18, v14;
	[tilespmem:s19+$0xFFFFFF00] =	vst v17  }
0x205: {  	s2 =	simm.s32 $0x5;
	v18 =	vld [tilespmem:s19+$0xFFFFFFB0];
	v25 =	vmul.f32 v25, v14;
	v15 =	vmul.f32 v15, v14;
	v17 =	vshll.u32 v26, v2;
	[tilespmem:s19+$0xFFFFFF10] =	vst v16  }
0x206: {  	v26 =	vld [tilespmem:s19+$0xFFFFFF70];
	[tilespmem:s19+$0xFFFFFF20] =	vst v13;
	v13 =	vmul.f32 v27, v23;
	v27 =	vmov s2;
	v17 =	vadd.s32 $0x4, v17  }
0x207: {  	v16 =	vmul.f32 v21, v14;
	v21 =	vld [tilespmem:s19+$0xFFFFFFC0];
	[tilespmem:s19+$0xFFFFFF40] =	vst v25;
	v27 =	vshrl.u32 v27, $0x3;
	v17 =	vbroadcast v17, $0x0  }
0x208: {  	v25 =	vld [tilespmem:s19+$0xFFFFFFF0];
	[tilespmem:s19+$0xFFFFFF80] =	vst v13;
	v13 =	vshll.u32 v27, v2  }
0x209: {  	[tilespmem:s19+$0xFFFFFF60] =	vst v15;
	v15 =	vmul.f32 v19, v23;
	v19 =	vld [tilespmem:s19+$0x10];
	v13 =	vadd.s32 $0x5, v13  }
0x20a: {  	[tilespmem:s19+$0xFFFFFF30] =	vst v16;
	v16 =	vld [tilespmem:s19+$0xFFFFFFE0];
	v20 =	vmul.f32 v20, v14;
	v13 =	vbroadcast v13, $0x0  }
0x20b: {  	[tilespmem:s19+$0xFFFFFF90] =	vst v15;
	v15 =	vmul.f32 v18, v23;
	v18 =	vld [tilespmem:s19+$0x30];
	v14 =	vmul.f32 v26, v14  }
0x20c: {  	[tilespmem:s19+$0xFFFFFF50] =	vst v20;
	v20 =	vld [tilespmem:s19+$0x0]  }
0x20d: {  	[tilespmem:s19+$0xFFFFFF70] =	vst v14;
	v14 =	vmul.f32 v22, v23;
	v17 =	vld.idx.msk [tilespmem:v17+s25+$0x0], $0xffff  }
0x20e: {  	[tilespmem:s19+$0xFFFFFEC0] =	vst v28;
	v24 =	vmul.f32 v24, v23;
	v22 =	vld [tilespmem:s19+$0x20]  }
0x20f: {  	[tilespmem:s19+$0xFFFFFFA0] =	vst v14;
	v14 =	vmul.f32 v21, v23;
	v21 =	vld [tilespmem:s19+$0x40]  }
0x210: {  	[tilespmem:s19+$0xFFFFFFD0] =	vst v24;
	v27 =	vld.idx.msk [tilespmem:v13+s25+$0x0], $0xffff  }
0x211: {  	s3 =	simm.s32 $0x6;
	[tilespmem:s19+$0xFFFFFFB0] =	vst v15;
	v13 =	vmul.f32 v16, v23;
	v16 =	vmul.f32 v25, v23;
	v23 =	vld [tilespmem:s19+$0x70]  }
0x212: {  	v26 =	vmov s3;
	v25 =	vld [tilespmem:s19+$0xE0];
	[tilespmem:s19+$0xFFFFFFC0] =	vst v14;
	v15 =	vmul.f32 v20, v17  }
0x213: {  	v26 =	vshrl.u32 v26, $0x3;
	v14 =	vld [tilespmem:s19+$0x60];
	[tilespmem:s19+$0xFFFFFFE0] =	vst v13  }
0x214: {  	v20 =	vld [tilespmem:s19+$0x50];
	v13 =	vmul.f32 v19, v17;
	[tilespmem:s19+$0x0] =	vst v15;
	v15 =	vshll.u32 v26, v2  }
0x215: {  	[tilespmem:s19+$0xFFFFFFF0] =	vst v16;
	v19 =	vld [tilespmem:s19+$0x80];
	v16 =	vmul.f32 v22, v17;
	v15 =	vadd.s32 $0x6, v15  }
0x216: {  	v22 =	vld [tilespmem:s19+$0x90];
	[tilespmem:s19+$0x10] =	vst v13;
	v13 =	vmul.f32 v18, v17;
	v15 =	vbroadcast v15, $0x0  }
0x217: {  	v18 =	vld [tilespmem:s19+$0xA0];
	[tilespmem:s19+$0x20] =	vst v16;
	v16 =	vmul.f32 v21, v17  }
0x218: {  	v21 =	vld [tilespmem:s19+$0xB0];
	v14 =	vmul.f32 v14, v17;
	[tilespmem:s19+$0x30] =	vst v13  }
0x219: {  	v26 =	vld [tilespmem:s19+$0x100];
	[tilespmem:s19+$0x40] =	vst v16;
	v13 =	vmul.f32 v20, v17  }
0x21a: {  	s4 =	simm.s32 $0x8;
	s21 =	simm.s32 $0xD;
	v20 =	vld [tilespmem:s19+$0xC0];
	v16 =	vmul.f32 v19, v27;
	[tilespmem:s19+$0x60] =	vst v14  }
0x21b: {  	s11 =	simm.s32 $0x9;
	v28 =	vmov s21;
	v24 =	vmov s4;
	s4 =	simm.s32 $0xA;
	v19 =	vld [tilespmem:s19+$0xD0];
	v22 =	vmul.f32 v22, v27;
	[tilespmem:s19+$0x50] =	vst v13  }
0x21c: {  	v14 =	vmov s11;
	[tilespmem:s19+$0x80] =	vst v16;
	v16 =	vmov s4;
	v18 =	vmul.f32 v18, v27;
	v13 =	vld.idx.msk [tilespmem:v15+s25+$0x0], $0xffff  }
0x21d: {  	s22 =	simm.s32 $0xE;
	[tilespmem:s19+$0x90] =	vst v22;
	v21 =	vmul.f32 v21, v27;
	v16 =	vshrl.u32 v16, $0x3;
	v15 =	vmul.f32 v23, v17;
	v23 =	vld [tilespmem:s19+$0xF0]  }
0x21e: {  	s20 =	simm.s32 $0xC;
	v29 =	vmov s22;
	v14 =	vshrl.u32 v14, $0x3;
	v22 =	vld [tilespmem:s19+$0x110];
	[tilespmem:s19+$0xA0] =	vst v18;
	v16 =	vshll.u32 v16, v2  }
0x21f: {  	[tilespmem:s19+$0xB0] =	vst v21;
	v21 =	vld [tilespmem:s19+$0x130];
	v17 =	vshrl.u32 v24, $0x3;
	v24 =	vmov s20;
	v18 =	vmul.f32 v20, v27  }
0x220: {  	s18 =	simm.s32 $0xB;
	v20 =	vld [tilespmem:s19+$0x120];
	v19 =	vmul.f32 v19, v27;
	v17 =	vshll.u32 v17, v2;
	v24 =	vshrl.u32 v24, $0x3;
	[tilespmem:s19+$0x70] =	vst v15  }
0x221: {  	v15 =	vmov s18;
	[tilespmem:s19+$0xC0] =	vst v18;
	v18 =	vmul.f32 v25, v27;
	v24 =	vshll.u32 v24, v2  }
0x222: {  	v25 =	vld [tilespmem:s19+$0x140];
	[tilespmem:s19+$0xD0] =	vst v19;
	v30 =	vshrl.u32 v15, $0x3;
	v19 =	vmul.f32 v23, v27;
	v23 =	vmul.f32 v26, v13  }
0x223: {  	v15 =	vbroadcast v17, $0x0;
	v17 =	vshrl.u32 v28, $0x3;
	v28 =	vshll.u32 v14, v2;
	[tilespmem:s19+$0xE0] =	vst v18;
	v27 =	vld [tilespmem:s19+$0x150]  }
0x224: {  	v18 =	vshll.u32 v30, v2;
	v26 =	vshrl.u32 v29, $0x3;
	v29 =	vld [tilespmem:s19+$0x160];
	v22 =	vmul.f32 v22, v13;
	[tilespmem:s19+$0x100] =	vst v23  }
0x225: {  	v14 =	vld [tilespmem:s19+$0x170];
	v20 =	vmul.f32 v20, v13;
	v21 =	vmul.f32 v21, v13;
	v63 =	vshll.u32 v26, v2;
	[tilespmem:s19+$0xF0] =	vst v19  }
0x226: {  	v26 =	vadd.s32 $0x3, v18;
	v19 =	vshll.u32 v17, v2;
	v23 =	vadd.s32 $0x1, v28;
	[tilespmem:s19+$0x110] =	vst v22;
	v17 =	vld [tilespmem:s19+$0x180]  }
0x227: {  	v18 =	vld [tilespmem:s19+$0x190];
	v28 =	vadd.s32 $0x2, v16;
	v22 =	vadd.s32 $0x4, v24;
	[tilespmem:s19+$0x120] =	vst v20;
	v20 =	vmul.f32 v25, v13  }
0x228: {  	[tilespmem:s19+$0x130] =	vst v21;
	v16 =	vbroadcast v23, $0x0;
	v23 =	vadd.s32 $0x5, v19;
	v19 =	vld [tilespmem:s19+$0x1A0];
	v25 =	vmul.f32 v27, v13  }
0x229: {  	s4 =	simm.s32 $0xF;
	s20 =	simm.s32 $0x10;
	v24 =	vadd.s32 $0x6, v63;
	v21 =	vbroadcast v28, $0x0;
	[tilespmem:s19+$0x140] =	vst v20;
	v20 =	vld [tilespmem:s19+$0x1B0];
	v27 =	vmul.f32 v29, v13  }
.LBB2_11:
0x22a: {  	p0 =	slt.u32 s20, $0x20;
	v26 =	vbroadcast v26, $0x0;
	v28 =	vmov s4;
	[tilespmem:s19+$0x150] =	vst v25;
	v13 =	vmul.f32 v14, v13;
	v14 =	vld [tilespmem:s19+$0x1C0]  }
0x22b: {  	v22 =	vbroadcast v22, $0x0;
	v25 =	vshrl.u32 v28, $0x3;
	[tilespmem:s19+$0x160] =	vst v27;
	v17 =	vmul.f32 v17, v12;
	v27 =	vld [tilespmem:s19+$0x1D0]  }
0x22c: {  	v23 =	vbroadcast v23, $0x0;
	v25 =	vshll.u32 v25, v2;
	[tilespmem:s19+$0x170] =	vst v13;
	v13 =	vmul.f32 v18, v12;
	v18 =	vld [tilespmem:s19+$0x1E0]  }
0x22d: {  	v24 =	vbroadcast v24, $0x0;
	v28 =	vld.idx.msk [tilespmem:v15+s25+$0x0], $0xffff;
	v15 =	vadd.s32 $0x7, v25;
	[tilespmem:s19+$0x180] =	vst v17;
	v17 =	vmul.f32 v19, v12  }
0x22e: {  	v19 =	vld.idx.msk [tilespmem:v16+s25+$0x0], $0xffff;
	v25 =	vbroadcast v15, $0x0;
	[tilespmem:s19+$0x190] =	vst v13;
	v13 =	vmul.f32 v20, v12  }
0x22f: {  	v20 =	vld.idx.msk [tilespmem:v21+s25+$0x0], $0xffff;
	[tilespmem:s19+$0x1A0] =	vst v17;
	v14 =	vmul.f32 v14, v12  }
0x230: {  	v16 =	vld.idx.msk [tilespmem:v26+s25+$0x0], $0xffff;
	[tilespmem:s19+$0x1B0] =	vst v13;
	v13 =	vmul.f32 v27, v12  }
0x231: {  	v15 =	vld.idx.msk [tilespmem:v22+s25+$0x0], $0xffff;
	[tilespmem:s19+$0x1C0] =	vst v14;
	v12 =	vmul.f32 v18, v12  }
0x232: {  	v14 =	vld.idx.msk [tilespmem:v23+s25+$0x0], $0xffff;
	[tilespmem:s19+$0x1D0] =	vst v13  }
0x233: {  	v13 =	vld.idx.msk [tilespmem:v24+s25+$0x0], $0xffff;
	[tilespmem:s19+$0x1E0] =	vst v12  }
0x234: {  	s19 =	sadd.s32 $0x400, s19;
	v12 =	vld.idx.msk [tilespmem:v25+s25+$0x0], $0xffff  }
0x235: {  	v17 =	vld [tilespmem:s19+$0x1F0]  }
0x236: {  	v18 =	vld [tilespmem:s19+$0xFFFFFE00]  }
0x237: {  	v21 =	vld [tilespmem:s19+$0xFFFFFE10]  }
0x238: {  	v22 =	vld [tilespmem:s19+$0xFFFFFE20]  }
0x239: {  	v23 =	vld [tilespmem:s19+$0xFFFFFE30]  }
0x23a: {  	v24 =	vld [tilespmem:s19+$0xFFFFFE40];
	v17 =	vmul.f32 v17, v12  }
0x23b: {  	v18 =	vmul.f32 v18, v28;
	v25 =	vld [tilespmem:s19+$0xFFFFFE50]  }
0x23c: {  	v21 =	vmul.f32 v21, v28;
	v26 =	vld [tilespmem:s19+$0xFFFFFE60];
	[tilespmem:s19+$0x1F0] =	vst v17  }
0x23d: {  	[tilespmem:s19+$0xFFFFFE00] =	vst v18;
	v17 =	vmul.f32 v22, v28;
	v18 =	vld [tilespmem:s19+$0xFFFFFE70]  }
0x23e: {  	[tilespmem:s19+$0xFFFFFE10] =	vst v21;
	v21 =	vmul.f32 v23, v28;
	v22 =	vld [tilespmem:s19+$0xFFFFFE80]  }
0x23f: {  	[tilespmem:s19+$0xFFFFFE20] =	vst v17;
	v17 =	vmul.f32 v24, v28;
	v23 =	vld [tilespmem:s19+$0xFFFFFE90]  }
0x240: {  	[tilespmem:s19+$0xFFFFFE30] =	vst v21;
	v21 =	vmul.f32 v25, v28;
	v24 =	vld [tilespmem:s19+$0xFFFFFEA0]  }
0x241: {  	[tilespmem:s19+$0xFFFFFE40] =	vst v17;
	v17 =	vmul.f32 v26, v28;
	v25 =	vld [tilespmem:s19+$0xFFFFFEB0]  }
0x242: {  	[tilespmem:s19+$0xFFFFFE50] =	vst v21;
	v18 =	vmul.f32 v18, v28;
	v21 =	vld [tilespmem:s19+$0xFFFFFEC0]  }
0x243: {  	[tilespmem:s19+$0xFFFFFE60] =	vst v17;
	v17 =	vmul.f32 v22, v19;
	v22 =	vld [tilespmem:s19+$0xFFFFFED0]  }
0x244: {  	[tilespmem:s19+$0xFFFFFE70] =	vst v18;
	v18 =	vmul.f32 v23, v19;
	v23 =	vld [tilespmem:s19+$0xFFFFFEE0]  }
0x245: {  	[tilespmem:s19+$0xFFFFFE80] =	vst v17;
	v17 =	vmul.f32 v24, v19;
	v24 =	vld [tilespmem:s19+$0xFFFFFEF0]  }
0x246: {  	[tilespmem:s19+$0xFFFFFE90] =	vst v18;
	v18 =	vmul.f32 v25, v19;
	v25 =	vld [tilespmem:s19+$0xFFFFFF00]  }
0x247: {  	[tilespmem:s19+$0xFFFFFEA0] =	vst v17;
	v17 =	vmul.f32 v21, v19;
	v21 =	vld [tilespmem:s19+$0xFFFFFF10]  }
0x248: {  	[tilespmem:s19+$0xFFFFFEB0] =	vst v18;
	v18 =	vmul.f32 v22, v19;
	v22 =	vld [tilespmem:s19+$0xFFFFFF20]  }
0x249: {  	[tilespmem:s19+$0xFFFFFEC0] =	vst v17;
	v17 =	vmul.f32 v23, v19;
	v23 =	vld [tilespmem:s19+$0xFFFFFF30]  }
0x24a: {  	[tilespmem:s19+$0xFFFFFED0] =	vst v18;
	v18 =	vmul.f32 v24, v19;
	v19 =	vld [tilespmem:s19+$0xFFFFFF40]  }
0x24b: {  	[tilespmem:s19+$0xFFFFFEE0] =	vst v17;
	v17 =	vmul.f32 v25, v20;
	v24 =	vld [tilespmem:s19+$0xFFFFFF50]  }
0x24c: {  	[tilespmem:s19+$0xFFFFFEF0] =	vst v18;
	v18 =	vmul.f32 v21, v20;
	v21 =	vld [tilespmem:s19+$0xFFFFFF60]  }
0x24d: {  	[tilespmem:s19+$0xFFFFFF00] =	vst v17;
	v17 =	vmul.f32 v22, v20;
	v22 =	vld [tilespmem:s19+$0xFFFFFF70]  }
0x24e: {  	[tilespmem:s19+$0xFFFFFF10] =	vst v18;
	v18 =	vmul.f32 v23, v20;
	v23 =	vld [tilespmem:s19+$0xFFFFFF80]  }
0x24f: {  	[tilespmem:s19+$0xFFFFFF20] =	vst v17;
	v17 =	vmul.f32 v19, v20;
	v19 =	vld [tilespmem:s19+$0xFFFFFF90]  }
0x250: {  	[tilespmem:s19+$0xFFFFFF30] =	vst v18;
	v18 =	vmul.f32 v24, v20;
	v24 =	vld [tilespmem:s19+$0xFFFFFFA0]  }
0x251: {  	[tilespmem:s19+$0xFFFFFF40] =	vst v17;
	v17 =	vmul.f32 v21, v20;
	v21 =	vld [tilespmem:s19+$0xFFFFFFB0]  }
0x252: {  	[tilespmem:s19+$0xFFFFFF50] =	vst v18;
	v18 =	vmul.f32 v22, v20;
	v20 =	vld [tilespmem:s19+$0xFFFFFFC0]  }
0x253: {  	[tilespmem:s19+$0xFFFFFF60] =	vst v17;
	v17 =	vmul.f32 v23, v16;
	v22 =	vld [tilespmem:s19+$0xFFFFFFD0]  }
0x254: {  	[tilespmem:s19+$0xFFFFFF70] =	vst v18;
	v18 =	vmul.f32 v19, v16;
	v19 =	vld [tilespmem:s19+$0xFFFFFFE0]  }
0x255: {  	[tilespmem:s19+$0xFFFFFF80] =	vst v17;
	v17 =	vmul.f32 v24, v16;
	v23 =	vld [tilespmem:s19+$0xFFFFFFF0]  }
0x256: {  	[tilespmem:s19+$0xFFFFFF90] =	vst v18;
	v18 =	vmul.f32 v21, v16;
	v21 =	vld [tilespmem:s19+$0x0]  }
0x257: {  	[tilespmem:s19+$0xFFFFFFA0] =	vst v17;
	v17 =	vmul.f32 v20, v16;
	v20 =	vld [tilespmem:s19+$0x10]  }
0x258: {  	[tilespmem:s19+$0xFFFFFFB0] =	vst v18;
	v18 =	vmul.f32 v22, v16;
	v22 =	vld [tilespmem:s19+$0x20]  }
0x259: {  	[tilespmem:s19+$0xFFFFFFC0] =	vst v17;
	v17 =	vmul.f32 v19, v16;
	v19 =	vld [tilespmem:s19+$0x30]  }
0x25a: {  	[tilespmem:s19+$0xFFFFFFD0] =	vst v18;
	v16 =	vmul.f32 v23, v16;
	v18 =	vld [tilespmem:s19+$0x40]  }
0x25b: {  	[tilespmem:s19+$0xFFFFFFE0] =	vst v17;
	v17 =	vmul.f32 v21, v15;
	v21 =	vld [tilespmem:s19+$0x50]  }
0x25c: {  	[tilespmem:s19+$0xFFFFFFF0] =	vst v16;
	v16 =	vmul.f32 v20, v15;
	v20 =	vld [tilespmem:s19+$0x60]  }
0x25d: {  	[tilespmem:s19+$0x0] =	vst v17;
	v17 =	vmul.f32 v22, v15;
	v22 =	vld [tilespmem:s19+$0x70]  }
0x25e: {  	[tilespmem:s19+$0x10] =	vst v16;
	v16 =	vmul.f32 v19, v15;
	v19 =	vld [tilespmem:s19+$0x80]  }
0x25f: {  	[tilespmem:s19+$0x20] =	vst v17;
	v17 =	vmul.f32 v18, v15;
	v18 =	vld [tilespmem:s19+$0x90]  }
0x260: {  	[tilespmem:s19+$0x30] =	vst v16;
	v16 =	vmul.f32 v21, v15;
	v21 =	vld [tilespmem:s19+$0xA0]  }
0x261: {  	[tilespmem:s19+$0x40] =	vst v17;
	v17 =	vmul.f32 v20, v15;
	v20 =	vld [tilespmem:s19+$0xB0]  }
0x262: {  	v23 =	vmov s20;
	[tilespmem:s19+$0x50] =	vst v16;
	v15 =	vmul.f32 v22, v15;
	v16 =	vld [tilespmem:s19+$0xC0]  }
0x263: {  	s1 =	sadd.s32 $0x1, s20;
	s4 =	sadd.s32 $0x2, s20;
	v22 =	vshrl.u32 v23, $0x3;
	[tilespmem:s19+$0x60] =	vst v17;
	v17 =	vmul.f32 v19, v14;
	v19 =	vld [tilespmem:s19+$0xD0]  }
0x264: {  	v24 =	vmov s4;
	s4 =	sadd.s32 $0x4, s20;
	v23 =	vmov s1;
	s1 =	sadd.s32 $0x3, s20;
	[tilespmem:s19+$0x70] =	vst v15;
	v15 =	vmul.f32 v18, v14;
	v18 =	vld [tilespmem:s19+$0xE0]  }
0x265: {  	v26 =	vmov s4;
	s4 =	sadd.s32 $0x6, s20;
	v25 =	vmov s1;
	s1 =	sadd.s32 $0x5, s20;
	[tilespmem:s19+$0x80] =	vst v17;
	v17 =	vmul.f32 v21, v14;
	v21 =	vld [tilespmem:s19+$0xF0]  }
0x266: {  	v28 =	vmov s4;
	v27 =	vmov s1;
	[tilespmem:s19+$0x90] =	vst v15;
	v15 =	vmul.f32 v20, v14;
	v20 =	vld [tilespmem:s19+$0x100]  }
0x267: {  	v22 =	vshll.u32 v22, v2;
	v23 =	vshrl.u32 v23, $0x3;
	[tilespmem:s19+$0xA0] =	vst v17;
	v16 =	vmul.f32 v16, v14;
	v17 =	vld [tilespmem:s19+$0x110]  }
0x268: {  	v24 =	vshrl.u32 v24, $0x3;
	v25 =	vshrl.u32 v25, $0x3;
	[tilespmem:s19+$0xB0] =	vst v15;
	v19 =	vmul.f32 v19, v14;
	v29 =	vld [tilespmem:s19+$0x120]  }
0x269: {  	v26 =	vshrl.u32 v26, $0x3;
	v27 =	vshrl.u32 v27, $0x3;
	[tilespmem:s19+$0xC0] =	vst v16;
	v16 =	vmul.f32 v18, v14;
	v18 =	vld [tilespmem:s19+$0x130]  }
0x26a: {  	v15 =	vbroadcast v22, $0x0;
	v22 =	vshrl.u32 v28, $0x3;
	[tilespmem:s19+$0xD0] =	vst v19;
	v14 =	vmul.f32 v21, v14;
	v19 =	vld [tilespmem:s19+$0x140]  }
0x26b: {  	v21 =	vshll.u32 v23, v2;
	v23 =	vshll.u32 v24, v2;
	[tilespmem:s19+$0xE0] =	vst v16;
	v16 =	vmul.f32 v20, v13;
	v20 =	vld [tilespmem:s19+$0x150]  }
0x26c: {  	v24 =	vshll.u32 v25, v2;
	v25 =	vshll.u32 v26, v2;
	[tilespmem:s19+$0xF0] =	vst v14;
	v17 =	vmul.f32 v17, v13;
	v28 =	vld [tilespmem:s19+$0x160]  }
.Ltmp4:
0x26d: {  	v27 =	vshll.u32 v27, v2;
	v30 =	vshll.u32 v22, v2;
	[tilespmem:s19+$0x100] =	vst v16;
	v16 =	vmul.f32 v29, v13;
	v14 =	vld [tilespmem:s19+$0x170];
	(pc) =	sbr.rel @p0 .LBB2_11-.Ltmp4, $4  }
0x26e: {  	v21 =	vadd.s32 $0x1, v21;
	v29 =	vadd.s32 $0x2, v23;
	[tilespmem:s19+$0x110] =	vst v17;
	v31 =	vmul.f32 v18, v13;
	v17 =	vld [tilespmem:s19+$0x180]  }
0x26f: {  	v26 =	vadd.s32 $0x3, v24;
	v22 =	vadd.s32 $0x4, v25;
	[tilespmem:s19+$0x120] =	vst v16;
	v32 =	vmul.f32 v19, v13;
	v18 =	vld [tilespmem:s19+$0x190]  }
0x270: {  	v23 =	vadd.s32 $0x5, v27;
	v16 =	vbroadcast v21, $0x0;
	[tilespmem:s19+$0x130] =	vst v31;
	v25 =	vmul.f32 v20, v13;
	v19 =	vld [tilespmem:s19+$0x1A0]  }
0x271: {  	s4 =	sadd.s32 $0x7, s20;
	s20 =	sadd.s32 $0x8, s20;
	v24 =	vadd.s32 $0x6, v30;
	v21 =	vbroadcast v29, $0x0;
	[tilespmem:s19+$0x140] =	vst v32;
	v27 =	vmul.f32 v28, v13;
	v20 =	vld [tilespmem:s19+$0x1B0]  }
0x272: {  	_ = 	snop  }
0x273: {  	v29 =	vld [tilespmem:s19+$0x1C0]  }
0x274: {  	v30 =	vld [tilespmem:s19+$0x1D0]  }
0x275: {  	v26 =	vbroadcast v26, $0x0;
	v28 =	vmov s4;
	v31 =	vld [tilespmem:s19+$0x1E0]  }
0x276: {  	v22 =	vbroadcast v22, $0x0;
	v32 =	vld.idx.msk [tilespmem:v15+s25+$0x0], $0xffff;
	v28 =	vshrl.u32 v28, $0x3  }
0x277: {  	v23 =	vbroadcast v23, $0x0;
	v21 =	vld.idx.msk [tilespmem:v21+s25+$0x0], $0xffff;
	v17 =	vmul.f32 v17, v12;
	v28 =	vshll.u32 v28, v2  }
0x278: {  	v24 =	vbroadcast v24, $0x0;
	s22 =	sadd.s32 $0x400, s19;
	v18 =	vmul.f32 v18, v12;
	v15 =	vadd.s32 $0x7, v28;
	v28 =	vld.idx.msk [tilespmem:v16+s25+$0x0], $0xffff  }
0x279: {  	[tilespmem:s19+$0x180] =	vst v17;
	v17 =	vmul.f32 v19, v12;
	v19 =	vld [tilespmem:s22+$0x1F0];
	v33 =	vbroadcast v15, $0x0  }
0x27a: {  	[tilespmem:s19+$0x190] =	vst v18;
	v18 =	vmul.f32 v20, v12;
	v20 =	vld [tilespmem:s22+$0xFFFFFE00]  }
0x27b: {  	v26 =	vld.idx.msk [tilespmem:v26+s25+$0x0], $0xffff  }
0x27c: {  	v13 =	vmul.f32 v14, v13;
	v16 =	vld.idx.msk [tilespmem:v22+s25+$0x0], $0xffff  }
0x27d: {  	[tilespmem:s19+$0x150] =	vst v25;
	v15 =	vld.idx.msk [tilespmem:v23+s25+$0x0], $0xffff  }
0x27e: {  	[tilespmem:s19+$0x170] =	vst v13;
	v14 =	vld.idx.msk [tilespmem:v24+s25+$0x0], $0xffff  }
0x27f: {  	[tilespmem:s19+$0x1A0] =	vst v17;
	v17 =	vmul.f32 v29, v12;
	v13 =	vld.idx.msk [tilespmem:v33+s25+$0x0], $0xffff  }
0x280: {  	v22 =	vld [tilespmem:s22+$0xFFFFFE10];
	[tilespmem:s19+$0x1B0] =	vst v18;
	v18 =	vmul.f32 v30, v12  }
0x281: {  	v23 =	vld [tilespmem:s22+$0xFFFFFE20];
	v12 =	vmul.f32 v31, v12;
	[tilespmem:s19+$0x1C0] =	vst v17  }
0x282: {  	v17 =	vld [tilespmem:s22+$0xFFFFFE30];
	[tilespmem:s19+$0x1D0] =	vst v18  }
0x283: {  	v18 =	vld [tilespmem:s22+$0xFFFFFE40];
	[tilespmem:s19+$0x1E0] =	vst v12;
	v12 =	vmul.f32 v20, v32  }
0x284: {  	[tilespmem:s19+$0x160] =	vst v27;
	v20 =	vld [tilespmem:s22+$0xFFFFFE50];
	v19 =	vmul.f32 v19, v13  }
0x285: {  	v24 =	vld [tilespmem:s22+$0xFFFFFE60];
	v22 =	vmul.f32 v22, v32;
	[tilespmem:s22+$0xFFFFFE00] =	vst v12  }
0x286: {  	v12 =	vmul.f32 v23, v32;
	[tilespmem:s22+$0x1F0] =	vst v19;
	v19 =	vld [tilespmem:s22+$0xFFFFFE70]  }
0x287: {  	v17 =	vmul.f32 v17, v32;
	[tilespmem:s22+$0xFFFFFE10] =	vst v22;
	v22 =	vld [tilespmem:s22+$0xFFFFFE80]  }
0x288: {  	[tilespmem:s22+$0xFFFFFE20] =	vst v12;
	v12 =	vmul.f32 v18, v32;
	v18 =	vld [tilespmem:s22+$0xFFFFFE90]  }
0x289: {  	[tilespmem:s22+$0xFFFFFE30] =	vst v17;
	v17 =	vmul.f32 v20, v32;
	v20 =	vld [tilespmem:s22+$0xFFFFFEA0]  }
0x28a: {  	v23 =	vld [tilespmem:s22+$0xFFFFFEB0];
	[tilespmem:s22+$0xFFFFFE40] =	vst v12;
	v12 =	vmul.f32 v24, v32  }
0x28b: {  	[tilespmem:s22+$0xFFFFFE50] =	vst v17;
	v17 =	vmul.f32 v19, v32;
	v19 =	vld [tilespmem:s22+$0xFFFFFEC0]  }
0x28c: {  	[tilespmem:s22+$0xFFFFFE60] =	vst v12;
	v12 =	vmul.f32 v22, v28;
	v22 =	vld [tilespmem:s22+$0xFFFFFED0]  }
0x28d: {  	[tilespmem:s22+$0xFFFFFE70] =	vst v17;
	v17 =	vmul.f32 v18, v28;
	v18 =	vld [tilespmem:s22+$0xFFFFFEE0]  }
0x28e: {  	[tilespmem:s22+$0xFFFFFE80] =	vst v12;
	v12 =	vmul.f32 v20, v28;
	v20 =	vld [tilespmem:s22+$0xFFFFFEF0]  }
0x28f: {  	[tilespmem:s22+$0xFFFFFE90] =	vst v17;
	v17 =	vmul.f32 v23, v28;
	v23 =	vld [tilespmem:s22+$0xFFFFFF00]  }
0x290: {  	[tilespmem:s22+$0xFFFFFEA0] =	vst v12;
	v12 =	vmul.f32 v19, v28;
	v19 =	vld [tilespmem:s22+$0xFFFFFF10]  }
0x291: {  	[tilespmem:s22+$0xFFFFFEB0] =	vst v17;
	v17 =	vmul.f32 v22, v28;
	v22 =	vld [tilespmem:s22+$0xFFFFFF20]  }
0x292: {  	[tilespmem:s22+$0xFFFFFEC0] =	vst v12;
	v12 =	vmul.f32 v18, v28;
	v18 =	vld [tilespmem:s22+$0xFFFFFF30]  }
0x293: {  	[tilespmem:s22+$0xFFFFFED0] =	vst v17;
	v17 =	vmul.f32 v20, v28;
	v20 =	vld [tilespmem:s22+$0xFFFFFF40]  }
0x294: {  	[tilespmem:s22+$0xFFFFFEE0] =	vst v12;
	v12 =	vmul.f32 v23, v21;
	v23 =	vld [tilespmem:s22+$0xFFFFFF50]  }
0x295: {  	[tilespmem:s22+$0xFFFFFEF0] =	vst v17;
	v17 =	vmul.f32 v19, v21;
	v19 =	vld [tilespmem:s22+$0xFFFFFF60]  }
0x296: {  	[tilespmem:s22+$0xFFFFFF00] =	vst v12;
	v12 =	vmul.f32 v22, v21;
	v22 =	vld [tilespmem:s22+$0xFFFFFF70]  }
0x297: {  	[tilespmem:s22+$0xFFFFFF10] =	vst v17;
	v17 =	vmul.f32 v18, v21;
	v18 =	vld [tilespmem:s22+$0xFFFFFF80]  }
0x298: {  	[tilespmem:s22+$0xFFFFFF20] =	vst v12;
	v12 =	vmul.f32 v20, v21;
	v20 =	vld [tilespmem:s22+$0xFFFFFF90]  }
0x299: {  	[tilespmem:s22+$0xFFFFFF30] =	vst v17;
	v17 =	vmul.f32 v23, v21;
	v23 =	vld [tilespmem:s22+$0xFFFFFFA0]  }
0x29a: {  	[tilespmem:s22+$0xFFFFFF40] =	vst v12;
	v12 =	vmul.f32 v19, v21;
	v19 =	vld [tilespmem:s22+$0xFFFFFFB0]  }
0x29b: {  	[tilespmem:s22+$0xFFFFFF50] =	vst v17;
	v17 =	vmul.f32 v22, v21;
	v21 =	vld [tilespmem:s22+$0xFFFFFFC0]  }
0x29c: {  	[tilespmem:s22+$0xFFFFFF60] =	vst v12;
	v12 =	vmul.f32 v18, v26;
	v18 =	vld [tilespmem:s22+$0xFFFFFFD0]  }
0x29d: {  	[tilespmem:s22+$0xFFFFFF70] =	vst v17;
	v17 =	vmul.f32 v20, v26;
	v20 =	vld [tilespmem:s22+$0xFFFFFFE0]  }
0x29e: {  	v22 =	vld [tilespmem:s22+$0xFFFFFFF0];
	[tilespmem:s22+$0xFFFFFF80] =	vst v12;
	v12 =	vmul.f32 v23, v26  }
0x29f: {  	[tilespmem:s22+$0xFFFFFF90] =	vst v17;
	v17 =	vmul.f32 v19, v26;
	v19 =	vld [tilespmem:s22+$0x0]  }
0x2a0: {  	[tilespmem:s22+$0xFFFFFFA0] =	vst v12;
	v12 =	vmul.f32 v21, v26;
	v21 =	vld [tilespmem:s22+$0x10]  }
0x2a1: {  	[tilespmem:s22+$0xFFFFFFB0] =	vst v17;
	v17 =	vmul.f32 v18, v26;
	v18 =	vld [tilespmem:s22+$0x20]  }
0x2a2: {  	[tilespmem:s22+$0xFFFFFFC0] =	vst v12;
	v12 =	vmul.f32 v20, v26;
	v20 =	vld [tilespmem:s22+$0x30]  }
0x2a3: {  	[tilespmem:s22+$0xFFFFFFD0] =	vst v17;
	v17 =	vmul.f32 v22, v26;
	v22 =	vld [tilespmem:s22+$0x40]  }
0x2a4: {  	[tilespmem:s22+$0xFFFFFFE0] =	vst v12;
	v12 =	vmul.f32 v19, v16;
	v19 =	vld [tilespmem:s22+$0x50]  }
0x2a5: {  	[tilespmem:s22+$0xFFFFFFF0] =	vst v17;
	v17 =	vmul.f32 v21, v16;
	v21 =	vld [tilespmem:s22+$0x60]  }
0x2a6: {  	[tilespmem:s22+$0x0] =	vst v12;
	v12 =	vmul.f32 v18, v16;
	v18 =	vld [tilespmem:s22+$0x70]  }
0x2a7: {  	[tilespmem:s22+$0x10] =	vst v17;
	v17 =	vmul.f32 v20, v16;
	v20 =	vld [tilespmem:s22+$0x80]  }
0x2a8: {  	[tilespmem:s22+$0x20] =	vst v12;
	v12 =	vmul.f32 v22, v16;
	v22 =	vld [tilespmem:s22+$0x90]  }
0x2a9: {  	[tilespmem:s22+$0x30] =	vst v17;
	v17 =	vmul.f32 v19, v16;
	v19 =	vld [tilespmem:s22+$0xA0]  }
0x2aa: {  	[tilespmem:s22+$0x40] =	vst v12;
	v12 =	vmul.f32 v21, v16;
	v21 =	vld [tilespmem:s22+$0xB0]  }
0x2ab: {  	[tilespmem:s22+$0x50] =	vst v17;
	v16 =	vmul.f32 v18, v16;
	v17 =	vld [tilespmem:s22+$0xC0]  }
0x2ac: {  	v18 =	vld [tilespmem:s22+$0xD0];
	[tilespmem:s22+$0x60] =	vst v12;
	v12 =	vmul.f32 v20, v15  }
0x2ad: {  	v20 =	vld [tilespmem:s22+$0xE0];
	[tilespmem:s22+$0x70] =	vst v16;
	v16 =	vmul.f32 v22, v15  }
0x2ae: {  	[tilespmem:s22+$0x80] =	vst v12;
	v12 =	vmul.f32 v19, v15;
	v19 =	vld [tilespmem:s22+$0xF0]  }
0x2af: {  	[tilespmem:s22+$0x90] =	vst v16;
	v16 =	vmul.f32 v21, v15;
	v21 =	vld [tilespmem:s22+$0x100]  }
0x2b0: {  	[tilespmem:s22+$0xA0] =	vst v12;
	v12 =	vmul.f32 v17, v15;
	v17 =	vld [tilespmem:s22+$0x110]  }
0x2b1: {  	[tilespmem:s22+$0xB0] =	vst v16;
	v16 =	vmul.f32 v18, v15;
	v18 =	vld [tilespmem:s22+$0x120]  }
0x2b2: {  	[tilespmem:s22+$0xC0] =	vst v12;
	v12 =	vmul.f32 v20, v15;
	v20 =	vld [tilespmem:s22+$0x130]  }
0x2b3: {  	[tilespmem:s22+$0xD0] =	vst v16;
	v15 =	vmul.f32 v19, v15;
	v16 =	vld [tilespmem:s22+$0x140]  }
0x2b4: {  	v19 =	vld [tilespmem:s22+$0x150];
	[tilespmem:s22+$0xE0] =	vst v12;
	v12 =	vmul.f32 v21, v14  }
0x2b5: {  	[tilespmem:s22+$0xF0] =	vst v15;
	v15 =	vmul.f32 v17, v14;
	v17 =	vld [tilespmem:s22+$0x160]  }
0x2b6: {  	[tilespmem:s22+$0x100] =	vst v12;
	v12 =	vmul.f32 v18, v14;
	v18 =	vld [tilespmem:s22+$0x170]  }
0x2b7: {  	[tilespmem:s22+$0x110] =	vst v15;
	v15 =	vmul.f32 v20, v14;
	v20 =	vld [tilespmem:s22+$0x180]  }
0x2b8: {  	[tilespmem:s22+$0x120] =	vst v12;
	v12 =	vmul.f32 v16, v14;
	v16 =	vld [tilespmem:s22+$0x190]  }
0x2b9: {  	[tilespmem:s22+$0x130] =	vst v15;
	v15 =	vmul.f32 v19, v14;
	v19 =	vld [tilespmem:s22+$0x1A0]  }
0x2ba: {  	[tilespmem:s22+$0x140] =	vst v12;
	v12 =	vmul.f32 v17, v14;
	v17 =	vld [tilespmem:s22+$0x1B0]  }
0x2bb: {  	[tilespmem:s22+$0x150] =	vst v15;
	v14 =	vmul.f32 v18, v14;
	v15 =	vld [tilespmem:s22+$0x1C0]  }
0x2bc: {  	v18 =	vld [tilespmem:s22+$0x1D0];
	[tilespmem:s22+$0x160] =	vst v12;
	v12 =	vmul.f32 v20, v13  }
0x2bd: {  	[tilespmem:s22+$0x170] =	vst v14;
	v14 =	vmul.f32 v16, v13;
	v16 =	vld [tilespmem:s22+$0x1E0]  }
0x2be: {  	[tilespmem:s22+$0x180] =	vst v12;
	v12 =	vmul.f32 v19, v13  }
0x2bf: {  	[tilespmem:s22+$0x190] =	vst v14;
	v14 =	vmul.f32 v17, v13  }
0x2c0: {  	[tilespmem:s22+$0x1A0] =	vst v12;
	v12 =	vmul.f32 v15, v13  }
0x2c1: {  	[tilespmem:s22+$0x1B0] =	vst v14;
	v14 =	vmul.f32 v18, v13  }
0x2c2: {  	[tilespmem:s22+$0x1C0] =	vst v12;
	v12 =	vmul.f32 v16, v13  }
0x2c3: {  	s2 =	simm.s32 $0x2;
	s3 =	simm.s32 $0x3;
	[tilespmem:s22+$0x1D0] =	vst v14  }
0x2c4: {  	s1 =	simm.s32 $0x0;
	s18 =	simm.s32 $0x1;
	v15 =	vmov s3;
	v14 =	vmov s2;
	s2 =	simm.s32 $0x4;
	[tilespmem:s22+$0x1E0] =	vst v12  }
0x2c5: {  	s4 =	simm.s32 $0x4;
	v15 =	vshrl.u32 v15, $0x3;
	v13 =	vmov s1;
	v12 =	vmov s18;
	_ =	swait.ge [sflag:s2], $0x500  }
0x2c6: {  	v16 =	vmov s4;
	v13 =	vshrl.u32 v13, $0x3;
	v12 =	vshrl.u32 v12, $0x3;
	[sflag:s2] =	ssyncset.done $0x0  }
0x2c7: {  	v13 =	vshll.u32 v13, v2;
	v14 =	vshrl.u32 v14, $0x3;
	s18 =	simm.s32 $0x6;
	v12 =	vshll.u32 v12, v2;
	[sflag:s2] =	ssyncadd.s32 $0xFFFFFB00  }
0x2c8: {  	v18 =	vbroadcast v13, $0x0;
	v13 =	vshll.u32 v14, v2;
	v19 =	vbroadcast v12, $0x0;
	_ =	swait.ge [sflag:s18], $0x500  }
0x2c9: {  	v16 =	vshrl.u32 v16, $0x3;
	v14 =	vshll.u32 v15, v2;
	v20 =	vbroadcast v13, $0x0;
	[sflag:s18] =	ssyncset.done $0x0  }
0x2ca: {  	s11 =	simm.s32 $0x5;
	s19 =	simm.s32 $0x8;
	v13 =	vshll.u32 v16, v2;
	v23 =	vbroadcast v14, $0x0;
	v14 =	vor.u32 $0x1, v19;
	[sflag:s18] =	ssyncadd.s32 $0xFFFFFB00  }
0x2cb: {  	v17 =	vmov s11;
	v24 =	vbroadcast v13, $0x0;
	v13 =	vor.u32 $0x2, v20;
	_ =	swait.ge [sflag:s19], $0x280  }
0x2cc: {  	v12 =	vshrl.u32 v17, $0x3;
	v16 =	vor.u32 $0x3, v23;
	[sflag:s19] =	ssyncset.done $0x0  }
0x2cd: {  	v12 =	vshll.u32 v12, v2;
	[sflag:s19] =	ssyncadd.s32 $0xFFFFFD80  }
0x2ce: {  	s20 =	simm.s32 $0x7;
	v25 =	vbroadcast v12, $0x0;
	v12 =	vld.idx.msk [tilespmem:v18+s25+$0x0], $0xffff  }
0x2cf: {  	v15 =	vmov s20;
	v36 =	vld.idx.msk [tilespmem:v14+s25+$0x0], $0xffff  }
0x2d0: {  	v17 =	vor.u32 $0x4, v24;
	v14 =	vshrl.u32 v15, $0x3;
	v15 =	vld.idx.msk [tilespmem:v13+s25+$0x0], $0xffff  }
0x2d1: {  	s22 =	simm.s32 $0x3790;
	v21 =	vor.u32 $0x5, v25;
	v16 =	vld.idx.msk [tilespmem:v16+s25+$0x0], $0xffff  }
0x2d2: {  	s20 =	simm.s32 $0x2D80;
	v26 =	vld [tilespmem:s22+$0x60]  }
0x2d3: {  	v29 =	vld [tilespmem:s20+$0xFFFFFF80];
	v13 =	vshll.u32 v14, v2  }
0x2d4: {  	v51 =	vld [tilespmem:s22+$0xFFFFFF80];
	v22 =	vbroadcast v13, $0x0  }
0x2d5: {  	v14 =	vld.idx.msk [tilespmem:v17+s25+$0x0], $0xffff  }
0x2d6: {  	s21 =	simm.s32 $0x9;
	s11 =	simm.s32 $0xC;
	v13 =	vld.idx.msk [tilespmem:v21+s25+$0x0], $0xffff;
	v17 =	vor.u32 $0x7, v22  }
0x2d7: {  	v28 =	vmov s21;
	s21 =	simm.s32 $0x6;
	s3 =	simm.s32 $0xB;
	v50 =	vmov s11;
	v21 =	vld [tilespmem:s20+$0x60]  }
0x2d8: {  	v35 =	vmov s21;
	v31 =	vmov s3;
	v32 =	vshrl.u32 v50, $0x3;
	v38 =	vld [tilespmem:s22+$0xFFFFFFA0]  }
0x2d9: {  	v52 =	vshrl.u32 v35, $0x3;
	v31 =	vshrl.u32 v31, $0x3;
	v32 =	vshll.u32 v32, v2;
	s2 =	simm.s32 $0xA;
	v53 =	vld [tilespmem:s20+$0xFFFFFFC0]  }
0x2da: {  	v31 =	vshll.u32 v31, v2;
	v54 =	vadd.s32 v0, v18;
	v30 =	vmov s2;
	s19 =	simm.s32 $0x8;
	v40 =	vld [tilespmem:s20+$0xFFFFFFE0]  }
0x2db: {  	v60 =	vadd.s32 v6, v23;
	v19 =	vadd.s32 v4, v19;
	v27 =	vmov s19;
	v37 =	vld.idx.msk [tilespmem:v17+s25+$0x0], $0xffff  }
0x2dc: {  	s18 =	simm.s32 $0xD;
	v21 =	vadd.f32 v26, v21;
	v17 =	vshrl.u32 v28, $0x3;
	v28 =	vshrl.u32 v30, $0x3;
	v30 =	vld [tilespmem:s20+$0xFFFFFFA0]  }
0x2dd: {  	v34 =	vmov s18;
	v42 =	vld [tilespmem:s22+$0xFFFFFFE0];
	v27 =	vshrl.u32 v27, $0x3;
	v22 =	vadd.s32 v10, v22  }
0x2de: {  	v21 =	vadd.f32 v21, v11;
	v39 =	vshll.u32 v17, v2;
	v17 =	vadd.f32 v51, v29;
	v29 =	vld [tilespmem:s22+$0xFFFFFFC0]  }
0x2df: {  	v55 =	vld [tilespmem:s20+$0x0];
	v27 =	vshll.u32 v27, v2;
	v26 =	vshrl.u32 v34, $0x3;
	v34 =	vshll.u32 v52, v2  }
0x2e0: {  	v57 =	vld [tilespmem:s20+$0x20];
	v34 =	vbroadcast v34, $0x0;
	v41 =	vadd.f32 v17, v11;
	v21 =	vmul.f32 v21, v37  }
0x2e1: {  	v46 =	vadd.s32 v7, v24;
	v18 =	vbroadcast v27, $0x0;
	v27 =	vld [tilespmem:s22+$0x0];
	v30 =	vadd.f32 v38, v30  }
0x2e2: {  	v59 =	vld [tilespmem:s22+$0x20];
	v43 =	vshll.u32 v26, v2;
	v58 =	vor.u32 $0x6, v34;
	v26 =	vmul.f32 v41, v12;
	[tilespmem:v22+s13+$0x0] =	vst.idx.msk $0xffff, v21  }
0x2e3: {  	v63 =	vsel vm0, v36, v3;
	v29 =	vadd.f32 v29, v53;
	v56 =	vld.idx.msk [tilespmem:v22+s30+$0x0], $0xffff;
	v22 =	vadd.f32 v30, v11  }
0x2e4: {  	v44 =	vld [tilespmem:s20+$0x40];
	v28 =	vshll.u32 v28, v2;
	v21 =	vbroadcast v39, $0x0;
	[tilespmem:v54+s13+$0x0] =	vst.idx.msk $0xffff, v26;
	v30 =	vadd.s32 v5, v20  }
0x2e5: {  	v61 =	vld [tilespmem:s22+$0x40];
	v20 =	vadd.f32 v29, v11;
	v29 =	vadd.f32 v42, v40;
	v26 =	vmul.f32 v22, v36  }
0x2e6: {  	v45 =	vld.idx.msk [tilespmem:v54+s30+$0x0], $0xffff;
	v62 =	vor.u32 $0x1, v21;
	v22 =	vbroadcast v28, $0x0;
	v28 =	vadd.f32 v27, v55  }
0x2e7: {  	v23 =	vmul.f32 v20, v15;
	v20 =	vadd.f32 v29, v11;
	[tilespmem:v19+s13+$0x0] =	vst.idx.msk $0xffff, v26;
	v26 =	vld.idx.msk [tilespmem:v58+s25+$0x0], $0xffff  }
0x2e8: {  	v27 =	vadd.s32 v8, v25;
	v25 =	vadd.f32 v28, v11;
	v47 =	vld.idx.msk [tilespmem:v19+s30+$0x0], $0xffff;
	v29 =	vmul.f32 v56, v37  }
0x2e9: {  	s21 =	simm.s32 $0x4180;
	v19 =	vmul.f32 v20, v16;
	v20 =	vbroadcast v31, $0x0;
	[tilespmem:v30+s13+$0x0] =	vst.idx.msk $0xffff, v23;
	v31 =	vadd.f32 v59, v57  }
0x2ea: {  	v17 =	vsel vm0, v37, v3;
	v33 =	vor.u32 $0x2, v22;
	v28 =	vld.idx.msk [tilespmem:v30+s30+$0x0], $0xffff;
	v30 =	vmul.f32 v25, v14;
	[tilespmem:s21+$0x60] =	vst v29  }
0x2eb: {  	v38 =	vadd.f32 v61, v44;
	v23 =	vld.idx.msk [tilespmem:v18+s25+$0x0], $0xffff;
	[tilespmem:v60+s13+$0x0] =	vst.idx.msk $0xffff, v19;
	v19 =	vadd.f32 v31, v11  }
0x2ec: {  	v24 =	vbroadcast v32, $0x0;
	v29 =	vadd.s32 v9, v34;
	v34 =	vor.u32 $0x3, v20;
	v32 =	vld.idx.msk [tilespmem:v60+s30+$0x0], $0xffff;
	[tilespmem:v46+s13+$0x0] =	vst.idx.msk $0xffff, v30  }
0x2ed: {  	v38 =	vadd.f32 v38, v11;
	v25 =	vbroadcast v43, $0x0;
	v31 =	vld.idx.msk [tilespmem:v46+s30+$0x0], $0xffff;
	v37 =	vmul.f32 v19, v13  }
0x2ee: {  	s4 =	simm.s32 $0x10;
	v35 =	vor.u32 $0x4, v24;
	s18 =	simm.s32 $0xF;
	[tilespmem:s21+$0xFFFFFFB0] =	vst v63;
	v30 =	vmul.f32 v45, v12;
	v19 =	vld.idx.msk [tilespmem:v62+s25+$0x0], $0xffff;
	v36 =	vmul.f32 v47, v36  }
.LBB2_13:
0x2ef: {  	p0 =	slt.u32 s4, $0x20;
	v33 =	vld.idx.msk [tilespmem:v33+s25+$0x0], $0xffff;
	v39 =	vor.u32 $0x5, v25;
	v40 =	vmov s18;
	[tilespmem:v27+s13+$0x0] =	vst.idx.msk $0xffff, v37;
	v37 =	vmul.f32 v38, v26  }
0x2f0: {  	v28 =	vmul.f32 v28, v15;
	v38 =	vshrl.u32 v40, $0x3;
	[tilespmem:s21+$0xFFFFFFA0] =	vst v36;
	v27 =	vld.idx.msk [tilespmem:v27+s30+$0x0], $0xffff  }
0x2f1: {  	v34 =	vld.idx.msk [tilespmem:v34+s25+$0x0], $0xffff;
	v36 =	vshll.u32 v38, v2;
	[tilespmem:v29+s13+$0x0] =	vst.idx.msk $0xffff, v37  }
0x2f2: {  	v36 =	vbroadcast v36, $0x0;
	[tilespmem:s21+$0xFFFFFFC0] =	vst v28;
	v28 =	vmul.f32 v32, v16;
	v29 =	vld.idx.msk [tilespmem:v29+s30+$0x0], $0xffff  }
0x2f3: {  	s1 =	sadd.s32 $0x1, s4;
	v32 =	vld.idx.msk [tilespmem:v35+s25+$0x0], $0xffff;
	[tilespmem:s21+$0xFFFFFF80] =	vst v30;
	v30 =	vmul.f32 v31, v14  }
0x2f4: {  	s18 =	sadd.s32 $0x3, s4;
	s20 =	sadd.s32 $0x100, s20;
	v31 =	vmov s4;
	v35 =	vmov s1;
	s1 =	sadd.s32 $0x2, s4;
	v37 =	vld.idx.msk [tilespmem:v39+s25+$0x0], $0xffff;
	v38 =	vor.u32 $0x7, v36;
	[tilespmem:s21+$0xFFFFFFE0] =	vst v28  }
0x2f5: {  	v41 =	vsel vm0, v15, v3;
	s22 =	sadd.s32 $0x100, s22;
	v28 =	vmov s1;
	v39 =	vmov s18;
	s1 =	sadd.s32 $0x4, s4;
	v15 =	vmovc v33;
	v40 =	vld [tilespmem:s20+$0x60];
	[tilespmem:s21+$0x0] =	vst v30  }
0x2f6: {  	v44 =	vsel vm0, v16, v3;
	s18 =	sadd.s32 $0x6, s19;
	s19 =	smov.u32 s4;
	v30 =	vmov s1;
	s1 =	sadd.s32 $0x5, s4;
	v27 =	vmul.f32 v27, v13;
	v33 =	vld [tilespmem:s22+$0x60];
	[tilespmem:s21+$0xFFFFFFD0] =	vst v41  }
0x2f7: {  	v31 =	vshrl.u32 v31, $0x3;
	v43 =	vmov s18;
	v41 =	vmov s1;
	v16 =	vmovc v34;
	v42 =	vld [tilespmem:s20+$0xFFFFFF80];
	[tilespmem:s21+$0xFFFFFFF0] =	vst v44  }
0x2f8: {  	v31 =	vshll.u32 v31, v2;
	v44 =	vsel vm0, v14, v3;
	v34 =	vld [tilespmem:s22+$0xFFFFFF80];
	[tilespmem:s21+$0x20] =	vst v27;
	v27 =	vmul.f32 v29, v26  }
0x2f9: {  	v28 =	vshrl.u32 v28, $0x3;
	v29 =	vshrl.u32 v35, $0x3;
	v35 =	vshrl.u32 v39, $0x3;
	v14 =	vmovc v32;
	v38 =	vld.idx.msk [tilespmem:v38+s25+$0x0], $0xffff;
	[tilespmem:s21+$0x10] =	vst v44  }
0x2fa: {  	v30 =	vshrl.u32 v30, $0x3;
	v32 =	vshrl.u32 v41, $0x3;
	v41 =	vsel vm0, v13, v3;
	v13 =	vmovc v37;
	v39 =	vld [tilespmem:s20+$0xFFFFFFA0];
	[tilespmem:s21+$0x40] =	vst v27  }
0x2fb: {  	v26 =	vsel vm0, v26, v3;
	v37 =	vshrl.u32 v43, $0x3;
	v27 =	vld [tilespmem:s22+$0xFFFFFFA0];
	v33 =	vadd.f32 v33, v40;
	[tilespmem:s21+$0x30] =	vst v41  }
0x2fc: {  	v36 =	vadd.s32 v10, v36;
	v31 =	vbroadcast v31, $0x0;
	v29 =	vshll.u32 v29, v2;
	v40 =	vld [tilespmem:s20+$0xFFFFFFC0];
	[tilespmem:s21+$0x50] =	vst v26  }
0x2fd: {  	v12 =	vsel vm0, v12, v3;
	v26 =	vadd.f32 v34, v42;
	v34 =	vld [tilespmem:s22+$0xFFFFFFC0];
	v33 =	vadd.f32 v33, v11;
	[tilespmem:s21+$0x70] =	vst v17  }
0x2fe: {  	v28 =	vshll.u32 v28, v2;
	v35 =	vshll.u32 v35, v2;
	v41 =	vadd.s32 v0, v18;
	v42 =	vld [tilespmem:s20+$0xFFFFFFE0];
	[tilespmem:s21+$0xFFFFFF90] =	vst v12  }
0x2ff: {  	v18 =	vmovc v31;
	v17 =	vsel vm0, v38, v3;
	v26 =	vadd.f32 v26, v11;
	v43 =	vld [tilespmem:s22+$0xFFFFFFE0];
	v33 =	vmul.f32 v33, v38  }
0x300: {  	v30 =	vshll.u32 v30, v2;
	v37 =	vshll.u32 v37, v2;
	v12 =	vmovc v23;
	v27 =	vadd.f32 v27, v39;
	v31 =	vld [tilespmem:s20+$0x0]  }
0x301: {  	v32 =	vshll.u32 v32, v2;
	v37 =	vbroadcast v37, $0x0;
	v23 =	vmul.f32 v26, v12;
	v26 =	vld [tilespmem:s22+$0x0];
	[tilespmem:v36+s13+$0x0] =	vst.idx.msk $0xffff, v33  }
0x302: {  	v33 =	vadd.s32 v4, v21;
	v27 =	vadd.f32 v27, v11;
	v34 =	vadd.f32 v34, v40;
	v36 =	vld.idx.msk [tilespmem:v36+s30+$0x0], $0xffff  }
0x303: {  	v39 =	vor.u32 $0x6, v37;
	v21 =	vbroadcast v29, $0x0;
	[tilespmem:v41+s13+$0x0] =	vst.idx.msk $0xffff, v23;
	v23 =	vadd.s32 v5, v22;
	v29 =	vld [tilespmem:s20+$0x20]  }
0x304: {  	v27 =	vmul.f32 v27, v19;
	v34 =	vadd.f32 v34, v11;
	v40 =	vadd.f32 v43, v42;
	v42 =	vld [tilespmem:s22+$0x20]  }
0x305: {  	v22 =	vbroadcast v28, $0x0;
	v43 =	vadd.s32 v6, v20;
	v20 =	vbroadcast v35, $0x0;
	v35 =	vld [tilespmem:s20+$0x40]  }
0x306: {  	v28 =	vmul.f32 v34, v15;
	v34 =	vadd.f32 v40, v11;
	v26 =	vadd.f32 v26, v31;
	v31 =	vld [tilespmem:s22+$0x40]  }
0x307: {  	v40 =	vld.idx.msk [tilespmem:v41+s30+$0x0], $0xffff;
	[tilespmem:v33+s13+$0x0] =	vst.idx.msk $0xffff, v27;
	v41 =	vadd.s32 v7, v24;
	v27 =	vadd.s32 v8, v25  }
0x308: {  	v36 =	vmul.f32 v36, v38;
	v44 =	vld.idx.msk [tilespmem:v33+s30+$0x0], $0xffff;
	v25 =	vmul.f32 v34, v16;
	v34 =	vadd.f32 v26, v11  }
0x309: {  	s21 =	sadd.s32 $0x100, s21;
	v45 =	vor.u32 $0x1, v21;
	v24 =	vbroadcast v30, $0x0;
	[tilespmem:v23+s13+$0x0] =	vst.idx.msk $0xffff, v28;
	v30 =	vadd.f32 v42, v29;
	v26 =	vld.idx.msk [tilespmem:v39+s25+$0x0], $0xffff  }
.Ltmp5:
0x30a: {  	v33 =	vor.u32 $0x2, v22;
	v29 =	vadd.s32 v9, v37;
	v28 =	vld.idx.msk [tilespmem:v23+s30+$0x0], $0xffff;
	v38 =	vmul.f32 v34, v14;
	[tilespmem:s21+$0x60] =	vst v36;
	(pc) =	sbr.rel @p0 .LBB2_13-.Ltmp5, $4  }
0x30b: {  	v23 =	vld.idx.msk [tilespmem:v18+s25+$0x0], $0xffff;
	[tilespmem:v43+s13+$0x0] =	vst.idx.msk $0xffff, v25;
	v36 =	vadd.f32 v30, v11;
	v35 =	vadd.f32 v31, v35  }
0x30c: {  	v39 =	vsel vm0, v19, v3;
	v34 =	vor.u32 $0x3, v20;
	v25 =	vbroadcast v32, $0x0;
	v32 =	vld.idx.msk [tilespmem:v43+s30+$0x0], $0xffff;
	[tilespmem:v41+s13+$0x0] =	vst.idx.msk $0xffff, v38  }
0x30d: {  	v30 =	vmul.f32 v40, v12;
	v31 =	vld.idx.msk [tilespmem:v41+s30+$0x0], $0xffff;
	v37 =	vmul.f32 v36, v13;
	v38 =	vadd.f32 v35, v11  }
0x30e: {  	s18 =	sadd.s32 $0x7, s19;
	s4 =	sadd.s32 $0x8, s4;
	v35 =	vor.u32 $0x4, v24;
	v36 =	vmul.f32 v44, v19;
	v19 =	vld.idx.msk [tilespmem:v45+s25+$0x0], $0xffff;
	[tilespmem:s21+$0xFFFFFFB0] =	vst v39  }
0x30f: {  	_ =	sdelay $0x3  }
0x310: {  	v33 =	vld.idx.msk [tilespmem:v33+s25+$0x0], $0xffff  }
0x311: {  	v34 =	vld.idx.msk [tilespmem:v34+s25+$0x0], $0xffff  }
0x312: {  	[tilespmem:v27+s13+$0x0] =	vst.idx.msk $0xffff, v37;
	v35 =	vld.idx.msk [tilespmem:v35+s25+$0x0], $0xffff  }
0x313: {  	s3 =	sadd.s32 $0x100, s20;
	v27 =	vld.idx.msk [tilespmem:v27+s30+$0x0], $0xffff  }
0x314: {  	s4 =	sadd.s32 $0x100, s22;
	v48 =	vld [tilespmem:s3+$0x60]  }
0x315: {  	v40 =	vld [tilespmem:s4+$0x60]  }
0x316: {  	v39 =	vmov s18;
	v45 =	vmul.f32 v38, v26;
	v41 =	vld [tilespmem:s3+$0xFFFFFF80]  }
0x317: {  	v28 =	vmul.f32 v28, v15;
	v46 =	vshrl.u32 v39, $0x3;
	v49 =	vld [tilespmem:s4+$0xFFFFFF80]  }
0x318: {  	v52 =	vld [tilespmem:s3+$0xFFFFFFA0];
	v38 =	vshll.u32 v46, v2;
	[tilespmem:v29+s13+$0x0] =	vst.idx.msk $0xffff, v45  }
0x319: {  	v54 =	vld [tilespmem:s3+$0xFFFFFFC0];
	[tilespmem:s21+$0xFFFFFFC0] =	vst v28;
	v28 =	vmul.f32 v32, v16;
	v47 =	vbroadcast v38, $0x0  }
0x31a: {  	v29 =	vld.idx.msk [tilespmem:v29+s30+$0x0], $0xffff  }
0x31b: {  	[tilespmem:s21+$0xFFFFFFE0] =	vst v28;
	v28 =	vld [tilespmem:s4+$0xFFFFFFA0];
	v38 =	vor.u32 $0x7, v47  }
0x31c: {  	v15 =	vsel vm0, v15, v3;
	v57 =	vor.u32 $0x5, v25;
	v21 =	vadd.s32 v4, v21;
	[tilespmem:s21+$0x70] =	vst v17;
	v56 =	vld [tilespmem:s3+$0x0]  }
0x31d: {  	s1 =	sadd.s32 $0x6, s19;
	v12 =	vsel vm0, v12, v3;
	[tilespmem:s21+$0xFFFFFFD0] =	vst v15;
	v15 =	vsel vm0, v16, v3;
	v16 =	vmul.f32 v27, v13;
	v27 =	vld [tilespmem:s4+$0xFFFFFFC0]  }
0x31e: {  	v22 =	vadd.s32 v5, v22;
	v17 =	vadd.s32 v0, v18;
	v55 =	vmov s1;
	[tilespmem:s21+$0xFFFFFFF0] =	vst v15;
	v15 =	vld [tilespmem:s3+$0xFFFFFFE0]  }
0x31f: {  	v51 =	vmul.f32 v31, v14;
	v14 =	vsel vm0, v14, v3;
	[tilespmem:s21+$0x20] =	vst v16;
	v16 =	vmul.f32 v29, v26;
	v29 =	vld [tilespmem:s4+$0xFFFFFFE0]  }
0x320: {  	v20 =	vadd.s32 v6, v20;
	[tilespmem:s21+$0x10] =	vst v14;
	v14 =	vshrl.u32 v55, $0x3;
	v28 =	vadd.f32 v28, v52;
	v50 =	vld.idx.msk [tilespmem:v38+s25+$0x0], $0xffff  }
0x321: {  	v58 =	vld [tilespmem:s4+$0x0];
	v53 =	vadd.f32 v40, v48;
	v13 =	vsel vm0, v13, v3;
	[tilespmem:s21+$0x40] =	vst v16;
	v16 =	vadd.f32 v49, v41  }
0x322: {  	v60 =	vld [tilespmem:s4+$0x20];
	v37 =	vadd.s32 v10, v47;
	[tilespmem:s21+$0x30] =	vst v13;
	v13 =	vadd.f32 v28, v11;
	v27 =	vadd.f32 v27, v54  }
0x323: {  	[tilespmem:s21+$0xFFFFFF80] =	vst v30;
	v14 =	vshll.u32 v14, v2;
	v38 =	vadd.f32 v53, v11;
	v28 =	vld [tilespmem:s3+$0x20];
	v16 =	vadd.f32 v16, v11  }
0x324: {  	[tilespmem:s21+$0xFFFFFF90] =	vst v12;
	v26 =	vsel vm0, v26, v3;
	v13 =	vmul.f32 v13, v19;
	v18 =	vadd.f32 v27, v11  }
0x325: {  	[tilespmem:s21+$0x50] =	vst v26;
	v15 =	vadd.f32 v29, v15;
	v12 =	vmul.f32 v16, v23;
	v38 =	vmul.f32 v38, v50  }
0x326: {  	v61 =	vld.idx.msk [tilespmem:v57+s25+$0x0], $0xffff;
	v16 =	vadd.f32 v58, v56;
	v18 =	vmul.f32 v18, v33;
	[tilespmem:v21+s13+$0x0] =	vst.idx.msk $0xffff, v13  }
0x327: {  	v14 =	vbroadcast v14, $0x0;
	v27 =	vld [tilespmem:s3+$0x40];
	v13 =	vadd.f32 v15, v11;
	v15 =	vadd.s32 v7, v24;
	[tilespmem:v37+s13+$0x0] =	vst.idx.msk $0xffff, v38  }
0x328: {  	v16 =	vadd.f32 v16, v11;
	[tilespmem:v22+s13+$0x0] =	vst.idx.msk $0xffff, v18;
	v18 =	vadd.f32 v60, v28;
	v59 =	vld.idx.msk [tilespmem:v37+s30+$0x0], $0xffff  }
0x329: {  	v26 =	vor.u32 $0x6, v14;
	v29 =	vld [tilespmem:s4+$0x40];
	[tilespmem:v17+s13+$0x0] =	vst.idx.msk $0xffff, v12;
	v12 =	vadd.s32 v8, v25  }
0x32a: {  	[tilespmem:s21+$0xFFFFFFA0] =	vst v36;
	v21 =	vld.idx.msk [tilespmem:v21+s30+$0x0], $0xffff;
	v16 =	vmul.f32 v16, v35;
	v18 =	vadd.f32 v18, v11  }
0x32b: {  	[tilespmem:s21+$0x0] =	vst v51;
	v13 =	vmul.f32 v13, v34;
	v17 =	vld.idx.msk [tilespmem:v17+s30+$0x0], $0xffff  }
0x32c: {  	v22 =	vld.idx.msk [tilespmem:v22+s30+$0x0], $0xffff;
	[tilespmem:v15+s13+$0x0] =	vst.idx.msk $0xffff, v16;
	v16 =	vmul.f32 v18, v61  }
0x32d: {  	[tilespmem:v20+s13+$0x0] =	vst.idx.msk $0xffff, v13;
	v15 =	vld.idx.msk [tilespmem:v15+s30+$0x0], $0xffff;
	v24 =	vmul.f32 v59, v50  }
0x32e: {  	s11 =	sadd.s32 $0x100, s21;
	v26 =	vld.idx.msk [tilespmem:v26+s25+$0x0], $0xffff;
	v13 =	vsel vm0, v19, v3;
	[tilespmem:v12+s13+$0x0] =	vst.idx.msk $0xffff, v16  }
0x32f: {  	v19 =	vmul.f32 v21, v19;
	v12 =	vld.idx.msk [tilespmem:v12+s30+$0x0], $0xffff;
	[tilespmem:s11+$0x60] =	vst v24;
	v24 =	vadd.f32 v29, v27  }
0x330: {  	v14 =	vadd.s32 v9, v14;
	v20 =	vld.idx.msk [tilespmem:v20+s30+$0x0], $0xffff;
	[tilespmem:s11+$0xFFFFFFB0] =	vst v13;
	v17 =	vmul.f32 v17, v23  }
0x331: {  	[tilespmem:s11+$0xFFFFFFA0] =	vst v19;
	v16 =	vmul.f32 v22, v33;
	v18 =	vadd.f32 v24, v11  }
0x332: {  	[tilespmem:s11+$0xFFFFFF80] =	vst v17;
	v15 =	vmul.f32 v15, v35  }
0x333: {  	[tilespmem:s11+$0xFFFFFFC0] =	vst v16;
	v13 =	vmul.f32 v18, v26  }
0x334: {  	[tilespmem:s11+$0x0] =	vst v15;
	v12 =	vmul.f32 v12, v61  }
0x335: {  	[tilespmem:v14+s13+$0x0] =	vst.idx.msk $0xffff, v13;
	v13 =	vmul.f32 v20, v34  }
0x336: {  	[tilespmem:s11+$0x20] =	vst v12;
	v14 =	vld.idx.msk [tilespmem:v14+s30+$0x0], $0xffff  }
0x337: {  	[tilespmem:s11+$0xFFFFFFE0] =	vst v13;
	v13 =	vsel vm0, v33, v3  }
0x338: {  	[tilespmem:s11+$0xFFFFFFD0] =	vst v13;
	v13 =	vsel vm0, v34, v3  }
0x339: {  	[tilespmem:s11+$0xFFFFFFF0] =	vst v13;
	v13 =	vsel vm0, v35, v3  }
0x33a: {  	[tilespmem:s11+$0x10] =	vst v13;
	v13 =	vsel vm0, v61, v3  }
0x33b: {  	v12 =	vmul.f32 v14, v26;
	[tilespmem:s11+$0x30] =	vst v13;
	v13 =	vsel vm0, v50, v3  }
0x33c: {  	[tilespmem:s11+$0x70] =	vst v13  }
0x33d: {  	[tilespmem:s11+$0x40] =	vst v12;
	v12 =	vsel vm0, v26, v3  }
0x33e: {  	[tilespmem:s11+$0x50] =	vst v12;
	v12 =	vsel vm0, v23, v3  }
0x33f: {  	s18 =	simm.s32 $0xD;
	[tilespmem:s11+$0xFFFFFF90] =	vst v12  }
0x340: {  	_ =	swait.ge [sflag:s18], $0x1400  }
0x341: {  	[sflag:s18] =	ssyncset.done $0x0  }
0x342: {  	[sflag:s18] =	ssyncadd.s32 $0xFFFFEC00  }
0x343: {  	_ =	swait.ge [sflag:s0], $0x500  }
0x344: {  	[sflag:s0] =	ssyncset.done $0x0  }
0x345: {  	s20 =	smul.u32 $0x50, s17;
	[sflag:s0] =	ssyncadd.s32 $0xFFFFFB00  }
0x346: {  	_ =	swait.ge [sflag:s7], $0x280  }
0x347: {  	s19 =	sadd.s32 $0x50F0, s20;
	[sflag:s7] =	ssyncset.done $0x0;
	s2 =	rddreg [dreg:$0xa]  }
0x348: {  	s4 =	simm.s32 $0x0;
	[sflag:s7] =	ssyncadd.s32 $0xFFFFFD80;
	s21 =	sadd.s32 s2, s20  }
0x349: {  	[tilespmem:s4], [sflag:$0x1] =	stream.indirect.gather [hbm4b:s23+s5], $0x80, s19, s5, $0xb8;
	[tilespmem:$0x1FE60] =	vst v63  }
0x34a: {  	s22 =	simm.s32 $0x2800;
	s3 =	smov.u32 s23;
	s23 =	sshrl.u32 s21, $0x3  }
0x34b: {  	[tilespmem:s22], [sflag:$0x3] =	stream.indirect.gather [hbm4b:s10+s5], $0x20, s19, s5, $0xb8;
	[tilespmem:$0x1FE60] =	vst v63  }
0x34c: {  	s2 =	rddreg [dreg:$0x5];
	s19 =	sadd.s32 $0xA, s23  }
0x34d: {  	s11 =	rddreg [dreg:$0x3];
	s1 =	sadd.s32 s2, s19  }
0x34e: {  	[tilespmem:s14], [sflag:$0x7] =	stream.strided.gather [hbm4b:s1+s5], $0x280, s29, s5, $0x38;
	[tilespmem:$0x1FE60] =	vst v63  }
0x34f: {  	s18 =	rddreg [dreg:$0x4];
	s1 =	sadd.s32 s11, s19  }
0x350: {  	[tilespmem:s15], [sflag:$0x9] =	stream.linear.gather [hbm4b:s1+s4], $0x28, $0x38;
	[tilespmem:$0x1FE60] =	vst v63  }
0x351: {  	s1 =	sadd.s32 s18, s19;
	s18 =	rddreg [dreg:$0xb]  }
0x352: {  	[tilespmem:s16], [sflag:$0xB] =	stream.linear.gather [hbm4b:s1+s4], $0x28, $0x38;
	[tilespmem:$0x1FE60] =	vst v63  }
0x353: {  	s22 =	simm.s32 $0x1400;
	s23 =	rddreg [dreg:$0x8];
	s1 =	sadd.s32 s20, s18  }
0x354: {  	[spmem:s28] =	stream.indirect.scatter.add.f32 [tilespmem:s22], [sflag:$0xE], $0x80, s24, s5, $0xb8;
	[tilespmem:$0x1FE60] =	vst v63  }
0x355: {  	s11 =	smov.u32 s28;
	s1 =	sshrl.u32 s1, $0x3;
	s28 =	simm.s32 $0x4100  }
0x356: {  	[spmem:s23] =	stream.indirect.scatter.add.f32 [tilespmem:s28], [sflag:$0x10], $0x20, s24, s5, $0xb8;
	[tilespmem:$0x1FE60] =	vst v63  }
0x357: {  	s1 =	sadd.s32 s12, s1;
	s22 =	simm.s32 $0x9  }
0x358: {  	[hbm4b:s1+s5] =	stream.strided.scatter [tilespmem:s13], [sflag:$0x12], $0x280, s29, s5, $0x38;
	[tilespmem:$0x1FE60] =	vst v63  }
0x359: {  	s23 =	simm.s32 $0x1;
	_ =	swait.ge [sflag:s22], $0x28  }
0x35a: {  	v12 =	vmov s4;
	s28 =	simm.s32 $0x7;
	v13 =	vmov s23;
	[sflag:s22] =	ssyncset.done $0x0  }
0x35b: {  	v12 =	vshrl.u32 v12, $0x3;
	s4 =	simm.s32 $0x3200;
	s18 =	simm.s32 $0x1;
	v14 =	vmov s28;
	v13 =	vshrl.u32 v13, $0x3;
	[sflag:s22] =	ssyncadd.s32 $0xFFFFFFD8  }
0x35c: {  	v12 =	vshll.u32 v12, v2;
	v14 =	vshrl.u32 v14, $0x3;
	v13 =	vshll.u32 v13, v2;
	[tilespmem:s4], [sflag:$0x5] =	stream.indirect.gather [hbm4b:s10+s5], $0x20, s15, s5, $0xb8;
	[tilespmem:$0x1FE60] =	vst v63  }
0x35d: {  	v12 =	vbroadcast v12, $0x0;
	v14 =	vshll.u32 v14, v2;
	v13 =	vadd.s32 $0x1, v13;
	_ =	swait.ge [sflag:s18], $0x1400  }
0x35e: {  	v14 =	vadd.s32 $0x7, v14;
	v13 =	vbroadcast v13, $0x0;
	[sflag:s18] =	ssyncset.done $0x0  }
0x35f: {  	v14 =	vbroadcast v14, $0x0;
	s22 =	simm.s32 $0xB;
	[sflag:s18] =	ssyncadd.s32 $0xFFFFEC00  }
0x360: {  	_ =	swait.ge [sflag:s22], $0x28  }
0x361: {  	[sflag:s22] =	ssyncset.done $0x0  }
0x362: {  	[sflag:s22] =	ssyncadd.s32 $0xFFFFFFD8  }
0x363: {  	v15 =	vld.idx.msk [tilespmem:v12+s16+$0x0], $0xffff  }
0x364: {  	v13 =	vld.idx.msk [tilespmem:v13+s16+$0x0], $0xffff  }
0x365: {  	s22 =	simm.s32 $0x200;
	v12 =	vld.idx.msk [tilespmem:v14+s16+$0x0], $0xffff  }
0x366: {  	v14 =	vld [tilespmem:s22+$0xFFFFFE00]  }
0x367: {  	v16 =	vld [tilespmem:s22+$0xFFFFFE10]  }
0x368: {  	v17 =	vld [tilespmem:s22+$0xFFFFFE20]  }
0x369: {  	v18 =	vld [tilespmem:s22+$0xFFFFFE30]  }
0x36a: {  	v19 =	vld [tilespmem:s22+$0xFFFFFE40]  }
0x36b: {  	v20 =	vld [tilespmem:s22+$0xFFFFFE50]  }
0x36c: {  	v23 =	vld [tilespmem:s22+$0x1F0]  }
0x36d: {  	v22 =	vld [tilespmem:s22+$0xFFFFFE60]  }
0x36e: {  	v24 =	vld [tilespmem:s22+$0xFFFFFE80]  }
0x36f: {  	v25 =	vld [tilespmem:s22+$0xFFFFFE90]  }
0x370: {  	s23 =	simm.s32 $0x2;
	v27 =	vld [tilespmem:s22+$0xFFFFFEB0];
	v14 =	vmul.f32 v14, v15  }
0x371: {  	v21 =	vmov s23;
	v26 =	vld [tilespmem:s22+$0xFFFFFEA0];
	v23 =	vmul.f32 v23, v12  }
0x372: {  	v21 =	vshrl.u32 v21, $0x3;
	v28 =	vld [tilespmem:s22+$0xFFFFFEC0];
	v16 =	vmul.f32 v16, v15;
	[tilespmem:s22+$0xFFFFFE00] =	vst v14  }
0x373: {  	v17 =	vmul.f32 v17, v15;
	v14 =	vshll.u32 v21, v2;
	v21 =	vld [tilespmem:s22+$0xFFFFFE70];
	[tilespmem:s22+$0x1F0] =	vst v23  }
0x374: {  	v18 =	vmul.f32 v18, v15;
	v23 =	vmul.f32 v24, v13;
	v24 =	vld [tilespmem:s22+$0xFFFFFED0];
	[tilespmem:s22+$0xFFFFFE10] =	vst v16  }
0x375: {  	s28 =	simm.s32 $0x3;
	v27 =	vmul.f32 v27, v13;
	v16 =	vld [tilespmem:s22+$0xFFFFFEE0];
	[tilespmem:s22+$0xFFFFFE20] =	vst v17;
	v14 =	vadd.s32 $0x2, v14  }
0x376: {  	v29 =	vmov s28;
	v17 =	vmul.f32 v19, v15;
	v19 =	vld [tilespmem:s22+$0xFFFFFEF0];
	[tilespmem:s22+$0xFFFFFE30] =	vst v18;
	v14 =	vbroadcast v14, $0x0  }
0x377: {  	v29 =	vshrl.u32 v29, $0x3;
	v18 =	vmul.f32 v20, v15;
	v20 =	vld [tilespmem:s22+$0xFFFFFF00];
	[tilespmem:s22+$0xFFFFFEB0] =	vst v27  }
0x378: {  	v27 =	vld [tilespmem:s22+$0xFFFFFF80];
	[tilespmem:s22+$0xFFFFFE80] =	vst v23;
	v23 =	vshll.u32 v29, v2  }
0x379: {  	[tilespmem:s22+$0xFFFFFE40] =	vst v17;
	v17 =	vmul.f32 v22, v15;
	v22 =	vld [tilespmem:s22+$0xFFFFFF10];
	v23 =	vadd.s32 $0x3, v23  }
0x37a: {  	[tilespmem:s22+$0xFFFFFE50] =	vst v18;
	v18 =	vld [tilespmem:s22+$0xFFFFFF20];
	v23 =	vbroadcast v23, $0x0  }
0x37b: {  	[tilespmem:s22+$0xFFFFFE60] =	vst v17;
	v17 =	vmul.f32 v25, v13;
	v25 =	vld [tilespmem:s22+$0xFFFFFF40];
	v15 =	vmul.f32 v21, v15  }
0x37c: {  	v28 =	vmul.f32 v28, v13;
	v14 =	vld.idx.msk [tilespmem:v14+s16+$0x0], $0xffff  }
0x37d: {  	v21 =	vld [tilespmem:s22+$0xFFFFFF30];
	v24 =	vmul.f32 v24, v13;
	[tilespmem:s22+$0xFFFFFE70] =	vst v15;
	v15 =	vmul.f32 v26, v13  }
0x37e: {  	v16 =	vmul.f32 v16, v13;
	[tilespmem:s22+$0xFFFFFE90] =	vst v17;
	v13 =	vmul.f32 v19, v13;
	v19 =	vld [tilespmem:s22+$0xFFFFFF90]  }
0x37f: {  	[tilespmem:s22+$0xFFFFFEA0] =	vst v15;
	v15 =	vld [tilespmem:s22+$0xFFFFFF60]  }
0x380: {  	[tilespmem:s22+$0xFFFFFED0] =	vst v24;
	v23 =	vld.idx.msk [tilespmem:v23+s16+$0x0], $0xffff  }
0x381: {  	[tilespmem:s22+$0xFFFFFEE0] =	vst v16;
	v24 =	vld [tilespmem:s22+$0xFFFFFFD0];
	v17 =	vmul.f32 v20, v14  }
0x382: {  	s2 =	simm.s32 $0x4;
	[tilespmem:s22+$0xFFFFFEF0] =	vst v13;
	v20 =	vld [tilespmem:s22+$0xFFFFFF50];
	v16 =	vmul.f32 v22, v14  }
0x383: {  	v26 =	vmov s2;
	v22 =	vld [tilespmem:s22+$0xFFFFFFA0];
	v13 =	vmul.f32 v18, v14;
	[tilespmem:s22+$0xFFFFFF00] =	vst v17  }
0x384: {  	s4 =	simm.s32 $0x5;
	v26 =	vshrl.u32 v26, $0x3;
	v18 =	vld [tilespmem:s22+$0xFFFFFFB0];
	v25 =	vmul.f32 v25, v14;
	v15 =	vmul.f32 v15, v14;
	[tilespmem:s22+$0xFFFFFF10] =	vst v16  }
0x385: {  	v17 =	vshll.u32 v26, v2;
	v26 =	vld [tilespmem:s22+$0xFFFFFF70];
	[tilespmem:s22+$0xFFFFFF20] =	vst v13;
	v13 =	vmul.f32 v27, v23;
	v27 =	vmov s4  }
0x386: {  	v16 =	vmul.f32 v21, v14;
	v21 =	vld [tilespmem:s22+$0xFFFFFFC0];
	[tilespmem:s22+$0xFFFFFF40] =	vst v25;
	v17 =	vadd.s32 $0x4, v17;
	v27 =	vshrl.u32 v27, $0x3  }
0x387: {  	v25 =	vld [tilespmem:s22+$0xFFFFFFF0];
	v17 =	vbroadcast v17, $0x0;
	[tilespmem:s22+$0xFFFFFF80] =	vst v13;
	v13 =	vshll.u32 v27, v2  }
0x388: {  	[tilespmem:s22+$0xFFFFFF60] =	vst v15;
	v15 =	vmul.f32 v19, v23;
	v19 =	vld [tilespmem:s22+$0x10];
	v13 =	vadd.s32 $0x5, v13  }
0x389: {  	[tilespmem:s22+$0xFFFFFF30] =	vst v16;
	v16 =	vld [tilespmem:s22+$0xFFFFFFE0];
	v20 =	vmul.f32 v20, v14;
	v13 =	vbroadcast v13, $0x0  }
0x38a: {  	[tilespmem:s22+$0xFFFFFF90] =	vst v15;
	v15 =	vmul.f32 v18, v23;
	v18 =	vld [tilespmem:s22+$0x30];
	v14 =	vmul.f32 v26, v14  }
0x38b: {  	[tilespmem:s22+$0xFFFFFF50] =	vst v20;
	v20 =	vld [tilespmem:s22+$0x0]  }
0x38c: {  	[tilespmem:s22+$0xFFFFFF70] =	vst v14;
	v14 =	vmul.f32 v22, v23;
	v22 =	vld [tilespmem:s22+$0x20]  }
0x38d: {  	[tilespmem:s22+$0xFFFFFEC0] =	vst v28;
	v24 =	vmul.f32 v24, v23;
	v17 =	vld.idx.msk [tilespmem:v17+s16+$0x0], $0xffff  }
0x38e: {  	[tilespmem:s22+$0xFFFFFFA0] =	vst v14;
	v14 =	vmul.f32 v21, v23;
	v21 =	vld [tilespmem:s22+$0x40]  }
0x38f: {  	[tilespmem:s22+$0xFFFFFFD0] =	vst v24;
	v27 =	vld.idx.msk [tilespmem:v13+s16+$0x0], $0xffff  }
0x390: {  	[tilespmem:s22+$0xFFFFFFB0] =	vst v15;
	v13 =	vmul.f32 v16, v23;
	v16 =	vmul.f32 v25, v23;
	v23 =	vld [tilespmem:s22+$0x70]  }
0x391: {  	s18 =	simm.s32 $0x6;
	v25 =	vld [tilespmem:s22+$0xE0];
	[tilespmem:s22+$0xFFFFFFC0] =	vst v14  }
0x392: {  	v26 =	vmov s18;
	v14 =	vld [tilespmem:s22+$0x60];
	[tilespmem:s22+$0xFFFFFFE0] =	vst v13;
	v15 =	vmul.f32 v20, v17  }
0x393: {  	v26 =	vshrl.u32 v26, $0x3;
	[tilespmem:s22+$0xFFFFFFF0] =	vst v16;
	v20 =	vld [tilespmem:s22+$0x50];
	v13 =	vmul.f32 v19, v17  }
0x394: {  	v16 =	vmul.f32 v22, v17;
	v22 =	vld [tilespmem:s22+$0x90];
	[tilespmem:s22+$0x0] =	vst v15;
	v15 =	vshll.u32 v26, v2  }
0x395: {  	v19 =	vld [tilespmem:s22+$0x80];
	[tilespmem:s22+$0x10] =	vst v13;
	v13 =	vmul.f32 v18, v17;
	v15 =	vadd.s32 $0x6, v15  }
0x396: {  	v18 =	vld [tilespmem:s22+$0xA0];
	[tilespmem:s22+$0x20] =	vst v16;
	v16 =	vmul.f32 v21, v17;
	v15 =	vbroadcast v15, $0x0  }
0x397: {  	v21 =	vld [tilespmem:s22+$0xB0];
	v14 =	vmul.f32 v14, v17;
	[tilespmem:s22+$0x30] =	vst v13  }
0x398: {  	s23 =	simm.s32 $0x8;
	v26 =	vld [tilespmem:s22+$0x100];
	[tilespmem:s22+$0x40] =	vst v16;
	v13 =	vmul.f32 v20, v17  }
0x399: {  	v24 =	vmov s23;
	s23 =	simm.s32 $0xD;
	v20 =	vld [tilespmem:s22+$0xC0];
	[tilespmem:s22+$0x60] =	vst v14;
	v22 =	vmul.f32 v22, v27  }
0x39a: {  	s28 =	simm.s32 $0x9;
	v28 =	vmov s23;
	v16 =	vmul.f32 v19, v27;
	v19 =	vld [tilespmem:s22+$0xD0];
	[tilespmem:s22+$0x50] =	vst v13  }
0x39b: {  	s2 =	simm.s32 $0xA;
	v28 =	vshrl.u32 v28, $0x3;
	v14 =	vmov s28;
	s28 =	simm.s32 $0xE;
	v18 =	vmul.f32 v18, v27;
	[tilespmem:s22+$0x90] =	vst v22;
	v22 =	vld [tilespmem:s22+$0x110]  }
0x39c: {  	v29 =	vmov s28;
	[tilespmem:s22+$0x80] =	vst v16;
	v16 =	vmov s2;
	v21 =	vmul.f32 v21, v27;
	v13 =	vld.idx.msk [tilespmem:v15+s16+$0x0], $0xffff  }
0x39d: {  	v14 =	vshrl.u32 v14, $0x3;
	v16 =	vshrl.u32 v16, $0x3;
	[tilespmem:s22+$0xA0] =	vst v18;
	v15 =	vmul.f32 v23, v17;
	v23 =	vld [tilespmem:s22+$0xF0]  }
0x39e: {  	s18 =	simm.s32 $0xC;
	[tilespmem:s22+$0xB0] =	vst v21;
	v21 =	vld [tilespmem:s22+$0x130];
	v16 =	vshll.u32 v16, v2;
	v17 =	vshrl.u32 v24, $0x3;
	v18 =	vmul.f32 v20, v27  }
0x39f: {  	s4 =	simm.s32 $0xB;
	v24 =	vmov s18;
	v20 =	vld [tilespmem:s22+$0x120];
	v19 =	vmul.f32 v19, v27;
	v63 =	vadd.s32 $0x2, v16;
	[tilespmem:s22+$0x70] =	vst v15  }
0x3a0: {  	v17 =	vshll.u32 v17, v2;
	v15 =	vmov s4;
	[tilespmem:s22+$0xC0] =	vst v18;
	v18 =	vmul.f32 v25, v27  }
0x3a1: {  	v24 =	vshrl.u32 v24, $0x3;
	v25 =	vld [tilespmem:s22+$0x140];
	[tilespmem:s22+$0xD0] =	vst v19;
	v62 =	vshrl.u32 v15, $0x3;
	v19 =	vmul.f32 v26, v13  }
0x3a2: {  	v15 =	vbroadcast v17, $0x0;
	v17 =	vshrl.u32 v29, $0x3;
	v29 =	vld [tilespmem:s22+$0x150];
	[tilespmem:s22+$0xE0] =	vst v18;
	v23 =	vmul.f32 v23, v27  }
0x3a3: {  	v24 =	vshll.u32 v24, v2;
	v18 =	vshll.u32 v62, v2;
	v27 =	vld [tilespmem:s22+$0x160];
	v22 =	vmul.f32 v22, v13;
	[tilespmem:s22+$0x100] =	vst v19  }
0x3a4: {  	v26 =	vshll.u32 v14, v2;
	v20 =	vmul.f32 v20, v13;
	v14 =	vld [tilespmem:s22+$0x170];
	v21 =	vmul.f32 v21, v13;
	[tilespmem:s22+$0xF0] =	vst v23  }
0x3a5: {  	v19 =	vshll.u32 v28, v2;
	v28 =	vshll.u32 v17, v2;
	v23 =	vadd.s32 $0x1, v26;
	[tilespmem:s22+$0x110] =	vst v22;
	v17 =	vld [tilespmem:s22+$0x180]  }
0x3a6: {  	v26 =	vadd.s32 $0x3, v18;
	v22 =	vadd.s32 $0x4, v24;
	[tilespmem:s22+$0x120] =	vst v20;
	v20 =	vmul.f32 v25, v13;
	v18 =	vld [tilespmem:s22+$0x190]  }
0x3a7: {  	[tilespmem:s22+$0x130] =	vst v21;
	v16 =	vbroadcast v23, $0x0;
	v23 =	vadd.s32 $0x5, v19;
	v25 =	vmul.f32 v29, v13;
	v19 =	vld [tilespmem:s22+$0x1A0]  }
0x3a8: {  	s23 =	simm.s32 $0x10;
	s4 =	simm.s32 $0xF;
	v21 =	vbroadcast v63, $0x0;
	v24 =	vadd.s32 $0x6, v28;
	[tilespmem:s22+$0x140] =	vst v20;
	v20 =	vld [tilespmem:s22+$0x1B0];
	v27 =	vmul.f32 v27, v13  }
.LBB2_15:
0x3a9: {  	p0 =	slt.u32 s23, $0x20;
	v26 =	vbroadcast v26, $0x0;
	v28 =	vmov s4;
	[tilespmem:s22+$0x150] =	vst v25;
	v13 =	vmul.f32 v14, v13;
	v14 =	vld [tilespmem:s22+$0x1C0]  }
0x3aa: {  	v22 =	vbroadcast v22, $0x0;
	v25 =	vshrl.u32 v28, $0x3;
	[tilespmem:s22+$0x160] =	vst v27;
	v17 =	vmul.f32 v17, v12;
	v27 =	vld [tilespmem:s22+$0x1D0]  }
0x3ab: {  	v23 =	vbroadcast v23, $0x0;
	v25 =	vshll.u32 v25, v2;
	[tilespmem:s22+$0x170] =	vst v13;
	v13 =	vmul.f32 v18, v12;
	v18 =	vld [tilespmem:s22+$0x1E0]  }
0x3ac: {  	v24 =	vbroadcast v24, $0x0;
	v28 =	vld.idx.msk [tilespmem:v15+s16+$0x0], $0xffff;
	v15 =	vadd.s32 $0x7, v25;
	[tilespmem:s22+$0x180] =	vst v17;
	v17 =	vmul.f32 v19, v12  }
0x3ad: {  	v19 =	vld.idx.msk [tilespmem:v16+s16+$0x0], $0xffff;
	v25 =	vbroadcast v15, $0x0;
	[tilespmem:s22+$0x190] =	vst v13;
	v13 =	vmul.f32 v20, v12  }
0x3ae: {  	v20 =	vld.idx.msk [tilespmem:v21+s16+$0x0], $0xffff;
	[tilespmem:s22+$0x1A0] =	vst v17;
	v14 =	vmul.f32 v14, v12  }
0x3af: {  	v16 =	vld.idx.msk [tilespmem:v26+s16+$0x0], $0xffff;
	[tilespmem:s22+$0x1B0] =	vst v13;
	v13 =	vmul.f32 v27, v12  }
0x3b0: {  	v15 =	vld.idx.msk [tilespmem:v22+s16+$0x0], $0xffff;
	[tilespmem:s22+$0x1C0] =	vst v14;
	v12 =	vmul.f32 v18, v12  }
0x3b1: {  	v14 =	vld.idx.msk [tilespmem:v23+s16+$0x0], $0xffff;
	[tilespmem:s22+$0x1D0] =	vst v13  }
0x3b2: {  	v13 =	vld.idx.msk [tilespmem:v24+s16+$0x0], $0xffff;
	[tilespmem:s22+$0x1E0] =	vst v12  }
0x3b3: {  	s22 =	sadd.s32 $0x400, s22;
	v12 =	vld.idx.msk [tilespmem:v25+s16+$0x0], $0xffff  }
0x3b4: {  	v17 =	vld [tilespmem:s22+$0x1F0]  }
0x3b5: {  	v18 =	vld [tilespmem:s22+$0xFFFFFE00]  }
0x3b6: {  	v21 =	vld [tilespmem:s22+$0xFFFFFE10]  }
0x3b7: {  	v22 =	vld [tilespmem:s22+$0xFFFFFE20]  }
0x3b8: {  	v23 =	vld [tilespmem:s22+$0xFFFFFE30]  }
0x3b9: {  	v24 =	vld [tilespmem:s22+$0xFFFFFE40];
	v17 =	vmul.f32 v17, v12  }
0x3ba: {  	v18 =	vmul.f32 v18, v28;
	v25 =	vld [tilespmem:s22+$0xFFFFFE50]  }
0x3bb: {  	v21 =	vmul.f32 v21, v28;
	v26 =	vld [tilespmem:s22+$0xFFFFFE60];
	[tilespmem:s22+$0x1F0] =	vst v17  }
0x3bc: {  	[tilespmem:s22+$0xFFFFFE00] =	vst v18;
	v17 =	vmul.f32 v22, v28;
	v18 =	vld [tilespmem:s22+$0xFFFFFE70]  }
0x3bd: {  	[tilespmem:s22+$0xFFFFFE10] =	vst v21;
	v21 =	vmul.f32 v23, v28;
	v22 =	vld [tilespmem:s22+$0xFFFFFE80]  }
0x3be: {  	[tilespmem:s22+$0xFFFFFE20] =	vst v17;
	v17 =	vmul.f32 v24, v28;
	v23 =	vld [tilespmem:s22+$0xFFFFFE90]  }
0x3bf: {  	[tilespmem:s22+$0xFFFFFE30] =	vst v21;
	v21 =	vmul.f32 v25, v28;
	v24 =	vld [tilespmem:s22+$0xFFFFFEA0]  }
0x3c0: {  	[tilespmem:s22+$0xFFFFFE40] =	vst v17;
	v17 =	vmul.f32 v26, v28;
	v25 =	vld [tilespmem:s22+$0xFFFFFEB0]  }
0x3c1: {  	[tilespmem:s22+$0xFFFFFE50] =	vst v21;
	v18 =	vmul.f32 v18, v28;
	v21 =	vld [tilespmem:s22+$0xFFFFFEC0]  }
0x3c2: {  	[tilespmem:s22+$0xFFFFFE60] =	vst v17;
	v17 =	vmul.f32 v22, v19;
	v22 =	vld [tilespmem:s22+$0xFFFFFED0]  }
0x3c3: {  	[tilespmem:s22+$0xFFFFFE70] =	vst v18;
	v18 =	vmul.f32 v23, v19;
	v23 =	vld [tilespmem:s22+$0xFFFFFEE0]  }
0x3c4: {  	[tilespmem:s22+$0xFFFFFE80] =	vst v17;
	v17 =	vmul.f32 v24, v19;
	v24 =	vld [tilespmem:s22+$0xFFFFFEF0]  }
0x3c5: {  	[tilespmem:s22+$0xFFFFFE90] =	vst v18;
	v18 =	vmul.f32 v25, v19;
	v25 =	vld [tilespmem:s22+$0xFFFFFF00]  }
0x3c6: {  	[tilespmem:s22+$0xFFFFFEA0] =	vst v17;
	v17 =	vmul.f32 v21, v19;
	v21 =	vld [tilespmem:s22+$0xFFFFFF10]  }
0x3c7: {  	[tilespmem:s22+$0xFFFFFEB0] =	vst v18;
	v18 =	vmul.f32 v22, v19;
	v22 =	vld [tilespmem:s22+$0xFFFFFF20]  }
0x3c8: {  	[tilespmem:s22+$0xFFFFFEC0] =	vst v17;
	v17 =	vmul.f32 v23, v19;
	v23 =	vld [tilespmem:s22+$0xFFFFFF30]  }
0x3c9: {  	[tilespmem:s22+$0xFFFFFED0] =	vst v18;
	v18 =	vmul.f32 v24, v19;
	v19 =	vld [tilespmem:s22+$0xFFFFFF40]  }
0x3ca: {  	[tilespmem:s22+$0xFFFFFEE0] =	vst v17;
	v17 =	vmul.f32 v25, v20;
	v24 =	vld [tilespmem:s22+$0xFFFFFF50]  }
0x3cb: {  	[tilespmem:s22+$0xFFFFFEF0] =	vst v18;
	v18 =	vmul.f32 v21, v20;
	v21 =	vld [tilespmem:s22+$0xFFFFFF60]  }
0x3cc: {  	[tilespmem:s22+$0xFFFFFF00] =	vst v17;
	v17 =	vmul.f32 v22, v20;
	v22 =	vld [tilespmem:s22+$0xFFFFFF70]  }
0x3cd: {  	[tilespmem:s22+$0xFFFFFF10] =	vst v18;
	v18 =	vmul.f32 v23, v20;
	v23 =	vld [tilespmem:s22+$0xFFFFFF80]  }
0x3ce: {  	[tilespmem:s22+$0xFFFFFF20] =	vst v17;
	v17 =	vmul.f32 v19, v20;
	v19 =	vld [tilespmem:s22+$0xFFFFFF90]  }
0x3cf: {  	[tilespmem:s22+$0xFFFFFF30] =	vst v18;
	v18 =	vmul.f32 v24, v20;
	v24 =	vld [tilespmem:s22+$0xFFFFFFA0]  }
0x3d0: {  	[tilespmem:s22+$0xFFFFFF40] =	vst v17;
	v17 =	vmul.f32 v21, v20;
	v21 =	vld [tilespmem:s22+$0xFFFFFFB0]  }
0x3d1: {  	[tilespmem:s22+$0xFFFFFF50] =	vst v18;
	v18 =	vmul.f32 v22, v20;
	v20 =	vld [tilespmem:s22+$0xFFFFFFC0]  }
0x3d2: {  	[tilespmem:s22+$0xFFFFFF60] =	vst v17;
	v17 =	vmul.f32 v23, v16;
	v22 =	vld [tilespmem:s22+$0xFFFFFFD0]  }
0x3d3: {  	[tilespmem:s22+$0xFFFFFF70] =	vst v18;
	v18 =	vmul.f32 v19, v16;
	v19 =	vld [tilespmem:s22+$0xFFFFFFE0]  }
0x3d4: {  	[tilespmem:s22+$0xFFFFFF80] =	vst v17;
	v17 =	vmul.f32 v24, v16;
	v23 =	vld [tilespmem:s22+$0xFFFFFFF0]  }
0x3d5: {  	[tilespmem:s22+$0xFFFFFF90] =	vst v18;
	v18 =	vmul.f32 v21, v16;
	v21 =	vld [tilespmem:s22+$0x0]  }
0x3d6: {  	[tilespmem:s22+$0xFFFFFFA0] =	vst v17;
	v17 =	vmul.f32 v20, v16;
	v20 =	vld [tilespmem:s22+$0x10]  }
0x3d7: {  	[tilespmem:s22+$0xFFFFFFB0] =	vst v18;
	v18 =	vmul.f32 v22, v16;
	v22 =	vld [tilespmem:s22+$0x20]  }
0x3d8: {  	[tilespmem:s22+$0xFFFFFFC0] =	vst v17;
	v17 =	vmul.f32 v19, v16;
	v19 =	vld [tilespmem:s22+$0x30]  }
0x3d9: {  	[tilespmem:s22+$0xFFFFFFD0] =	vst v18;
	v16 =	vmul.f32 v23, v16;
	v18 =	vld [tilespmem:s22+$0x40]  }
0x3da: {  	[tilespmem:s22+$0xFFFFFFE0] =	vst v17;
	v17 =	vmul.f32 v21, v15;
	v21 =	vld [tilespmem:s22+$0x50]  }
0x3db: {  	[tilespmem:s22+$0xFFFFFFF0] =	vst v16;
	v16 =	vmul.f32 v20, v15;
	v20 =	vld [tilespmem:s22+$0x60]  }
0x3dc: {  	[tilespmem:s22+$0x0] =	vst v17;
	v17 =	vmul.f32 v22, v15;
	v22 =	vld [tilespmem:s22+$0x70]  }
0x3dd: {  	[tilespmem:s22+$0x10] =	vst v16;
	v16 =	vmul.f32 v19, v15;
	v19 =	vld [tilespmem:s22+$0x80]  }
0x3de: {  	[tilespmem:s22+$0x20] =	vst v17;
	v17 =	vmul.f32 v18, v15;
	v18 =	vld [tilespmem:s22+$0x90]  }
0x3df: {  	[tilespmem:s22+$0x30] =	vst v16;
	v16 =	vmul.f32 v21, v15;
	v21 =	vld [tilespmem:s22+$0xA0]  }
0x3e0: {  	[tilespmem:s22+$0x40] =	vst v17;
	v17 =	vmul.f32 v20, v15;
	v20 =	vld [tilespmem:s22+$0xB0]  }
0x3e1: {  	v23 =	vmov s23;
	[tilespmem:s22+$0x50] =	vst v16;
	v15 =	vmul.f32 v22, v15;
	v16 =	vld [tilespmem:s22+$0xC0]  }
0x3e2: {  	s1 =	sadd.s32 $0x1, s23;
	s4 =	sadd.s32 $0x2, s23;
	v22 =	vshrl.u32 v23, $0x3;
	[tilespmem:s22+$0x60] =	vst v17;
	v17 =	vmul.f32 v19, v14;
	v19 =	vld [tilespmem:s22+$0xD0]  }
0x3e3: {  	v24 =	vmov s4;
	s4 =	sadd.s32 $0x4, s23;
	v23 =	vmov s1;
	s1 =	sadd.s32 $0x3, s23;
	[tilespmem:s22+$0x70] =	vst v15;
	v15 =	vmul.f32 v18, v14;
	v18 =	vld [tilespmem:s22+$0xE0]  }
0x3e4: {  	v26 =	vmov s4;
	s4 =	sadd.s32 $0x6, s23;
	v25 =	vmov s1;
	s1 =	sadd.s32 $0x5, s23;
	[tilespmem:s22+$0x80] =	vst v17;
	v17 =	vmul.f32 v21, v14;
	v21 =	vld [tilespmem:s22+$0xF0]  }
0x3e5: {  	v28 =	vmov s4;
	v27 =	vmov s1;
	[tilespmem:s22+$0x90] =	vst v15;
	v15 =	vmul.f32 v20, v14;
	v20 =	vld [tilespmem:s22+$0x100]  }
0x3e6: {  	v22 =	vshll.u32 v22, v2;
	v23 =	vshrl.u32 v23, $0x3;
	[tilespmem:s22+$0xA0] =	vst v17;
	v16 =	vmul.f32 v16, v14;
	v17 =	vld [tilespmem:s22+$0x110]  }
0x3e7: {  	v24 =	vshrl.u32 v24, $0x3;
	v25 =	vshrl.u32 v25, $0x3;
	[tilespmem:s22+$0xB0] =	vst v15;
	v19 =	vmul.f32 v19, v14;
	v29 =	vld [tilespmem:s22+$0x120]  }
0x3e8: {  	v26 =	vshrl.u32 v26, $0x3;
	v27 =	vshrl.u32 v27, $0x3;
	[tilespmem:s22+$0xC0] =	vst v16;
	v16 =	vmul.f32 v18, v14;
	v18 =	vld [tilespmem:s22+$0x130]  }
0x3e9: {  	v15 =	vbroadcast v22, $0x0;
	v22 =	vshrl.u32 v28, $0x3;
	[tilespmem:s22+$0xD0] =	vst v19;
	v14 =	vmul.f32 v21, v14;
	v19 =	vld [tilespmem:s22+$0x140]  }
0x3ea: {  	v21 =	vshll.u32 v23, v2;
	v23 =	vshll.u32 v24, v2;
	[tilespmem:s22+$0xE0] =	vst v16;
	v16 =	vmul.f32 v20, v13;
	v20 =	vld [tilespmem:s22+$0x150]  }
0x3eb: {  	v24 =	vshll.u32 v25, v2;
	v25 =	vshll.u32 v26, v2;
	[tilespmem:s22+$0xF0] =	vst v14;
	v17 =	vmul.f32 v17, v13;
	v28 =	vld [tilespmem:s22+$0x160]  }
.Ltmp6:
0x3ec: {  	v27 =	vshll.u32 v27, v2;
	v30 =	vshll.u32 v22, v2;
	[tilespmem:s22+$0x100] =	vst v16;
	v16 =	vmul.f32 v29, v13;
	v14 =	vld [tilespmem:s22+$0x170];
	(pc) =	sbr.rel @p0 .LBB2_15-.Ltmp6, $4  }
0x3ed: {  	v21 =	vadd.s32 $0x1, v21;
	v29 =	vadd.s32 $0x2, v23;
	[tilespmem:s22+$0x110] =	vst v17;
	v31 =	vmul.f32 v18, v13;
	v17 =	vld [tilespmem:s22+$0x180]  }
0x3ee: {  	v26 =	vadd.s32 $0x3, v24;
	v22 =	vadd.s32 $0x4, v25;
	[tilespmem:s22+$0x120] =	vst v16;
	v32 =	vmul.f32 v19, v13;
	v18 =	vld [tilespmem:s22+$0x190]  }
0x3ef: {  	v23 =	vadd.s32 $0x5, v27;
	v16 =	vbroadcast v21, $0x0;
	[tilespmem:s22+$0x130] =	vst v31;
	v25 =	vmul.f32 v20, v13;
	v19 =	vld [tilespmem:s22+$0x1A0]  }
0x3f0: {  	s4 =	sadd.s32 $0x7, s23;
	s23 =	sadd.s32 $0x8, s23;
	v24 =	vadd.s32 $0x6, v30;
	v21 =	vbroadcast v29, $0x0;
	[tilespmem:s22+$0x140] =	vst v32;
	v27 =	vmul.f32 v28, v13;
	v20 =	vld [tilespmem:s22+$0x1B0]  }
0x3f1: {  	_ = 	snop  }
0x3f2: {  	v29 =	vld [tilespmem:s22+$0x1C0]  }
0x3f3: {  	v30 =	vld [tilespmem:s22+$0x1D0]  }
0x3f4: {  	v26 =	vbroadcast v26, $0x0;
	v28 =	vmov s4;
	v31 =	vld [tilespmem:s22+$0x1E0]  }
0x3f5: {  	v22 =	vbroadcast v22, $0x0;
	v32 =	vld.idx.msk [tilespmem:v15+s16+$0x0], $0xffff;
	v28 =	vshrl.u32 v28, $0x3  }
0x3f6: {  	v23 =	vbroadcast v23, $0x0;
	v21 =	vld.idx.msk [tilespmem:v21+s16+$0x0], $0xffff;
	v17 =	vmul.f32 v17, v12;
	v28 =	vshll.u32 v28, v2  }
0x3f7: {  	v24 =	vbroadcast v24, $0x0;
	s4 =	sadd.s32 $0x400, s22;
	v18 =	vmul.f32 v18, v12;
	v15 =	vadd.s32 $0x7, v28;
	v28 =	vld.idx.msk [tilespmem:v16+s16+$0x0], $0xffff  }
0x3f8: {  	[tilespmem:s22+$0x180] =	vst v17;
	v17 =	vmul.f32 v19, v12;
	v19 =	vld [tilespmem:s4+$0x1F0];
	v33 =	vbroadcast v15, $0x0  }
0x3f9: {  	[tilespmem:s22+$0x190] =	vst v18;
	v18 =	vmul.f32 v20, v12;
	v20 =	vld [tilespmem:s4+$0xFFFFFE00]  }
0x3fa: {  	v26 =	vld.idx.msk [tilespmem:v26+s16+$0x0], $0xffff  }
0x3fb: {  	v13 =	vmul.f32 v14, v13;
	v16 =	vld.idx.msk [tilespmem:v22+s16+$0x0], $0xffff  }
0x3fc: {  	[tilespmem:s22+$0x150] =	vst v25;
	v15 =	vld.idx.msk [tilespmem:v23+s16+$0x0], $0xffff  }
0x3fd: {  	[tilespmem:s22+$0x170] =	vst v13;
	v14 =	vld.idx.msk [tilespmem:v24+s16+$0x0], $0xffff  }
0x3fe: {  	[tilespmem:s22+$0x1A0] =	vst v17;
	v17 =	vmul.f32 v29, v12;
	v13 =	vld.idx.msk [tilespmem:v33+s16+$0x0], $0xffff  }
0x3ff: {  	v22 =	vld [tilespmem:s4+$0xFFFFFE10];
	[tilespmem:s22+$0x1B0] =	vst v18;
	v18 =	vmul.f32 v30, v12  }
0x400: {  	v23 =	vld [tilespmem:s4+$0xFFFFFE20];
	v12 =	vmul.f32 v31, v12;
	[tilespmem:s22+$0x1C0] =	vst v17  }
0x401: {  	v17 =	vld [tilespmem:s4+$0xFFFFFE30];
	[tilespmem:s22+$0x1D0] =	vst v18  }
0x402: {  	v18 =	vld [tilespmem:s4+$0xFFFFFE40];
	[tilespmem:s22+$0x1E0] =	vst v12;
	v12 =	vmul.f32 v20, v32  }
0x403: {  	[tilespmem:s22+$0x160] =	vst v27;
	v20 =	vld [tilespmem:s4+$0xFFFFFE50];
	v19 =	vmul.f32 v19, v13  }
0x404: {  	v24 =	vld [tilespmem:s4+$0xFFFFFE60];
	v22 =	vmul.f32 v22, v32;
	[tilespmem:s4+$0xFFFFFE00] =	vst v12  }
0x405: {  	v12 =	vmul.f32 v23, v32;
	[tilespmem:s4+$0x1F0] =	vst v19;
	v19 =	vld [tilespmem:s4+$0xFFFFFE70]  }
0x406: {  	v17 =	vmul.f32 v17, v32;
	[tilespmem:s4+$0xFFFFFE10] =	vst v22;
	v22 =	vld [tilespmem:s4+$0xFFFFFE80]  }
0x407: {  	[tilespmem:s4+$0xFFFFFE20] =	vst v12;
	v12 =	vmul.f32 v18, v32;
	v18 =	vld [tilespmem:s4+$0xFFFFFE90]  }
0x408: {  	[tilespmem:s4+$0xFFFFFE30] =	vst v17;
	v17 =	vmul.f32 v20, v32;
	v20 =	vld [tilespmem:s4+$0xFFFFFEA0]  }
0x409: {  	v23 =	vld [tilespmem:s4+$0xFFFFFEB0];
	[tilespmem:s4+$0xFFFFFE40] =	vst v12;
	v12 =	vmul.f32 v24, v32  }
0x40a: {  	[tilespmem:s4+$0xFFFFFE50] =	vst v17;
	v17 =	vmul.f32 v19, v32;
	v19 =	vld [tilespmem:s4+$0xFFFFFEC0]  }
0x40b: {  	[tilespmem:s4+$0xFFFFFE60] =	vst v12;
	v12 =	vmul.f32 v22, v28;
	v22 =	vld [tilespmem:s4+$0xFFFFFED0]  }
0x40c: {  	[tilespmem:s4+$0xFFFFFE70] =	vst v17;
	v17 =	vmul.f32 v18, v28;
	v18 =	vld [tilespmem:s4+$0xFFFFFEE0]  }
0x40d: {  	[tilespmem:s4+$0xFFFFFE80] =	vst v12;
	v12 =	vmul.f32 v20, v28;
	v20 =	vld [tilespmem:s4+$0xFFFFFEF0]  }
0x40e: {  	[tilespmem:s4+$0xFFFFFE90] =	vst v17;
	v17 =	vmul.f32 v23, v28;
	v23 =	vld [tilespmem:s4+$0xFFFFFF00]  }
0x40f: {  	[tilespmem:s4+$0xFFFFFEA0] =	vst v12;
	v12 =	vmul.f32 v19, v28;
	v19 =	vld [tilespmem:s4+$0xFFFFFF10]  }
0x410: {  	[tilespmem:s4+$0xFFFFFEB0] =	vst v17;
	v17 =	vmul.f32 v22, v28;
	v22 =	vld [tilespmem:s4+$0xFFFFFF20]  }
0x411: {  	[tilespmem:s4+$0xFFFFFEC0] =	vst v12;
	v12 =	vmul.f32 v18, v28;
	v18 =	vld [tilespmem:s4+$0xFFFFFF30]  }
0x412: {  	[tilespmem:s4+$0xFFFFFED0] =	vst v17;
	v17 =	vmul.f32 v20, v28;
	v20 =	vld [tilespmem:s4+$0xFFFFFF40]  }
0x413: {  	[tilespmem:s4+$0xFFFFFEE0] =	vst v12;
	v12 =	vmul.f32 v23, v21;
	v23 =	vld [tilespmem:s4+$0xFFFFFF50]  }
0x414: {  	[tilespmem:s4+$0xFFFFFEF0] =	vst v17;
	v17 =	vmul.f32 v19, v21;
	v19 =	vld [tilespmem:s4+$0xFFFFFF60]  }
0x415: {  	[tilespmem:s4+$0xFFFFFF00] =	vst v12;
	v12 =	vmul.f32 v22, v21;
	v22 =	vld [tilespmem:s4+$0xFFFFFF70]  }
0x416: {  	[tilespmem:s4+$0xFFFFFF10] =	vst v17;
	v17 =	vmul.f32 v18, v21;
	v18 =	vld [tilespmem:s4+$0xFFFFFF80]  }
0x417: {  	[tilespmem:s4+$0xFFFFFF20] =	vst v12;
	v12 =	vmul.f32 v20, v21;
	v20 =	vld [tilespmem:s4+$0xFFFFFF90]  }
0x418: {  	[tilespmem:s4+$0xFFFFFF30] =	vst v17;
	v17 =	vmul.f32 v23, v21;
	v23 =	vld [tilespmem:s4+$0xFFFFFFA0]  }
0x419: {  	[tilespmem:s4+$0xFFFFFF40] =	vst v12;
	v12 =	vmul.f32 v19, v21;
	v19 =	vld [tilespmem:s4+$0xFFFFFFB0]  }
0x41a: {  	[tilespmem:s4+$0xFFFFFF50] =	vst v17;
	v17 =	vmul.f32 v22, v21;
	v21 =	vld [tilespmem:s4+$0xFFFFFFC0]  }
0x41b: {  	[tilespmem:s4+$0xFFFFFF60] =	vst v12;
	v12 =	vmul.f32 v18, v26;
	v18 =	vld [tilespmem:s4+$0xFFFFFFD0]  }
0x41c: {  	[tilespmem:s4+$0xFFFFFF70] =	vst v17;
	v17 =	vmul.f32 v20, v26;
	v20 =	vld [tilespmem:s4+$0xFFFFFFE0]  }
0x41d: {  	v22 =	vld [tilespmem:s4+$0xFFFFFFF0];
	[tilespmem:s4+$0xFFFFFF80] =	vst v12;
	v12 =	vmul.f32 v23, v26  }
0x41e: {  	[tilespmem:s4+$0xFFFFFF90] =	vst v17;
	v17 =	vmul.f32 v19, v26;
	v19 =	vld [tilespmem:s4+$0x0]  }
0x41f: {  	[tilespmem:s4+$0xFFFFFFA0] =	vst v12;
	v12 =	vmul.f32 v21, v26;
	v21 =	vld [tilespmem:s4+$0x10]  }
0x420: {  	[tilespmem:s4+$0xFFFFFFB0] =	vst v17;
	v17 =	vmul.f32 v18, v26;
	v18 =	vld [tilespmem:s4+$0x20]  }
0x421: {  	[tilespmem:s4+$0xFFFFFFC0] =	vst v12;
	v12 =	vmul.f32 v20, v26;
	v20 =	vld [tilespmem:s4+$0x30]  }
0x422: {  	[tilespmem:s4+$0xFFFFFFD0] =	vst v17;
	v17 =	vmul.f32 v22, v26;
	v22 =	vld [tilespmem:s4+$0x40]  }
0x423: {  	[tilespmem:s4+$0xFFFFFFE0] =	vst v12;
	v12 =	vmul.f32 v19, v16;
	v19 =	vld [tilespmem:s4+$0x50]  }
0x424: {  	[tilespmem:s4+$0xFFFFFFF0] =	vst v17;
	v17 =	vmul.f32 v21, v16;
	v21 =	vld [tilespmem:s4+$0x60]  }
0x425: {  	[tilespmem:s4+$0x0] =	vst v12;
	v12 =	vmul.f32 v18, v16;
	v18 =	vld [tilespmem:s4+$0x70]  }
0x426: {  	[tilespmem:s4+$0x10] =	vst v17;
	v17 =	vmul.f32 v20, v16;
	v20 =	vld [tilespmem:s4+$0x80]  }
0x427: {  	[tilespmem:s4+$0x20] =	vst v12;
	v12 =	vmul.f32 v22, v16;
	v22 =	vld [tilespmem:s4+$0x90]  }
0x428: {  	[tilespmem:s4+$0x30] =	vst v17;
	v17 =	vmul.f32 v19, v16;
	v19 =	vld [tilespmem:s4+$0xA0]  }
0x429: {  	[tilespmem:s4+$0x40] =	vst v12;
	v12 =	vmul.f32 v21, v16;
	v21 =	vld [tilespmem:s4+$0xB0]  }
0x42a: {  	[tilespmem:s4+$0x50] =	vst v17;
	v16 =	vmul.f32 v18, v16;
	v17 =	vld [tilespmem:s4+$0xC0]  }
0x42b: {  	v18 =	vld [tilespmem:s4+$0xD0];
	[tilespmem:s4+$0x60] =	vst v12;
	v12 =	vmul.f32 v20, v15  }
0x42c: {  	v20 =	vld [tilespmem:s4+$0xE0];
	[tilespmem:s4+$0x70] =	vst v16;
	v16 =	vmul.f32 v22, v15  }
0x42d: {  	[tilespmem:s4+$0x80] =	vst v12;
	v12 =	vmul.f32 v19, v15;
	v19 =	vld [tilespmem:s4+$0xF0]  }
0x42e: {  	[tilespmem:s4+$0x90] =	vst v16;
	v16 =	vmul.f32 v21, v15;
	v21 =	vld [tilespmem:s4+$0x100]  }
0x42f: {  	[tilespmem:s4+$0xA0] =	vst v12;
	v12 =	vmul.f32 v17, v15;
	v17 =	vld [tilespmem:s4+$0x110]  }
0x430: {  	[tilespmem:s4+$0xB0] =	vst v16;
	v16 =	vmul.f32 v18, v15;
	v18 =	vld [tilespmem:s4+$0x120]  }
0x431: {  	[tilespmem:s4+$0xC0] =	vst v12;
	v12 =	vmul.f32 v20, v15;
	v20 =	vld [tilespmem:s4+$0x130]  }
0x432: {  	[tilespmem:s4+$0xD0] =	vst v16;
	v15 =	vmul.f32 v19, v15;
	v16 =	vld [tilespmem:s4+$0x140]  }
0x433: {  	v19 =	vld [tilespmem:s4+$0x150];
	[tilespmem:s4+$0xE0] =	vst v12;
	v12 =	vmul.f32 v21, v14  }
0x434: {  	[tilespmem:s4+$0xF0] =	vst v15;
	v15 =	vmul.f32 v17, v14;
	v17 =	vld [tilespmem:s4+$0x160]  }
0x435: {  	[tilespmem:s4+$0x100] =	vst v12;
	v12 =	vmul.f32 v18, v14;
	v18 =	vld [tilespmem:s4+$0x170]  }
0x436: {  	[tilespmem:s4+$0x110] =	vst v15;
	v15 =	vmul.f32 v20, v14;
	v20 =	vld [tilespmem:s4+$0x180]  }
0x437: {  	[tilespmem:s4+$0x120] =	vst v12;
	v12 =	vmul.f32 v16, v14;
	v16 =	vld [tilespmem:s4+$0x190]  }
0x438: {  	[tilespmem:s4+$0x130] =	vst v15;
	v15 =	vmul.f32 v19, v14;
	v19 =	vld [tilespmem:s4+$0x1A0]  }
0x439: {  	[tilespmem:s4+$0x140] =	vst v12;
	v12 =	vmul.f32 v17, v14;
	v17 =	vld [tilespmem:s4+$0x1B0]  }
0x43a: {  	[tilespmem:s4+$0x150] =	vst v15;
	v14 =	vmul.f32 v18, v14;
	v15 =	vld [tilespmem:s4+$0x1C0]  }
0x43b: {  	v18 =	vld [tilespmem:s4+$0x1D0];
	[tilespmem:s4+$0x160] =	vst v12;
	v12 =	vmul.f32 v20, v13  }
0x43c: {  	[tilespmem:s4+$0x170] =	vst v14;
	v14 =	vmul.f32 v16, v13;
	v16 =	vld [tilespmem:s4+$0x1E0]  }
0x43d: {  	[tilespmem:s4+$0x180] =	vst v12;
	v12 =	vmul.f32 v19, v13  }
0x43e: {  	[tilespmem:s4+$0x190] =	vst v14;
	v14 =	vmul.f32 v17, v13  }
0x43f: {  	[tilespmem:s4+$0x1A0] =	vst v12;
	v12 =	vmul.f32 v15, v13  }
0x440: {  	[tilespmem:s4+$0x1B0] =	vst v14;
	v14 =	vmul.f32 v18, v13  }
0x441: {  	s2 =	simm.s32 $0x3;
	[tilespmem:s4+$0x1C0] =	vst v12;
	v12 =	vmul.f32 v16, v13  }
0x442: {  	s1 =	simm.s32 $0x0;
	v15 =	vmov s2;
	[tilespmem:s4+$0x1D0] =	vst v14  }
0x443: {  	s18 =	simm.s32 $0x1;
	s22 =	simm.s32 $0x4;
	s2 =	simm.s32 $0x3;
	v15 =	vshrl.u32 v15, $0x3;
	[tilespmem:s4+$0x1E0] =	vst v12  }
0x444: {  	s23 =	simm.s32 $0x2;
	v13 =	vmov s1;
	v16 =	vmov s22;
	v12 =	vmov s18;
	_ =	swait.ge [sflag:s2], $0x500  }
0x445: {  	v14 =	vmov s23;
	v13 =	vshrl.u32 v13, $0x3;
	v12 =	vshrl.u32 v12, $0x3;
	[sflag:s2] =	ssyncset.done $0x0  }
0x446: {  	v13 =	vshll.u32 v13, v2;
	v14 =	vshrl.u32 v14, $0x3;
	s18 =	simm.s32 $0x5;
	v12 =	vshll.u32 v12, v2;
	[sflag:s2] =	ssyncadd.s32 $0xFFFFFB00  }
0x447: {  	v18 =	vbroadcast v13, $0x0;
	v13 =	vshll.u32 v14, v2;
	v19 =	vbroadcast v12, $0x0;
	_ =	swait.ge [sflag:s18], $0x500  }
0x448: {  	v16 =	vshrl.u32 v16, $0x3;
	v14 =	vshll.u32 v15, v2;
	v20 =	vbroadcast v13, $0x0;
	[sflag:s18] =	ssyncset.done $0x0  }
0x449: {  	s22 =	simm.s32 $0x7;
	s23 =	simm.s32 $0x5;
	v13 =	vshll.u32 v16, v2;
	v23 =	vbroadcast v14, $0x0;
	v14 =	vor.u32 $0x1, v19;
	[sflag:s18] =	ssyncadd.s32 $0xFFFFFB00  }
0x44a: {  	v17 =	vmov s23;
	v24 =	vbroadcast v13, $0x0;
	v13 =	vor.u32 $0x2, v20;
	_ =	swait.ge [sflag:s22], $0x280  }
0x44b: {  	v12 =	vshrl.u32 v17, $0x3;
	v16 =	vor.u32 $0x3, v23;
	[sflag:s22] =	ssyncset.done $0x0  }
0x44c: {  	v12 =	vshll.u32 v12, v2;
	[sflag:s22] =	ssyncadd.s32 $0xFFFFFD80  }
0x44d: {  	s23 =	simm.s32 $0x7;
	v25 =	vbroadcast v12, $0x0;
	v12 =	vld.idx.msk [tilespmem:v18+s16+$0x0], $0xffff  }
0x44e: {  	v15 =	vmov s23;
	v36 =	vld.idx.msk [tilespmem:v14+s16+$0x0], $0xffff  }
0x44f: {  	v17 =	vor.u32 $0x4, v24;
	v14 =	vshrl.u32 v15, $0x3;
	v15 =	vld.idx.msk [tilespmem:v13+s16+$0x0], $0xffff  }
0x450: {  	s4 =	simm.s32 $0x3290;
	v21 =	vor.u32 $0x5, v25;
	v16 =	vld.idx.msk [tilespmem:v16+s16+$0x0], $0xffff  }
0x451: {  	s23 =	simm.s32 $0x2880;
	v26 =	vld [tilespmem:s4+$0x60]  }
0x452: {  	v29 =	vld [tilespmem:s23+$0xFFFFFF80];
	v13 =	vshll.u32 v14, v2  }
0x453: {  	v51 =	vld [tilespmem:s4+$0xFFFFFF80];
	v22 =	vbroadcast v13, $0x0  }
0x454: {  	s28 =	simm.s32 $0xC;
	v14 =	vld.idx.msk [tilespmem:v17+s16+$0x0], $0xffff  }
0x455: {  	v50 =	vmov s28;
	v13 =	vld.idx.msk [tilespmem:v21+s16+$0x0], $0xffff;
	v17 =	vor.u32 $0x7, v22  }
0x456: {  	v32 =	vshrl.u32 v50, $0x3;
	s2 =	simm.s32 $0x9;
	v21 =	vld [tilespmem:s23+$0x60]  }
0x457: {  	v32 =	vshll.u32 v32, v2;
	v54 =	vadd.s32 v0, v18;
	v28 =	vmov s2;
	s2 =	simm.s32 $0xB;
	v38 =	vld [tilespmem:s4+$0xFFFFFFA0]  }
0x458: {  	v60 =	vadd.s32 v6, v23;
	v31 =	vmov s2;
	s2 =	simm.s32 $0x6;
	v19 =	vadd.s32 v4, v19;
	v53 =	vld [tilespmem:s23+$0xFFFFFFC0]  }
0x459: {  	v46 =	vadd.s32 v7, v24;
	s18 =	simm.s32 $0xA;
	v35 =	vmov s2;
	v31 =	vshrl.u32 v31, $0x3;
	s22 =	simm.s32 $0x8;
	v40 =	vld [tilespmem:s23+$0xFFFFFFE0]  }
0x45a: {  	v30 =	vmov s18;
	v52 =	vshrl.u32 v35, $0x3;
	v27 =	vmov s22;
	v37 =	vld.idx.msk [tilespmem:v17+s16+$0x0], $0xffff  }
0x45b: {  	s18 =	simm.s32 $0xD;
	v21 =	vadd.f32 v26, v21;
	v17 =	vshrl.u32 v28, $0x3;
	v28 =	vshrl.u32 v30, $0x3;
	v30 =	vld [tilespmem:s23+$0xFFFFFFA0]  }
0x45c: {  	v34 =	vmov s18;
	v42 =	vld [tilespmem:s4+$0xFFFFFFE0];
	v27 =	vshrl.u32 v27, $0x3;
	v22 =	vadd.s32 v10, v22  }
0x45d: {  	v21 =	vadd.f32 v21, v11;
	v39 =	vshll.u32 v17, v2;
	v17 =	vadd.f32 v51, v29;
	v29 =	vld [tilespmem:s4+$0xFFFFFFC0]  }
0x45e: {  	v55 =	vld [tilespmem:s23+$0x0];
	v27 =	vshll.u32 v27, v2;
	v26 =	vshrl.u32 v34, $0x3;
	v34 =	vshll.u32 v52, v2  }
0x45f: {  	v57 =	vld [tilespmem:s23+$0x20];
	v34 =	vbroadcast v34, $0x0;
	v41 =	vadd.f32 v17, v11;
	v21 =	vmul.f32 v21, v37  }
0x460: {  	v31 =	vshll.u32 v31, v2;
	v18 =	vbroadcast v27, $0x0;
	v27 =	vld [tilespmem:s4+$0x0];
	v30 =	vadd.f32 v38, v30  }
0x461: {  	v59 =	vld [tilespmem:s4+$0x20];
	v43 =	vshll.u32 v26, v2;
	v58 =	vor.u32 $0x6, v34;
	v26 =	vmul.f32 v41, v12;
	[tilespmem:v22+s31+$0x0] =	vst.idx.msk $0xffff, v21  }
0x462: {  	v63 =	vsel vm0, v36, v3;
	v29 =	vadd.f32 v29, v53;
	v56 =	vld.idx.msk [tilespmem:v22+s14+$0x0], $0xffff;
	v22 =	vadd.f32 v30, v11  }
0x463: {  	v44 =	vld [tilespmem:s23+$0x40];
	v28 =	vshll.u32 v28, v2;
	v21 =	vbroadcast v39, $0x0;
	[tilespmem:v54+s31+$0x0] =	vst.idx.msk $0xffff, v26;
	v30 =	vadd.s32 v5, v20  }
0x464: {  	v61 =	vld [tilespmem:s4+$0x40];
	v20 =	vadd.f32 v29, v11;
	v29 =	vadd.f32 v42, v40;
	v26 =	vmul.f32 v22, v36  }
0x465: {  	v45 =	vld.idx.msk [tilespmem:v54+s14+$0x0], $0xffff;
	v62 =	vor.u32 $0x1, v21;
	v22 =	vbroadcast v28, $0x0;
	v28 =	vadd.f32 v27, v55  }
0x466: {  	v23 =	vmul.f32 v20, v15;
	v20 =	vadd.f32 v29, v11;
	[tilespmem:v19+s31+$0x0] =	vst.idx.msk $0xffff, v26;
	v26 =	vld.idx.msk [tilespmem:v58+s16+$0x0], $0xffff  }
0x467: {  	v27 =	vadd.s32 v8, v25;
	v25 =	vadd.f32 v28, v11;
	v47 =	vld.idx.msk [tilespmem:v19+s14+$0x0], $0xffff;
	v29 =	vmul.f32 v56, v37  }
0x468: {  	s18 =	simm.s32 $0x3C80;
	v19 =	vmul.f32 v20, v16;
	v20 =	vbroadcast v31, $0x0;
	[tilespmem:v30+s31+$0x0] =	vst.idx.msk $0xffff, v23;
	v31 =	vadd.f32 v59, v57  }
0x469: {  	v17 =	vsel vm0, v37, v3;
	v33 =	vor.u32 $0x2, v22;
	v28 =	vld.idx.msk [tilespmem:v30+s14+$0x0], $0xffff;
	v30 =	vmul.f32 v25, v14;
	[tilespmem:s18+$0x60] =	vst v29  }
0x46a: {  	v38 =	vadd.f32 v61, v44;
	v23 =	vld.idx.msk [tilespmem:v18+s16+$0x0], $0xffff;
	[tilespmem:v60+s31+$0x0] =	vst.idx.msk $0xffff, v19;
	v19 =	vadd.f32 v31, v11  }
0x46b: {  	v24 =	vbroadcast v32, $0x0;
	v29 =	vadd.s32 v9, v34;
	v34 =	vor.u32 $0x3, v20;
	v32 =	vld.idx.msk [tilespmem:v60+s14+$0x0], $0xffff;
	[tilespmem:v46+s31+$0x0] =	vst.idx.msk $0xffff, v30  }
0x46c: {  	v38 =	vadd.f32 v38, v11;
	v25 =	vbroadcast v43, $0x0;
	v31 =	vld.idx.msk [tilespmem:v46+s14+$0x0], $0xffff;
	v37 =	vmul.f32 v19, v13  }
0x46d: {  	s28 =	simm.s32 $0x10;
	s1 =	simm.s32 $0xF;
	v35 =	vor.u32 $0x4, v24;
	[tilespmem:s18+$0xFFFFFFB0] =	vst v63;
	v30 =	vmul.f32 v45, v12;
	v19 =	vld.idx.msk [tilespmem:v62+s16+$0x0], $0xffff;
	v36 =	vmul.f32 v47, v36  }
.LBB2_17:
0x46e: {  	p0 =	slt.u32 s28, $0x20;
	v33 =	vld.idx.msk [tilespmem:v33+s16+$0x0], $0xffff;
	v39 =	vor.u32 $0x5, v25;
	v40 =	vmov s1;
	[tilespmem:v27+s31+$0x0] =	vst.idx.msk $0xffff, v37;
	v37 =	vmul.f32 v38, v26  }
0x46f: {  	v28 =	vmul.f32 v28, v15;
	v38 =	vshrl.u32 v40, $0x3;
	[tilespmem:s18+$0xFFFFFFA0] =	vst v36;
	v27 =	vld.idx.msk [tilespmem:v27+s14+$0x0], $0xffff  }
0x470: {  	v34 =	vld.idx.msk [tilespmem:v34+s16+$0x0], $0xffff;
	v36 =	vshll.u32 v38, v2;
	[tilespmem:v29+s31+$0x0] =	vst.idx.msk $0xffff, v37  }
0x471: {  	v36 =	vbroadcast v36, $0x0;
	[tilespmem:s18+$0xFFFFFFC0] =	vst v28;
	v28 =	vmul.f32 v32, v16;
	v29 =	vld.idx.msk [tilespmem:v29+s14+$0x0], $0xffff  }
0x472: {  	s1 =	sadd.s32 $0x1, s28;
	v32 =	vld.idx.msk [tilespmem:v35+s16+$0x0], $0xffff;
	[tilespmem:s18+$0xFFFFFF80] =	vst v30;
	v30 =	vmul.f32 v31, v14  }
0x473: {  	s2 =	sadd.s32 $0x3, s28;
	s23 =	sadd.s32 $0x100, s23;
	v31 =	vmov s28;
	v35 =	vmov s1;
	s1 =	sadd.s32 $0x2, s28;
	v37 =	vld.idx.msk [tilespmem:v39+s16+$0x0], $0xffff;
	v38 =	vor.u32 $0x7, v36;
	[tilespmem:s18+$0xFFFFFFE0] =	vst v28  }
0x474: {  	v41 =	vsel vm0, v15, v3;
	s4 =	sadd.s32 $0x100, s4;
	v28 =	vmov s1;
	v39 =	vmov s2;
	s1 =	sadd.s32 $0x4, s28;
	v15 =	vmovc v33;
	v40 =	vld [tilespmem:s23+$0x60];
	[tilespmem:s18+$0x0] =	vst v30  }
0x475: {  	v44 =	vsel vm0, v16, v3;
	s2 =	sadd.s32 $0x6, s22;
	s22 =	smov.u32 s28;
	v30 =	vmov s1;
	s1 =	sadd.s32 $0x5, s28;
	v27 =	vmul.f32 v27, v13;
	v33 =	vld [tilespmem:s4+$0x60];
	[tilespmem:s18+$0xFFFFFFD0] =	vst v41  }
0x476: {  	v31 =	vshrl.u32 v31, $0x3;
	v43 =	vmov s2;
	v41 =	vmov s1;
	v16 =	vmovc v34;
	v42 =	vld [tilespmem:s23+$0xFFFFFF80];
	[tilespmem:s18+$0xFFFFFFF0] =	vst v44  }
0x477: {  	v31 =	vshll.u32 v31, v2;
	v44 =	vsel vm0, v14, v3;
	v34 =	vld [tilespmem:s4+$0xFFFFFF80];
	[tilespmem:s18+$0x20] =	vst v27;
	v27 =	vmul.f32 v29, v26  }
0x478: {  	v28 =	vshrl.u32 v28, $0x3;
	v29 =	vshrl.u32 v35, $0x3;
	v35 =	vshrl.u32 v39, $0x3;
	v14 =	vmovc v32;
	v38 =	vld.idx.msk [tilespmem:v38+s16+$0x0], $0xffff;
	[tilespmem:s18+$0x10] =	vst v44  }
0x479: {  	v30 =	vshrl.u32 v30, $0x3;
	v32 =	vshrl.u32 v41, $0x3;
	v41 =	vsel vm0, v13, v3;
	v13 =	vmovc v37;
	v39 =	vld [tilespmem:s23+$0xFFFFFFA0];
	[tilespmem:s18+$0x40] =	vst v27  }
0x47a: {  	v26 =	vsel vm0, v26, v3;
	v37 =	vshrl.u32 v43, $0x3;
	v27 =	vld [tilespmem:s4+$0xFFFFFFA0];
	v33 =	vadd.f32 v33, v40;
	[tilespmem:s18+$0x30] =	vst v41  }
0x47b: {  	v36 =	vadd.s32 v10, v36;
	v31 =	vbroadcast v31, $0x0;
	v29 =	vshll.u32 v29, v2;
	v40 =	vld [tilespmem:s23+$0xFFFFFFC0];
	[tilespmem:s18+$0x50] =	vst v26  }
0x47c: {  	v12 =	vsel vm0, v12, v3;
	v26 =	vadd.f32 v34, v42;
	v34 =	vld [tilespmem:s4+$0xFFFFFFC0];
	v33 =	vadd.f32 v33, v11;
	[tilespmem:s18+$0x70] =	vst v17  }
0x47d: {  	v28 =	vshll.u32 v28, v2;
	v35 =	vshll.u32 v35, v2;
	v41 =	vadd.s32 v0, v18;
	v42 =	vld [tilespmem:s23+$0xFFFFFFE0];
	[tilespmem:s18+$0xFFFFFF90] =	vst v12  }
0x47e: {  	v18 =	vmovc v31;
	v17 =	vsel vm0, v38, v3;
	v26 =	vadd.f32 v26, v11;
	v43 =	vld [tilespmem:s4+$0xFFFFFFE0];
	v33 =	vmul.f32 v33, v38  }
0x47f: {  	v30 =	vshll.u32 v30, v2;
	v37 =	vshll.u32 v37, v2;
	v12 =	vmovc v23;
	v27 =	vadd.f32 v27, v39;
	v31 =	vld [tilespmem:s23+$0x0]  }
0x480: {  	v32 =	vshll.u32 v32, v2;
	v37 =	vbroadcast v37, $0x0;
	v23 =	vmul.f32 v26, v12;
	v26 =	vld [tilespmem:s4+$0x0];
	[tilespmem:v36+s31+$0x0] =	vst.idx.msk $0xffff, v33  }
0x481: {  	v33 =	vadd.s32 v4, v21;
	v27 =	vadd.f32 v27, v11;
	v34 =	vadd.f32 v34, v40;
	v36 =	vld.idx.msk [tilespmem:v36+s14+$0x0], $0xffff  }
0x482: {  	v39 =	vor.u32 $0x6, v37;
	v21 =	vbroadcast v29, $0x0;
	[tilespmem:v41+s31+$0x0] =	vst.idx.msk $0xffff, v23;
	v23 =	vadd.s32 v5, v22;
	v29 =	vld [tilespmem:s23+$0x20]  }
0x483: {  	v27 =	vmul.f32 v27, v19;
	v34 =	vadd.f32 v34, v11;
	v40 =	vadd.f32 v43, v42;
	v42 =	vld [tilespmem:s4+$0x20]  }
0x484: {  	v22 =	vbroadcast v28, $0x0;
	v43 =	vadd.s32 v6, v20;
	v20 =	vbroadcast v35, $0x0;
	v35 =	vld [tilespmem:s23+$0x40]  }
0x485: {  	v28 =	vmul.f32 v34, v15;
	v34 =	vadd.f32 v40, v11;
	v26 =	vadd.f32 v26, v31;
	v31 =	vld [tilespmem:s4+$0x40]  }
0x486: {  	v40 =	vld.idx.msk [tilespmem:v41+s14+$0x0], $0xffff;
	[tilespmem:v33+s31+$0x0] =	vst.idx.msk $0xffff, v27;
	v41 =	vadd.s32 v7, v24;
	v27 =	vadd.s32 v8, v25  }
0x487: {  	v36 =	vmul.f32 v36, v38;
	v44 =	vld.idx.msk [tilespmem:v33+s14+$0x0], $0xffff;
	v25 =	vmul.f32 v34, v16;
	v34 =	vadd.f32 v26, v11  }
0x488: {  	s18 =	sadd.s32 $0x100, s18;
	v45 =	vor.u32 $0x1, v21;
	v24 =	vbroadcast v30, $0x0;
	[tilespmem:v23+s31+$0x0] =	vst.idx.msk $0xffff, v28;
	v30 =	vadd.f32 v42, v29;
	v26 =	vld.idx.msk [tilespmem:v39+s16+$0x0], $0xffff  }
.Ltmp7:
0x489: {  	v33 =	vor.u32 $0x2, v22;
	v29 =	vadd.s32 v9, v37;
	v28 =	vld.idx.msk [tilespmem:v23+s14+$0x0], $0xffff;
	v38 =	vmul.f32 v34, v14;
	[tilespmem:s18+$0x60] =	vst v36;
	(pc) =	sbr.rel @p0 .LBB2_17-.Ltmp7, $4  }
0x48a: {  	v23 =	vld.idx.msk [tilespmem:v18+s16+$0x0], $0xffff;
	[tilespmem:v43+s31+$0x0] =	vst.idx.msk $0xffff, v25;
	v36 =	vadd.f32 v30, v11;
	v35 =	vadd.f32 v31, v35  }
0x48b: {  	v39 =	vsel vm0, v19, v3;
	v34 =	vor.u32 $0x3, v20;
	v25 =	vbroadcast v32, $0x0;
	v32 =	vld.idx.msk [tilespmem:v43+s14+$0x0], $0xffff;
	[tilespmem:v41+s31+$0x0] =	vst.idx.msk $0xffff, v38  }
0x48c: {  	v30 =	vmul.f32 v40, v12;
	v31 =	vld.idx.msk [tilespmem:v41+s14+$0x0], $0xffff;
	v37 =	vmul.f32 v36, v13;
	v38 =	vadd.f32 v35, v11  }
0x48d: {  	s28 =	sadd.s32 $0x8, s28;
	s1 =	sadd.s32 $0x7, s22;
	v35 =	vor.u32 $0x4, v24;
	v36 =	vmul.f32 v44, v19;
	v19 =	vld.idx.msk [tilespmem:v45+s16+$0x0], $0xffff;
	[tilespmem:s18+$0xFFFFFFB0] =	vst v39  }
0x48e: {  	_ =	sdelay $0x3  }
0x48f: {  	v33 =	vld.idx.msk [tilespmem:v33+s16+$0x0], $0xffff  }
0x490: {  	v34 =	vld.idx.msk [tilespmem:v34+s16+$0x0], $0xffff  }
0x491: {  	[tilespmem:v27+s31+$0x0] =	vst.idx.msk $0xffff, v37;
	v35 =	vld.idx.msk [tilespmem:v35+s16+$0x0], $0xffff  }
0x492: {  	s23 =	sadd.s32 $0x100, s23;
	v27 =	vld.idx.msk [tilespmem:v27+s14+$0x0], $0xffff  }
0x493: {  	s4 =	sadd.s32 $0x100, s4;
	v53 =	vld [tilespmem:s23+$0x60]  }
0x494: {  	[tilespmem:s18+$0xFFFFFF80] =	vst v30;
	v40 =	vld [tilespmem:s4+$0x60]  }
0x495: {  	[tilespmem:s18+$0x70] =	vst v17;
	v41 =	vld [tilespmem:s23+$0xFFFFFF80]  }
0x496: {  	v39 =	vmov s1;
	v50 =	vmul.f32 v38, v26;
	v60 =	vsel vm0, v15, v3;
	[tilespmem:s18+$0xFFFFFFA0] =	vst v36;
	v57 =	vld [tilespmem:s23+$0xFFFFFFA0]  }
0x497: {  	v28 =	vmul.f32 v28, v15;
	v62 =	vsel vm0, v16, v3;
	v45 =	vsel vm0, v14, v3;
	v58 =	vld [tilespmem:s4+$0xFFFFFFA0];
	[tilespmem:s18+$0xFFFFFFD0] =	vst v60  }
0x498: {  	s2 =	sadd.s32 $0x6, s22;
	v48 =	vsel vm0, v13, v3;
	v21 =	vadd.s32 v4, v21;
	v51 =	vshrl.u32 v39, $0x3;
	v61 =	vld [tilespmem:s23+$0xFFFFFFC0];
	[tilespmem:s18+$0xFFFFFFF0] =	vst v62  }
0x499: {  	v12 =	vsel vm0, v12, v3;
	v42 =	vld [tilespmem:s4+$0xFFFFFFC0];
	v43 =	vmov s2;
	[tilespmem:s18+$0x10] =	vst v45;
	v38 =	vshll.u32 v51, v2  }
0x49a: {  	v22 =	vadd.s32 v5, v22;
	v54 =	vld [tilespmem:s4+$0xFFFFFF80];
	[tilespmem:v29+s31+$0x0] =	vst.idx.msk $0xffff, v50;
	v49 =	vshrl.u32 v43, $0x3;
	v52 =	vbroadcast v38, $0x0  }
0x49b: {  	[tilespmem:s18+$0x30] =	vst v48;
	v29 =	vld.idx.msk [tilespmem:v29+s14+$0x0], $0xffff;
	v56 =	vmul.f32 v31, v14;
	v14 =	vshll.u32 v49, v2  }
0x49c: {  	v44 =	vld [tilespmem:s23+$0xFFFFFFE0];
	[tilespmem:s18+$0xFFFFFF90] =	vst v12;
	v55 =	vmul.f32 v32, v16;
	v14 =	vbroadcast v14, $0x0;
	v38 =	vor.u32 $0x7, v52  }
0x49d: {  	v47 =	vld [tilespmem:s4+$0xFFFFFFE0];
	[tilespmem:s18+$0xFFFFFFC0] =	vst v28;
	v37 =	vadd.s32 v10, v52;
	v52 =	vsel vm0, v26, v3;
	v28 =	vadd.f32 v58, v57  }
0x49e: {  	v60 =	vld [tilespmem:s23+$0x40];
	[tilespmem:s18+$0xFFFFFFE0] =	vst v55;
	v59 =	vadd.f32 v40, v53;
	v63 =	vmul.f32 v27, v13;
	v27 =	vadd.f32 v42, v61  }
0x49f: {  	v50 =	vld [tilespmem:s23+$0x0];
	[tilespmem:s18+$0x0] =	vst v56;
	v54 =	vadd.f32 v54, v41;
	v58 =	vor.u32 $0x6, v14;
	v56 =	vadd.f32 v28, v11  }
0x4a0: {  	v53 =	vld [tilespmem:s4+$0x0];
	[tilespmem:s18+$0x50] =	vst v52;
	v61 =	vadd.s32 v0, v18;
	v46 =	vmul.f32 v29, v26;
	v62 =	vadd.f32 v27, v11  }
0x4a1: {  	v57 =	vld [tilespmem:s23+$0x20];
	[tilespmem:s18+$0x20] =	vst v63;
	v16 =	vadd.f32 v54, v11;
	v13 =	vmul.f32 v56, v19  }
0x4a2: {  	v15 =	vadd.f32 v47, v44;
	v63 =	vld [tilespmem:s4+$0x40];
	[tilespmem:s18+$0x40] =	vst v46;
	v18 =	vmul.f32 v62, v33  }
0x4a3: {  	v20 =	vadd.s32 v6, v20;
	v32 =	vld.idx.msk [tilespmem:v38+s16+$0x0], $0xffff;
	v40 =	vmul.f32 v16, v23;
	[tilespmem:v21+s31+$0x0] =	vst.idx.msk $0xffff, v13  }
0x4a4: {  	v43 =	vadd.f32 v15, v11;
	v38 =	vadd.f32 v59, v11;
	v59 =	vld [tilespmem:s4+$0x20];
	[tilespmem:v22+s31+$0x0] =	vst.idx.msk $0xffff, v18  }
0x4a5: {  	v49 =	vsel vm0, v19, v3;
	s18 =	sadd.s32 $0x100, s18;
	v41 =	vadd.f32 v53, v50;
	v26 =	vld.idx.msk [tilespmem:v58+s16+$0x0], $0xffff;
	[tilespmem:v61+s31+$0x0] =	vst.idx.msk $0xffff, v40  }
0x4a6: {  	v51 =	vor.u32 $0x5, v25;
	v56 =	vsel vm0, v33, v3;
	v13 =	vmul.f32 v43, v34;
	v21 =	vld.idx.msk [tilespmem:v21+s14+$0x0], $0xffff;
	[tilespmem:s18+$0xFFFFFFB0] =	vst v49  }
0x4a7: {  	v44 =	vadd.s32 v7, v24;
	v16 =	vadd.f32 v41, v11;
	v22 =	vld.idx.msk [tilespmem:v22+s14+$0x0], $0xffff;
	[tilespmem:s18+$0xFFFFFFD0] =	vst v56  }
0x4a8: {  	v48 =	vadd.f32 v63, v60;
	v17 =	vld.idx.msk [tilespmem:v61+s14+$0x0], $0xffff;
	v63 =	vsel vm0, v23, v3;
	[tilespmem:v20+s31+$0x0] =	vst.idx.msk $0xffff, v13  }
0x4a9: {  	[tilespmem:s18+$0xFFFFFF90] =	vst v63;
	v38 =	vmul.f32 v38, v32;
	v46 =	vadd.f32 v59, v57;
	v57 =	vsel vm0, v34, v3  }
0x4aa: {  	v14 =	vadd.s32 v9, v14;
	v16 =	vmul.f32 v16, v35;
	v20 =	vld.idx.msk [tilespmem:v20+s14+$0x0], $0xffff;
	[tilespmem:s18+$0xFFFFFFF0] =	vst v57  }
0x4ab: {  	v42 =	vld.idx.msk [tilespmem:v51+s16+$0x0], $0xffff;
	v51 =	vadd.f32 v48, v11;
	[tilespmem:v37+s31+$0x0] =	vst.idx.msk $0xffff, v38  }
0x4ac: {  	v47 =	vadd.s32 v8, v25;
	v58 =	vsel vm0, v35, v3;
	[tilespmem:v44+s31+$0x0] =	vst.idx.msk $0xffff, v16  }
0x4ad: {  	v62 =	vsel vm0, v32, v3;
	v53 =	vmul.f32 v51, v26;
	v15 =	vld.idx.msk [tilespmem:v44+s14+$0x0], $0xffff;
	[tilespmem:s18+$0x10] =	vst v58  }
0x4ae: {  	v18 =	vadd.f32 v46, v11;
	v55 =	vld.idx.msk [tilespmem:v37+s14+$0x0], $0xffff;
	v52 =	vmul.f32 v21, v19;
	[tilespmem:s18+$0x70] =	vst v62  }
0x4af: {  	v54 =	vmul.f32 v22, v33;
	[tilespmem:v14+s31+$0x0] =	vst.idx.msk $0xffff, v53  }
0x4b0: {  	v50 =	vmul.f32 v18, v42;
	[tilespmem:s18+$0xFFFFFFA0] =	vst v52  }
0x4b1: {  	v17 =	vmul.f32 v17, v23;
	[tilespmem:s18+$0xFFFFFFC0] =	vst v54  }
0x4b2: {  	v14 =	vld.idx.msk [tilespmem:v14+s14+$0x0], $0xffff;
	[tilespmem:v47+s31+$0x0] =	vst.idx.msk $0xffff, v50  }
0x4b3: {  	v61 =	vsel vm0, v26, v3;
	[tilespmem:s18+$0xFFFFFF80] =	vst v17;
	v12 =	vld.idx.msk [tilespmem:v47+s14+$0x0], $0xffff  }
0x4b4: {  	v60 =	vsel vm0, v42, v3;
	[tilespmem:s18+$0x50] =	vst v61;
	v45 =	vmul.f32 v55, v32  }
0x4b5: {  	[tilespmem:s18+$0x30] =	vst v60;
	v55 =	vmul.f32 v20, v34  }
0x4b6: {  	v15 =	vmul.f32 v15, v35;
	[tilespmem:s18+$0x60] =	vst v45  }
0x4b7: {  	[tilespmem:s18+$0xFFFFFFE0] =	vst v55;
	v59 =	vmul.f32 v14, v26  }
0x4b8: {  	[tilespmem:s18+$0x0] =	vst v15;
	v12 =	vmul.f32 v12, v42  }
0x4b9: {  	[tilespmem:s18+$0x40] =	vst v59  }
0x4ba: {  	[tilespmem:s18+$0x20] =	vst v12  }
0x4bb: {  	_ =	swait.ge [sflag:s8], $0x1400  }
0x4bc: {  	[sflag:s8] =	ssyncset.done $0x0  }
0x4bd: {  	[sflag:s8] =	ssyncadd.s32 $0xFFFFEC00  }
0x4be: {  	_ =	swait.ge [sflag:s26], $0x500  }
0x4bf: {  	[sflag:s26] =	ssyncset.done $0x0  }
0x4c0: {  	[sflag:s26] =	ssyncadd.s32 $0xFFFFFB00  }
0x4c1: {  	_ =	swait.ge [sflag:s9], $0x280  }
0x4c2: {  	[sflag:s9] =	ssyncset.done $0x0  }
0x4c3: {  	s20 =	sadd.s32 $0x5118, s20;
	s22 =	simm.s32 $0x1400;
	[sflag:s9] =	ssyncadd.s32 $0xFFFFFD80  }
0x4c4: {  	[tilespmem:s22], [sflag:$0x2] =	stream.indirect.gather [hbm4b:s3+s5], $0x80, s20, s5, $0xb8;
	[tilespmem:$0x1FE60] =	vst v63  }
0x4c5: {  	s4 =	simm.s32 $0x2D00;
	s18 =	sadd.s32 $0x78, s21  }
0x4c6: {  	[tilespmem:s4], [sflag:$0x4] =	stream.indirect.gather [hbm4b:s10+s5], $0x20, s20, s5, $0xb8;
	[tilespmem:$0x1FE60] =	vst v63  }
0x4c7: {  	s1 =	sshrl.u32 s18, $0x3;
	s20 =	rddreg [dreg:$0x5]  }
0x4c8: {  	s21 =	rddreg [dreg:$0x3];
	s2 =	sadd.s32 s20, s1  }
0x4c9: {  	[tilespmem:s30], [sflag:$0x8] =	stream.strided.gather [hbm4b:s2+s5], $0x280, s29, s5, $0x38;
	[tilespmem:$0x1FE60] =	vst v63  }
0x4ca: {  	s22 =	simm.s32 $0x0;
	s18 =	rddreg [dreg:$0x4];
	s2 =	sadd.s32 s21, s1  }
0x4cb: {  	[tilespmem:s24], [sflag:$0xA] =	stream.linear.gather [hbm4b:s2+s22], $0x28, $0x38;
	[tilespmem:$0x1FE60] =	vst v63  }
0x4cc: {  	s17 =	sadd.s32 $0x1, s17;
	s1 =	sadd.s32 s18, s1  }
0x4cd: {  	[tilespmem:s25], [sflag:$0xC] =	stream.linear.gather [hbm4b:s1+s22], $0x28, $0x38;
	[tilespmem:$0x1FE60] =	vst v63  }
0x4ce: {  	p0 =	sne.s32 s17, $0x7C  }
0x4cf: {  	[spmem:s11] =	stream.indirect.scatter.add.f32 [tilespmem:s22], [sflag:$0xD], $0x80, s15, s5, $0xb8;
	[tilespmem:$0x1FE60] =	vst v63  }
.Ltmp8:
0x4d0: {  	_ = 	snop;
	(pc) =	sbr.rel @p0 .LBB2_10-.Ltmp8, $4  }
0x4d1: {  	s20 =	rddreg [dreg:$0x8];
	s21 =	simm.s32 $0x3C00  }
0x4d2: {  	[spmem:s20] =	stream.indirect.scatter.add.f32 [tilespmem:s21], [sflag:$0xF], $0x20, s15, s5, $0xb8;
	[tilespmem:$0x1FE60] =	vst v63  }
0x4d3: {  	s28 =	smov.u32 s11;
	s23 =	smov.u32 s3;
	s22 =	sadd.s32 s12, s19  }
0x4d4: {  	[hbm4b:s22+s5] =	stream.strided.scatter [tilespmem:s31], [sflag:$0x11], $0x280, s29, s5, $0x38;
	[tilespmem:$0x1FE60] =	vst v63  }
0x4d5: {  	s4 =	simm.s32 $0xA  }
0x4d6: {  	s1 =	simm.s32 $0x0;
	s2 =	simm.s32 $0x1;
	_ =	swait.ge [sflag:s4], $0x28  }
0x4d7: {  	v12 =	vmov s1;
	v13 =	vmov s2;
	[sflag:s4] =	ssyncset.done $0x0  }
0x4d8: {  	s17 =	simm.s32 $0x3700;
	s18 =	simm.s32 $0x2;
	v12 =	vshrl.u32 v12, $0x3;
	v13 =	vshrl.u32 v13, $0x3;
	[sflag:s4] =	ssyncadd.s32 $0xFFFFFFD8  }
0x4d9: {  	v12 =	vshll.u32 v12, v2;
	v13 =	vshll.u32 v13, v2;
	[tilespmem:s17], [sflag:$0x6] =	stream.indirect.gather [hbm4b:s10+s5], $0x20, s24, s5, $0xb8;
	[tilespmem:$0x1FE60] =	vst v63  }
0x4da: {  	v12 =	vbroadcast v12, $0x0;
	v13 =	vadd.s32 $0x1, v13;
	_ =	swait.ge [sflag:s18], $0x1400  }
0x4db: {  	v13 =	vbroadcast v13, $0x0;
	[sflag:s18] =	ssyncset.done $0x0  }
0x4dc: {  	s19 =	simm.s32 $0xC;
	[sflag:s18] =	ssyncadd.s32 $0xFFFFEC00  }
0x4dd: {  	_ =	swait.ge [sflag:s19], $0x28  }
0x4de: {  	s2 =	simm.s32 $0x7;
	[sflag:s19] =	ssyncset.done $0x0  }
0x4df: {  	v14 =	vmov s2;
	[sflag:s19] =	ssyncadd.s32 $0xFFFFFFD8  }
0x4e0: {  	v14 =	vshrl.u32 v14, $0x3;
	v15 =	vld.idx.msk [tilespmem:v12+s25+$0x0], $0xffff  }
0x4e1: {  	v14 =	vshll.u32 v14, v2;
	s17 =	simm.s32 $0x1600;
	v13 =	vld.idx.msk [tilespmem:v13+s25+$0x0], $0xffff  }
0x4e2: {  	v14 =	vadd.s32 $0x7, v14;
	v16 =	vld [tilespmem:s17+$0xFFFFFE10]  }
0x4e3: {  	v14 =	vbroadcast v14, $0x0;
	v17 =	vld [tilespmem:s17+$0xFFFFFE20]  }
0x4e4: {  	v18 =	vld [tilespmem:s17+$0xFFFFFE30]  }
0x4e5: {  	v19 =	vld [tilespmem:s17+$0xFFFFFE40]  }
0x4e6: {  	v20 =	vld [tilespmem:s17+$0xFFFFFE50]  }
0x4e7: {  	v22 =	vld [tilespmem:s17+$0xFFFFFE60]  }
0x4e8: {  	v23 =	vld [tilespmem:s17+$0x1F0]  }
0x4e9: {  	v12 =	vld.idx.msk [tilespmem:v14+s25+$0x0], $0xffff  }
0x4ea: {  	v14 =	vld [tilespmem:s17+$0xFFFFFE00]  }
0x4eb: {  	v24 =	vld [tilespmem:s17+$0xFFFFFE80]  }
0x4ec: {  	v25 =	vld [tilespmem:s17+$0xFFFFFE90]  }
0x4ed: {  	v27 =	vld [tilespmem:s17+$0xFFFFFEB0];
	v16 =	vmul.f32 v16, v15  }
0x4ee: {  	s20 =	simm.s32 $0x2;
	v26 =	vld [tilespmem:s17+$0xFFFFFEA0];
	v17 =	vmul.f32 v17, v15  }
0x4ef: {  	v21 =	vmov s20;
	v28 =	vld [tilespmem:s17+$0xFFFFFEC0];
	v14 =	vmul.f32 v14, v15;
	[tilespmem:s17+$0xFFFFFE10] =	vst v16  }
0x4f0: {  	v21 =	vshrl.u32 v21, $0x3;
	v18 =	vmul.f32 v18, v15;
	v16 =	vld [tilespmem:s17+$0xFFFFFEE0];
	[tilespmem:s17+$0xFFFFFE20] =	vst v17  }
0x4f1: {  	v23 =	vmul.f32 v23, v12;
	v17 =	vmul.f32 v19, v15;
	v19 =	vld [tilespmem:s17+$0xFFFFFEF0];
	[tilespmem:s17+$0xFFFFFE00] =	vst v14;
	v14 =	vshll.u32 v21, v2  }
0x4f2: {  	s21 =	simm.s32 $0x3;
	v27 =	vmul.f32 v27, v13;
	[tilespmem:s17+$0xFFFFFE30] =	vst v18;
	v18 =	vmul.f32 v20, v15;
	v20 =	vld [tilespmem:s17+$0xFFFFFF00];
	v14 =	vadd.s32 $0x2, v14  }
0x4f3: {  	v29 =	vmov s21;
	v21 =	vld [tilespmem:s17+$0xFFFFFE70];
	[tilespmem:s17+$0x1F0] =	vst v23;
	v23 =	vmul.f32 v24, v13;
	v14 =	vbroadcast v14, $0x0  }
0x4f4: {  	v29 =	vshrl.u32 v29, $0x3;
	[tilespmem:s17+$0xFFFFFEB0] =	vst v27;
	v27 =	vld [tilespmem:s17+$0xFFFFFF80]  }
0x4f5: {  	v24 =	vld [tilespmem:s17+$0xFFFFFED0];
	[tilespmem:s17+$0xFFFFFE80] =	vst v23;
	v23 =	vshll.u32 v29, v2  }
0x4f6: {  	[tilespmem:s17+$0xFFFFFE40] =	vst v17;
	v17 =	vmul.f32 v22, v15;
	v22 =	vld [tilespmem:s17+$0xFFFFFF10];
	v23 =	vadd.s32 $0x3, v23  }
0x4f7: {  	[tilespmem:s17+$0xFFFFFE50] =	vst v18;
	v18 =	vld [tilespmem:s17+$0xFFFFFF20];
	v23 =	vbroadcast v23, $0x0  }
0x4f8: {  	[tilespmem:s17+$0xFFFFFE60] =	vst v17;
	v17 =	vmul.f32 v25, v13;
	v25 =	vld [tilespmem:s17+$0xFFFFFF40];
	v15 =	vmul.f32 v21, v15  }
0x4f9: {  	v28 =	vmul.f32 v28, v13;
	v14 =	vld.idx.msk [tilespmem:v14+s25+$0x0], $0xffff  }
0x4fa: {  	v16 =	vmul.f32 v16, v13;
	v21 =	vld [tilespmem:s17+$0xFFFFFF30];
	[tilespmem:s17+$0xFFFFFE70] =	vst v15;
	v15 =	vmul.f32 v26, v13  }
0x4fb: {  	[tilespmem:s17+$0xFFFFFE90] =	vst v17;
	v24 =	vmul.f32 v24, v13;
	v13 =	vmul.f32 v19, v13;
	v19 =	vld [tilespmem:s17+$0xFFFFFF90]  }
0x4fc: {  	[tilespmem:s17+$0xFFFFFEA0] =	vst v15;
	v15 =	vld [tilespmem:s17+$0xFFFFFF60]  }
0x4fd: {  	[tilespmem:s17+$0xFFFFFEE0] =	vst v16;
	v23 =	vld.idx.msk [tilespmem:v23+s25+$0x0], $0xffff  }
0x4fe: {  	s22 =	simm.s32 $0x4;
	[tilespmem:s17+$0xFFFFFED0] =	vst v24;
	v24 =	vld [tilespmem:s17+$0xFFFFFFD0];
	v17 =	vmul.f32 v20, v14  }
0x4ff: {  	v26 =	vmov s22;
	[tilespmem:s17+$0xFFFFFEF0] =	vst v13;
	v20 =	vld [tilespmem:s17+$0xFFFFFF50];
	v16 =	vmul.f32 v22, v14  }
0x500: {  	v26 =	vshrl.u32 v26, $0x3;
	v22 =	vld [tilespmem:s17+$0xFFFFFFA0];
	v13 =	vmul.f32 v18, v14;
	[tilespmem:s17+$0xFFFFFF00] =	vst v17  }
0x501: {  	s23 =	simm.s32 $0x5;
	v18 =	vld [tilespmem:s17+$0xFFFFFFB0];
	v25 =	vmul.f32 v25, v14;
	v15 =	vmul.f32 v15, v14;
	v17 =	vshll.u32 v26, v2;
	[tilespmem:s17+$0xFFFFFF10] =	vst v16  }
0x502: {  	v26 =	vld [tilespmem:s17+$0xFFFFFF70];
	[tilespmem:s17+$0xFFFFFF20] =	vst v13;
	v13 =	vmul.f32 v27, v23;
	v27 =	vmov s23;
	v17 =	vadd.s32 $0x4, v17  }
0x503: {  	v16 =	vmul.f32 v21, v14;
	v21 =	vld [tilespmem:s17+$0xFFFFFFC0];
	[tilespmem:s17+$0xFFFFFF40] =	vst v25;
	v27 =	vshrl.u32 v27, $0x3;
	v17 =	vbroadcast v17, $0x0  }
0x504: {  	v25 =	vld [tilespmem:s17+$0xFFFFFFF0];
	[tilespmem:s17+$0xFFFFFF80] =	vst v13;
	v13 =	vshll.u32 v27, v2  }
0x505: {  	[tilespmem:s17+$0xFFFFFF60] =	vst v15;
	v15 =	vmul.f32 v19, v23;
	v19 =	vld [tilespmem:s17+$0x10];
	v13 =	vadd.s32 $0x5, v13  }
0x506: {  	[tilespmem:s17+$0xFFFFFF30] =	vst v16;
	v16 =	vld [tilespmem:s17+$0xFFFFFFE0];
	v20 =	vmul.f32 v20, v14;
	v13 =	vbroadcast v13, $0x0  }
0x507: {  	[tilespmem:s17+$0xFFFFFF90] =	vst v15;
	v15 =	vmul.f32 v18, v23;
	v18 =	vld [tilespmem:s17+$0x30];
	v14 =	vmul.f32 v26, v14  }
0x508: {  	[tilespmem:s17+$0xFFFFFF50] =	vst v20;
	v20 =	vld [tilespmem:s17+$0x0]  }
0x509: {  	[tilespmem:s17+$0xFFFFFF70] =	vst v14;
	v14 =	vmul.f32 v22, v23;
	v17 =	vld.idx.msk [tilespmem:v17+s25+$0x0], $0xffff  }
0x50a: {  	[tilespmem:s17+$0xFFFFFEC0] =	vst v28;
	v24 =	vmul.f32 v24, v23;
	v22 =	vld [tilespmem:s17+$0x20]  }
0x50b: {  	[tilespmem:s17+$0xFFFFFFA0] =	vst v14;
	v14 =	vmul.f32 v21, v23;
	v21 =	vld [tilespmem:s17+$0x40]  }
0x50c: {  	[tilespmem:s17+$0xFFFFFFD0] =	vst v24;
	v27 =	vld.idx.msk [tilespmem:v13+s25+$0x0], $0xffff  }
0x50d: {  	s2 =	simm.s32 $0x6;
	[tilespmem:s17+$0xFFFFFFB0] =	vst v15;
	v13 =	vmul.f32 v16, v23;
	v16 =	vmul.f32 v25, v23;
	v23 =	vld [tilespmem:s17+$0x70]  }
0x50e: {  	v26 =	vmov s2;
	v25 =	vld [tilespmem:s17+$0xE0];
	[tilespmem:s17+$0xFFFFFFC0] =	vst v14;
	v15 =	vmul.f32 v20, v17  }
0x50f: {  	v26 =	vshrl.u32 v26, $0x3;
	v14 =	vld [tilespmem:s17+$0x60];
	[tilespmem:s17+$0xFFFFFFE0] =	vst v13  }
0x510: {  	v20 =	vld [tilespmem:s17+$0x50];
	v13 =	vmul.f32 v19, v17;
	[tilespmem:s17+$0x0] =	vst v15;
	v15 =	vshll.u32 v26, v2  }
0x511: {  	[tilespmem:s17+$0xFFFFFFF0] =	vst v16;
	v19 =	vld [tilespmem:s17+$0x80];
	v16 =	vmul.f32 v22, v17;
	v15 =	vadd.s32 $0x6, v15  }
0x512: {  	v22 =	vld [tilespmem:s17+$0x90];
	[tilespmem:s17+$0x10] =	vst v13;
	v13 =	vmul.f32 v18, v17;
	v15 =	vbroadcast v15, $0x0  }
0x513: {  	v18 =	vld [tilespmem:s17+$0xA0];
	[tilespmem:s17+$0x20] =	vst v16;
	v16 =	vmul.f32 v21, v17  }
0x514: {  	v21 =	vld [tilespmem:s17+$0xB0];
	v14 =	vmul.f32 v14, v17;
	[tilespmem:s17+$0x30] =	vst v13  }
0x515: {  	v26 =	vld [tilespmem:s17+$0x100];
	[tilespmem:s17+$0x40] =	vst v16;
	v13 =	vmul.f32 v20, v17  }
0x516: {  	s22 =	simm.s32 $0xD;
	s23 =	simm.s32 $0xE;
	v20 =	vld [tilespmem:s17+$0xC0];
	v16 =	vmul.f32 v19, v27;
	[tilespmem:s17+$0x60] =	vst v14  }
0x517: {  	s18 =	simm.s32 $0x9;
	s19 =	simm.s32 $0xA;
	v28 =	vmov s22;
	v29 =	vmov s23;
	v19 =	vld [tilespmem:s17+$0xD0];
	v22 =	vmul.f32 v22, v27;
	[tilespmem:s17+$0x50] =	vst v13  }
0x518: {  	v14 =	vmov s18;
	[tilespmem:s17+$0x80] =	vst v16;
	v16 =	vmov s19;
	v18 =	vmul.f32 v18, v27;
	v13 =	vld.idx.msk [tilespmem:v15+s25+$0x0], $0xffff  }
0x519: {  	s4 =	simm.s32 $0x8;
	[tilespmem:s17+$0x90] =	vst v22;
	v21 =	vmul.f32 v21, v27;
	v16 =	vshrl.u32 v16, $0x3;
	v15 =	vmul.f32 v23, v17;
	v23 =	vld [tilespmem:s17+$0xF0]  }
0x51a: {  	s21 =	simm.s32 $0xC;
	v24 =	vmov s4;
	v14 =	vshrl.u32 v14, $0x3;
	v22 =	vld [tilespmem:s17+$0x110];
	[tilespmem:s17+$0xA0] =	vst v18;
	v16 =	vshll.u32 v16, v2  }
0x51b: {  	[tilespmem:s17+$0xB0] =	vst v21;
	v21 =	vld [tilespmem:s17+$0x130];
	v17 =	vshrl.u32 v24, $0x3;
	v24 =	vmov s21;
	v18 =	vmul.f32 v20, v27  }
0x51c: {  	s20 =	simm.s32 $0xB;
	v20 =	vld [tilespmem:s17+$0x120];
	v19 =	vmul.f32 v19, v27;
	v17 =	vshll.u32 v17, v2;
	v24 =	vshrl.u32 v24, $0x3;
	[tilespmem:s17+$0x70] =	vst v15  }
0x51d: {  	v15 =	vmov s20;
	[tilespmem:s17+$0xC0] =	vst v18;
	v18 =	vmul.f32 v25, v27;
	v24 =	vshll.u32 v24, v2  }
0x51e: {  	v25 =	vld [tilespmem:s17+$0x140];
	[tilespmem:s17+$0xD0] =	vst v19;
	v30 =	vshrl.u32 v15, $0x3;
	v19 =	vmul.f32 v23, v27;
	v23 =	vmul.f32 v26, v13  }
0x51f: {  	v15 =	vbroadcast v17, $0x0;
	v17 =	vshrl.u32 v28, $0x3;
	v28 =	vshll.u32 v14, v2;
	[tilespmem:s17+$0xE0] =	vst v18;
	v27 =	vld [tilespmem:s17+$0x150]  }
0x520: {  	v18 =	vshll.u32 v30, v2;
	v26 =	vshrl.u32 v29, $0x3;
	v29 =	vld [tilespmem:s17+$0x160];
	v22 =	vmul.f32 v22, v13;
	[tilespmem:s17+$0x100] =	vst v23  }
0x521: {  	v14 =	vld [tilespmem:s17+$0x170];
	v20 =	vmul.f32 v20, v13;
	v21 =	vmul.f32 v21, v13;
	v63 =	vshll.u32 v26, v2;
	[tilespmem:s17+$0xF0] =	vst v19  }
0x522: {  	v26 =	vadd.s32 $0x3, v18;
	v19 =	vshll.u32 v17, v2;
	v23 =	vadd.s32 $0x1, v28;
	[tilespmem:s17+$0x110] =	vst v22;
	v17 =	vld [tilespmem:s17+$0x180]  }
0x523: {  	v18 =	vld [tilespmem:s17+$0x190];
	v28 =	vadd.s32 $0x2, v16;
	v22 =	vadd.s32 $0x4, v24;
	[tilespmem:s17+$0x120] =	vst v20;
	v20 =	vmul.f32 v25, v13  }
0x524: {  	[tilespmem:s17+$0x130] =	vst v21;
	v16 =	vbroadcast v23, $0x0;
	v23 =	vadd.s32 $0x5, v19;
	v19 =	vld [tilespmem:s17+$0x1A0];
	v25 =	vmul.f32 v27, v13  }
0x525: {  	s4 =	simm.s32 $0xF;
	s19 =	simm.s32 $0x10;
	v24 =	vadd.s32 $0x6, v63;
	v21 =	vbroadcast v28, $0x0;
	[tilespmem:s17+$0x140] =	vst v20;
	v20 =	vld [tilespmem:s17+$0x1B0];
	v27 =	vmul.f32 v29, v13  }
.LBB2_20:
0x526: {  	p0 =	slt.u32 s19, $0x20;
	v26 =	vbroadcast v26, $0x0;
	v28 =	vmov s4;
	[tilespmem:s17+$0x150] =	vst v25;
	v13 =	vmul.f32 v14, v13;
	v14 =	vld [tilespmem:s17+$0x1C0]  }
0x527: {  	v22 =	vbroadcast v22, $0x0;
	v25 =	vshrl.u32 v28, $0x3;
	[tilespmem:s17+$0x160] =	vst v27;
	v17 =	vmul.f32 v17, v12;
	v27 =	vld [tilespmem:s17+$0x1D0]  }
0x528: {  	v23 =	vbroadcast v23, $0x0;
	v25 =	vshll.u32 v25, v2;
	[tilespmem:s17+$0x170] =	vst v13;
	v13 =	vmul.f32 v18, v12;
	v18 =	vld [tilespmem:s17+$0x1E0]  }
0x529: {  	v24 =	vbroadcast v24, $0x0;
	v28 =	vld.idx.msk [tilespmem:v15+s25+$0x0], $0xffff;
	v15 =	vadd.s32 $0x7, v25;
	[tilespmem:s17+$0x180] =	vst v17;
	v17 =	vmul.f32 v19, v12  }
0x52a: {  	v19 =	vld.idx.msk [tilespmem:v16+s25+$0x0], $0xffff;
	v25 =	vbroadcast v15, $0x0;
	[tilespmem:s17+$0x190] =	vst v13;
	v13 =	vmul.f32 v20, v12  }
0x52b: {  	v20 =	vld.idx.msk [tilespmem:v21+s25+$0x0], $0xffff;
	[tilespmem:s17+$0x1A0] =	vst v17;
	v14 =	vmul.f32 v14, v12  }
0x52c: {  	v16 =	vld.idx.msk [tilespmem:v26+s25+$0x0], $0xffff;
	[tilespmem:s17+$0x1B0] =	vst v13;
	v13 =	vmul.f32 v27, v12  }
0x52d: {  	v15 =	vld.idx.msk [tilespmem:v22+s25+$0x0], $0xffff;
	[tilespmem:s17+$0x1C0] =	vst v14;
	v12 =	vmul.f32 v18, v12  }
0x52e: {  	v14 =	vld.idx.msk [tilespmem:v23+s25+$0x0], $0xffff;
	[tilespmem:s17+$0x1D0] =	vst v13  }
0x52f: {  	v13 =	vld.idx.msk [tilespmem:v24+s25+$0x0], $0xffff;
	[tilespmem:s17+$0x1E0] =	vst v12  }
0x530: {  	s17 =	sadd.s32 $0x400, s17;
	v12 =	vld.idx.msk [tilespmem:v25+s25+$0x0], $0xffff  }
0x531: {  	v17 =	vld [tilespmem:s17+$0x1F0]  }
0x532: {  	v18 =	vld [tilespmem:s17+$0xFFFFFE00]  }
0x533: {  	v21 =	vld [tilespmem:s17+$0xFFFFFE10]  }
0x534: {  	v22 =	vld [tilespmem:s17+$0xFFFFFE20]  }
0x535: {  	v23 =	vld [tilespmem:s17+$0xFFFFFE30]  }
0x536: {  	v24 =	vld [tilespmem:s17+$0xFFFFFE40];
	v17 =	vmul.f32 v17, v12  }
0x537: {  	v18 =	vmul.f32 v18, v28;
	v25 =	vld [tilespmem:s17+$0xFFFFFE50]  }
0x538: {  	v21 =	vmul.f32 v21, v28;
	v26 =	vld [tilespmem:s17+$0xFFFFFE60];
	[tilespmem:s17+$0x1F0] =	vst v17  }
0x539: {  	[tilespmem:s17+$0xFFFFFE00] =	vst v18;
	v17 =	vmul.f32 v22, v28;
	v18 =	vld [tilespmem:s17+$0xFFFFFE70]  }
0x53a: {  	[tilespmem:s17+$0xFFFFFE10] =	vst v21;
	v21 =	vmul.f32 v23, v28;
	v22 =	vld [tilespmem:s17+$0xFFFFFE80]  }
0x53b: {  	[tilespmem:s17+$0xFFFFFE20] =	vst v17;
	v17 =	vmul.f32 v24, v28;
	v23 =	vld [tilespmem:s17+$0xFFFFFE90]  }
0x53c: {  	[tilespmem:s17+$0xFFFFFE30] =	vst v21;
	v21 =	vmul.f32 v25, v28;
	v24 =	vld [tilespmem:s17+$0xFFFFFEA0]  }
0x53d: {  	[tilespmem:s17+$0xFFFFFE40] =	vst v17;
	v17 =	vmul.f32 v26, v28;
	v25 =	vld [tilespmem:s17+$0xFFFFFEB0]  }
0x53e: {  	[tilespmem:s17+$0xFFFFFE50] =	vst v21;
	v18 =	vmul.f32 v18, v28;
	v21 =	vld [tilespmem:s17+$0xFFFFFEC0]  }
0x53f: {  	[tilespmem:s17+$0xFFFFFE60] =	vst v17;
	v17 =	vmul.f32 v22, v19;
	v22 =	vld [tilespmem:s17+$0xFFFFFED0]  }
0x540: {  	[tilespmem:s17+$0xFFFFFE70] =	vst v18;
	v18 =	vmul.f32 v23, v19;
	v23 =	vld [tilespmem:s17+$0xFFFFFEE0]  }
0x541: {  	[tilespmem:s17+$0xFFFFFE80] =	vst v17;
	v17 =	vmul.f32 v24, v19;
	v24 =	vld [tilespmem:s17+$0xFFFFFEF0]  }
0x542: {  	[tilespmem:s17+$0xFFFFFE90] =	vst v18;
	v18 =	vmul.f32 v25, v19;
	v25 =	vld [tilespmem:s17+$0xFFFFFF00]  }
0x543: {  	[tilespmem:s17+$0xFFFFFEA0] =	vst v17;
	v17 =	vmul.f32 v21, v19;
	v21 =	vld [tilespmem:s17+$0xFFFFFF10]  }
0x544: {  	[tilespmem:s17+$0xFFFFFEB0] =	vst v18;
	v18 =	vmul.f32 v22, v19;
	v22 =	vld [tilespmem:s17+$0xFFFFFF20]  }
0x545: {  	[tilespmem:s17+$0xFFFFFEC0] =	vst v17;
	v17 =	vmul.f32 v23, v19;
	v23 =	vld [tilespmem:s17+$0xFFFFFF30]  }
0x546: {  	[tilespmem:s17+$0xFFFFFED0] =	vst v18;
	v18 =	vmul.f32 v24, v19;
	v19 =	vld [tilespmem:s17+$0xFFFFFF40]  }
0x547: {  	[tilespmem:s17+$0xFFFFFEE0] =	vst v17;
	v17 =	vmul.f32 v25, v20;
	v24 =	vld [tilespmem:s17+$0xFFFFFF50]  }
0x548: {  	[tilespmem:s17+$0xFFFFFEF0] =	vst v18;
	v18 =	vmul.f32 v21, v20;
	v21 =	vld [tilespmem:s17+$0xFFFFFF60]  }
0x549: {  	[tilespmem:s17+$0xFFFFFF00] =	vst v17;
	v17 =	vmul.f32 v22, v20;
	v22 =	vld [tilespmem:s17+$0xFFFFFF70]  }
0x54a: {  	[tilespmem:s17+$0xFFFFFF10] =	vst v18;
	v18 =	vmul.f32 v23, v20;
	v23 =	vld [tilespmem:s17+$0xFFFFFF80]  }
0x54b: {  	[tilespmem:s17+$0xFFFFFF20] =	vst v17;
	v17 =	vmul.f32 v19, v20;
	v19 =	vld [tilespmem:s17+$0xFFFFFF90]  }
0x54c: {  	[tilespmem:s17+$0xFFFFFF30] =	vst v18;
	v18 =	vmul.f32 v24, v20;
	v24 =	vld [tilespmem:s17+$0xFFFFFFA0]  }
0x54d: {  	[tilespmem:s17+$0xFFFFFF40] =	vst v17;
	v17 =	vmul.f32 v21, v20;
	v21 =	vld [tilespmem:s17+$0xFFFFFFB0]  }
0x54e: {  	[tilespmem:s17+$0xFFFFFF50] =	vst v18;
	v18 =	vmul.f32 v22, v20;
	v20 =	vld [tilespmem:s17+$0xFFFFFFC0]  }
0x54f: {  	[tilespmem:s17+$0xFFFFFF60] =	vst v17;
	v17 =	vmul.f32 v23, v16;
	v22 =	vld [tilespmem:s17+$0xFFFFFFD0]  }
0x550: {  	[tilespmem:s17+$0xFFFFFF70] =	vst v18;
	v18 =	vmul.f32 v19, v16;
	v19 =	vld [tilespmem:s17+$0xFFFFFFE0]  }
0x551: {  	[tilespmem:s17+$0xFFFFFF80] =	vst v17;
	v17 =	vmul.f32 v24, v16;
	v23 =	vld [tilespmem:s17+$0xFFFFFFF0]  }
0x552: {  	[tilespmem:s17+$0xFFFFFF90] =	vst v18;
	v18 =	vmul.f32 v21, v16;
	v21 =	vld [tilespmem:s17+$0x0]  }
0x553: {  	[tilespmem:s17+$0xFFFFFFA0] =	vst v17;
	v17 =	vmul.f32 v20, v16;
	v20 =	vld [tilespmem:s17+$0x10]  }
0x554: {  	[tilespmem:s17+$0xFFFFFFB0] =	vst v18;
	v18 =	vmul.f32 v22, v16;
	v22 =	vld [tilespmem:s17+$0x20]  }
0x555: {  	[tilespmem:s17+$0xFFFFFFC0] =	vst v17;
	v17 =	vmul.f32 v19, v16;
	v19 =	vld [tilespmem:s17+$0x30]  }
0x556: {  	[tilespmem:s17+$0xFFFFFFD0] =	vst v18;
	v16 =	vmul.f32 v23, v16;
	v18 =	vld [tilespmem:s17+$0x40]  }
0x557: {  	[tilespmem:s17+$0xFFFFFFE0] =	vst v17;
	v17 =	vmul.f32 v21, v15;
	v21 =	vld [tilespmem:s17+$0x50]  }
0x558: {  	[tilespmem:s17+$0xFFFFFFF0] =	vst v16;
	v16 =	vmul.f32 v20, v15;
	v20 =	vld [tilespmem:s17+$0x60]  }
0x559: {  	[tilespmem:s17+$0x0] =	vst v17;
	v17 =	vmul.f32 v22, v15;
	v22 =	vld [tilespmem:s17+$0x70]  }
0x55a: {  	[tilespmem:s17+$0x10] =	vst v16;
	v16 =	vmul.f32 v19, v15;
	v19 =	vld [tilespmem:s17+$0x80]  }
0x55b: {  	[tilespmem:s17+$0x20] =	vst v17;
	v17 =	vmul.f32 v18, v15;
	v18 =	vld [tilespmem:s17+$0x90]  }
0x55c: {  	[tilespmem:s17+$0x30] =	vst v16;
	v16 =	vmul.f32 v21, v15;
	v21 =	vld [tilespmem:s17+$0xA0]  }
0x55d: {  	[tilespmem:s17+$0x40] =	vst v17;
	v17 =	vmul.f32 v20, v15;
	v20 =	vld [tilespmem:s17+$0xB0]  }
0x55e: {  	v23 =	vmov s19;
	[tilespmem:s17+$0x50] =	vst v16;
	v15 =	vmul.f32 v22, v15;
	v16 =	vld [tilespmem:s17+$0xC0]  }
0x55f: {  	s1 =	sadd.s32 $0x1, s19;
	s2 =	sadd.s32 $0x2, s19;
	v22 =	vshrl.u32 v23, $0x3;
	[tilespmem:s17+$0x60] =	vst v17;
	v17 =	vmul.f32 v19, v14;
	v19 =	vld [tilespmem:s17+$0xD0]  }
0x560: {  	v24 =	vmov s2;
	s2 =	sadd.s32 $0x4, s19;
	v23 =	vmov s1;
	s1 =	sadd.s32 $0x3, s19;
	[tilespmem:s17+$0x70] =	vst v15;
	v15 =	vmul.f32 v18, v14;
	v18 =	vld [tilespmem:s17+$0xE0]  }
0x561: {  	v26 =	vmov s2;
	s2 =	sadd.s32 $0x6, s19;
	v25 =	vmov s1;
	s1 =	sadd.s32 $0x5, s19;
	[tilespmem:s17+$0x80] =	vst v17;
	v17 =	vmul.f32 v21, v14;
	v21 =	vld [tilespmem:s17+$0xF0]  }
0x562: {  	v28 =	vmov s2;
	v27 =	vmov s1;
	[tilespmem:s17+$0x90] =	vst v15;
	v15 =	vmul.f32 v20, v14;
	v20 =	vld [tilespmem:s17+$0x100]  }
0x563: {  	v22 =	vshll.u32 v22, v2;
	v23 =	vshrl.u32 v23, $0x3;
	[tilespmem:s17+$0xA0] =	vst v17;
	v16 =	vmul.f32 v16, v14;
	v17 =	vld [tilespmem:s17+$0x110]  }
0x564: {  	v24 =	vshrl.u32 v24, $0x3;
	v25 =	vshrl.u32 v25, $0x3;
	[tilespmem:s17+$0xB0] =	vst v15;
	v19 =	vmul.f32 v19, v14;
	v29 =	vld [tilespmem:s17+$0x120]  }
0x565: {  	v26 =	vshrl.u32 v26, $0x3;
	v27 =	vshrl.u32 v27, $0x3;
	[tilespmem:s17+$0xC0] =	vst v16;
	v16 =	vmul.f32 v18, v14;
	v18 =	vld [tilespmem:s17+$0x130]  }
0x566: {  	v15 =	vbroadcast v22, $0x0;
	v22 =	vshrl.u32 v28, $0x3;
	[tilespmem:s17+$0xD0] =	vst v19;
	v14 =	vmul.f32 v21, v14;
	v19 =	vld [tilespmem:s17+$0x140]  }
0x567: {  	v21 =	vshll.u32 v23, v2;
	v23 =	vshll.u32 v24, v2;
	[tilespmem:s17+$0xE0] =	vst v16;
	v16 =	vmul.f32 v20, v13;
	v20 =	vld [tilespmem:s17+$0x150]  }
0x568: {  	v24 =	vshll.u32 v25, v2;
	v25 =	vshll.u32 v26, v2;
	[tilespmem:s17+$0xF0] =	vst v14;
	v17 =	vmul.f32 v17, v13;
	v28 =	vld [tilespmem:s17+$0x160]  }
.Ltmp9:
0x569: {  	v27 =	vshll.u32 v27, v2;
	v30 =	vshll.u32 v22, v2;
	[tilespmem:s17+$0x100] =	vst v16;
	v16 =	vmul.f32 v29, v13;
	v14 =	vld [tilespmem:s17+$0x170];
	(pc) =	sbr.rel @p0 .LBB2_20-.Ltmp9, $4  }
0x56a: {  	v21 =	vadd.s32 $0x1, v21;
	v29 =	vadd.s32 $0x2, v23;
	[tilespmem:s17+$0x110] =	vst v17;
	v31 =	vmul.f32 v18, v13;
	v17 =	vld [tilespmem:s17+$0x180]  }
0x56b: {  	v26 =	vadd.s32 $0x3, v24;
	v22 =	vadd.s32 $0x4, v25;
	[tilespmem:s17+$0x120] =	vst v16;
	v32 =	vmul.f32 v19, v13;
	v18 =	vld [tilespmem:s17+$0x190]  }
0x56c: {  	v23 =	vadd.s32 $0x5, v27;
	v16 =	vbroadcast v21, $0x0;
	[tilespmem:s17+$0x130] =	vst v31;
	v25 =	vmul.f32 v20, v13;
	v19 =	vld [tilespmem:s17+$0x1A0]  }
0x56d: {  	s4 =	sadd.s32 $0x7, s19;
	s19 =	sadd.s32 $0x8, s19;
	v24 =	vadd.s32 $0x6, v30;
	v21 =	vbroadcast v29, $0x0;
	[tilespmem:s17+$0x140] =	vst v32;
	v27 =	vmul.f32 v28, v13;
	v20 =	vld [tilespmem:s17+$0x1B0]  }
0x56e: {  	_ = 	snop  }
0x56f: {  	v29 =	vld [tilespmem:s17+$0x1C0]  }
0x570: {  	v30 =	vld [tilespmem:s17+$0x1D0]  }
0x571: {  	v26 =	vbroadcast v26, $0x0;
	v28 =	vmov s4;
	v31 =	vld [tilespmem:s17+$0x1E0]  }
0x572: {  	v22 =	vbroadcast v22, $0x0;
	v32 =	vld.idx.msk [tilespmem:v15+s25+$0x0], $0xffff;
	v28 =	vshrl.u32 v28, $0x3  }
0x573: {  	v23 =	vbroadcast v23, $0x0;
	v21 =	vld.idx.msk [tilespmem:v21+s25+$0x0], $0xffff;
	v17 =	vmul.f32 v17, v12;
	v28 =	vshll.u32 v28, v2  }
0x574: {  	v24 =	vbroadcast v24, $0x0;
	s21 =	sadd.s32 $0x400, s17;
	v18 =	vmul.f32 v18, v12;
	v15 =	vadd.s32 $0x7, v28;
	v28 =	vld.idx.msk [tilespmem:v16+s25+$0x0], $0xffff  }
0x575: {  	[tilespmem:s17+$0x180] =	vst v17;
	v17 =	vmul.f32 v19, v12;
	v19 =	vld [tilespmem:s21+$0x1F0];
	v33 =	vbroadcast v15, $0x0  }
0x576: {  	[tilespmem:s17+$0x190] =	vst v18;
	v18 =	vmul.f32 v20, v12;
	v20 =	vld [tilespmem:s21+$0xFFFFFE00]  }
0x577: {  	v26 =	vld.idx.msk [tilespmem:v26+s25+$0x0], $0xffff  }
0x578: {  	v13 =	vmul.f32 v14, v13;
	v16 =	vld.idx.msk [tilespmem:v22+s25+$0x0], $0xffff  }
0x579: {  	[tilespmem:s17+$0x150] =	vst v25;
	v15 =	vld.idx.msk [tilespmem:v23+s25+$0x0], $0xffff  }
0x57a: {  	[tilespmem:s17+$0x170] =	vst v13;
	v14 =	vld.idx.msk [tilespmem:v24+s25+$0x0], $0xffff  }
0x57b: {  	[tilespmem:s17+$0x1A0] =	vst v17;
	v17 =	vmul.f32 v29, v12;
	v13 =	vld.idx.msk [tilespmem:v33+s25+$0x0], $0xffff  }
0x57c: {  	v22 =	vld [tilespmem:s21+$0xFFFFFE10];
	[tilespmem:s17+$0x1B0] =	vst v18;
	v18 =	vmul.f32 v30, v12  }
0x57d: {  	v23 =	vld [tilespmem:s21+$0xFFFFFE20];
	v12 =	vmul.f32 v31, v12;
	[tilespmem:s17+$0x1C0] =	vst v17  }
0x57e: {  	v17 =	vld [tilespmem:s21+$0xFFFFFE30];
	[tilespmem:s17+$0x1D0] =	vst v18  }
0x57f: {  	v18 =	vld [tilespmem:s21+$0xFFFFFE40];
	[tilespmem:s17+$0x1E0] =	vst v12;
	v12 =	vmul.f32 v20, v32  }
0x580: {  	[tilespmem:s17+$0x160] =	vst v27;
	v20 =	vld [tilespmem:s21+$0xFFFFFE50];
	v19 =	vmul.f32 v19, v13  }
0x581: {  	v24 =	vld [tilespmem:s21+$0xFFFFFE60];
	v22 =	vmul.f32 v22, v32;
	[tilespmem:s21+$0xFFFFFE00] =	vst v12  }
0x582: {  	v12 =	vmul.f32 v23, v32;
	[tilespmem:s21+$0x1F0] =	vst v19;
	v19 =	vld [tilespmem:s21+$0xFFFFFE70]  }
0x583: {  	v17 =	vmul.f32 v17, v32;
	[tilespmem:s21+$0xFFFFFE10] =	vst v22;
	v22 =	vld [tilespmem:s21+$0xFFFFFE80]  }
0x584: {  	[tilespmem:s21+$0xFFFFFE20] =	vst v12;
	v12 =	vmul.f32 v18, v32;
	v18 =	vld [tilespmem:s21+$0xFFFFFE90]  }
0x585: {  	[tilespmem:s21+$0xFFFFFE30] =	vst v17;
	v17 =	vmul.f32 v20, v32;
	v20 =	vld [tilespmem:s21+$0xFFFFFEA0]  }
0x586: {  	v23 =	vld [tilespmem:s21+$0xFFFFFEB0];
	[tilespmem:s21+$0xFFFFFE40] =	vst v12;
	v12 =	vmul.f32 v24, v32  }
0x587: {  	[tilespmem:s21+$0xFFFFFE50] =	vst v17;
	v17 =	vmul.f32 v19, v32;
	v19 =	vld [tilespmem:s21+$0xFFFFFEC0]  }
0x588: {  	[tilespmem:s21+$0xFFFFFE60] =	vst v12;
	v12 =	vmul.f32 v22, v28;
	v22 =	vld [tilespmem:s21+$0xFFFFFED0]  }
0x589: {  	[tilespmem:s21+$0xFFFFFE70] =	vst v17;
	v17 =	vmul.f32 v18, v28;
	v18 =	vld [tilespmem:s21+$0xFFFFFEE0]  }
0x58a: {  	[tilespmem:s21+$0xFFFFFE80] =	vst v12;
	v12 =	vmul.f32 v20, v28;
	v20 =	vld [tilespmem:s21+$0xFFFFFEF0]  }
0x58b: {  	[tilespmem:s21+$0xFFFFFE90] =	vst v17;
	v17 =	vmul.f32 v23, v28;
	v23 =	vld [tilespmem:s21+$0xFFFFFF00]  }
0x58c: {  	[tilespmem:s21+$0xFFFFFEA0] =	vst v12;
	v12 =	vmul.f32 v19, v28;
	v19 =	vld [tilespmem:s21+$0xFFFFFF10]  }
0x58d: {  	[tilespmem:s21+$0xFFFFFEB0] =	vst v17;
	v17 =	vmul.f32 v22, v28;
	v22 =	vld [tilespmem:s21+$0xFFFFFF20]  }
0x58e: {  	[tilespmem:s21+$0xFFFFFEC0] =	vst v12;
	v12 =	vmul.f32 v18, v28;
	v18 =	vld [tilespmem:s21+$0xFFFFFF30]  }
0x58f: {  	[tilespmem:s21+$0xFFFFFED0] =	vst v17;
	v17 =	vmul.f32 v20, v28;
	v20 =	vld [tilespmem:s21+$0xFFFFFF40]  }
0x590: {  	[tilespmem:s21+$0xFFFFFEE0] =	vst v12;
	v12 =	vmul.f32 v23, v21;
	v23 =	vld [tilespmem:s21+$0xFFFFFF50]  }
0x591: {  	[tilespmem:s21+$0xFFFFFEF0] =	vst v17;
	v17 =	vmul.f32 v19, v21;
	v19 =	vld [tilespmem:s21+$0xFFFFFF60]  }
0x592: {  	[tilespmem:s21+$0xFFFFFF00] =	vst v12;
	v12 =	vmul.f32 v22, v21;
	v22 =	vld [tilespmem:s21+$0xFFFFFF70]  }
0x593: {  	[tilespmem:s21+$0xFFFFFF10] =	vst v17;
	v17 =	vmul.f32 v18, v21;
	v18 =	vld [tilespmem:s21+$0xFFFFFF80]  }
0x594: {  	[tilespmem:s21+$0xFFFFFF20] =	vst v12;
	v12 =	vmul.f32 v20, v21;
	v20 =	vld [tilespmem:s21+$0xFFFFFF90]  }
0x595: {  	[tilespmem:s21+$0xFFFFFF30] =	vst v17;
	v17 =	vmul.f32 v23, v21;
	v23 =	vld [tilespmem:s21+$0xFFFFFFA0]  }
0x596: {  	[tilespmem:s21+$0xFFFFFF40] =	vst v12;
	v12 =	vmul.f32 v19, v21;
	v19 =	vld [tilespmem:s21+$0xFFFFFFB0]  }
0x597: {  	[tilespmem:s21+$0xFFFFFF50] =	vst v17;
	v17 =	vmul.f32 v22, v21;
	v21 =	vld [tilespmem:s21+$0xFFFFFFC0]  }
0x598: {  	[tilespmem:s21+$0xFFFFFF60] =	vst v12;
	v12 =	vmul.f32 v18, v26;
	v18 =	vld [tilespmem:s21+$0xFFFFFFD0]  }
0x599: {  	[tilespmem:s21+$0xFFFFFF70] =	vst v17;
	v17 =	vmul.f32 v20, v26;
	v20 =	vld [tilespmem:s21+$0xFFFFFFE0]  }
0x59a: {  	v22 =	vld [tilespmem:s21+$0xFFFFFFF0];
	[tilespmem:s21+$0xFFFFFF80] =	vst v12;
	v12 =	vmul.f32 v23, v26  }
0x59b: {  	[tilespmem:s21+$0xFFFFFF90] =	vst v17;
	v17 =	vmul.f32 v19, v26;
	v19 =	vld [tilespmem:s21+$0x0]  }
0x59c: {  	[tilespmem:s21+$0xFFFFFFA0] =	vst v12;
	v12 =	vmul.f32 v21, v26;
	v21 =	vld [tilespmem:s21+$0x10]  }
0x59d: {  	[tilespmem:s21+$0xFFFFFFB0] =	vst v17;
	v17 =	vmul.f32 v18, v26;
	v18 =	vld [tilespmem:s21+$0x20]  }
0x59e: {  	[tilespmem:s21+$0xFFFFFFC0] =	vst v12;
	v12 =	vmul.f32 v20, v26;
	v20 =	vld [tilespmem:s21+$0x30]  }
0x59f: {  	[tilespmem:s21+$0xFFFFFFD0] =	vst v17;
	v17 =	vmul.f32 v22, v26;
	v22 =	vld [tilespmem:s21+$0x40]  }
0x5a0: {  	[tilespmem:s21+$0xFFFFFFE0] =	vst v12;
	v12 =	vmul.f32 v19, v16;
	v19 =	vld [tilespmem:s21+$0x50]  }
0x5a1: {  	[tilespmem:s21+$0xFFFFFFF0] =	vst v17;
	v17 =	vmul.f32 v21, v16;
	v21 =	vld [tilespmem:s21+$0x60]  }
0x5a2: {  	[tilespmem:s21+$0x0] =	vst v12;
	v12 =	vmul.f32 v18, v16;
	v18 =	vld [tilespmem:s21+$0x70]  }
0x5a3: {  	[tilespmem:s21+$0x10] =	vst v17;
	v17 =	vmul.f32 v20, v16;
	v20 =	vld [tilespmem:s21+$0x80]  }
0x5a4: {  	[tilespmem:s21+$0x20] =	vst v12;
	v12 =	vmul.f32 v22, v16;
	v22 =	vld [tilespmem:s21+$0x90]  }
0x5a5: {  	[tilespmem:s21+$0x30] =	vst v17;
	v17 =	vmul.f32 v19, v16;
	v19 =	vld [tilespmem:s21+$0xA0]  }
0x5a6: {  	[tilespmem:s21+$0x40] =	vst v12;
	v12 =	vmul.f32 v21, v16;
	v21 =	vld [tilespmem:s21+$0xB0]  }
0x5a7: {  	[tilespmem:s21+$0x50] =	vst v17;
	v16 =	vmul.f32 v18, v16;
	v17 =	vld [tilespmem:s21+$0xC0]  }
0x5a8: {  	v18 =	vld [tilespmem:s21+$0xD0];
	[tilespmem:s21+$0x60] =	vst v12;
	v12 =	vmul.f32 v20, v15  }
0x5a9: {  	v20 =	vld [tilespmem:s21+$0xE0];
	[tilespmem:s21+$0x70] =	vst v16;
	v16 =	vmul.f32 v22, v15  }
0x5aa: {  	[tilespmem:s21+$0x80] =	vst v12;
	v12 =	vmul.f32 v19, v15;
	v19 =	vld [tilespmem:s21+$0xF0]  }
0x5ab: {  	[tilespmem:s21+$0x90] =	vst v16;
	v16 =	vmul.f32 v21, v15;
	v21 =	vld [tilespmem:s21+$0x100]  }
0x5ac: {  	[tilespmem:s21+$0xA0] =	vst v12;
	v12 =	vmul.f32 v17, v15;
	v17 =	vld [tilespmem:s21+$0x110]  }
0x5ad: {  	[tilespmem:s21+$0xB0] =	vst v16;
	v16 =	vmul.f32 v18, v15;
	v18 =	vld [tilespmem:s21+$0x120]  }
0x5ae: {  	[tilespmem:s21+$0xC0] =	vst v12;
	v12 =	vmul.f32 v20, v15;
	v20 =	vld [tilespmem:s21+$0x130]  }
0x5af: {  	[tilespmem:s21+$0xD0] =	vst v16;
	v15 =	vmul.f32 v19, v15;
	v16 =	vld [tilespmem:s21+$0x140]  }
0x5b0: {  	v19 =	vld [tilespmem:s21+$0x150];
	[tilespmem:s21+$0xE0] =	vst v12;
	v12 =	vmul.f32 v21, v14  }
0x5b1: {  	[tilespmem:s21+$0xF0] =	vst v15;
	v15 =	vmul.f32 v17, v14;
	v17 =	vld [tilespmem:s21+$0x160]  }
0x5b2: {  	[tilespmem:s21+$0x100] =	vst v12;
	v12 =	vmul.f32 v18, v14;
	v18 =	vld [tilespmem:s21+$0x170]  }
0x5b3: {  	[tilespmem:s21+$0x110] =	vst v15;
	v15 =	vmul.f32 v20, v14;
	v20 =	vld [tilespmem:s21+$0x180]  }
0x5b4: {  	[tilespmem:s21+$0x120] =	vst v12;
	v12 =	vmul.f32 v16, v14;
	v16 =	vld [tilespmem:s21+$0x190]  }
0x5b5: {  	[tilespmem:s21+$0x130] =	vst v15;
	v15 =	vmul.f32 v19, v14;
	v19 =	vld [tilespmem:s21+$0x1A0]  }
0x5b6: {  	[tilespmem:s21+$0x140] =	vst v12;
	v12 =	vmul.f32 v17, v14;
	v17 =	vld [tilespmem:s21+$0x1B0]  }
0x5b7: {  	[tilespmem:s21+$0x150] =	vst v15;
	v14 =	vmul.f32 v18, v14;
	v15 =	vld [tilespmem:s21+$0x1C0]  }
0x5b8: {  	v18 =	vld [tilespmem:s21+$0x1D0];
	[tilespmem:s21+$0x160] =	vst v12;
	v12 =	vmul.f32 v20, v13  }
0x5b9: {  	[tilespmem:s21+$0x170] =	vst v14;
	v14 =	vmul.f32 v16, v13;
	v16 =	vld [tilespmem:s21+$0x1E0]  }
0x5ba: {  	[tilespmem:s21+$0x180] =	vst v12;
	v12 =	vmul.f32 v19, v13  }
0x5bb: {  	[tilespmem:s21+$0x190] =	vst v14;
	v14 =	vmul.f32 v17, v13  }
0x5bc: {  	[tilespmem:s21+$0x1A0] =	vst v12;
	v12 =	vmul.f32 v15, v13  }
0x5bd: {  	[tilespmem:s21+$0x1B0] =	vst v14;
	v14 =	vmul.f32 v18, v13  }
0x5be: {  	s23 =	simm.s32 $0x3;
	[tilespmem:s21+$0x1C0] =	vst v12;
	v12 =	vmul.f32 v16, v13  }
0x5bf: {  	s1 =	simm.s32 $0x0;
	v15 =	vmov s23;
	[tilespmem:s21+$0x1D0] =	vst v14  }
0x5c0: {  	s2 =	simm.s32 $0x1;
	s18 =	simm.s32 $0x4;
	s20 =	simm.s32 $0x4;
	v15 =	vshrl.u32 v15, $0x3;
	[tilespmem:s21+$0x1E0] =	vst v12  }
0x5c1: {  	s22 =	simm.s32 $0x2;
	v13 =	vmov s1;
	v16 =	vmov s18;
	v12 =	vmov s2;
	_ =	swait.ge [sflag:s20], $0x500  }
0x5c2: {  	v14 =	vmov s22;
	v13 =	vshrl.u32 v13, $0x3;
	v12 =	vshrl.u32 v12, $0x3;
	[sflag:s20] =	ssyncset.done $0x0  }
0x5c3: {  	v13 =	vshll.u32 v13, v2;
	v14 =	vshrl.u32 v14, $0x3;
	s21 =	simm.s32 $0x6;
	v12 =	vshll.u32 v12, v2;
	[sflag:s20] =	ssyncadd.s32 $0xFFFFFB00  }
0x5c4: {  	v18 =	vbroadcast v13, $0x0;
	v13 =	vshll.u32 v14, v2;
	v19 =	vbroadcast v12, $0x0;
	_ =	swait.ge [sflag:s21], $0x500  }
0x5c5: {  	v16 =	vshrl.u32 v16, $0x3;
	v14 =	vshll.u32 v15, v2;
	v20 =	vbroadcast v13, $0x0;
	[sflag:s21] =	ssyncset.done $0x0  }
0x5c6: {  	s19 =	simm.s32 $0x5;
	s22 =	simm.s32 $0x8;
	v13 =	vshll.u32 v16, v2;
	v23 =	vbroadcast v14, $0x0;
	v14 =	vor.u32 $0x1, v19;
	[sflag:s21] =	ssyncadd.s32 $0xFFFFFB00  }
0x5c7: {  	v17 =	vmov s19;
	v24 =	vbroadcast v13, $0x0;
	v13 =	vor.u32 $0x2, v20;
	_ =	swait.ge [sflag:s22], $0x280  }
0x5c8: {  	v12 =	vshrl.u32 v17, $0x3;
	v16 =	vor.u32 $0x3, v23;
	[sflag:s22] =	ssyncset.done $0x0  }
0x5c9: {  	v12 =	vshll.u32 v12, v2;
	[sflag:s22] =	ssyncadd.s32 $0xFFFFFD80  }
0x5ca: {  	s23 =	simm.s32 $0x7;
	v25 =	vbroadcast v12, $0x0;
	v12 =	vld.idx.msk [tilespmem:v18+s25+$0x0], $0xffff  }
0x5cb: {  	v15 =	vmov s23;
	v36 =	vld.idx.msk [tilespmem:v14+s25+$0x0], $0xffff  }
0x5cc: {  	v17 =	vor.u32 $0x4, v24;
	v14 =	vshrl.u32 v15, $0x3;
	v15 =	vld.idx.msk [tilespmem:v13+s25+$0x0], $0xffff  }
0x5cd: {  	s18 =	simm.s32 $0x3790;
	v21 =	vor.u32 $0x5, v25;
	v16 =	vld.idx.msk [tilespmem:v16+s25+$0x0], $0xffff  }
0x5ce: {  	s19 =	simm.s32 $0x2D80;
	v26 =	vld [tilespmem:s18+$0x60]  }
0x5cf: {  	v29 =	vld [tilespmem:s19+$0xFFFFFF80];
	v13 =	vshll.u32 v14, v2  }
0x5d0: {  	v51 =	vld [tilespmem:s18+$0xFFFFFF80];
	v22 =	vbroadcast v13, $0x0  }
0x5d1: {  	s17 =	simm.s32 $0x8;
	v14 =	vld.idx.msk [tilespmem:v17+s25+$0x0], $0xffff  }
0x5d2: {  	v27 =	vmov s17;
	v13 =	vld.idx.msk [tilespmem:v21+s25+$0x0], $0xffff;
	v17 =	vor.u32 $0x7, v22  }
0x5d3: {  	s4 =	simm.s32 $0xA;
	v27 =	vshrl.u32 v27, $0x3;
	s23 =	simm.s32 $0x6;
	v21 =	vld [tilespmem:s19+$0x60]  }
0x5d4: {  	v30 =	vmov s4;
	v27 =	vshll.u32 v27, v2;
	s2 =	simm.s32 $0x9;
	v35 =	vmov s23;
	s20 =	simm.s32 $0xB;
	v38 =	vld [tilespmem:s18+$0xFFFFFFA0]  }
0x5d5: {  	v28 =	vmov s2;
	v52 =	vshrl.u32 v35, $0x3;
	v31 =	vmov s20;
	v53 =	vld [tilespmem:s19+$0xFFFFFFC0]  }
0x5d6: {  	v54 =	vadd.s32 v0, v18;
	v60 =	vadd.s32 v6, v23;
	v31 =	vshrl.u32 v31, $0x3;
	s21 =	simm.s32 $0xC;
	v40 =	vld [tilespmem:s19+$0xFFFFFFE0]  }
0x5d7: {  	v19 =	vadd.s32 v4, v19;
	v46 =	vadd.s32 v7, v24;
	v50 =	vmov s21;
	v37 =	vld.idx.msk [tilespmem:v17+s25+$0x0], $0xffff  }
0x5d8: {  	s22 =	simm.s32 $0xD;
	v21 =	vadd.f32 v26, v21;
	v17 =	vshrl.u32 v28, $0x3;
	v28 =	vshrl.u32 v30, $0x3;
	v30 =	vld [tilespmem:s19+$0xFFFFFFA0]  }
0x5d9: {  	v32 =	vshrl.u32 v50, $0x3;
	v34 =	vmov s22;
	v42 =	vld [tilespmem:s18+$0xFFFFFFE0];
	v22 =	vadd.s32 v10, v22  }
0x5da: {  	v21 =	vadd.f32 v21, v11;
	v39 =	vshll.u32 v17, v2;
	v17 =	vadd.f32 v51, v29;
	v29 =	vld [tilespmem:s18+$0xFFFFFFC0]  }
0x5db: {  	v55 =	vld [tilespmem:s19+$0x0];
	v18 =	vbroadcast v27, $0x0;
	v26 =	vshrl.u32 v34, $0x3;
	v34 =	vshll.u32 v52, v2  }
0x5dc: {  	v27 =	vld [tilespmem:s18+$0x0];
	v34 =	vbroadcast v34, $0x0;
	v41 =	vadd.f32 v17, v11;
	v21 =	vmul.f32 v21, v37  }
0x5dd: {  	v31 =	vshll.u32 v31, v2;
	v32 =	vshll.u32 v32, v2;
	v57 =	vld [tilespmem:s19+$0x20];
	v30 =	vadd.f32 v38, v30  }
0x5de: {  	v59 =	vld [tilespmem:s18+$0x20];
	v43 =	vshll.u32 v26, v2;
	v58 =	vor.u32 $0x6, v34;
	v26 =	vmul.f32 v41, v12;
	[tilespmem:v22+s13+$0x0] =	vst.idx.msk $0xffff, v21  }
0x5df: {  	v63 =	vsel vm0, v36, v3;
	v29 =	vadd.f32 v29, v53;
	v56 =	vld.idx.msk [tilespmem:v22+s30+$0x0], $0xffff;
	v22 =	vadd.f32 v30, v11  }
0x5e0: {  	v44 =	vld [tilespmem:s19+$0x40];
	v28 =	vshll.u32 v28, v2;
	v21 =	vbroadcast v39, $0x0;
	[tilespmem:v54+s13+$0x0] =	vst.idx.msk $0xffff, v26;
	v30 =	vadd.s32 v5, v20  }
0x5e1: {  	v61 =	vld [tilespmem:s18+$0x40];
	v20 =	vadd.f32 v29, v11;
	v29 =	vadd.f32 v42, v40;
	v26 =	vmul.f32 v22, v36  }
0x5e2: {  	v45 =	vld.idx.msk [tilespmem:v54+s30+$0x0], $0xffff;
	v62 =	vor.u32 $0x1, v21;
	v22 =	vbroadcast v28, $0x0;
	v28 =	vadd.f32 v27, v55  }
0x5e3: {  	v23 =	vmul.f32 v20, v15;
	v20 =	vadd.f32 v29, v11;
	[tilespmem:v19+s13+$0x0] =	vst.idx.msk $0xffff, v26;
	v26 =	vld.idx.msk [tilespmem:v58+s25+$0x0], $0xffff  }
0x5e4: {  	v27 =	vadd.s32 v8, v25;
	v25 =	vadd.f32 v28, v11;
	v47 =	vld.idx.msk [tilespmem:v19+s30+$0x0], $0xffff;
	v29 =	vmul.f32 v56, v37  }
0x5e5: {  	s4 =	simm.s32 $0x4180;
	v19 =	vmul.f32 v20, v16;
	v20 =	vbroadcast v31, $0x0;
	[tilespmem:v30+s13+$0x0] =	vst.idx.msk $0xffff, v23;
	v31 =	vadd.f32 v59, v57  }
0x5e6: {  	v17 =	vsel vm0, v37, v3;
	v33 =	vor.u32 $0x2, v22;
	v28 =	vld.idx.msk [tilespmem:v30+s30+$0x0], $0xffff;
	v30 =	vmul.f32 v25, v14;
	[tilespmem:s4+$0x60] =	vst v29  }
0x5e7: {  	v38 =	vadd.f32 v61, v44;
	v23 =	vld.idx.msk [tilespmem:v18+s25+$0x0], $0xffff;
	[tilespmem:v60+s13+$0x0] =	vst.idx.msk $0xffff, v19;
	v19 =	vadd.f32 v31, v11  }
0x5e8: {  	v24 =	vbroadcast v32, $0x0;
	v29 =	vadd.s32 v9, v34;
	v34 =	vor.u32 $0x3, v20;
	v32 =	vld.idx.msk [tilespmem:v60+s30+$0x0], $0xffff;
	[tilespmem:v46+s13+$0x0] =	vst.idx.msk $0xffff, v30  }
0x5e9: {  	v38 =	vadd.f32 v38, v11;
	v25 =	vbroadcast v43, $0x0;
	v31 =	vld.idx.msk [tilespmem:v46+s30+$0x0], $0xffff;
	v37 =	vmul.f32 v19, v13  }
0x5ea: {  	s1 =	simm.s32 $0xF;
	s20 =	simm.s32 $0x10;
	v35 =	vor.u32 $0x4, v24;
	[tilespmem:s4+$0xFFFFFFB0] =	vst v63;
	v30 =	vmul.f32 v45, v12;
	v19 =	vld.idx.msk [tilespmem:v62+s25+$0x0], $0xffff;
	v36 =	vmul.f32 v47, v36  }
.LBB2_22:
0x5eb: {  	p0 =	slt.u32 s20, $0x20;
	v33 =	vld.idx.msk [tilespmem:v33+s25+$0x0], $0xffff;
	v39 =	vor.u32 $0x5, v25;
	v40 =	vmov s1;
	[tilespmem:v27+s13+$0x0] =	vst.idx.msk $0xffff, v37;
	v37 =	vmul.f32 v38, v26  }
0x5ec: {  	v28 =	vmul.f32 v28, v15;
	v38 =	vshrl.u32 v40, $0x3;
	[tilespmem:s4+$0xFFFFFFA0] =	vst v36;
	v27 =	vld.idx.msk [tilespmem:v27+s30+$0x0], $0xffff  }
0x5ed: {  	v34 =	vld.idx.msk [tilespmem:v34+s25+$0x0], $0xffff;
	v36 =	vshll.u32 v38, v2;
	[tilespmem:v29+s13+$0x0] =	vst.idx.msk $0xffff, v37  }
0x5ee: {  	v36 =	vbroadcast v36, $0x0;
	[tilespmem:s4+$0xFFFFFFC0] =	vst v28;
	v28 =	vmul.f32 v32, v16;
	v29 =	vld.idx.msk [tilespmem:v29+s30+$0x0], $0xffff  }
0x5ef: {  	s1 =	sadd.s32 $0x1, s20;
	v32 =	vld.idx.msk [tilespmem:v35+s25+$0x0], $0xffff;
	[tilespmem:s4+$0xFFFFFF80] =	vst v30;
	v30 =	vmul.f32 v31, v14  }
0x5f0: {  	s2 =	sadd.s32 $0x3, s20;
	s19 =	sadd.s32 $0x100, s19;
	v31 =	vmov s20;
	v35 =	vmov s1;
	s1 =	sadd.s32 $0x2, s20;
	v37 =	vld.idx.msk [tilespmem:v39+s25+$0x0], $0xffff;
	v38 =	vor.u32 $0x7, v36;
	[tilespmem:s4+$0xFFFFFFE0] =	vst v28  }
0x5f1: {  	v41 =	vsel vm0, v15, v3;
	s18 =	sadd.s32 $0x100, s18;
	v28 =	vmov s1;
	v39 =	vmov s2;
	s1 =	sadd.s32 $0x4, s20;
	v15 =	vmovc v33;
	v40 =	vld [tilespmem:s19+$0x60];
	[tilespmem:s4+$0x0] =	vst v30  }
0x5f2: {  	v44 =	vsel vm0, v16, v3;
	s2 =	sadd.s32 $0x6, s17;
	s17 =	smov.u32 s20;
	v30 =	vmov s1;
	s1 =	sadd.s32 $0x5, s20;
	v27 =	vmul.f32 v27, v13;
	v33 =	vld [tilespmem:s18+$0x60];
	[tilespmem:s4+$0xFFFFFFD0] =	vst v41  }
0x5f3: {  	v31 =	vshrl.u32 v31, $0x3;
	v43 =	vmov s2;
	v41 =	vmov s1;
	v16 =	vmovc v34;
	v42 =	vld [tilespmem:s19+$0xFFFFFF80];
	[tilespmem:s4+$0xFFFFFFF0] =	vst v44  }
0x5f4: {  	v31 =	vshll.u32 v31, v2;
	v44 =	vsel vm0, v14, v3;
	v34 =	vld [tilespmem:s18+$0xFFFFFF80];
	[tilespmem:s4+$0x20] =	vst v27;
	v27 =	vmul.f32 v29, v26  }
0x5f5: {  	v28 =	vshrl.u32 v28, $0x3;
	v29 =	vshrl.u32 v35, $0x3;
	v35 =	vshrl.u32 v39, $0x3;
	v14 =	vmovc v32;
	v38 =	vld.idx.msk [tilespmem:v38+s25+$0x0], $0xffff;
	[tilespmem:s4+$0x10] =	vst v44  }
0x5f6: {  	v30 =	vshrl.u32 v30, $0x3;
	v32 =	vshrl.u32 v41, $0x3;
	v41 =	vsel vm0, v13, v3;
	v13 =	vmovc v37;
	v39 =	vld [tilespmem:s19+$0xFFFFFFA0];
	[tilespmem:s4+$0x40] =	vst v27  }
0x5f7: {  	v26 =	vsel vm0, v26, v3;
	v37 =	vshrl.u32 v43, $0x3;
	v27 =	vld [tilespmem:s18+$0xFFFFFFA0];
	v33 =	vadd.f32 v33, v40;
	[tilespmem:s4+$0x30] =	vst v41  }
0x5f8: {  	v36 =	vadd.s32 v10, v36;
	v31 =	vbroadcast v31, $0x0;
	v29 =	vshll.u32 v29, v2;
	v40 =	vld [tilespmem:s19+$0xFFFFFFC0];
	[tilespmem:s4+$0x50] =	vst v26  }
0x5f9: {  	v12 =	vsel vm0, v12, v3;
	v26 =	vadd.f32 v34, v42;
	v34 =	vld [tilespmem:s18+$0xFFFFFFC0];
	v33 =	vadd.f32 v33, v11;
	[tilespmem:s4+$0x70] =	vst v17  }
0x5fa: {  	v28 =	vshll.u32 v28, v2;
	v35 =	vshll.u32 v35, v2;
	v41 =	vadd.s32 v0, v18;
	v42 =	vld [tilespmem:s19+$0xFFFFFFE0];
	[tilespmem:s4+$0xFFFFFF90] =	vst v12  }
0x5fb: {  	v18 =	vmovc v31;
	v17 =	vsel vm0, v38, v3;
	v26 =	vadd.f32 v26, v11;
	v43 =	vld [tilespmem:s18+$0xFFFFFFE0];
	v33 =	vmul.f32 v33, v38  }
0x5fc: {  	v30 =	vshll.u32 v30, v2;
	v37 =	vshll.u32 v37, v2;
	v12 =	vmovc v23;
	v27 =	vadd.f32 v27, v39;
	v31 =	vld [tilespmem:s19+$0x0]  }
0x5fd: {  	v32 =	vshll.u32 v32, v2;
	v37 =	vbroadcast v37, $0x0;
	v23 =	vmul.f32 v26, v12;
	v26 =	vld [tilespmem:s18+$0x0];
	[tilespmem:v36+s13+$0x0] =	vst.idx.msk $0xffff, v33  }
0x5fe: {  	v33 =	vadd.s32 v4, v21;
	v27 =	vadd.f32 v27, v11;
	v34 =	vadd.f32 v34, v40;
	v36 =	vld.idx.msk [tilespmem:v36+s30+$0x0], $0xffff  }
0x5ff: {  	v39 =	vor.u32 $0x6, v37;
	v21 =	vbroadcast v29, $0x0;
	[tilespmem:v41+s13+$0x0] =	vst.idx.msk $0xffff, v23;
	v23 =	vadd.s32 v5, v22;
	v29 =	vld [tilespmem:s19+$0x20]  }
0x600: {  	v27 =	vmul.f32 v27, v19;
	v34 =	vadd.f32 v34, v11;
	v40 =	vadd.f32 v43, v42;
	v42 =	vld [tilespmem:s18+$0x20]  }
0x601: {  	v22 =	vbroadcast v28, $0x0;
	v43 =	vadd.s32 v6, v20;
	v20 =	vbroadcast v35, $0x0;
	v35 =	vld [tilespmem:s19+$0x40]  }
0x602: {  	v28 =	vmul.f32 v34, v15;
	v34 =	vadd.f32 v40, v11;
	v26 =	vadd.f32 v26, v31;
	v31 =	vld [tilespmem:s18+$0x40]  }
0x603: {  	v40 =	vld.idx.msk [tilespmem:v41+s30+$0x0], $0xffff;
	[tilespmem:v33+s13+$0x0] =	vst.idx.msk $0xffff, v27;
	v41 =	vadd.s32 v7, v24;
	v27 =	vadd.s32 v8, v25  }
0x604: {  	v36 =	vmul.f32 v36, v38;
	v44 =	vld.idx.msk [tilespmem:v33+s30+$0x0], $0xffff;
	v25 =	vmul.f32 v34, v16;
	v34 =	vadd.f32 v26, v11  }
0x605: {  	s4 =	sadd.s32 $0x100, s4;
	v45 =	vor.u32 $0x1, v21;
	v24 =	vbroadcast v30, $0x0;
	[tilespmem:v23+s13+$0x0] =	vst.idx.msk $0xffff, v28;
	v30 =	vadd.f32 v42, v29;
	v26 =	vld.idx.msk [tilespmem:v39+s25+$0x0], $0xffff  }
.Ltmp10:
0x606: {  	v33 =	vor.u32 $0x2, v22;
	v29 =	vadd.s32 v9, v37;
	v28 =	vld.idx.msk [tilespmem:v23+s30+$0x0], $0xffff;
	v38 =	vmul.f32 v34, v14;
	[tilespmem:s4+$0x60] =	vst v36;
	(pc) =	sbr.rel @p0 .LBB2_22-.Ltmp10, $4  }
0x607: {  	v23 =	vld.idx.msk [tilespmem:v18+s25+$0x0], $0xffff;
	[tilespmem:v43+s13+$0x0] =	vst.idx.msk $0xffff, v25;
	v36 =	vadd.f32 v30, v11;
	v35 =	vadd.f32 v31, v35  }
0x608: {  	v39 =	vsel vm0, v19, v3;
	v34 =	vor.u32 $0x3, v20;
	v25 =	vbroadcast v32, $0x0;
	v32 =	vld.idx.msk [tilespmem:v43+s30+$0x0], $0xffff;
	[tilespmem:v41+s13+$0x0] =	vst.idx.msk $0xffff, v38  }
0x609: {  	v30 =	vmul.f32 v40, v12;
	v31 =	vld.idx.msk [tilespmem:v41+s30+$0x0], $0xffff;
	v37 =	vmul.f32 v36, v13;
	v38 =	vadd.f32 v35, v11  }
0x60a: {  	s20 =	sadd.s32 $0x8, s20;
	s1 =	sadd.s32 $0x7, s17;
	v35 =	vor.u32 $0x4, v24;
	v36 =	vmul.f32 v44, v19;
	v19 =	vld.idx.msk [tilespmem:v45+s25+$0x0], $0xffff;
	[tilespmem:s4+$0xFFFFFFB0] =	vst v39  }
0x60b: {  	_ =	sdelay $0x3  }
0x60c: {  	v33 =	vld.idx.msk [tilespmem:v33+s25+$0x0], $0xffff  }
0x60d: {  	v34 =	vld.idx.msk [tilespmem:v34+s25+$0x0], $0xffff  }
0x60e: {  	[tilespmem:v27+s13+$0x0] =	vst.idx.msk $0xffff, v37;
	v35 =	vld.idx.msk [tilespmem:v35+s25+$0x0], $0xffff  }
0x60f: {  	s19 =	sadd.s32 $0x100, s19;
	v27 =	vld.idx.msk [tilespmem:v27+s30+$0x0], $0xffff  }
0x610: {  	v39 =	vmov s1;
	s18 =	sadd.s32 $0x100, s18;
	v60 =	vld [tilespmem:s19+$0x60]  }
0x611: {  	v58 =	vshrl.u32 v39, $0x3;
	v40 =	vld [tilespmem:s18+$0x60]  }
0x612: {  	v57 =	vmul.f32 v38, v26;
	[tilespmem:s4+$0xFFFFFF80] =	vst v30;
	v41 =	vld [tilespmem:s19+$0xFFFFFF80];
	v38 =	vshll.u32 v58, v2  }
0x613: {  	[tilespmem:s4+$0x70] =	vst v17;
	v61 =	vld [tilespmem:s18+$0xFFFFFF80];
	v59 =	vbroadcast v38, $0x0  }
0x614: {  	v45 =	vsel vm0, v15, v3;
	[tilespmem:s4+$0xFFFFFFA0] =	vst v36;
	v42 =	vld [tilespmem:s19+$0xFFFFFFA0]  }
0x615: {  	v47 =	vsel vm0, v16, v3;
	v43 =	vld [tilespmem:s18+$0xFFFFFFA0];
	[tilespmem:s4+$0xFFFFFFD0] =	vst v45;
	v38 =	vor.u32 $0x7, v59  }
0x616: {  	v52 =	vsel vm0, v14, v3;
	v46 =	vld [tilespmem:s19+$0xFFFFFFC0];
	[tilespmem:s4+$0xFFFFFFF0] =	vst v47  }
0x617: {  	v28 =	vmul.f32 v28, v15;
	v55 =	vsel vm0, v13, v3;
	v49 =	vld [tilespmem:s18+$0xFFFFFFC0];
	[tilespmem:s4+$0x10] =	vst v52  }
0x618: {  	s17 =	sadd.s32 $0x6, s17;
	v21 =	vadd.s32 v4, v21;
	v12 =	vsel vm0, v12, v3;
	v22 =	vadd.s32 v5, v22;
	v51 =	vld [tilespmem:s19+$0xFFFFFFE0];
	[tilespmem:s4+$0x30] =	vst v55  }
0x619: {  	v20 =	vadd.s32 v6, v20;
	v50 =	vmov s17;
	v54 =	vld [tilespmem:s18+$0xFFFFFFE0];
	[tilespmem:s4+$0xFFFFFF90] =	vst v12;
	v62 =	vmul.f32 v32, v16  }
0x61a: {  	[tilespmem:s4+$0xFFFFFFC0] =	vst v28;
	v56 =	vshrl.u32 v50, $0x3;
	v63 =	vmul.f32 v31, v14;
	v28 =	vadd.f32 v43, v42;
	v32 =	vld.idx.msk [tilespmem:v38+s25+$0x0], $0xffff  }
0x61b: {  	[tilespmem:v29+s13+$0x0] =	vst.idx.msk $0xffff, v57;
	v57 =	vld [tilespmem:s19+$0x0];
	v58 =	vor.u32 $0x5, v25;
	v50 =	vadd.s32 v7, v24;
	v44 =	vadd.f32 v40, v60  }
0x61c: {  	v14 =	vshll.u32 v56, v2;
	[tilespmem:s4+$0x0] =	vst v63;
	v37 =	vadd.s32 v10, v59;
	v60 =	vld [tilespmem:s18+$0x0];
	v63 =	vadd.f32 v28, v11  }
0x61d: {  	v29 =	vld.idx.msk [tilespmem:v29+s30+$0x0], $0xffff;
	v48 =	vmul.f32 v27, v13;
	v27 =	vadd.f32 v49, v46;
	v38 =	vadd.f32 v44, v11  }
0x61e: {  	v47 =	vld [tilespmem:s18+$0x40];
	[tilespmem:s4+$0xFFFFFFE0] =	vst v62;
	v59 =	vsel vm0, v26, v3;
	v61 =	vadd.f32 v61, v41;
	v13 =	vmul.f32 v63, v19  }
0x61f: {  	[tilespmem:s4+$0x50] =	vst v59;
	v41 =	vld [tilespmem:s18+$0x20];
	v42 =	vadd.s32 v0, v18;
	v43 =	vadd.f32 v27, v11;
	v38 =	vmul.f32 v38, v32  }
0x620: {  	v14 =	vbroadcast v14, $0x0;
	v15 =	vadd.f32 v54, v51;
	v16 =	vadd.f32 v61, v11;
	v44 =	vld [tilespmem:s19+$0x40];
	[tilespmem:v21+s13+$0x0] =	vst.idx.msk $0xffff, v13  }
0x621: {  	v18 =	vmul.f32 v43, v33;
	v46 =	vadd.f32 v60, v57;
	v21 =	vld.idx.msk [tilespmem:v21+s30+$0x0], $0xffff;
	[tilespmem:v37+s13+$0x0] =	vst.idx.msk $0xffff, v38  }
0x622: {  	v40 =	vor.u32 $0x6, v14;
	[tilespmem:s4+$0x20] =	vst v48;
	v49 =	vadd.f32 v15, v11;
	v45 =	vmul.f32 v16, v23;
	v62 =	vld.idx.msk [tilespmem:v37+s30+$0x0], $0xffff  }
0x623: {  	v53 =	vmul.f32 v29, v26;
	[tilespmem:v22+s13+$0x0] =	vst.idx.msk $0xffff, v18;
	v16 =	vadd.f32 v46, v11;
	v37 =	vld [tilespmem:s19+$0x20]  }
0x624: {  	[tilespmem:v42+s13+$0x0] =	vst.idx.msk $0xffff, v45;
	v13 =	vmul.f32 v49, v34;
	v22 =	vld.idx.msk [tilespmem:v22+s30+$0x0], $0xffff  }
0x625: {  	[tilespmem:s4+$0x40] =	vst v53;
	v17 =	vld.idx.msk [tilespmem:v42+s30+$0x0], $0xffff;
	v16 =	vmul.f32 v16, v35  }
0x626: {  	v55 =	vsel vm0, v19, v3;
	v48 =	vld.idx.msk [tilespmem:v58+s25+$0x0], $0xffff;
	[tilespmem:v20+s13+$0x0] =	vst.idx.msk $0xffff, v13  }
0x627: {  	v14 =	vadd.s32 v9, v14;
	v53 =	vadd.s32 v8, v25;
	v26 =	vld.idx.msk [tilespmem:v40+s25+$0x0], $0xffff;
	[tilespmem:v50+s13+$0x0] =	vst.idx.msk $0xffff, v16;
	s19 =	sadd.s32 $0x100, s4  }
0x628: {  	v63 =	vsel vm0, v32, v3;
	v57 =	vmul.f32 v21, v19;
	[tilespmem:s19+$0xFFFFFFB0] =	vst v55;
	v52 =	vadd.f32 v41, v37  }
0x629: {  	v54 =	vadd.f32 v47, v44;
	v15 =	vld.idx.msk [tilespmem:v50+s30+$0x0], $0xffff;
	v58 =	vmul.f32 v22, v33;
	[tilespmem:s19+$0x70] =	vst v63  }
0x62a: {  	v20 =	vld.idx.msk [tilespmem:v20+s30+$0x0], $0xffff;
	v59 =	vmul.f32 v17, v23;
	[tilespmem:s19+$0xFFFFFFA0] =	vst v57;
	v18 =	vadd.f32 v52, v11  }
0x62b: {  	[tilespmem:s19+$0xFFFFFFC0] =	vst v58;
	v51 =	vmul.f32 v62, v32;
	v11 =	vadd.f32 v54, v11  }
0x62c: {  	[tilespmem:s19+$0xFFFFFF80] =	vst v59;
	v56 =	vmul.f32 v18, v48  }
0x62d: {  	[tilespmem:s19+$0x60] =	vst v51;
	v11 =	vmul.f32 v11, v26  }
0x62e: {  	v61 =	vmul.f32 v15, v35;
	[tilespmem:v53+s13+$0x0] =	vst.idx.msk $0xffff, v56  }
0x62f: {  	[tilespmem:v14+s13+$0x0] =	vst.idx.msk $0xffff, v11;
	v11 =	vmul.f32 v20, v34  }
0x630: {  	[tilespmem:s19+$0x0] =	vst v61;
	v12 =	vld.idx.msk [tilespmem:v53+s30+$0x0], $0xffff  }
0x631: {  	v60 =	vld.idx.msk [tilespmem:v14+s30+$0x0], $0xffff;
	[tilespmem:s19+$0xFFFFFFE0] =	vst v11;
	v11 =	vsel vm0, v33, v3  }
0x632: {  	[tilespmem:s19+$0xFFFFFFD0] =	vst v11;
	v11 =	vsel vm0, v34, v3  }
0x633: {  	[tilespmem:s19+$0xFFFFFFF0] =	vst v11;
	v11 =	vsel vm0, v35, v3  }
0x634: {  	[tilespmem:s19+$0x10] =	vst v11;
	v11 =	vsel vm0, v48, v3  }
0x635: {  	v12 =	vmul.f32 v12, v48;
	[tilespmem:s19+$0x30] =	vst v11;
	v11 =	vsel vm0, v26, v3  }
0x636: {  	v62 =	vmul.f32 v60, v26;
	[tilespmem:s19+$0x50] =	vst v11  }
0x637: {  	[tilespmem:s19+$0x20] =	vst v12  }
0x638: {  	v11 =	vsel vm0, v23, v3;
	[tilespmem:s19+$0x40] =	vst v62  }
0x639: {  	s20 =	simm.s32 $0xD;
	[tilespmem:s19+$0xFFFFFF90] =	vst v11  }
0x63a: {  	_ =	swait.ge [sflag:s20], $0x1400  }
0x63b: {  	[sflag:s20] =	ssyncset.done $0x0  }
0x63c: {  	[sflag:s20] =	ssyncadd.s32 $0xFFFFEC00  }
0x63d: {  	_ =	swait.ge [sflag:s0], $0x500  }
0x63e: {  	[sflag:s0] =	ssyncset.done $0x0  }
0x63f: {  	[sflag:s0] =	ssyncadd.s32 $0xFFFFFB00  }
0x640: {  	_ =	swait.ge [sflag:s7], $0x280  }
0x641: {  	[sflag:s7] =	ssyncset.done $0x0  }
0x642: {  	s21 =	simm.s32 $0x1400;
	[sflag:s7] =	ssyncadd.s32 $0xFFFFFD80  }
0x643: {  	[spmem:s28] =	stream.indirect.scatter.add.f32 [tilespmem:s21], [sflag:$0xE], $0x80, s24, s5, $0xb8;
	[tilespmem:$0x1FE60] =	vst v63  }
0x644: {  	s2 =	simm.s32 $0x4100;
	s22 =	rddreg [dreg:$0x8]  }
0x645: {  	[spmem:s22] =	stream.indirect.scatter.add.f32 [tilespmem:s2], [sflag:$0x10], $0x20, s24, s5, $0xb8;
	[tilespmem:$0x1FE60] =	vst v63  }
0x646: {  	s23 =	rddreg [dreg:$0x14]  }
0x647: {  	[hbm4b:s23+s5] =	stream.strided.scatter [tilespmem:s13], [sflag:$0x12], $0x280, s29, s5, $0x38;
	[tilespmem:$0x1FE60] =	vst v63  }
0x648: {  	_ =	swait.ge [sflag:s8], $0x1400  }
0x649: {  	[sflag:s8] =	ssyncset.done $0x0  }
0x64a: {  	[sflag:s8] =	ssyncadd.s32 $0xFFFFEC00  }
0x64b: {  	_ =	swait.ge [sflag:s26], $0x500  }
0x64c: {  	[sflag:s26] =	ssyncset.done $0x0  }
0x64d: {  	[sflag:s26] =	ssyncadd.s32 $0xFFFFFB00  }
0x64e: {  	_ =	swait.ge [sflag:s9], $0x280  }
0x64f: {  	[sflag:s9] =	ssyncset.done $0x0  }
0x650: {  	s28 =	sadd.s32 $0x0, s6;
	[sflag:s9] =	ssyncadd.s32 $0xFFFFFD80  }
0x651: {  	p0 =	sgt.u32 s28, $0xF9;
	[bflag:$0x0] =	sbarrier.arrive $0xFFFF  }
0x652: {  	s1 =	sshll.u32 @!p0 s6, $0x6;
	s17 =	simm.s32 @!p0 $0x14;
	s20 =	rddreg [dreg:$0x16]  }
0x653: {  	s2 =	sor.u32 @!p0 $0x1C14, s1;
	s19 =	rddreg [dreg:$0x18];
	s4 =	sshrl.u32 @!p0 s20, $0x3  }
0x654: {  	[hbm:s19], [sflag:s2] =	dma.local @!p0 [spmem:s4], $0x280  }
0x655: {  	_ =	swait.ge @!p0 [sflag:s17], $0x280  }
0x656: {  	s18 =	simm.s32 $0x20;
	s21 =	simm.s32 @!p0 $0x13;
	[sflag:s17] =	ssyncset.done @!p0 $0x0  }
0x657: {  	s1 =	sor.u32 @!p0 $0x1C13, s1;
	[sflag:s17] =	ssyncadd.s32 @!p0 $0xFFFFFD80;
	s17 =	rddreg [dreg:$0x17]  }
0x658: {  	s20 =	sadd.s32 $0x14000, s20;
	s22 =	rddreg [dreg:$0x19];
	s2 =	sshrl.u32 @!p0 s17, $0x3  }
0x659: {  	[hbm:s22], [sflag:s1] =	dma.local @!p0 [spmem:s2], $0xA0  }
0x65a: {  	s19 =	sadd.s32 $0x2800, s19;
	s4 =	sadd.s32 $0xA00, s22;
	_ =	swait.ge @!p0 [sflag:s21], $0xA0  }
0x65b: {  	s17 =	sadd.s32 $0x5000, s17;
	s1 =	sadd.s32 $0x10, s6;
	[sflag:s21] =	ssyncset.done @!p0 $0x0  }
.LBB2_24:
0x65c: {  	[sflag:s21] =	ssyncadd.s32 @!p0 $0xFFFFFF60;
	p0 =	sgt.u32 s1, $0xF9  }
0x65d: {  	s1 =	smov.u32 s18;
	s18 =	sadd.s32 $0x10, s18;
	s2 =	smov.u32 s4  }
0x65e: {  	p1 =	sne.s32 s18, $0x100;
	s21 =	sshll.u32 @!p0 s6, $0x6  }
0x65f: {  	s23 =	sshrl.u32 @!p0 s20, $0x3;
	s28 =	simm.s32 @!p0 $0x14;
	s22 =	sor.u32 @!p0 $0x1C14, s21  }
0x660: {  	[hbm:s19], [sflag:s22] =	dma.local @!p0 [spmem:s23], $0x280  }
0x661: {  	s22 =	sor.u32 @!p0 $0x1C13, s21;
	_ =	swait.ge @!p0 [sflag:s28], $0x280  }
.Ltmp11:
0x662: {  	s4 =	sadd.s32 $0xA00, s4;
	[sflag:s28] =	ssyncset.done @!p0 $0x0;
	(pc) =	sbr.rel @p1 .LBB2_24-.Ltmp11, $4  }
0x663: {  	s23 =	sshrl.u32 @!p0 s17, $0x3;
	s21 =	simm.s32 @!p0 $0x13;
	[sflag:s28] =	ssyncadd.s32 @!p0 $0xFFFFFD80  }
0x664: {  	[hbm:s2], [sflag:s22] =	dma.local @!p0 [spmem:s23], $0xA0  }
0x665: {  	s19 =	sadd.s32 $0x2800, s19;
	s17 =	sadd.s32 $0x5000, s17;
	_ =	swait.ge @!p0 [sflag:s21], $0xA0  }
0x666: {  	s1 =	sadd.s32 s1, s6;
	s20 =	sadd.s32 $0x14000, s20;
	[sflag:s21] =	ssyncset.done @!p0 $0x0  }
0x667: {  	p1 =	sgt.u32 s1, $0xF9  }
0x668: {  	[sflag:s21] =	ssyncadd.s32 @!p0 $0xFFFFFF60;
	s1 =	sshll.u32 @!p1 s6, $0x6  }
0x669: {  	s18 =	sshrl.u32 @!p1 s20, $0x3;
	s20 =	simm.s32 @!p1 $0x14;
	s2 =	sor.u32 @!p1 $0x1C14, s1  }
0x66a: {  	[hbm:s19], [sflag:s2] =	dma.local @!p1 [spmem:s18], $0x280  }
0x66b: {  	_ =	swait.ge @!p1 [sflag:s20], $0x280  }
0x66c: {  	s1 =	sor.u32 @!p1 $0x1C13, s1;
	[sflag:s20] =	ssyncset.done @!p1 $0x0  }
0x66d: {  	s2 =	sshrl.u32 @!p1 s17, $0x3;
	s17 =	simm.s32 @!p1 $0x13;
	[sflag:s20] =	ssyncadd.s32 @!p1 $0xFFFFFD80  }
0x66e: {  	[hbm:s4], [sflag:s1] =	dma.local @!p1 [spmem:s2], $0xA0  }
0x66f: {  	_ =	swait.ge @!p1 [sflag:s17], $0xA0  }
0x670: {  	s22 =	rddreg [dreg:$0x1a]  }
0x671: {  	s23 =	rddreg [dreg:$0x15];
	s2 =	sadd.s32 $0x1, s22  }
0x672: {  	p0 =	sne.s32 s2, s23  }
.Ltmp12:
0x673: {  	_ = 	snop;
	(pc) =	sbr.rel @p0 .LBB2_1-.Ltmp12, $3  }
0x674: {  	_ =	sdelay $0x1  }
0x675: {  	s28 =	smov.u32 s11;
	[sflag:s17] =	ssyncset.done @!p1 $0x0  }
0x676: {  	s11 =	simm.s32 $0x50A0;
	[sflag:s17] =	ssyncadd.s32 @!p1 $0xFFFFFF60;
	s23 =	smov.u32 s3  }
0x677: {  	_ =	sfence.sel $0x180000  }
0x678: {  	[bflag:$0x0] =	sbarrier.arrive $0xFFFF  }
0x679: {  	_ =	strace $0x90000047  }
0x67a: {  	[bflag:$0x2] =	sbarrier.arrive $0xFFFF  }
0x67b: {  	p0 =	sne.s32 s6, $0x0;
	s0 =	rddreg [dreg:$0x9]  }
0x67c: {  	s0 =	sadd.s32 @!p0 $0x100000, s0  }
0x67d: {  	[sflag:s0] =	ssyncadd.tile.s32 @!p0 $0x1;
	_ =	shalt  }
.Lfunc_end2:
_tile_overlayer_lowered:
.L_overlay_start_2:
0x67e: {  	(tag) =	ssettag $0x2  }
0x67f: {  	s0 =	rddreg [dreg:$0x0];
	s2 =	stileid.u32  }
0x680: {  	s1 =	rddreg [dreg:$0x1];
	p0 =	sne.s32 s2, $0x0  }
0x681: {  	s3 =	rddreg [dreg:$0x2];
	[bflag:$0x3] =	sbarrier.arrive $0xFFFF;
	s2 =	simm.s32 @!p0 $0x1C13  }
0x682: {  	[timem:s3], [sflag:s2] =	dma.local @!p0 [hbm:s0], s1  }
0x683: {  	s0 =	simm.s32 @!p0 $0x13  }
0x684: {  	_ =	swait.ge @!p0 [sflag:s0], s1  }
0x685: {  	s1 =	ssub.s32 @!p0 $0x0, s1;
	[sflag:s0] =	ssyncset.done @!p0 $0x0  }
0x686: {  	[sflag:s0] =	ssyncadd.s32 @!p0 s1  }
0x687: {  	[bflag:$0x3] =	sbarrier.arrive $0xFFFF  }
0x688: {  	_ =	shalt  }

</sc_bundles>
